<compile_context>
chip_gen: v7x
topology: tpu7x:2x2x1
jax: 0.10.2.dev20260603
libtpu: 0.0.44.dev20260713+nightly
codegen_flags: <defaults>
</compile_context>

<pallas_src>
import functools

import jax
import jax.numpy as jnp
from jax import lax
from jax.experimental import pallas as pl
from jax.experimental.pallas import tpu as pltpu
from jax.experimental.pallas import tpu_sc as plsc

NLAB = 512
MINI = 0.2
MAXI = 0.8
NC, NS, L = 2, 16, 16
NW = NC * NS
ZDIM, YDIM, XDIM = 32, 512, 512
R = 32
NCHUNK = YDIM // R
U = 8
GROUPS = XDIM // (U * L)
TBL = NW * 2 * NLAB
FLAG_OFF = TBL
MAGIC = 1234567.0

_mesh = plsc.VectorSubcoreMesh(
    core_axis_name="c", subcore_axis_name="s", num_cores=NC, num_subcores=NS
)
_params = pltpu.CompilerParams(
    needs_layout_passes=False, use_tc_tiling_on_sc=True
)


@functools.partial(
    pl.kernel,
    out_type=(
        jax.ShapeDtypeStruct((ZDIM, YDIM, XDIM), jnp.int32),
        jax.ShapeDtypeStruct((TBL + 2 * L,), jnp.float32),
    ),
    mesh=_mesh,
    compiler_params=_params,
    scratch_types=[
        pltpu.VMEM((2, R, XDIM), jnp.int32),
        pltpu.VMEM((2, R, XDIM), jnp.float32),
        pltpu.VMEM((2, R, XDIM), jnp.int32),
        pltpu.VMEM((8 * 2 * NLAB,), jnp.float32),
        pltpu.VMEM((NLAB,), jnp.float32),
        pltpu.VMEM((NLAB,), jnp.float32),
        pltpu.VMEM((2 * NLAB,), jnp.float32),
        pltpu.VMEM((NLAB,), jnp.int32),
        pltpu.VMEM((2 * L,), jnp.float32),
        [pltpu.SemaphoreType.DMA] * 2,
        [pltpu.SemaphoreType.DMA] * 2,
        [pltpu.SemaphoreType.DMA] * 2,
    ],
)
def _fused(lab_hbm, int_hbm, out_hbm, tbl_hbm, lab_v, int_v, out_v, piece_v,
           sums_v, cnts_v, row_v, remap_v, flag_v, sem_lab, sem_int, sem_out):
    cid = lax.axis_index("c")
    sid = lax.axis_index("s")
    wid = sid * NC + cid
    zero16 = jnp.zeros((L,), jnp.float32)
    ones16 = jnp.ones((L,), jnp.float32)
    magic16 = jnp.full((L,), MAGIC, jnp.float32)
    iota16 = lax.iota(jnp.int32, L)

    @pl.when(sid == 0)
    def _():
        flag_v[pl.ds(0, L)] = zero16
        pltpu.sync_copy(
            flag_v.at[pl.ds(0, L)], tbl_hbm.at[pl.ds(FLAG_OFF + cid * L, L)]
        )

    def zbody(i, _):
        sums_v[pl.ds(i * L, L)] = zero16
        cnts_v[pl.ds(i * L, L)] = zero16
        return 0

    lax.fori_loop(0, NLAB // L, zbody, 0)

    for b in range(2):
        r0 = b * R
        pltpu.async_copy(lab_hbm.at[wid, pl.ds(r0, R)], lab_v.at[b], sem_lab[b])
        pltpu.async_copy(int_hbm.at[wid, pl.ds(r0, R)], int_v.at[b], sem_int[b])

    def p1_body(c2, _):
        for b in range(2):
            c = c2 * 2 + b
            r0 = c * R
            pltpu.make_async_copy(
                lab_hbm.at[wid, pl.ds(r0, R)], lab_v.at[b], sem_lab[b]
            ).wait()
            pltpu.make_async_copy(
                int_hbm.at[wid, pl.ds(r0, R)], int_v.at[b], sem_int[b]
            ).wait()

            @plsc.parallel_loop(0, R)
            def row_body(r):
                for g in range(GROUPS):
                    g0 = g * U * L
                    labs = [
                        lab_v[b, r, pl.ds(g0 + u * L, L)] for u in range(U)
                    ]
                    vals = [
                        int_v[b, r, pl.ds(g0 + u * L, L)] for u in range(U)
                    ]
                    for u in range(U):
                        plsc.addupdate_scatter(sums_v, [labs[u]], vals[u])
                    for u in range(U):
                        plsc.addupdate_scatter(cnts_v, [labs[u]], ones16)

            @pl.when(c + 2 < NCHUNK)
            def _():
                r2 = (c + 2) * R
                pltpu.async_copy(
                    lab_hbm.at[wid, pl.ds(r2, R)], lab_v.at[b], sem_lab[b]
                )
                pltpu.async_copy(
                    int_hbm.at[wid, pl.ds(r2, R)], int_v.at[b], sem_int[b]
                )
        return 0

    lax.fori_loop(0, NCHUNK // 2, p1_body, 0)

    def pack_body(j, _):
        jl = j * L
        row_v[pl.ds(jl, L)] = sums_v[pl.ds(jl, L)]
        row_v[pl.ds(NLAB + jl, L)] = cnts_v[pl.ds(jl, L)]
        return 0

    lax.fori_loop(0, NLAB // L, pack_body, 0)
    pltpu.sync_copy(row_v, tbl_hbm.at[pl.ds(wid * 2 * NLAB, 2 * NLAB)])

    plsc.subcore_barrier()

    @pl.when(sid == 0)
    def _():
        flag_v[pl.ds(0, L)] = magic16
        pltpu.sync_copy(
            flag_v.at[pl.ds(0, L)], tbl_hbm.at[pl.ds(FLAG_OFF + cid * L, L)]
        )

    for b in range(2):
        r0 = b * R
        pltpu.async_copy(lab_hbm.at[wid, pl.ds(r0, R)], lab_v.at[b], sem_lab[b])

    def poll_cond(done):
        return jnp.logical_not(done)

    def poll_body(done):
        pltpu.sync_copy(tbl_hbm.at[pl.ds(FLAG_OFF, 2 * L)], flag_v)
        f0 = flag_v[pl.ds(0, L)]
        f1 = flag_v[pl.ds(L, L)]
        return jnp.all((f0 == MAGIC) & (f1 == MAGIC))

    lax.while_loop(poll_cond, poll_body, False)

    for p in range(NW // 8):
        pltpu.sync_copy(
            tbl_hbm.at[pl.ds(p * 8 * 2 * NLAB, 8 * 2 * NLAB)], piece_v
        )

        def acc_body(j, _):
            jl = j * L
            s = zero16 if p == 0 else sums_v[pl.ds(jl, L)]
            c = zero16 if p == 0 else cnts_v[pl.ds(jl, L)]
            for w in range(8):
                s = s + piece_v[pl.ds(w * 2 * NLAB + jl, L)]
                c = c + piece_v[pl.ds(w * 2 * NLAB + NLAB + jl, L)]
            sums_v[pl.ds(jl, L)] = s
            cnts_v[pl.ds(jl, L)] = c
            return 0

        lax.fori_loop(0, NLAB // L, acc_body, 0)

    def rbody(j, _):
        jl = j * L
        s = sums_v[pl.ds(jl, L)]
        c = cnts_v[pl.ds(jl, L)]
        mean = s / jnp.maximum(c, 1.0)
        ids = iota16 + jl
        bad = ((mean < MINI) | (mean > MAXI)) & (ids != 0) & (c > 0.0)
        remap_v[pl.ds(jl, L)] = jnp.where(bad, 0, ids)
        return 0

    lax.fori_loop(0, NLAB // L, rbody, 0)

    def p2_body(c2, _):
        for b in range(2):
            c = c2 * 2 + b
            r0 = c * R
            pltpu.make_async_copy(
                lab_hbm.at[wid, pl.ds(r0, R)], lab_v.at[b], sem_lab[b]
            ).wait()

            @pl.when(c >= 2)
            def _():
                rp = r0 - 2 * R
                pltpu.make_async_copy(
                    out_v.at[b], out_hbm.at[wid, pl.ds(rp, R)], sem_out[b]
                ).wait()

            @plsc.parallel_loop(0, R)
            def row_body(r):
                for g in range(GROUPS):
                    g0 = g * U * L
                    labs = [
                        lab_v[b, r, pl.ds(g0 + u * L, L)] for u in range(U)
                    ]
                    news = [plsc.load_gather(remap_v, [lab]) for lab in labs]
                    for u in range(U):
                        out_v[b, r, pl.ds(g0 + u * L, L)] = news[u]

            pltpu.async_copy(
                out_v.at[b], out_hbm.at[wid, pl.ds(r0, R)], sem_out[b]
            )

            @pl.when(c + 2 < NCHUNK)
            def _():
                r2 = (c + 2) * R
                pltpu.async_copy(
                    lab_hbm.at[wid, pl.ds(r2, R)], lab_v.at[b], sem_lab[b]
                )
        return 0

    lax.fori_loop(0, NCHUNK // 2, p2_body, 0)

    for b in range(2):
        r0 = (NCHUNK - 2 + b) * R
        pltpu.make_async_copy(
            out_v.at[b], out_hbm.at[wid, pl.ds(r0, R)], sem_out[b]
        ).wait()


def kernel(label_image, intensity_image):
    out, _ = _fused(label_image, intensity_image)
    return out

# --- scband reference (transcript-rebuilt; emitter-appended) ---
"""Pipeline reference for scband-label-intensity-filter-36876589203621 (READ-ONLY COPY).

The authoritative reference and input builder live on the scoring server;
editing this copy changes nothing except your own understanding.
"""

import jax, jax.numpy as jnp
import numpy as np

NUM_LABELS = 512
MIN_I = 0.2
MAX_I = 0.8
BG = 0
SHAPE = (32, 512, 512)


def setup_inputs(seed: int = 0) -> dict:
    key = jax.random.key(seed)
    k1, k2 = jax.random.split(key)
    label_image = jax.random.randint(k1, SHAPE, 0, NUM_LABELS, dtype=jnp.int32)
    intensity_image = jax.random.uniform(k2, SHAPE, dtype=jnp.float32)
    return {"label_image": label_image, "intensity_image": intensity_image}


def reference(label_image, intensity_image):
    # Vectorized translation of the per-unique-label loop:
    # for each label, reduce (mean) the intensities under its mask; if the
    # reduced intensity is < min_intensity or > max_intensity (and the label
    # is not background), overwrite that label with background.
    lab = label_image.reshape(-1)
    inten = intensity_image.reshape(-1)
    sums = jax.ops.segment_sum(inten, lab, num_segments=NUM_LABELS)
    counts = jax.ops.segment_sum(jnp.ones_like(inten), lab, num_segments=NUM_LABELS)
    means = sums / jnp.maximum(counts, 1.0)
    label_ids = jnp.arange(NUM_LABELS)
    present = counts > 0
    # min_intensity and max_intensity are truthy floats (0.2, 0.8), so both
    # checks are active, matching `if self.min_intensity and ...` semantics.
    bad = ((means < MIN_I) | (means > MAX_I)) & (label_ids != BG) & present
    new_flat = jnp.where(bad[lab], jnp.asarray(BG, lab.dtype), lab)
    return new_flat.reshape(label_image.shape)

if __name__ == "__main__":
    import jax
    _d = setup_inputs()
    print(jax.jit(kernel)(*tuple(_d.values())))

</pallas_src>

<mosaic_0001>
#map = affine_map<(d0, d1) -> (0, 0, 0)>
#map1 = affine_map<(d0, d1) -> (0)>
module attributes {stable_mosaic.version = 14 : i64} {
  func.func @_fused(%arg0: i32, %arg1: i32, %arg2: memref<32x512x512xi32, #tpu.memory_space<hbm>>, %arg3: memref<32x512x512xf32, #tpu.memory_space<hbm>>, %arg4: memref<32x512x512xi32, #tpu.memory_space<hbm>>, %arg5: memref<32800xf32, #tpu.memory_space<hbm>>, %arg6: memref<2x32x512xi32, #tpu.memory_space<vmem>>, %arg7: memref<2x32x512xf32, #tpu.memory_space<vmem>>, %arg8: memref<2x32x512xi32, #tpu.memory_space<vmem>>, %arg9: memref<8192xf32, #tpu.memory_space<vmem>>, %arg10: memref<512xf32, #tpu.memory_space<vmem>>, %arg11: memref<512xf32, #tpu.memory_space<vmem>>, %arg12: memref<1024xf32, #tpu.memory_space<vmem>>, %arg13: memref<512xi32, #tpu.memory_space<vmem>>, %arg14: memref<32xf32, #tpu.memory_space<vmem>>, %arg15: memref<!tpu.dma_semaphore, #tpu.memory_space<semaphore_mem>>, %arg16: memref<!tpu.dma_semaphore, #tpu.memory_space<semaphore_mem>>, %arg17: memref<!tpu.dma_semaphore, #tpu.memory_space<semaphore_mem>>, %arg18: memref<!tpu.dma_semaphore, #tpu.memory_space<semaphore_mem>>, %arg19: memref<!tpu.dma_semaphore, #tpu.memory_space<semaphore_mem>>, %arg20: memref<!tpu.dma_semaphore, #tpu.memory_space<semaphore_mem>>) attributes {dimension_semantics = [#tpu.dimension_semantics<core_parallel>, #tpu.dimension_semantics<subcore_parallel>], iteration_bounds = array<i64: 2, 16>, scalar_prefetch = 0 : i64, scratch_operands = 15 : i64, tpu.core_type = #tpu.core_type<sc_vector_subcore>, window_params = [{transform_indices = #map}, {transform_indices = #map}, {transform_indices = #map}, {transform_indices = #map1}]} {
    %mul3A = arith.constant 2 : i32
    %mul3A_0 = arith.muli %arg1, %mul3A : i32
    %add3A = arith.addi %mul3A_0, %arg0 : i32
    %broadcast_in_dim3A = arith.constant 0.000000e+00 : f32
    %broadcast_in_dim3A_1 = vector.broadcast %broadcast_in_dim3A : f32 to vector<16xf32>
    %broadcast_in_dim3A_2 = arith.constant 1.000000e+00 : f32
    %broadcast_in_dim3A_3 = vector.broadcast %broadcast_in_dim3A_2 : f32 to vector<16xf32>
    %broadcast_in_dim3A_4 = arith.constant 0x4996B438 : f32
    %broadcast_in_dim3A_5 = vector.broadcast %broadcast_in_dim3A_4 : f32 to vector<16xf32>
    %iota3A = tpu.iota {dimensions = array<i32: 0>} : vector<16xi32>
    %eq3A = arith.constant 0 : i32
    %eq3A_6 = arith.cmpi eq, %arg1, %eq3A : i32
    %convert_element_type3A = arith.extui %eq3A_6 : i1 to i32
    %cond3A = arith.constant 0 : i32
    %cond3A_7 = arith.cmpi ne, %convert_element_type3A, %cond3A : i32
    scf.if %cond3A_7 {
      %swap3A = arith.constant 0 : index
      %swap3A_214 = tpu.vector_load %arg14[%swap3A] {strides = array<i32>} : memref<32xf32, #tpu.memory_space<vmem>>, vector<16xf32>,
      tpu.vector_store %arg14[%swap3A], %broadcast_in_dim3A_1 {strides = array<i32>} : memref<32xf32, #tpu.memory_space<vmem>>, vector<16xf32>,
      %mul3A_215 = arith.constant 16 : i32
      %mul3A_216 = arith.muli %arg0, %mul3A_215 : i32
      %add3A_217 = arith.constant 32768 : i32
      %add3A_218 = arith.addi %add3A_217, %mul3A_216 : i32
      "tpu.region"() ({
        %run_scoped3A = tpu.sem_alloc : memref<!tpu.dma_semaphore, #tpu.memory_space<semaphore_mem>>
        %dma_start3A_219 = arith.constant 0 : i32
        %dma_start3A_220 = tpu.memref_slice %arg14[%dma_start3A_219] : memref<32xf32, #tpu.memory_space<vmem>> -> memref<16xf32, #tpu.memory_space<vmem>>
        %dma_start3A_221 = tpu.memref_slice %arg5[%add3A_218] : memref<32800xf32, #tpu.memory_space<hbm>> -> memref<16xf32, #tpu.memory_space<hbm>>
        %dma_start3A_222 = tpu.memref_slice %arg5[%add3A_218] : memref<32800xf32, #tpu.memory_space<hbm>> -> memref<16xf32, #tpu.memory_space<hbm>>
        %dma_start3A_223 = arith.constant 0 : i32
        %dma_start3A_224 = tpu.memref_slice %arg14[%dma_start3A_223] : memref<32xf32, #tpu.memory_space<vmem>> -> memref<16xf32, #tpu.memory_space<vmem>>
        tpu.enqueue_dma source(%dma_start3A_224 : memref<16xf32, #tpu.memory_space<vmem>>) target(%dma_start3A_222 : memref<16xf32, #tpu.memory_space<hbm>>) target_semaphore(%run_scoped3A : memref<!tpu.dma_semaphore, #tpu.memory_space<semaphore_mem>>)
        %dma_wait3A_225 = arith.constant 0 : i32
        %dma_wait3A_226 = tpu.memref_slice %arg14[%dma_wait3A_225] : memref<32xf32, #tpu.memory_space<vmem>> -> memref<16xf32, #tpu.memory_space<vmem>>
        %dma_wait3A_227 = tpu.memref_slice %arg5[%add3A_218] : memref<32800xf32, #tpu.memory_space<hbm>> -> memref<16xf32, #tpu.memory_space<hbm>>
        %dma_wait3A_228 = tpu.memref_slice %arg5[%add3A_218] : memref<32800xf32, #tpu.memory_space<hbm>> -> memref<16xf32, #tpu.memory_space<hbm>>
        %dma_wait3A_229 = arith.constant 0 : i32
        %dma_wait3A_230 = tpu.memref_slice %arg14[%dma_wait3A_229] : memref<32xf32, #tpu.memory_space<vmem>> -> memref<16xf32, #tpu.memory_space<vmem>>
        tpu.wait_dma2 semaphore(%run_scoped3A : memref<!tpu.dma_semaphore, #tpu.memory_space<semaphore_mem>>) src(%dma_wait3A_230 : memref<16xf32, #tpu.memory_space<vmem>>) dst(%dma_wait3A_228 : memref<16xf32, #tpu.memory_space<hbm>>)
        tpu.yield
      }) : () -> ()
    } else {
    }
    %scan3A = arith.constant 0 : i32
    %scan3A_8 = arith.constant 0 : i32
    %scan3A_9 = arith.constant 32 : i32
    %scan3A_10 = arith.addi %scan3A_8, %scan3A_9 : i32
    %scan3A_11 = arith.constant 1 : i32
    %scan3A_12 = scf.for %scan3A_214 = %scan3A_8 to %scan3A_10 step %scan3A_11 iter_args(%scan3A_215 = %scan3A) -> (i32)  : i32 {
      %mul3A_216 = arith.constant 16 : i32
      %mul3A_217 = arith.muli %scan3A_214, %mul3A_216 : i32
      %swap3A = arith.index_cast %mul3A_217 : i32 to index
      %swap3A_218 = tpu.vector_load %arg10[%swap3A] {strides = array<i32>} : memref<512xf32, #tpu.memory_space<vmem>>, vector<16xf32>,
      tpu.vector_store %arg10[%swap3A], %broadcast_in_dim3A_1 {strides = array<i32>} : memref<512xf32, #tpu.memory_space<vmem>>, vector<16xf32>,
      %mul3A_219 = arith.constant 16 : i32
      %mul3A_220 = arith.muli %scan3A_214, %mul3A_219 : i32
      %swap3A_221 = arith.index_cast %mul3A_220 : i32 to index
      %swap3A_222 = tpu.vector_load %arg11[%swap3A_221] {strides = array<i32>} : memref<512xf32, #tpu.memory_space<vmem>>, vector<16xf32>,
      tpu.vector_store %arg11[%swap3A_221], %broadcast_in_dim3A_1 {strides = array<i32>} : memref<512xf32, #tpu.memory_space<vmem>>, vector<16xf32>,
      %scan3A_223 = arith.constant 0 : i32
      scf.yield %scan3A_223 : i32
    }
    %scan3A_13 = arith.constant 32 : i32
    %dma_start3A = arith.constant 0 : i32
    %dma_start3A_14 = arith.constant 0 : i32
    %dma_start3A_15 = arith.constant 0 : i32
    %dma_start3A_16 = tpu.memref_slice %arg6[%dma_start3A, %dma_start3A_14, %dma_start3A_15] : memref<2x32x512xi32, #tpu.memory_space<vmem>> -> memref<1x32x512xi32, #tpu.memory_space<vmem>>
    %dma_start3A_17 = tpu.memref_squeeze %dma_start3A_16 : memref<1x32x512xi32, #tpu.memory_space<vmem>> -> memref<32x512xi32, #tpu.memory_space<vmem>>
    %dma_start3A_18 = arith.constant 0 : i32
    %dma_start3A_19 = arith.constant 0 : i32
    %dma_start3A_20 = tpu.memref_slice %arg2[%add3A, %dma_start3A_18, %dma_start3A_19] : memref<32x512x512xi32, #tpu.memory_space<hbm>> -> memref<1x32x512xi32, #tpu.memory_space<hbm>>
    %dma_start3A_21 = tpu.memref_squeeze %dma_start3A_20 : memref<1x32x512xi32, #tpu.memory_space<hbm>> -> memref<32x512xi32, #tpu.memory_space<hbm>>
    %dma_start3A_22 = arith.constant 0 : i32
    %dma_start3A_23 = arith.constant 0 : i32
    %dma_start3A_24 = tpu.memref_slice %arg6[%dma_start3A, %dma_start3A_22, %dma_start3A_23] : memref<2x32x512xi32, #tpu.memory_space<vmem>> -> memref<1x32x512xi32, #tpu.memory_space<vmem>>
    %dma_start3A_25 = tpu.memref_squeeze %dma_start3A_24 : memref<1x32x512xi32, #tpu.memory_space<vmem>> -> memref<32x512xi32, #tpu.memory_space<vmem>>
    %dma_start3A_26 = arith.constant 0 : i32
    %dma_start3A_27 = arith.constant 0 : i32
    %dma_start3A_28 = tpu.memref_slice %arg2[%add3A, %dma_start3A_26, %dma_start3A_27] : memref<32x512x512xi32, #tpu.memory_space<hbm>> -> memref<1x32x512xi32, #tpu.memory_space<hbm>>
    %dma_start3A_29 = tpu.memref_squeeze %dma_start3A_28 : memref<1x32x512xi32, #tpu.memory_space<hbm>> -> memref<32x512xi32, #tpu.memory_space<hbm>>
    tpu.enqueue_dma source(%dma_start3A_29 : memref<32x512xi32, #tpu.memory_space<hbm>>) target(%dma_start3A_25 : memref<32x512xi32, #tpu.memory_space<vmem>>) target_semaphore(%arg15 : memref<!tpu.dma_semaphore, #tpu.memory_space<semaphore_mem>>)
    %dma_start3A_30 = arith.constant 0 : i32
    %dma_start3A_31 = arith.constant 0 : i32
    %dma_start3A_32 = arith.constant 0 : i32
    %dma_start3A_33 = tpu.memref_slice %arg7[%dma_start3A_30, %dma_start3A_31, %dma_start3A_32] : memref<2x32x512xf32, #tpu.memory_space<vmem>> -> memref<1x32x512xf32, #tpu.memory_space<vmem>>
    %dma_start3A_34 = tpu.memref_squeeze %dma_start3A_33 : memref<1x32x512xf32, #tpu.memory_space<vmem>> -> memref<32x512xf32, #tpu.memory_space<vmem>>
    %dma_start3A_35 = arith.constant 0 : i32
    %dma_start3A_36 = arith.constant 0 : i32
    %dma_start3A_37 = tpu.memref_slice %arg3[%add3A, %dma_start3A_35, %dma_start3A_36] : memref<32x512x512xf32, #tpu.memory_space<hbm>> -> memref<1x32x512xf32, #tpu.memory_space<hbm>>
    %dma_start3A_38 = tpu.memref_squeeze %dma_start3A_37 : memref<1x32x512xf32, #tpu.memory_space<hbm>> -> memref<32x512xf32, #tpu.memory_space<hbm>>
    %dma_start3A_39 = arith.constant 0 : i32
    %dma_start3A_40 = arith.constant 0 : i32
    %dma_start3A_41 = tpu.memref_slice %arg7[%dma_start3A_30, %dma_start3A_39, %dma_start3A_40] : memref<2x32x512xf32, #tpu.memory_space<vmem>> -> memref<1x32x512xf32, #tpu.memory_space<vmem>>
    %dma_start3A_42 = tpu.memref_squeeze %dma_start3A_41 : memref<1x32x512xf32, #tpu.memory_space<vmem>> -> memref<32x512xf32, #tpu.memory_space<vmem>>
    %dma_start3A_43 = arith.constant 0 : i32
    %dma_start3A_44 = arith.constant 0 : i32
    %dma_start3A_45 = tpu.memref_slice %arg3[%add3A, %dma_start3A_43, %dma_start3A_44] : memref<32x512x512xf32, #tpu.memory_space<hbm>> -> memref<1x32x512xf32, #tpu.memory_space<hbm>>
    %dma_start3A_46 = tpu.memref_squeeze %dma_start3A_45 : memref<1x32x512xf32, #tpu.memory_space<hbm>> -> memref<32x512xf32, #tpu.memory_space<hbm>>
    tpu.enqueue_dma source(%dma_start3A_46 : memref<32x512xf32, #tpu.memory_space<hbm>>) target(%dma_start3A_42 : memref<32x512xf32, #tpu.memory_space<vmem>>) target_semaphore(%arg17 : memref<!tpu.dma_semaphore, #tpu.memory_space<semaphore_mem>>)
    %dma_start3A_47 = arith.constant 1 : i32
    %dma_start3A_48 = arith.constant 0 : i32
    %dma_start3A_49 = arith.constant 0 : i32
    %dma_start3A_50 = tpu.memref_slice %arg6[%dma_start3A_47, %dma_start3A_48, %dma_start3A_49] : memref<2x32x512xi32, #tpu.memory_space<vmem>> -> memref<1x32x512xi32, #tpu.memory_space<vmem>>
    %dma_start3A_51 = tpu.memref_squeeze %dma_start3A_50 : memref<1x32x512xi32, #tpu.memory_space<vmem>> -> memref<32x512xi32, #tpu.memory_space<vmem>>
    %dma_start3A_52 = arith.constant 32 : i32
    %dma_start3A_53 = arith.constant 0 : i32
    %dma_start3A_54 = tpu.memref_slice %arg2[%add3A, %dma_start3A_52, %dma_start3A_53] : memref<32x512x512xi32, #tpu.memory_space<hbm>> -> memref<1x32x512xi32, #tpu.memory_space<hbm>>
    %dma_start3A_55 = tpu.memref_squeeze %dma_start3A_54 : memref<1x32x512xi32, #tpu.memory_space<hbm>> -> memref<32x512xi32, #tpu.memory_space<hbm>>
    %dma_start3A_56 = arith.constant 0 : i32
    %dma_start3A_57 = arith.constant 0 : i32
    %dma_start3A_58 = tpu.memref_slice %arg6[%dma_start3A_47, %dma_start3A_56, %dma_start3A_57] : memref<2x32x512xi32, #tpu.memory_space<vmem>> -> memref<1x32x512xi32, #tpu.memory_space<vmem>>
    %dma_start3A_59 = tpu.memref_squeeze %dma_start3A_58 : memref<1x32x512xi32, #tpu.memory_space<vmem>> -> memref<32x512xi32, #tpu.memory_space<vmem>>
    %dma_start3A_60 = arith.constant 32 : i32
    %dma_start3A_61 = arith.constant 0 : i32
    %dma_start3A_62 = tpu.memref_slice %arg2[%add3A, %dma_start3A_60, %dma_start3A_61] : memref<32x512x512xi32, #tpu.memory_space<hbm>> -> memref<1x32x512xi32, #tpu.memory_space<hbm>>
    %dma_start3A_63 = tpu.memref_squeeze %dma_start3A_62 : memref<1x32x512xi32, #tpu.memory_space<hbm>> -> memref<32x512xi32, #tpu.memory_space<hbm>>
    tpu.enqueue_dma source(%dma_start3A_63 : memref<32x512xi32, #tpu.memory_space<hbm>>) target(%dma_start3A_59 : memref<32x512xi32, #tpu.memory_space<vmem>>) target_semaphore(%arg16 : memref<!tpu.dma_semaphore, #tpu.memory_space<semaphore_mem>>)
    %dma_start3A_64 = arith.constant 1 : i32
    %dma_start3A_65 = arith.constant 0 : i32
    %dma_start3A_66 = arith.constant 0 : i32
    %dma_start3A_67 = tpu.memref_slice %arg7[%dma_start3A_64, %dma_start3A_65, %dma_start3A_66] : memref<2x32x512xf32, #tpu.memory_space<vmem>> -> memref<1x32x512xf32, #tpu.memory_space<vmem>>
    %dma_start3A_68 = tpu.memref_squeeze %dma_start3A_67 : memref<1x32x512xf32, #tpu.memory_space<vmem>> -> memref<32x512xf32, #tpu.memory_space<vmem>>
    %dma_start3A_69 = arith.constant 32 : i32
    %dma_start3A_70 = arith.constant 0 : i32
    %dma_start3A_71 = tpu.memref_slice %arg3[%add3A, %dma_start3A_69, %dma_start3A_70] : memref<32x512x512xf32, #tpu.memory_space<hbm>> -> memref<1x32x512xf32, #tpu.memory_space<hbm>>
    %dma_start3A_72 = tpu.memref_squeeze %dma_start3A_71 : memref<1x32x512xf32, #tpu.memory_space<hbm>> -> memref<32x512xf32, #tpu.memory_space<hbm>>
    %dma_start3A_73 = arith.constant 0 : i32
    %dma_start3A_74 = arith.constant 0 : i32
    %dma_start3A_75 = tpu.memref_slice %arg7[%dma_start3A_64, %dma_start3A_73, %dma_start3A_74] : memref<2x32x512xf32, #tpu.memory_space<vmem>> -> memref<1x32x512xf32, #tpu.memory_space<vmem>>
    %dma_start3A_76 = tpu.memref_squeeze %dma_start3A_75 : memref<1x32x512xf32, #tpu.memory_space<vmem>> -> memref<32x512xf32, #tpu.memory_space<vmem>>
    %dma_start3A_77 = arith.constant 32 : i32
    %dma_start3A_78 = arith.constant 0 : i32
    %dma_start3A_79 = tpu.memref_slice %arg3[%add3A, %dma_start3A_77, %dma_start3A_78] : memref<32x512x512xf32, #tpu.memory_space<hbm>> -> memref<1x32x512xf32, #tpu.memory_space<hbm>>
    %dma_start3A_80 = tpu.memref_squeeze %dma_start3A_79 : memref<1x32x512xf32, #tpu.memory_space<hbm>> -> memref<32x512xf32, #tpu.memory_space<hbm>>
    tpu.enqueue_dma source(%dma_start3A_80 : memref<32x512xf32, #tpu.memory_space<hbm>>) target(%dma_start3A_76 : memref<32x512xf32, #tpu.memory_space<vmem>>) target_semaphore(%arg18 : memref<!tpu.dma_semaphore, #tpu.memory_space<semaphore_mem>>)
    %scan3A_81 = arith.constant 0 : i32
    %scan3A_82 = arith.constant 0 : i32
    %scan3A_83 = arith.constant 8 : i32
    %scan3A_84 = arith.addi %scan3A_82, %scan3A_83 : i32
    %scan3A_85 = arith.constant 1 : i32
    %scan3A_86 = scf.for %scan3A_214 = %scan3A_82 to %scan3A_84 step %scan3A_85 iter_args(%scan3A_215 = %scan3A_81) -> (i32)  : i32 {
      %mul3A_216 = arith.constant 2 : i32
      %mul3A_217 = arith.muli %scan3A_214, %mul3A_216 : i32
      %add3A_218 = arith.constant 0 : i32
      %add3A_219 = arith.addi %mul3A_217, %add3A_218 : i32
      %mul3A_220 = arith.constant 32 : i32
      %mul3A_221 = arith.muli %add3A_219, %mul3A_220 : i32
      %dma_wait3A_222 = arith.constant 0 : i32
      %dma_wait3A_223 = arith.constant 0 : i32
      %dma_wait3A_224 = arith.constant 0 : i32
      %dma_wait3A_225 = tpu.memref_slice %arg6[%dma_wait3A_222, %dma_wait3A_223, %dma_wait3A_224] : memref<2x32x512xi32, #tpu.memory_space<vmem>> -> memref<1x32x512xi32, #tpu.memory_space<vmem>>
      %dma_wait3A_226 = tpu.memref_squeeze %dma_wait3A_225 : memref<1x32x512xi32, #tpu.memory_space<vmem>> -> memref<32x512xi32, #tpu.memory_space<vmem>>
      %dma_wait3A_227 = arith.constant 0 : i32
      %dma_wait3A_228 = tpu.memref_slice %arg2[%add3A, %mul3A_221, %dma_wait3A_227] : memref<32x512x512xi32, #tpu.memory_space<hbm>> -> memref<1x32x512xi32, #tpu.memory_space<hbm>>
      %dma_wait3A_229 = tpu.memref_squeeze %dma_wait3A_228 : memref<1x32x512xi32, #tpu.memory_space<hbm>> -> memref<32x512xi32, #tpu.memory_space<hbm>>
      %dma_wait3A_230 = arith.constant 0 : i32
      %dma_wait3A_231 = arith.constant 0 : i32
      %dma_wait3A_232 = tpu.memref_slice %arg6[%dma_wait3A_222, %dma_wait3A_230, %dma_wait3A_231] : memref<2x32x512xi32, #tpu.memory_space<vmem>> -> memref<1x32x512xi32, #tpu.memory_space<vmem>>
      %dma_wait3A_233 = tpu.memref_squeeze %dma_wait3A_232 : memref<1x32x512xi32, #tpu.memory_space<vmem>> -> memref<32x512xi32, #tpu.memory_space<vmem>>
      %dma_wait3A_234 = arith.constant 0 : i32
      %dma_wait3A_235 = tpu.memref_slice %arg2[%add3A, %mul3A_221, %dma_wait3A_234] : memref<32x512x512xi32, #tpu.memory_space<hbm>> -> memref<1x32x512xi32, #tpu.memory_space<hbm>>
      %dma_wait3A_236 = tpu.memref_squeeze %dma_wait3A_235 : memref<1x32x512xi32, #tpu.memory_space<hbm>> -> memref<32x512xi32, #tpu.memory_space<hbm>>
      tpu.wait_dma2 semaphore(%arg15 : memref<!tpu.dma_semaphore, #tpu.memory_space<semaphore_mem>>) src(%dma_wait3A_236 : memref<32x512xi32, #tpu.memory_space<hbm>>) dst(%dma_wait3A_233 : memref<32x512xi32, #tpu.memory_space<vmem>>)
      %dma_wait3A_237 = arith.constant 0 : i32
      %dma_wait3A_238 = arith.constant 0 : i32
      %dma_wait3A_239 = arith.constant 0 : i32
      %dma_wait3A_240 = tpu.memref_slice %arg7[%dma_wait3A_237, %dma_wait3A_238, %dma_wait3A_239] : memref<2x32x512xf32, #tpu.memory_space<vmem>> -> memref<1x32x512xf32, #tpu.memory_space<vmem>>
      %dma_wait3A_241 = tpu.memref_squeeze %dma_wait3A_240 : memref<1x32x512xf32, #tpu.memory_space<vmem>> -> memref<32x512xf32, #tpu.memory_space<vmem>>
      %dma_wait3A_242 = arith.constant 0 : i32
      %dma_wait3A_243 = tpu.memref_slice %arg3[%add3A, %mul3A_221, %dma_wait3A_242] : memref<32x512x512xf32, #tpu.memory_space<hbm>> -> memref<1x32x512xf32, #tpu.memory_space<hbm>>
      %dma_wait3A_244 = tpu.memref_squeeze %dma_wait3A_243 : memref<1x32x512xf32, #tpu.memory_space<hbm>> -> memref<32x512xf32, #tpu.memory_space<hbm>>
      %dma_wait3A_245 = arith.constant 0 : i32
      %dma_wait3A_246 = arith.constant 0 : i32
      %dma_wait3A_247 = tpu.memref_slice %arg7[%dma_wait3A_237, %dma_wait3A_245, %dma_wait3A_246] : memref<2x32x512xf32, #tpu.memory_space<vmem>> -> memref<1x32x512xf32, #tpu.memory_space<vmem>>
      %dma_wait3A_248 = tpu.memref_squeeze %dma_wait3A_247 : memref<1x32x512xf32, #tpu.memory_space<vmem>> -> memref<32x512xf32, #tpu.memory_space<vmem>>
      %dma_wait3A_249 = arith.constant 0 : i32
      %dma_wait3A_250 = tpu.memref_slice %arg3[%add3A, %mul3A_221, %dma_wait3A_249] : memref<32x512x512xf32, #tpu.memory_space<hbm>> -> memref<1x32x512xf32, #tpu.memory_space<hbm>>
      %dma_wait3A_251 = tpu.memref_squeeze %dma_wait3A_250 : memref<1x32x512xf32, #tpu.memory_space<hbm>> -> memref<32x512xf32, #tpu.memory_space<hbm>>
      tpu.wait_dma2 semaphore(%arg17 : memref<!tpu.dma_semaphore, #tpu.memory_space<semaphore_mem>>) src(%dma_wait3A_251 : memref<32x512xf32, #tpu.memory_space<hbm>>) dst(%dma_wait3A_248 : memref<32x512xf32, #tpu.memory_space<vmem>>)
      %parallel_loop3A = arith.constant 0 : i32
      %parallel_loop3A_252 = arith.constant 32 : i32
      %parallel_loop3A_253 = arith.constant 1 : i32
      scf.for %parallel_loop3A_307 = %parallel_loop3A to %parallel_loop3A_252 step %parallel_loop3A_253  : i32 {
        %parallel_loop3A_308 = arith.constant 0 : i32
        %parallel_loop3A_309 = arith.index_cast %parallel_loop3A_308 : i32 to index
        %parallel_loop3A_310 = arith.index_cast %parallel_loop3A_307 : i32 to index
        %parallel_loop3A_311 = arith.constant 0 : index
        %parallel_loop3A_312 = tpu.vector_load %arg6[%parallel_loop3A_309, %parallel_loop3A_310, %parallel_loop3A_311] {strides = array<i32>} : memref<2x32x512xi32, #tpu.memory_space<vmem>>, vector<16xi32>,
        %parallel_loop3A_313 = arith.constant 0 : i32
        %parallel_loop3A_314 = arith.index_cast %parallel_loop3A_313 : i32 to index
        %parallel_loop3A_315 = arith.index_cast %parallel_loop3A_307 : i32 to index
        %parallel_loop3A_316 = arith.constant 16 : index
        %parallel_loop3A_317 = tpu.vector_load %arg6[%parallel_loop3A_314, %parallel_loop3A_315, %parallel_loop3A_316] {strides = array<i32>} : memref<2x32x512xi32, #tpu.memory_space<vmem>>, vector<16xi32>,
        %parallel_loop3A_318 = arith.constant 0 : i32
        %parallel_loop3A_319 = arith.index_cast %parallel_loop3A_318 : i32 to index
        %parallel_loop3A_320 = arith.index_cast %parallel_loop3A_307 : i32 to index
        %parallel_loop3A_321 = arith.constant 32 : index
        %parallel_loop3A_322 = tpu.vector_load %arg6[%parallel_loop3A_319, %parallel_loop3A_320, %parallel_loop3A_321] {strides = array<i32>} : memref<2x32x512xi32, #tpu.memory_space<vmem>>, vector<16xi32>,
        %parallel_loop3A_323 = arith.constant 0 : i32
        %parallel_loop3A_324 = arith.index_cast %parallel_loop3A_323 : i32 to index
        %parallel_loop3A_325 = arith.index_cast %parallel_loop3A_307 : i32 to index
        %parallel_loop3A_326 = arith.constant 48 : index
        %parallel_loop3A_327 = tpu.vector_load %arg6[%parallel_loop3A_324, %parallel_loop3A_325, %parallel_loop3A_326] {strides = array<i32>} : memref<2x32x512xi32, #tpu.memory_space<vmem>>, vector<16xi32>,
        %parallel_loop3A_328 = arith.constant 0 : i32
        %parallel_loop3A_329 = arith.index_cast %parallel_loop3A_328 : i32 to index
        %parallel_loop3A_330 = arith.index_cast %parallel_loop3A_307 : i32 to index
        %parallel_loop3A_331 = arith.constant 64 : index
        %parallel_loop3A_332 = tpu.vector_load %arg6[%parallel_loop3A_329, %parallel_loop3A_330, %parallel_loop3A_331] {strides = array<i32>} : memref<2x32x512xi32, #tpu.memory_space<vmem>>, vector<16xi32>,
        %parallel_loop3A_333 = arith.constant 0 : i32
        %parallel_loop3A_334 = arith.index_cast %parallel_loop3A_333 : i32 to index
        %parallel_loop3A_335 = arith.index_cast %parallel_loop3A_307 : i32 to index
        %parallel_loop3A_336 = arith.constant 80 : index
        %parallel_loop3A_337 = tpu.vector_load %arg6[%parallel_loop3A_334, %parallel_loop3A_335, %parallel_loop3A_336] {strides = array<i32>} : memref<2x32x512xi32, #tpu.memory_space<vmem>>, vector<16xi32>,
        %parallel_loop3A_338 = arith.constant 0 : i32
        %parallel_loop3A_339 = arith.index_cast %parallel_loop3A_338 : i32 to index
        %parallel_loop3A_340 = arith.index_cast %parallel_loop3A_307 : i32 to index
        %parallel_loop3A_341 = arith.constant 96 : index
        %parallel_loop3A_342 = tpu.vector_load %arg6[%parallel_loop3A_339, %parallel_loop3A_340, %parallel_loop3A_341] {strides = array<i32>} : memref<2x32x512xi32, #tpu.memory_space<vmem>>, vector<16xi32>,
        %parallel_loop3A_343 = arith.constant 0 : i32
        %parallel_loop3A_344 = arith.index_cast %parallel_loop3A_343 : i32 to index
        %parallel_loop3A_345 = arith.index_cast %parallel_loop3A_307 : i32 to index
        %parallel_loop3A_346 = arith.constant 112 : index
        %parallel_loop3A_347 = tpu.vector_load %arg6[%parallel_loop3A_344, %parallel_loop3A_345, %parallel_loop3A_346] {strides = array<i32>} : memref<2x32x512xi32, #tpu.memory_space<vmem>>, vector<16xi32>,
        %parallel_loop3A_348 = arith.constant 0 : i32
        %parallel_loop3A_349 = arith.index_cast %parallel_loop3A_348 : i32 to index
        %parallel_loop3A_350 = arith.index_cast %parallel_loop3A_307 : i32 to index
        %parallel_loop3A_351 = arith.constant 0 : index
        %parallel_loop3A_352 = tpu.vector_load %arg7[%parallel_loop3A_349, %parallel_loop3A_350, %parallel_loop3A_351] {strides = array<i32>} : memref<2x32x512xf32, #tpu.memory_space<vmem>>, vector<16xf32>,
        %parallel_loop3A_353 = arith.constant 0 : i32
        %parallel_loop3A_354 = arith.index_cast %parallel_loop3A_353 : i32 to index
        %parallel_loop3A_355 = arith.index_cast %parallel_loop3A_307 : i32 to index
        %parallel_loop3A_356 = arith.constant 16 : index
        %parallel_loop3A_357 = tpu.vector_load %arg7[%parallel_loop3A_354, %parallel_loop3A_355, %parallel_loop3A_356] {strides = array<i32>} : memref<2x32x512xf32, #tpu.memory_space<vmem>>, vector<16xf32>,
        %parallel_loop3A_358 = arith.constant 0 : i32
        %parallel_loop3A_359 = arith.index_cast %parallel_loop3A_358 : i32 to index
        %parallel_loop3A_360 = arith.index_cast %parallel_loop3A_307 : i32 to index
        %parallel_loop3A_361 = arith.constant 32 : index
        %parallel_loop3A_362 = tpu.vector_load %arg7[%parallel_loop3A_359, %parallel_loop3A_360, %parallel_loop3A_361] {strides = array<i32>} : memref<2x32x512xf32, #tpu.memory_space<vmem>>, vector<16xf32>,
        %parallel_loop3A_363 = arith.constant 0 : i32
        %parallel_loop3A_364 = arith.index_cast %parallel_loop3A_363 : i32 to index
        %parallel_loop3A_365 = arith.index_cast %parallel_loop3A_307 : i32 to index
        %parallel_loop3A_366 = arith.constant 48 : index
        %parallel_loop3A_367 = tpu.vector_load %arg7[%parallel_loop3A_364, %parallel_loop3A_365, %parallel_loop3A_366] {strides = array<i32>} : memref<2x32x512xf32, #tpu.memory_space<vmem>>, vector<16xf32>,
        %parallel_loop3A_368 = arith.constant 0 : i32
        %parallel_loop3A_369 = arith.index_cast %parallel_loop3A_368 : i32 to index
        %parallel_loop3A_370 = arith.index_cast %parallel_loop3A_307 : i32 to index
        %parallel_loop3A_371 = arith.constant 64 : index
        %parallel_loop3A_372 = tpu.vector_load %arg7[%parallel_loop3A_369, %parallel_loop3A_370, %parallel_loop3A_371] {strides = array<i32>} : memref<2x32x512xf32, #tpu.memory_space<vmem>>, vector<16xf32>,
        %parallel_loop3A_373 = arith.constant 0 : i32
        %parallel_loop3A_374 = arith.index_cast %parallel_loop3A_373 : i32 to index
        %parallel_loop3A_375 = arith.index_cast %parallel_loop3A_307 : i32 to index
        %parallel_loop3A_376 = arith.constant 80 : index
        %parallel_loop3A_377 = tpu.vector_load %arg7[%parallel_loop3A_374, %parallel_loop3A_375, %parallel_loop3A_376] {strides = array<i32>} : memref<2x32x512xf32, #tpu.memory_space<vmem>>, vector<16xf32>,
        %parallel_loop3A_378 = arith.constant 0 : i32
        %parallel_loop3A_379 = arith.index_cast %parallel_loop3A_378 : i32 to index
        %parallel_loop3A_380 = arith.index_cast %parallel_loop3A_307 : i32 to index
        %parallel_loop3A_381 = arith.constant 96 : index
        %parallel_loop3A_382 = tpu.vector_load %arg7[%parallel_loop3A_379, %parallel_loop3A_380, %parallel_loop3A_381] {strides = array<i32>} : memref<2x32x512xf32, #tpu.memory_space<vmem>>, vector<16xf32>,
        %parallel_loop3A_383 = arith.constant 0 : i32
        %parallel_loop3A_384 = arith.index_cast %parallel_loop3A_383 : i32 to index
        %parallel_loop3A_385 = arith.index_cast %parallel_loop3A_307 : i32 to index
        %parallel_loop3A_386 = arith.constant 112 : index
        %parallel_loop3A_387 = tpu.vector_load %arg7[%parallel_loop3A_384, %parallel_loop3A_385, %parallel_loop3A_386] {strides = array<i32>} : memref<2x32x512xf32, #tpu.memory_space<vmem>>, vector<16xf32>,
        tpu.vector_store_idx %arg10[%parallel_loop3A_312], %parallel_loop3A_352 {add = true} : memref<512xf32, #tpu.memory_space<vmem>>[vector<16xi32>], vector<16xf32>,
        tpu.vector_store_idx %arg10[%parallel_loop3A_317], %parallel_loop3A_357 {add = true} : memref<512xf32, #tpu.memory_space<vmem>>[vector<16xi32>], vector<16xf32>,
        tpu.vector_store_idx %arg10[%parallel_loop3A_322], %parallel_loop3A_362 {add = true} : memref<512xf32, #tpu.memory_space<vmem>>[vector<16xi32>], vector<16xf32>,
        tpu.vector_store_idx %arg10[%parallel_loop3A_327], %parallel_loop3A_367 {add = true} : memref<512xf32, #tpu.memory_space<vmem>>[vector<16xi32>], vector<16xf32>,
        tpu.vector_store_idx %arg10[%parallel_loop3A_332], %parallel_loop3A_372 {add = true} : memref<512xf32, #tpu.memory_space<vmem>>[vector<16xi32>], vector<16xf32>,
        tpu.vector_store_idx %arg10[%parallel_loop3A_337], %parallel_loop3A_377 {add = true} : memref<512xf32, #tpu.memory_space<vmem>>[vector<16xi32>], vector<16xf32>,
        tpu.vector_store_idx %arg10[%parallel_loop3A_342], %parallel_loop3A_382 {add = true} : memref<512xf32, #tpu.memory_space<vmem>>[vector<16xi32>], vector<16xf32>,
        tpu.vector_store_idx %arg10[%parallel_loop3A_347], %parallel_loop3A_387 {add = true} : memref<512xf32, #tpu.memory_space<vmem>>[vector<16xi32>], vector<16xf32>,
        tpu.vector_store_idx %arg11[%parallel_loop3A_312], %broadcast_in_dim3A_3 {add = true} : memref<512xf32, #tpu.memory_space<vmem>>[vector<16xi32>], vector<16xf32>,
        tpu.vector_store_idx %arg11[%parallel_loop3A_317], %broadcast_in_dim3A_3 {add = true} : memref<512xf32, #tpu.memory_space<vmem>>[vector<16xi32>], vector<16xf32>,
        tpu.vector_store_idx %arg11[%parallel_loop3A_322], %broadcast_in_dim3A_3 {add = true} : memref<512xf32, #tpu.memory_space<vmem>>[vector<16xi32>], vector<16xf32>,
        tpu.vector_store_idx %arg11[%parallel_loop3A_327], %broadcast_in_dim3A_3 {add = true} : memref<512xf32, #tpu.memory_space<vmem>>[vector<16xi32>], vector<16xf32>,
        tpu.vector_store_idx %arg11[%parallel_loop3A_332], %broadcast_in_dim3A_3 {add = true} : memref<512xf32, #tpu.memory_space<vmem>>[vector<16xi32>], vector<16xf32>,
        tpu.vector_store_idx %arg11[%parallel_loop3A_337], %broadcast_in_dim3A_3 {add = true} : memref<512xf32, #tpu.memory_space<vmem>>[vector<16xi32>], vector<16xf32>,
        tpu.vector_store_idx %arg11[%parallel_loop3A_342], %broadcast_in_dim3A_3 {add = true} : memref<512xf32, #tpu.memory_space<vmem>>[vector<16xi32>], vector<16xf32>,
        tpu.vector_store_idx %arg11[%parallel_loop3A_347], %broadcast_in_dim3A_3 {add = true} : memref<512xf32, #tpu.memory_space<vmem>>[vector<16xi32>], vector<16xf32>,
        %parallel_loop3A_388 = arith.constant 0 : i32
        %parallel_loop3A_389 = arith.index_cast %parallel_loop3A_388 : i32 to index
        %parallel_loop3A_390 = arith.index_cast %parallel_loop3A_307 : i32 to index
        %parallel_loop3A_391 = arith.constant 128 : index
        %parallel_loop3A_392 = tpu.vector_load %arg6[%parallel_loop3A_389, %parallel_loop3A_390, %parallel_loop3A_391] {strides = array<i32>} : memref<2x32x512xi32, #tpu.memory_space<vmem>>, vector<16xi32>,
        %parallel_loop3A_393 = arith.constant 0 : i32
        %parallel_loop3A_394 = arith.index_cast %parallel_loop3A_393 : i32 to index
        %parallel_loop3A_395 = arith.index_cast %parallel_loop3A_307 : i32 to index
        %parallel_loop3A_396 = arith.constant 144 : index
        %parallel_loop3A_397 = tpu.vector_load %arg6[%parallel_loop3A_394, %parallel_loop3A_395, %parallel_loop3A_396] {strides = array<i32>} : memref<2x32x512xi32, #tpu.memory_space<vmem>>, vector<16xi32>,
        %parallel_loop3A_398 = arith.constant 0 : i32
        %parallel_loop3A_399 = arith.index_cast %parallel_loop3A_398 : i32 to index
        %parallel_loop3A_400 = arith.index_cast %parallel_loop3A_307 : i32 to index
        %parallel_loop3A_401 = arith.constant 160 : index
        %parallel_loop3A_402 = tpu.vector_load %arg6[%parallel_loop3A_399, %parallel_loop3A_400, %parallel_loop3A_401] {strides = array<i32>} : memref<2x32x512xi32, #tpu.memory_space<vmem>>, vector<16xi32>,
        %parallel_loop3A_403 = arith.constant 0 : i32
        %parallel_loop3A_404 = arith.index_cast %parallel_loop3A_403 : i32 to index
        %parallel_loop3A_405 = arith.index_cast %parallel_loop3A_307 : i32 to index
        %parallel_loop3A_406 = arith.constant 176 : index
        %parallel_loop3A_407 = tpu.vector_load %arg6[%parallel_loop3A_404, %parallel_loop3A_405, %parallel_loop3A_406] {strides = array<i32>} : memref<2x32x512xi32, #tpu.memory_space<vmem>>, vector<16xi32>,
        %parallel_loop3A_408 = arith.constant 0 : i32
        %parallel_loop3A_409 = arith.index_cast %parallel_loop3A_408 : i32 to index
        %parallel_loop3A_410 = arith.index_cast %parallel_loop3A_307 : i32 to index
        %parallel_loop3A_411 = arith.constant 192 : index
        %parallel_loop3A_412 = tpu.vector_load %arg6[%parallel_loop3A_409, %parallel_loop3A_410, %parallel_loop3A_411] {strides = array<i32>} : memref<2x32x512xi32, #tpu.memory_space<vmem>>, vector<16xi32>,
        %parallel_loop3A_413 = arith.constant 0 : i32
        %parallel_loop3A_414 = arith.index_cast %parallel_loop3A_413 : i32 to index
        %parallel_loop3A_415 = arith.index_cast %parallel_loop3A_307 : i32 to index
        %parallel_loop3A_416 = arith.constant 208 : index
        %parallel_loop3A_417 = tpu.vector_load %arg6[%parallel_loop3A_414, %parallel_loop3A_415, %parallel_loop3A_416] {strides = array<i32>} : memref<2x32x512xi32, #tpu.memory_space<vmem>>, vector<16xi32>,
        %parallel_loop3A_418 = arith.constant 0 : i32
        %parallel_loop3A_419 = arith.index_cast %parallel_loop3A_418 : i32 to index
        %parallel_loop3A_420 = arith.index_cast %parallel_loop3A_307 : i32 to index
        %parallel_loop3A_421 = arith.constant 224 : index
        %parallel_loop3A_422 = tpu.vector_load %arg6[%parallel_loop3A_419, %parallel_loop3A_420, %parallel_loop3A_421] {strides = array<i32>} : memref<2x32x512xi32, #tpu.memory_space<vmem>>, vector<16xi32>,
        %parallel_loop3A_423 = arith.constant 0 : i32
        %parallel_loop3A_424 = arith.index_cast %parallel_loop3A_423 : i32 to index
        %parallel_loop3A_425 = arith.index_cast %parallel_loop3A_307 : i32 to index
        %parallel_loop3A_426 = arith.constant 240 : index
        %parallel_loop3A_427 = tpu.vector_load %arg6[%parallel_loop3A_424, %parallel_loop3A_425, %parallel_loop3A_426] {strides = array<i32>} : memref<2x32x512xi32, #tpu.memory_space<vmem>>, vector<16xi32>,
        %parallel_loop3A_428 = arith.constant 0 : i32
        %parallel_loop3A_429 = arith.index_cast %parallel_loop3A_428 : i32 to index
        %parallel_loop3A_430 = arith.index_cast %parallel_loop3A_307 : i32 to index
        %parallel_loop3A_431 = arith.constant 128 : index
        %parallel_loop3A_432 = tpu.vector_load %arg7[%parallel_loop3A_429, %parallel_loop3A_430, %parallel_loop3A_431] {strides = array<i32>} : memref<2x32x512xf32, #tpu.memory_space<vmem>>, vector<16xf32>,
        %parallel_loop3A_433 = arith.constant 0 : i32
        %parallel_loop3A_434 = arith.index_cast %parallel_loop3A_433 : i32 to index
        %parallel_loop3A_435 = arith.index_cast %parallel_loop3A_307 : i32 to index
        %parallel_loop3A_436 = arith.constant 144 : index
        %parallel_loop3A_437 = tpu.vector_load %arg7[%parallel_loop3A_434, %parallel_loop3A_435, %parallel_loop3A_436] {strides = array<i32>} : memref<2x32x512xf32, #tpu.memory_space<vmem>>, vector<16xf32>,
        %parallel_loop3A_438 = arith.constant 0 : i32
        %parallel_loop3A_439 = arith.index_cast %parallel_loop3A_438 : i32 to index
        %parallel_loop3A_440 = arith.index_cast %parallel_loop3A_307 : i32 to index
        %parallel_loop3A_441 = arith.constant 160 : index
        %parallel_loop3A_442 = tpu.vector_load %arg7[%parallel_loop3A_439, %parallel_loop3A_440, %parallel_loop3A_441] {strides = array<i32>} : memref<2x32x512xf32, #tpu.memory_space<vmem>>, vector<16xf32>,
        %parallel_loop3A_443 = arith.constant 0 : i32
        %parallel_loop3A_444 = arith.index_cast %parallel_loop3A_443 : i32 to index
        %parallel_loop3A_445 = arith.index_cast %parallel_loop3A_307 : i32 to index
        %parallel_loop3A_446 = arith.constant 176 : index
        %parallel_loop3A_447 = tpu.vector_load %arg7[%parallel_loop3A_444, %parallel_loop3A_445, %parallel_loop3A_446] {strides = array<i32>} : memref<2x32x512xf32, #tpu.memory_space<vmem>>, vector<16xf32>,
        %parallel_loop3A_448 = arith.constant 0 : i32
        %parallel_loop3A_449 = arith.index_cast %parallel_loop3A_448 : i32 to index
        %parallel_loop3A_450 = arith.index_cast %parallel_loop3A_307 : i32 to index
        %parallel_loop3A_451 = arith.constant 192 : index
        %parallel_loop3A_452 = tpu.vector_load %arg7[%parallel_loop3A_449, %parallel_loop3A_450, %parallel_loop3A_451] {strides = array<i32>} : memref<2x32x512xf32, #tpu.memory_space<vmem>>, vector<16xf32>,
        %parallel_loop3A_453 = arith.constant 0 : i32
        %parallel_loop3A_454 = arith.index_cast %parallel_loop3A_453 : i32 to index
        %parallel_loop3A_455 = arith.index_cast %parallel_loop3A_307 : i32 to index
        %parallel_loop3A_456 = arith.constant 208 : index
        %parallel_loop3A_457 = tpu.vector_load %arg7[%parallel_loop3A_454, %parallel_loop3A_455, %parallel_loop3A_456] {strides = array<i32>} : memref<2x32x512xf32, #tpu.memory_space<vmem>>, vector<16xf32>,
        %parallel_loop3A_458 = arith.constant 0 : i32
        %parallel_loop3A_459 = arith.index_cast %parallel_loop3A_458 : i32 to index
        %parallel_loop3A_460 = arith.index_cast %parallel_loop3A_307 : i32 to index
        %parallel_loop3A_461 = arith.constant 224 : index
        %parallel_loop3A_462 = tpu.vector_load %arg7[%parallel_loop3A_459, %parallel_loop3A_460, %parallel_loop3A_461] {strides = array<i32>} : memref<2x32x512xf32, #tpu.memory_space<vmem>>, vector<16xf32>,
        %parallel_loop3A_463 = arith.constant 0 : i32
        %parallel_loop3A_464 = arith.index_cast %parallel_loop3A_463 : i32 to index
        %parallel_loop3A_465 = arith.index_cast %parallel_loop3A_307 : i32 to index
        %parallel_loop3A_466 = arith.constant 240 : index
        %parallel_loop3A_467 = tpu.vector_load %arg7[%parallel_loop3A_464, %parallel_loop3A_465, %parallel_loop3A_466] {strides = array<i32>} : memref<2x32x512xf32, #tpu.memory_space<vmem>>, vector<16xf32>,
        tpu.vector_store_idx %arg10[%parallel_loop3A_392], %parallel_loop3A_432 {add = true} : memref<512xf32, #tpu.memory_space<vmem>>[vector<16xi32>], vector<16xf32>,
        tpu.vector_store_idx %arg10[%parallel_loop3A_397], %parallel_loop3A_437 {add = true} : memref<512xf32, #tpu.memory_space<vmem>>[vector<16xi32>], vector<16xf32>,
        tpu.vector_store_idx %arg10[%parallel_loop3A_402], %parallel_loop3A_442 {add = true} : memref<512xf32, #tpu.memory_space<vmem>>[vector<16xi32>], vector<16xf32>,
        tpu.vector_store_idx %arg10[%parallel_loop3A_407], %parallel_loop3A_447 {add = true} : memref<512xf32, #tpu.memory_space<vmem>>[vector<16xi32>], vector<16xf32>,
        tpu.vector_store_idx %arg10[%parallel_loop3A_412], %parallel_loop3A_452 {add = true} : memref<512xf32, #tpu.memory_space<vmem>>[vector<16xi32>], vector<16xf32>,
        tpu.vector_store_idx %arg10[%parallel_loop3A_417], %parallel_loop3A_457 {add = true} : memref<512xf32, #tpu.memory_space<vmem>>[vector<16xi32>], vector<16xf32>,
        tpu.vector_store_idx %arg10[%parallel_loop3A_422], %parallel_loop3A_462 {add = true} : memref<512xf32, #tpu.memory_space<vmem>>[vector<16xi32>], vector<16xf32>,
        tpu.vector_store_idx %arg10[%parallel_loop3A_427], %parallel_loop3A_467 {add = true} : memref<512xf32, #tpu.memory_space<vmem>>[vector<16xi32>], vector<16xf32>,
        tpu.vector_store_idx %arg11[%parallel_loop3A_392], %broadcast_in_dim3A_3 {add = true} : memref<512xf32, #tpu.memory_space<vmem>>[vector<16xi32>], vector<16xf32>,
        tpu.vector_store_idx %arg11[%parallel_loop3A_397], %broadcast_in_dim3A_3 {add = true} : memref<512xf32, #tpu.memory_space<vmem>>[vector<16xi32>], vector<16xf32>,
        tpu.vector_store_idx %arg11[%parallel_loop3A_402], %broadcast_in_dim3A_3 {add = true} : memref<512xf32, #tpu.memory_space<vmem>>[vector<16xi32>], vector<16xf32>,
        tpu.vector_store_idx %arg11[%parallel_loop3A_407], %broadcast_in_dim3A_3 {add = true} : memref<512xf32, #tpu.memory_space<vmem>>[vector<16xi32>], vector<16xf32>,
        tpu.vector_store_idx %arg11[%parallel_loop3A_412], %broadcast_in_dim3A_3 {add = true} : memref<512xf32, #tpu.memory_space<vmem>>[vector<16xi32>], vector<16xf32>,
        tpu.vector_store_idx %arg11[%parallel_loop3A_417], %broadcast_in_dim3A_3 {add = true} : memref<512xf32, #tpu.memory_space<vmem>>[vector<16xi32>], vector<16xf32>,
        tpu.vector_store_idx %arg11[%parallel_loop3A_422], %broadcast_in_dim3A_3 {add = true} : memref<512xf32, #tpu.memory_space<vmem>>[vector<16xi32>], vector<16xf32>,
        tpu.vector_store_idx %arg11[%parallel_loop3A_427], %broadcast_in_dim3A_3 {add = true} : memref<512xf32, #tpu.memory_space<vmem>>[vector<16xi32>], vector<16xf32>,
        %parallel_loop3A_468 = arith.constant 0 : i32
        %parallel_loop3A_469 = arith.index_cast %parallel_loop3A_468 : i32 to index
        %parallel_loop3A_470 = arith.index_cast %parallel_loop3A_307 : i32 to index
        %parallel_loop3A_471 = arith.constant 256 : index
        %parallel_loop3A_472 = tpu.vector_load %arg6[%parallel_loop3A_469, %parallel_loop3A_470, %parallel_loop3A_471] {strides = array<i32>} : memref<2x32x512xi32, #tpu.memory_space<vmem>>, vector<16xi32>,
        %parallel_loop3A_473 = arith.constant 0 : i32
        %parallel_loop3A_474 = arith.index_cast %parallel_loop3A_473 : i32 to index
        %parallel_loop3A_475 = arith.index_cast %parallel_loop3A_307 : i32 to index
        %parallel_loop3A_476 = arith.constant 272 : index
        %parallel_loop3A_477 = tpu.vector_load %arg6[%parallel_loop3A_474, %parallel_loop3A_475, %parallel_loop3A_476] {strides = array<i32>} : memref<2x32x512xi32, #tpu.memory_space<vmem>>, vector<16xi32>,
        %parallel_loop3A_478 = arith.constant 0 : i32
        %parallel_loop3A_479 = arith.index_cast %parallel_loop3A_478 : i32 to index
        %parallel_loop3A_480 = arith.index_cast %parallel_loop3A_307 : i32 to index
        %parallel_loop3A_481 = arith.constant 288 : index
        %parallel_loop3A_482 = tpu.vector_load %arg6[%parallel_loop3A_479, %parallel_loop3A_480, %parallel_loop3A_481] {strides = array<i32>} : memref<2x32x512xi32, #tpu.memory_space<vmem>>, vector<16xi32>,
        %parallel_loop3A_483 = arith.constant 0 : i32
        %parallel_loop3A_484 = arith.index_cast %parallel_loop3A_483 : i32 to index
        %parallel_loop3A_485 = arith.index_cast %parallel_loop3A_307 : i32 to index
        %parallel_loop3A_486 = arith.constant 304 : index
        %parallel_loop3A_487 = tpu.vector_load %arg6[%parallel_loop3A_484, %parallel_loop3A_485, %parallel_loop3A_486] {strides = array<i32>} : memref<2x32x512xi32, #tpu.memory_space<vmem>>, vector<16xi32>,
        %parallel_loop3A_488 = arith.constant 0 : i32
        %parallel_loop3A_489 = arith.index_cast %parallel_loop3A_488 : i32 to index
        %parallel_loop3A_490 = arith.index_cast %parallel_loop3A_307 : i32 to index
        %parallel_loop3A_491 = arith.constant 320 : index
        %parallel_loop3A_492 = tpu.vector_load %arg6[%parallel_loop3A_489, %parallel_loop3A_490, %parallel_loop3A_491] {strides = array<i32>} : memref<2x32x512xi32, #tpu.memory_space<vmem>>, vector<16xi32>,
        %parallel_loop3A_493 = arith.constant 0 : i32
        %parallel_loop3A_494 = arith.index_cast %parallel_loop3A_493 : i32 to index
        %parallel_loop3A_495 = arith.index_cast %parallel_loop3A_307 : i32 to index
        %parallel_loop3A_496 = arith.constant 336 : index
        %parallel_loop3A_497 = tpu.vector_load %arg6[%parallel_loop3A_494, %parallel_loop3A_495, %parallel_loop3A_496] {strides = array<i32>} : memref<2x32x512xi32, #tpu.memory_space<vmem>>, vector<16xi32>,
        %parallel_loop3A_498 = arith.constant 0 : i32
        %parallel_loop3A_499 = arith.index_cast %parallel_loop3A_498 : i32 to index
        %parallel_loop3A_500 = arith.index_cast %parallel_loop3A_307 : i32 to index
        %parallel_loop3A_501 = arith.constant 352 : index
        %parallel_loop3A_502 = tpu.vector_load %arg6[%parallel_loop3A_499, %parallel_loop3A_500, %parallel_loop3A_501] {strides = array<i32>} : memref<2x32x512xi32, #tpu.memory_space<vmem>>, vector<16xi32>,
        %parallel_loop3A_503 = arith.constant 0 : i32
        %parallel_loop3A_504 = arith.index_cast %parallel_loop3A_503 : i32 to index
        %parallel_loop3A_505 = arith.index_cast %parallel_loop3A_307 : i32 to index
        %parallel_loop3A_506 = arith.constant 368 : index
        %parallel_loop3A_507 = tpu.vector_load %arg6[%parallel_loop3A_504, %parallel_loop3A_505, %parallel_loop3A_506] {strides = array<i32>} : memref<2x32x512xi32, #tpu.memory_space<vmem>>, vector<16xi32>,
        %parallel_loop3A_508 = arith.constant 0 : i32
        %parallel_loop3A_509 = arith.index_cast %parallel_loop3A_508 : i32 to index
        %parallel_loop3A_510 = arith.index_cast %parallel_loop3A_307 : i32 to index
        %parallel_loop3A_511 = arith.constant 256 : index
        %parallel_loop3A_512 = tpu.vector_load %arg7[%parallel_loop3A_509, %parallel_loop3A_510, %parallel_loop3A_511] {strides = array<i32>} : memref<2x32x512xf32, #tpu.memory_space<vmem>>, vector<16xf32>,
        %parallel_loop3A_513 = arith.constant 0 : i32
        %parallel_loop3A_514 = arith.index_cast %parallel_loop3A_513 : i32 to index
        %parallel_loop3A_515 = arith.index_cast %parallel_loop3A_307 : i32 to index
        %parallel_loop3A_516 = arith.constant 272 : index
        %parallel_loop3A_517 = tpu.vector_load %arg7[%parallel_loop3A_514, %parallel_loop3A_515, %parallel_loop3A_516] {strides = array<i32>} : memref<2x32x512xf32, #tpu.memory_space<vmem>>, vector<16xf32>,
        %parallel_loop3A_518 = arith.constant 0 : i32
        %parallel_loop3A_519 = arith.index_cast %parallel_loop3A_518 : i32 to index
        %parallel_loop3A_520 = arith.index_cast %parallel_loop3A_307 : i32 to index
        %parallel_loop3A_521 = arith.constant 288 : index
        %parallel_loop3A_522 = tpu.vector_load %arg7[%parallel_loop3A_519, %parallel_loop3A_520, %parallel_loop3A_521] {strides = array<i32>} : memref<2x32x512xf32, #tpu.memory_space<vmem>>, vector<16xf32>,
        %parallel_loop3A_523 = arith.constant 0 : i32
        %parallel_loop3A_524 = arith.index_cast %parallel_loop3A_523 : i32 to index
        %parallel_loop3A_525 = arith.index_cast %parallel_loop3A_307 : i32 to index
        %parallel_loop3A_526 = arith.constant 304 : index
        %parallel_loop3A_527 = tpu.vector_load %arg7[%parallel_loop3A_524, %parallel_loop3A_525, %parallel_loop3A_526] {strides = array<i32>} : memref<2x32x512xf32, #tpu.memory_space<vmem>>, vector<16xf32>,
        %parallel_loop3A_528 = arith.constant 0 : i32
        %parallel_loop3A_529 = arith.index_cast %parallel_loop3A_528 : i32 to index
        %parallel_loop3A_530 = arith.index_cast %parallel_loop3A_307 : i32 to index
        %parallel_loop3A_531 = arith.constant 320 : index
        %parallel_loop3A_532 = tpu.vector_load %arg7[%parallel_loop3A_529, %parallel_loop3A_530, %parallel_loop3A_531] {strides = array<i32>} : memref<2x32x512xf32, #tpu.memory_space<vmem>>, vector<16xf32>,
        %parallel_loop3A_533 = arith.constant 0 : i32
        %parallel_loop3A_534 = arith.index_cast %parallel_loop3A_533 : i32 to index
        %parallel_loop3A_535 = arith.index_cast %parallel_loop3A_307 : i32 to index
        %parallel_loop3A_536 = arith.constant 336 : index
        %parallel_loop3A_537 = tpu.vector_load %arg7[%parallel_loop3A_534, %parallel_loop3A_535, %parallel_loop3A_536] {strides = array<i32>} : memref<2x32x512xf32, #tpu.memory_space<vmem>>, vector<16xf32>,
        %parallel_loop3A_538 = arith.constant 0 : i32
        %parallel_loop3A_539 = arith.index_cast %parallel_loop3A_538 : i32 to index
        %parallel_loop3A_540 = arith.index_cast %parallel_loop3A_307 : i32 to index
        %parallel_loop3A_541 = arith.constant 352 : index
        %parallel_loop3A_542 = tpu.vector_load %arg7[%parallel_loop3A_539, %parallel_loop3A_540, %parallel_loop3A_541] {strides = array<i32>} : memref<2x32x512xf32, #tpu.memory_space<vmem>>, vector<16xf32>,
        %parallel_loop3A_543 = arith.constant 0 : i32
        %parallel_loop3A_544 = arith.index_cast %parallel_loop3A_543 : i32 to index
        %parallel_loop3A_545 = arith.index_cast %parallel_loop3A_307 : i32 to index
        %parallel_loop3A_546 = arith.constant 368 : index
        %parallel_loop3A_547 = tpu.vector_load %arg7[%parallel_loop3A_544, %parallel_loop3A_545, %parallel_loop3A_546] {strides = array<i32>} : memref<2x32x512xf32, #tpu.memory_space<vmem>>, vector<16xf32>,
        tpu.vector_store_idx %arg10[%parallel_loop3A_472], %parallel_loop3A_512 {add = true} : memref<512xf32, #tpu.memory_space<vmem>>[vector<16xi32>], vector<16xf32>,
        tpu.vector_store_idx %arg10[%parallel_loop3A_477], %parallel_loop3A_517 {add = true} : memref<512xf32, #tpu.memory_space<vmem>>[vector<16xi32>], vector<16xf32>,
        tpu.vector_store_idx %arg10[%parallel_loop3A_482], %parallel_loop3A_522 {add = true} : memref<512xf32, #tpu.memory_space<vmem>>[vector<16xi32>], vector<16xf32>,
        tpu.vector_store_idx %arg10[%parallel_loop3A_487], %parallel_loop3A_527 {add = true} : memref<512xf32, #tpu.memory_space<vmem>>[vector<16xi32>], vector<16xf32>,
        tpu.vector_store_idx %arg10[%parallel_loop3A_492], %parallel_loop3A_532 {add = true} : memref<512xf32, #tpu.memory_space<vmem>>[vector<16xi32>], vector<16xf32>,
        tpu.vector_store_idx %arg10[%parallel_loop3A_497], %parallel_loop3A_537 {add = true} : memref<512xf32, #tpu.memory_space<vmem>>[vector<16xi32>], vector<16xf32>,
        tpu.vector_store_idx %arg10[%parallel_loop3A_502], %parallel_loop3A_542 {add = true} : memref<512xf32, #tpu.memory_space<vmem>>[vector<16xi32>], vector<16xf32>,
        tpu.vector_store_idx %arg10[%parallel_loop3A_507], %parallel_loop3A_547 {add = true} : memref<512xf32, #tpu.memory_space<vmem>>[vector<16xi32>], vector<16xf32>,
        tpu.vector_store_idx %arg11[%parallel_loop3A_472], %broadcast_in_dim3A_3 {add = true} : memref<512xf32, #tpu.memory_space<vmem>>[vector<16xi32>], vector<16xf32>,
        tpu.vector_store_idx %arg11[%parallel_loop3A_477], %broadcast_in_dim3A_3 {add = true} : memref<512xf32, #tpu.memory_space<vmem>>[vector<16xi32>], vector<16xf32>,
        tpu.vector_store_idx %arg11[%parallel_loop3A_482], %broadcast_in_dim3A_3 {add = true} : memref<512xf32, #tpu.memory_space<vmem>>[vector<16xi32>], vector<16xf32>,
        tpu.vector_store_idx %arg11[%parallel_loop3A_487], %broadcast_in_dim3A_3 {add = true} : memref<512xf32, #tpu.memory_space<vmem>>[vector<16xi32>], vector<16xf32>,
        tpu.vector_store_idx %arg11[%parallel_loop3A_492], %broadcast_in_dim3A_3 {add = true} : memref<512xf32, #tpu.memory_space<vmem>>[vector<16xi32>], vector<16xf32>,
        tpu.vector_store_idx %arg11[%parallel_loop3A_497], %broadcast_in_dim3A_3 {add = true} : memref<512xf32, #tpu.memory_space<vmem>>[vector<16xi32>], vector<16xf32>,
        tpu.vector_store_idx %arg11[%parallel_loop3A_502], %broadcast_in_dim3A_3 {add = true} : memref<512xf32, #tpu.memory_space<vmem>>[vector<16xi32>], vector<16xf32>,
        tpu.vector_store_idx %arg11[%parallel_loop3A_507], %broadcast_in_dim3A_3 {add = true} : memref<512xf32, #tpu.memory_space<vmem>>[vector<16xi32>], vector<16xf32>,
        %parallel_loop3A_548 = arith.constant 0 : i32
        %parallel_loop3A_549 = arith.index_cast %parallel_loop3A_548 : i32 to index
        %parallel_loop3A_550 = arith.index_cast %parallel_loop3A_307 : i32 to index
        %parallel_loop3A_551 = arith.constant 384 : index
        %parallel_loop3A_552 = tpu.vector_load %arg6[%parallel_loop3A_549, %parallel_loop3A_550, %parallel_loop3A_551] {strides = array<i32>} : memref<2x32x512xi32, #tpu.memory_space<vmem>>, vector<16xi32>,
        %parallel_loop3A_553 = arith.constant 0 : i32
        %parallel_loop3A_554 = arith.index_cast %parallel_loop3A_553 : i32 to index
        %parallel_loop3A_555 = arith.index_cast %parallel_loop3A_307 : i32 to index
        %parallel_loop3A_556 = arith.constant 400 : index
        %parallel_loop3A_557 = tpu.vector_load %arg6[%parallel_loop3A_554, %parallel_loop3A_555, %parallel_loop3A_556] {strides = array<i32>} : memref<2x32x512xi32, #tpu.memory_space<vmem>>, vector<16xi32>,
        %parallel_loop3A_558 = arith.constant 0 : i32
        %parallel_loop3A_559 = arith.index_cast %parallel_loop3A_558 : i32 to index
        %parallel_loop3A_560 = arith.index_cast %parallel_loop3A_307 : i32 to index
        %parallel_loop3A_561 = arith.constant 416 : index
        %parallel_loop3A_562 = tpu.vector_load %arg6[%parallel_loop3A_559, %parallel_loop3A_560, %parallel_loop3A_561] {strides = array<i32>} : memref<2x32x512xi32, #tpu.memory_space<vmem>>, vector<16xi32>,
        %parallel_loop3A_563 = arith.constant 0 : i32
        %parallel_loop3A_564 = arith.index_cast %parallel_loop3A_563 : i32 to index
        %parallel_loop3A_565 = arith.index_cast %parallel_loop3A_307 : i32 to index
        %parallel_loop3A_566 = arith.constant 432 : index
        %parallel_loop3A_567 = tpu.vector_load %arg6[%parallel_loop3A_564, %parallel_loop3A_565, %parallel_loop3A_566] {strides = array<i32>} : memref<2x32x512xi32, #tpu.memory_space<vmem>>, vector<16xi32>,
        %parallel_loop3A_568 = arith.constant 0 : i32
        %parallel_loop3A_569 = arith.index_cast %parallel_loop3A_568 : i32 to index
        %parallel_loop3A_570 = arith.index_cast %parallel_loop3A_307 : i32 to index
        %parallel_loop3A_571 = arith.constant 448 : index
        %parallel_loop3A_572 = tpu.vector_load %arg6[%parallel_loop3A_569, %parallel_loop3A_570, %parallel_loop3A_571] {strides = array<i32>} : memref<2x32x512xi32, #tpu.memory_space<vmem>>, vector<16xi32>,
        %parallel_loop3A_573 = arith.constant 0 : i32
        %parallel_loop3A_574 = arith.index_cast %parallel_loop3A_573 : i32 to index
        %parallel_loop3A_575 = arith.index_cast %parallel_loop3A_307 : i32 to index
        %parallel_loop3A_576 = arith.constant 464 : index
        %parallel_loop3A_577 = tpu.vector_load %arg6[%parallel_loop3A_574, %parallel_loop3A_575, %parallel_loop3A_576] {strides = array<i32>} : memref<2x32x512xi32, #tpu.memory_space<vmem>>, vector<16xi32>,
        %parallel_loop3A_578 = arith.constant 0 : i32
        %parallel_loop3A_579 = arith.index_cast %parallel_loop3A_578 : i32 to index
        %parallel_loop3A_580 = arith.index_cast %parallel_loop3A_307 : i32 to index
        %parallel_loop3A_581 = arith.constant 480 : index
        %parallel_loop3A_582 = tpu.vector_load %arg6[%parallel_loop3A_579, %parallel_loop3A_580, %parallel_loop3A_581] {strides = array<i32>} : memref<2x32x512xi32, #tpu.memory_space<vmem>>, vector<16xi32>,
        %parallel_loop3A_583 = arith.constant 0 : i32
        %parallel_loop3A_584 = arith.index_cast %parallel_loop3A_583 : i32 to index
        %parallel_loop3A_585 = arith.index_cast %parallel_loop3A_307 : i32 to index
        %parallel_loop3A_586 = arith.constant 496 : index
        %parallel_loop3A_587 = tpu.vector_load %arg6[%parallel_loop3A_584, %parallel_loop3A_585, %parallel_loop3A_586] {strides = array<i32>} : memref<2x32x512xi32, #tpu.memory_space<vmem>>, vector<16xi32>,
        %parallel_loop3A_588 = arith.constant 0 : i32
        %parallel_loop3A_589 = arith.index_cast %parallel_loop3A_588 : i32 to index
        %parallel_loop3A_590 = arith.index_cast %parallel_loop3A_307 : i32 to index
        %parallel_loop3A_591 = arith.constant 384 : index
        %parallel_loop3A_592 = tpu.vector_load %arg7[%parallel_loop3A_589, %parallel_loop3A_590, %parallel_loop3A_591] {strides = array<i32>} : memref<2x32x512xf32, #tpu.memory_space<vmem>>, vector<16xf32>,
        %parallel_loop3A_593 = arith.constant 0 : i32
        %parallel_loop3A_594 = arith.index_cast %parallel_loop3A_593 : i32 to index
        %parallel_loop3A_595 = arith.index_cast %parallel_loop3A_307 : i32 to index
        %parallel_loop3A_596 = arith.constant 400 : index
        %parallel_loop3A_597 = tpu.vector_load %arg7[%parallel_loop3A_594, %parallel_loop3A_595, %parallel_loop3A_596] {strides = array<i32>} : memref<2x32x512xf32, #tpu.memory_space<vmem>>, vector<16xf32>,
        %parallel_loop3A_598 = arith.constant 0 : i32
        %parallel_loop3A_599 = arith.index_cast %parallel_loop3A_598 : i32 to index
        %parallel_loop3A_600 = arith.index_cast %parallel_loop3A_307 : i32 to index
        %parallel_loop3A_601 = arith.constant 416 : index
        %parallel_loop3A_602 = tpu.vector_load %arg7[%parallel_loop3A_599, %parallel_loop3A_600, %parallel_loop3A_601] {strides = array<i32>} : memref<2x32x512xf32, #tpu.memory_space<vmem>>, vector<16xf32>,
        %parallel_loop3A_603 = arith.constant 0 : i32
        %parallel_loop3A_604 = arith.index_cast %parallel_loop3A_603 : i32 to index
        %parallel_loop3A_605 = arith.index_cast %parallel_loop3A_307 : i32 to index
        %parallel_loop3A_606 = arith.constant 432 : index
        %parallel_loop3A_607 = tpu.vector_load %arg7[%parallel_loop3A_604, %parallel_loop3A_605, %parallel_loop3A_606] {strides = array<i32>} : memref<2x32x512xf32, #tpu.memory_space<vmem>>, vector<16xf32>,
        %parallel_loop3A_608 = arith.constant 0 : i32
        %parallel_loop3A_609 = arith.index_cast %parallel_loop3A_608 : i32 to index
        %parallel_loop3A_610 = arith.index_cast %parallel_loop3A_307 : i32 to index
        %parallel_loop3A_611 = arith.constant 448 : index
        %parallel_loop3A_612 = tpu.vector_load %arg7[%parallel_loop3A_609, %parallel_loop3A_610, %parallel_loop3A_611] {strides = array<i32>} : memref<2x32x512xf32, #tpu.memory_space<vmem>>, vector<16xf32>,
        %parallel_loop3A_613 = arith.constant 0 : i32
        %parallel_loop3A_614 = arith.index_cast %parallel_loop3A_613 : i32 to index
        %parallel_loop3A_615 = arith.index_cast %parallel_loop3A_307 : i32 to index
        %parallel_loop3A_616 = arith.constant 464 : index
        %parallel_loop3A_617 = tpu.vector_load %arg7[%parallel_loop3A_614, %parallel_loop3A_615, %parallel_loop3A_616] {strides = array<i32>} : memref<2x32x512xf32, #tpu.memory_space<vmem>>, vector<16xf32>,
        %parallel_loop3A_618 = arith.constant 0 : i32
        %parallel_loop3A_619 = arith.index_cast %parallel_loop3A_618 : i32 to index
        %parallel_loop3A_620 = arith.index_cast %parallel_loop3A_307 : i32 to index
        %parallel_loop3A_621 = arith.constant 480 : index
        %parallel_loop3A_622 = tpu.vector_load %arg7[%parallel_loop3A_619, %parallel_loop3A_620, %parallel_loop3A_621] {strides = array<i32>} : memref<2x32x512xf32, #tpu.memory_space<vmem>>, vector<16xf32>,
        %parallel_loop3A_623 = arith.constant 0 : i32
        %parallel_loop3A_624 = arith.index_cast %parallel_loop3A_623 : i32 to index
        %parallel_loop3A_625 = arith.index_cast %parallel_loop3A_307 : i32 to index
        %parallel_loop3A_626 = arith.constant 496 : index
        %parallel_loop3A_627 = tpu.vector_load %arg7[%parallel_loop3A_624, %parallel_loop3A_625, %parallel_loop3A_626] {strides = array<i32>} : memref<2x32x512xf32, #tpu.memory_space<vmem>>, vector<16xf32>,
        tpu.vector_store_idx %arg10[%parallel_loop3A_552], %parallel_loop3A_592 {add = true} : memref<512xf32, #tpu.memory_space<vmem>>[vector<16xi32>], vector<16xf32>,
        tpu.vector_store_idx %arg10[%parallel_loop3A_557], %parallel_loop3A_597 {add = true} : memref<512xf32, #tpu.memory_space<vmem>>[vector<16xi32>], vector<16xf32>,
        tpu.vector_store_idx %arg10[%parallel_loop3A_562], %parallel_loop3A_602 {add = true} : memref<512xf32, #tpu.memory_space<vmem>>[vector<16xi32>], vector<16xf32>,
        tpu.vector_store_idx %arg10[%parallel_loop3A_567], %parallel_loop3A_607 {add = true} : memref<512xf32, #tpu.memory_space<vmem>>[vector<16xi32>], vector<16xf32>,
        tpu.vector_store_idx %arg10[%parallel_loop3A_572], %parallel_loop3A_612 {add = true} : memref<512xf32, #tpu.memory_space<vmem>>[vector<16xi32>], vector<16xf32>,
        tpu.vector_store_idx %arg10[%parallel_loop3A_577], %parallel_loop3A_617 {add = true} : memref<512xf32, #tpu.memory_space<vmem>>[vector<16xi32>], vector<16xf32>,
        tpu.vector_store_idx %arg10[%parallel_loop3A_582], %parallel_loop3A_622 {add = true} : memref<512xf32, #tpu.memory_space<vmem>>[vector<16xi32>], vector<16xf32>,
        tpu.vector_store_idx %arg10[%parallel_loop3A_587], %parallel_loop3A_627 {add = true} : memref<512xf32, #tpu.memory_space<vmem>>[vector<16xi32>], vector<16xf32>,
        tpu.vector_store_idx %arg11[%parallel_loop3A_552], %broadcast_in_dim3A_3 {add = true} : memref<512xf32, #tpu.memory_space<vmem>>[vector<16xi32>], vector<16xf32>,
        tpu.vector_store_idx %arg11[%parallel_loop3A_557], %broadcast_in_dim3A_3 {add = true} : memref<512xf32, #tpu.memory_space<vmem>>[vector<16xi32>], vector<16xf32>,
        tpu.vector_store_idx %arg11[%parallel_loop3A_562], %broadcast_in_dim3A_3 {add = true} : memref<512xf32, #tpu.memory_space<vmem>>[vector<16xi32>], vector<16xf32>,
        tpu.vector_store_idx %arg11[%parallel_loop3A_567], %broadcast_in_dim3A_3 {add = true} : memref<512xf32, #tpu.memory_space<vmem>>[vector<16xi32>], vector<16xf32>,
        tpu.vector_store_idx %arg11[%parallel_loop3A_572], %broadcast_in_dim3A_3 {add = true} : memref<512xf32, #tpu.memory_space<vmem>>[vector<16xi32>], vector<16xf32>,
        tpu.vector_store_idx %arg11[%parallel_loop3A_577], %broadcast_in_dim3A_3 {add = true} : memref<512xf32, #tpu.memory_space<vmem>>[vector<16xi32>], vector<16xf32>,
        tpu.vector_store_idx %arg11[%parallel_loop3A_582], %broadcast_in_dim3A_3 {add = true} : memref<512xf32, #tpu.memory_space<vmem>>[vector<16xi32>], vector<16xf32>,
        tpu.vector_store_idx %arg11[%parallel_loop3A_587], %broadcast_in_dim3A_3 {add = true} : memref<512xf32, #tpu.memory_space<vmem>>[vector<16xi32>], vector<16xf32>,
      } {sc.loop_unroll_factor = 1 : i64, sc.parallel_access}
      %add3A_254 = arith.constant 2 : i32
      %add3A_255 = arith.addi %add3A_219, %add3A_254 : i32
      %lt3A = arith.constant 16 : i32
      %lt3A_256 = arith.cmpi slt, %add3A_255, %lt3A : i32
      %convert_element_type3A_257 = arith.extui %lt3A_256 : i1 to i32
      %cond3A_258 = arith.constant 0 : i32
      %cond3A_259 = arith.cmpi ne, %convert_element_type3A_257, %cond3A_258 : i32
      scf.if %cond3A_259 {
        %add3A_307 = arith.constant 2 : i32
        %add3A_308 = arith.addi %add3A_219, %add3A_307 : i32
        %mul3A_309 = arith.constant 32 : i32
        %mul3A_310 = arith.muli %add3A_308, %mul3A_309 : i32
        %dma_start3A_311 = arith.constant 0 : i32
        %dma_start3A_312 = arith.constant 0 : i32
        %dma_start3A_313 = arith.constant 0 : i32
        %dma_start3A_314 = tpu.memref_slice %arg6[%dma_start3A_311, %dma_start3A_312, %dma_start3A_313] : memref<2x32x512xi32, #tpu.memory_space<vmem>> -> memref<1x32x512xi32, #tpu.memory_space<vmem>>
        %dma_start3A_315 = tpu.memref_squeeze %dma_start3A_314 : memref<1x32x512xi32, #tpu.memory_space<vmem>> -> memref<32x512xi32, #tpu.memory_space<vmem>>
        %dma_start3A_316 = arith.constant 0 : i32
        %dma_start3A_317 = tpu.memref_slice %arg2[%add3A, %mul3A_310, %dma_start3A_316] : memref<32x512x512xi32, #tpu.memory_space<hbm>> -> memref<1x32x512xi32, #tpu.memory_space<hbm>>
        %dma_start3A_318 = tpu.memref_squeeze %dma_start3A_317 : memref<1x32x512xi32, #tpu.memory_space<hbm>> -> memref<32x512xi32, #tpu.memory_space<hbm>>
        %dma_start3A_319 = arith.constant 0 : i32
        %dma_start3A_320 = arith.constant 0 : i32
        %dma_start3A_321 = tpu.memref_slice %arg6[%dma_start3A_311, %dma_start3A_319, %dma_start3A_320] : memref<2x32x512xi32, #tpu.memory_space<vmem>> -> memref<1x32x512xi32, #tpu.memory_space<vmem>>
        %dma_start3A_322 = tpu.memref_squeeze %dma_start3A_321 : memref<1x32x512xi32, #tpu.memory_space<vmem>> -> memref<32x512xi32, #tpu.memory_space<vmem>>
        %dma_start3A_323 = arith.constant 0 : i32
        %dma_start3A_324 = tpu.memref_slice %arg2[%add3A, %mul3A_310, %dma_start3A_323] : memref<32x512x512xi32, #tpu.memory_space<hbm>> -> memref<1x32x512xi32, #tpu.memory_space<hbm>>
        %dma_start3A_325 = tpu.memref_squeeze %dma_start3A_324 : memref<1x32x512xi32, #tpu.memory_space<hbm>> -> memref<32x512xi32, #tpu.memory_space<hbm>>
        tpu.enqueue_dma source(%dma_start3A_325 : memref<32x512xi32, #tpu.memory_space<hbm>>) target(%dma_start3A_322 : memref<32x512xi32, #tpu.memory_space<vmem>>) target_semaphore(%arg15 : memref<!tpu.dma_semaphore, #tpu.memory_space<semaphore_mem>>)
        %dma_start3A_326 = arith.constant 0 : i32
        %dma_start3A_327 = arith.constant 0 : i32
        %dma_start3A_328 = arith.constant 0 : i32
        %dma_start3A_329 = tpu.memref_slice %arg7[%dma_start3A_326, %dma_start3A_327, %dma_start3A_328] : memref<2x32x512xf32, #tpu.memory_space<vmem>> -> memref<1x32x512xf32, #tpu.memory_space<vmem>>
        %dma_start3A_330 = tpu.memref_squeeze %dma_start3A_329 : memref<1x32x512xf32, #tpu.memory_space<vmem>> -> memref<32x512xf32, #tpu.memory_space<vmem>>
        %dma_start3A_331 = arith.constant 0 : i32
        %dma_start3A_332 = tpu.memref_slice %arg3[%add3A, %mul3A_310, %dma_start3A_331] : memref<32x512x512xf32, #tpu.memory_space<hbm>> -> memref<1x32x512xf32, #tpu.memory_space<hbm>>
        %dma_start3A_333 = tpu.memref_squeeze %dma_start3A_332 : memref<1x32x512xf32, #tpu.memory_space<hbm>> -> memref<32x512xf32, #tpu.memory_space<hbm>>
        %dma_start3A_334 = arith.constant 0 : i32
        %dma_start3A_335 = arith.constant 0 : i32
        %dma_start3A_336 = tpu.memref_slice %arg7[%dma_start3A_326, %dma_start3A_334, %dma_start3A_335] : memref<2x32x512xf32, #tpu.memory_space<vmem>> -> memref<1x32x512xf32, #tpu.memory_space<vmem>>
        %dma_start3A_337 = tpu.memref_squeeze %dma_start3A_336 : memref<1x32x512xf32, #tpu.memory_space<vmem>> -> memref<32x512xf32, #tpu.memory_space<vmem>>
        %dma_start3A_338 = arith.constant 0 : i32
        %dma_start3A_339 = tpu.memref_slice %arg3[%add3A, %mul3A_310, %dma_start3A_338] : memref<32x512x512xf32, #tpu.memory_space<hbm>> -> memref<1x32x512xf32, #tpu.memory_space<hbm>>
        %dma_start3A_340 = tpu.memref_squeeze %dma_start3A_339 : memref<1x32x512xf32, #tpu.memory_space<hbm>> -> memref<32x512xf32, #tpu.memory_space<hbm>>
        tpu.enqueue_dma source(%dma_start3A_340 : memref<32x512xf32, #tpu.memory_space<hbm>>) target(%dma_start3A_337 : memref<32x512xf32, #tpu.memory_space<vmem>>) target_semaphore(%arg17 : memref<!tpu.dma_semaphore, #tpu.memory_space<semaphore_mem>>)
      } else {
      }
      %mul3A_260 = arith.constant 2 : i32
      %mul3A_261 = arith.muli %scan3A_214, %mul3A_260 : i32
      %add3A_262 = arith.constant 1 : i32
      %add3A_263 = arith.addi %mul3A_261, %add3A_262 : i32
      %mul3A_264 = arith.constant 32 : i32
      %mul3A_265 = arith.muli %add3A_263, %mul3A_264 : i32
      %dma_wait3A_266 = arith.constant 1 : i32
      %dma_wait3A_267 = arith.constant 0 : i32
      %dma_wait3A_268 = arith.constant 0 : i32
      %dma_wait3A_269 = tpu.memref_slice %arg6[%dma_wait3A_266, %dma_wait3A_267, %dma_wait3A_268] : memref<2x32x512xi32, #tpu.memory_space<vmem>> -> memref<1x32x512xi32, #tpu.memory_space<vmem>>
      %dma_wait3A_270 = tpu.memref_squeeze %dma_wait3A_269 : memref<1x32x512xi32, #tpu.memory_space<vmem>> -> memref<32x512xi32, #tpu.memory_space<vmem>>
      %dma_wait3A_271 = arith.constant 0 : i32
      %dma_wait3A_272 = tpu.memref_slice %arg2[%add3A, %mul3A_265, %dma_wait3A_271] : memref<32x512x512xi32, #tpu.memory_space<hbm>> -> memref<1x32x512xi32, #tpu.memory_space<hbm>>
      %dma_wait3A_273 = tpu.memref_squeeze %dma_wait3A_272 : memref<1x32x512xi32, #tpu.memory_space<hbm>> -> memref<32x512xi32, #tpu.memory_space<hbm>>
      %dma_wait3A_274 = arith.constant 0 : i32
      %dma_wait3A_275 = arith.constant 0 : i32
      %dma_wait3A_276 = tpu.memref_slice %arg6[%dma_wait3A_266, %dma_wait3A_274, %dma_wait3A_275] : memref<2x32x512xi32, #tpu.memory_space<vmem>> -> memref<1x32x512xi32, #tpu.memory_space<vmem>>
      %dma_wait3A_277 = tpu.memref_squeeze %dma_wait3A_276 : memref<1x32x512xi32, #tpu.memory_space<vmem>> -> memref<32x512xi32, #tpu.memory_space<vmem>>
      %dma_wait3A_278 = arith.constant 0 : i32
      %dma_wait3A_279 = tpu.memref_slice %arg2[%add3A, %mul3A_265, %dma_wait3A_278] : memref<32x512x512xi32, #tpu.memory_space<hbm>> -> memref<1x32x512xi32, #tpu.memory_space<hbm>>
      %dma_wait3A_280 = tpu.memref_squeeze %dma_wait3A_279 : memref<1x32x512xi32, #tpu.memory_space<hbm>> -> memref<32x512xi32, #tpu.memory_space<hbm>>
      tpu.wait_dma2 semaphore(%arg16 : memref<!tpu.dma_semaphore, #tpu.memory_space<semaphore_mem>>) src(%dma_wait3A_280 : memref<32x512xi32, #tpu.memory_space<hbm>>) dst(%dma_wait3A_277 : memref<32x512xi32, #tpu.memory_space<vmem>>)
      %dma_wait3A_281 = arith.constant 1 : i32
      %dma_wait3A_282 = arith.constant 0 : i32
      %dma_wait3A_283 = arith.constant 0 : i32
      %dma_wait3A_284 = tpu.memref_slice %arg7[%dma_wait3A_281, %dma_wait3A_282, %dma_wait3A_283] : memref<2x32x512xf32, #tpu.memory_space<vmem>> -> memref<1x32x512xf32, #tpu.memory_space<vmem>>
      %dma_wait3A_285 = tpu.memref_squeeze %dma_wait3A_284 : memref<1x32x512xf32, #tpu.memory_space<vmem>> -> memref<32x512xf32, #tpu.memory_space<vmem>>
      %dma_wait3A_286 = arith.constant 0 : i32
      %dma_wait3A_287 = tpu.memref_slice %arg3[%add3A, %mul3A_265, %dma_wait3A_286] : memref<32x512x512xf32, #tpu.memory_space<hbm>> -> memref<1x32x512xf32, #tpu.memory_space<hbm>>
      %dma_wait3A_288 = tpu.memref_squeeze %dma_wait3A_287 : memref<1x32x512xf32, #tpu.memory_space<hbm>> -> memref<32x512xf32, #tpu.memory_space<hbm>>
      %dma_wait3A_289 = arith.constant 0 : i32
      %dma_wait3A_290 = arith.constant 0 : i32
      %dma_wait3A_291 = tpu.memref_slice %arg7[%dma_wait3A_281, %dma_wait3A_289, %dma_wait3A_290] : memref<2x32x512xf32, #tpu.memory_space<vmem>> -> memref<1x32x512xf32, #tpu.memory_space<vmem>>
      %dma_wait3A_292 = tpu.memref_squeeze %dma_wait3A_291 : memref<1x32x512xf32, #tpu.memory_space<vmem>> -> memref<32x512xf32, #tpu.memory_space<vmem>>
      %dma_wait3A_293 = arith.constant 0 : i32
      %dma_wait3A_294 = tpu.memref_slice %arg3[%add3A, %mul3A_265, %dma_wait3A_293] : memref<32x512x512xf32, #tpu.memory_space<hbm>> -> memref<1x32x512xf32, #tpu.memory_space<hbm>>
      %dma_wait3A_295 = tpu.memref_squeeze %dma_wait3A_294 : memref<1x32x512xf32, #tpu.memory_space<hbm>> -> memref<32x512xf32, #tpu.memory_space<hbm>>
      tpu.wait_dma2 semaphore(%arg18 : memref<!tpu.dma_semaphore, #tpu.memory_space<semaphore_mem>>) src(%dma_wait3A_295 : memref<32x512xf32, #tpu.memory_space<hbm>>) dst(%dma_wait3A_292 : memref<32x512xf32, #tpu.memory_space<vmem>>)
      %parallel_loop3A_296 = arith.constant 0 : i32
      %parallel_loop3A_297 = arith.constant 32 : i32
      %parallel_loop3A_298 = arith.constant 1 : i32
      scf.for %parallel_loop3A_307 = %parallel_loop3A_296 to %parallel_loop3A_297 step %parallel_loop3A_298  : i32 {
        %parallel_loop3A_308 = arith.constant 1 : i32
        %parallel_loop3A_309 = arith.index_cast %parallel_loop3A_308 : i32 to index
        %parallel_loop3A_310 = arith.index_cast %parallel_loop3A_307 : i32 to index
        %parallel_loop3A_311 = arith.constant 0 : index
        %parallel_loop3A_312 = tpu.vector_load %arg6[%parallel_loop3A_309, %parallel_loop3A_310, %parallel_loop3A_311] {strides = array<i32>} : memref<2x32x512xi32, #tpu.memory_space<vmem>>, vector<16xi32>,
        %parallel_loop3A_313 = arith.constant 1 : i32
        %parallel_loop3A_314 = arith.index_cast %parallel_loop3A_313 : i32 to index
        %parallel_loop3A_315 = arith.index_cast %parallel_loop3A_307 : i32 to index
        %parallel_loop3A_316 = arith.constant 16 : index
        %parallel_loop3A_317 = tpu.vector_load %arg6[%parallel_loop3A_314, %parallel_loop3A_315, %parallel_loop3A_316] {strides = array<i32>} : memref<2x32x512xi32, #tpu.memory_space<vmem>>, vector<16xi32>,
        %parallel_loop3A_318 = arith.constant 1 : i32
        %parallel_loop3A_319 = arith.index_cast %parallel_loop3A_318 : i32 to index
        %parallel_loop3A_320 = arith.index_cast %parallel_loop3A_307 : i32 to index
        %parallel_loop3A_321 = arith.constant 32 : index
        %parallel_loop3A_322 = tpu.vector_load %arg6[%parallel_loop3A_319, %parallel_loop3A_320, %parallel_loop3A_321] {strides = array<i32>} : memref<2x32x512xi32, #tpu.memory_space<vmem>>, vector<16xi32>,
        %parallel_loop3A_323 = arith.constant 1 : i32
        %parallel_loop3A_324 = arith.index_cast %parallel_loop3A_323 : i32 to index
        %parallel_loop3A_325 = arith.index_cast %parallel_loop3A_307 : i32 to index
        %parallel_loop3A_326 = arith.constant 48 : index
        %parallel_loop3A_327 = tpu.vector_load %arg6[%parallel_loop3A_324, %parallel_loop3A_325, %parallel_loop3A_326] {strides = array<i32>} : memref<2x32x512xi32, #tpu.memory_space<vmem>>, vector<16xi32>,
        %parallel_loop3A_328 = arith.constant 1 : i32
        %parallel_loop3A_329 = arith.index_cast %parallel_loop3A_328 : i32 to index
        %parallel_loop3A_330 = arith.index_cast %parallel_loop3A_307 : i32 to index
        %parallel_loop3A_331 = arith.constant 64 : index
        %parallel_loop3A_332 = tpu.vector_load %arg6[%parallel_loop3A_329, %parallel_loop3A_330, %parallel_loop3A_331] {strides = array<i32>} : memref<2x32x512xi32, #tpu.memory_space<vmem>>, vector<16xi32>,
        %parallel_loop3A_333 = arith.constant 1 : i32
        %parallel_loop3A_334 = arith.index_cast %parallel_loop3A_333 : i32 to index
        %parallel_loop3A_335 = arith.index_cast %parallel_loop3A_307 : i32 to index
        %parallel_loop3A_336 = arith.constant 80 : index
        %parallel_loop3A_337 = tpu.vector_load %arg6[%parallel_loop3A_334, %parallel_loop3A_335, %parallel_loop3A_336] {strides = array<i32>} : memref<2x32x512xi32, #tpu.memory_space<vmem>>, vector<16xi32>,
        %parallel_loop3A_338 = arith.constant 1 : i32
        %parallel_loop3A_339 = arith.index_cast %parallel_loop3A_338 : i32 to index
        %parallel_loop3A_340 = arith.index_cast %parallel_loop3A_307 : i32 to index
        %parallel_loop3A_341 = arith.constant 96 : index
        %parallel_loop3A_342 = tpu.vector_load %arg6[%parallel_loop3A_339, %parallel_loop3A_340, %parallel_loop3A_341] {strides = array<i32>} : memref<2x32x512xi32, #tpu.memory_space<vmem>>, vector<16xi32>,
        %parallel_loop3A_343 = arith.constant 1 : i32
        %parallel_loop3A_344 = arith.index_cast %parallel_loop3A_343 : i32 to index
        %parallel_loop3A_345 = arith.index_cast %parallel_loop3A_307 : i32 to index
        %parallel_loop3A_346 = arith.constant 112 : index
        %parallel_loop3A_347 = tpu.vector_load %arg6[%parallel_loop3A_344, %parallel_loop3A_345, %parallel_loop3A_346] {strides = array<i32>} : memref<2x32x512xi32, #tpu.memory_space<vmem>>, vector<16xi32>,
        %parallel_loop3A_348 = arith.constant 1 : i32
        %parallel_loop3A_349 = arith.index_cast %parallel_loop3A_348 : i32 to index
        %parallel_loop3A_350 = arith.index_cast %parallel_loop3A_307 : i32 to index
        %parallel_loop3A_351 = arith.constant 0 : index
        %parallel_loop3A_352 = tpu.vector_load %arg7[%parallel_loop3A_349, %parallel_loop3A_350, %parallel_loop3A_351] {strides = array<i32>} : memref<2x32x512xf32, #tpu.memory_space<vmem>>, vector<16xf32>,
        %parallel_loop3A_353 = arith.constant 1 : i32
        %parallel_loop3A_354 = arith.index_cast %parallel_loop3A_353 : i32 to index
        %parallel_loop3A_355 = arith.index_cast %parallel_loop3A_307 : i32 to index
        %parallel_loop3A_356 = arith.constant 16 : index
        %parallel_loop3A_357 = tpu.vector_load %arg7[%parallel_loop3A_354, %parallel_loop3A_355, %parallel_loop3A_356] {strides = array<i32>} : memref<2x32x512xf32, #tpu.memory_space<vmem>>, vector<16xf32>,
        %parallel_loop3A_358 = arith.constant 1 : i32
        %parallel_loop3A_359 = arith.index_cast %parallel_loop3A_358 : i32 to index
        %parallel_loop3A_360 = arith.index_cast %parallel_loop3A_307 : i32 to index
        %parallel_loop3A_361 = arith.constant 32 : index
        %parallel_loop3A_362 = tpu.vector_load %arg7[%parallel_loop3A_359, %parallel_loop3A_360, %parallel_loop3A_361] {strides = array<i32>} : memref<2x32x512xf32, #tpu.memory_space<vmem>>, vector<16xf32>,
        %parallel_loop3A_363 = arith.constant 1 : i32
        %parallel_loop3A_364 = arith.index_cast %parallel_loop3A_363 : i32 to index
        %parallel_loop3A_365 = arith.index_cast %parallel_loop3A_307 : i32 to index
        %parallel_loop3A_366 = arith.constant 48 : index
        %parallel_loop3A_367 = tpu.vector_load %arg7[%parallel_loop3A_364, %parallel_loop3A_365, %parallel_loop3A_366] {strides = array<i32>} : memref<2x32x512xf32, #tpu.memory_space<vmem>>, vector<16xf32>,
        %parallel_loop3A_368 = arith.constant 1 : i32
        %parallel_loop3A_369 = arith.index_cast %parallel_loop3A_368 : i32 to index
        %parallel_loop3A_370 = arith.index_cast %parallel_loop3A_307 : i32 to index
        %parallel_loop3A_371 = arith.constant 64 : index
        %parallel_loop3A_372 = tpu.vector_load %arg7[%parallel_loop3A_369, %parallel_loop3A_370, %parallel_loop3A_371] {strides = array<i32>} : memref<2x32x512xf32, #tpu.memory_space<vmem>>, vector<16xf32>,
        %parallel_loop3A_373 = arith.constant 1 : i32
        %parallel_loop3A_374 = arith.index_cast %parallel_loop3A_373 : i32 to index
        %parallel_loop3A_375 = arith.index_cast %parallel_loop3A_307 : i32 to index
        %parallel_loop3A_376 = arith.constant 80 : index
        %parallel_loop3A_377 = tpu.vector_load %arg7[%parallel_loop3A_374, %parallel_loop3A_375, %parallel_loop3A_376] {strides = array<i32>} : memref<2x32x512xf32, #tpu.memory_space<vmem>>, vector<16xf32>,
        %parallel_loop3A_378 = arith.constant 1 : i32
        %parallel_loop3A_379 = arith.index_cast %parallel_loop3A_378 : i32 to index
        %parallel_loop3A_380 = arith.index_cast %parallel_loop3A_307 : i32 to index
        %parallel_loop3A_381 = arith.constant 96 : index
        %parallel_loop3A_382 = tpu.vector_load %arg7[%parallel_loop3A_379, %parallel_loop3A_380, %parallel_loop3A_381] {strides = array<i32>} : memref<2x32x512xf32, #tpu.memory_space<vmem>>, vector<16xf32>,
        %parallel_loop3A_383 = arith.constant 1 : i32
        %parallel_loop3A_384 = arith.index_cast %parallel_loop3A_383 : i32 to index
        %parallel_loop3A_385 = arith.index_cast %parallel_loop3A_307 : i32 to index
        %parallel_loop3A_386 = arith.constant 112 : index
        %parallel_loop3A_387 = tpu.vector_load %arg7[%parallel_loop3A_384, %parallel_loop3A_385, %parallel_loop3A_386] {strides = array<i32>} : memref<2x32x512xf32, #tpu.memory_space<vmem>>, vector<16xf32>,
        tpu.vector_store_idx %arg10[%parallel_loop3A_312], %parallel_loop3A_352 {add = true} : memref<512xf32, #tpu.memory_space<vmem>>[vector<16xi32>], vector<16xf32>,
        tpu.vector_store_idx %arg10[%parallel_loop3A_317], %parallel_loop3A_357 {add = true} : memref<512xf32, #tpu.memory_space<vmem>>[vector<16xi32>], vector<16xf32>,
        tpu.vector_store_idx %arg10[%parallel_loop3A_322], %parallel_loop3A_362 {add = true} : memref<512xf32, #tpu.memory_space<vmem>>[vector<16xi32>], vector<16xf32>,
        tpu.vector_store_idx %arg10[%parallel_loop3A_327], %parallel_loop3A_367 {add = true} : memref<512xf32, #tpu.memory_space<vmem>>[vector<16xi32>], vector<16xf32>,
        tpu.vector_store_idx %arg10[%parallel_loop3A_332], %parallel_loop3A_372 {add = true} : memref<512xf32, #tpu.memory_space<vmem>>[vector<16xi32>], vector<16xf32>,
        tpu.vector_store_idx %arg10[%parallel_loop3A_337], %parallel_loop3A_377 {add = true} : memref<512xf32, #tpu.memory_space<vmem>>[vector<16xi32>], vector<16xf32>,
        tpu.vector_store_idx %arg10[%parallel_loop3A_342], %parallel_loop3A_382 {add = true} : memref<512xf32, #tpu.memory_space<vmem>>[vector<16xi32>], vector<16xf32>,
        tpu.vector_store_idx %arg10[%parallel_loop3A_347], %parallel_loop3A_387 {add = true} : memref<512xf32, #tpu.memory_space<vmem>>[vector<16xi32>], vector<16xf32>,
        tpu.vector_store_idx %arg11[%parallel_loop3A_312], %broadcast_in_dim3A_3 {add = true} : memref<512xf32, #tpu.memory_space<vmem>>[vector<16xi32>], vector<16xf32>,
        tpu.vector_store_idx %arg11[%parallel_loop3A_317], %broadcast_in_dim3A_3 {add = true} : memref<512xf32, #tpu.memory_space<vmem>>[vector<16xi32>], vector<16xf32>,
        tpu.vector_store_idx %arg11[%parallel_loop3A_322], %broadcast_in_dim3A_3 {add = true} : memref<512xf32, #tpu.memory_space<vmem>>[vector<16xi32>], vector<16xf32>,
        tpu.vector_store_idx %arg11[%parallel_loop3A_327], %broadcast_in_dim3A_3 {add = true} : memref<512xf32, #tpu.memory_space<vmem>>[vector<16xi32>], vector<16xf32>,
        tpu.vector_store_idx %arg11[%parallel_loop3A_332], %broadcast_in_dim3A_3 {add = true} : memref<512xf32, #tpu.memory_space<vmem>>[vector<16xi32>], vector<16xf32>,
        tpu.vector_store_idx %arg11[%parallel_loop3A_337], %broadcast_in_dim3A_3 {add = true} : memref<512xf32, #tpu.memory_space<vmem>>[vector<16xi32>], vector<16xf32>,
        tpu.vector_store_idx %arg11[%parallel_loop3A_342], %broadcast_in_dim3A_3 {add = true} : memref<512xf32, #tpu.memory_space<vmem>>[vector<16xi32>], vector<16xf32>,
        tpu.vector_store_idx %arg11[%parallel_loop3A_347], %broadcast_in_dim3A_3 {add = true} : memref<512xf32, #tpu.memory_space<vmem>>[vector<16xi32>], vector<16xf32>,
        %parallel_loop3A_388 = arith.constant 1 : i32
        %parallel_loop3A_389 = arith.index_cast %parallel_loop3A_388 : i32 to index
        %parallel_loop3A_390 = arith.index_cast %parallel_loop3A_307 : i32 to index
        %parallel_loop3A_391 = arith.constant 128 : index
        %parallel_loop3A_392 = tpu.vector_load %arg6[%parallel_loop3A_389, %parallel_loop3A_390, %parallel_loop3A_391] {strides = array<i32>} : memref<2x32x512xi32, #tpu.memory_space<vmem>>, vector<16xi32>,
        %parallel_loop3A_393 = arith.constant 1 : i32
        %parallel_loop3A_394 = arith.index_cast %parallel_loop3A_393 : i32 to index
        %parallel_loop3A_395 = arith.index_cast %parallel_loop3A_307 : i32 to index
        %parallel_loop3A_396 = arith.constant 144 : index
        %parallel_loop3A_397 = tpu.vector_load %arg6[%parallel_loop3A_394, %parallel_loop3A_395, %parallel_loop3A_396] {strides = array<i32>} : memref<2x32x512xi32, #tpu.memory_space<vmem>>, vector<16xi32>,
        %parallel_loop3A_398 = arith.constant 1 : i32
        %parallel_loop3A_399 = arith.index_cast %parallel_loop3A_398 : i32 to index
        %parallel_loop3A_400 = arith.index_cast %parallel_loop3A_307 : i32 to index
        %parallel_loop3A_401 = arith.constant 160 : index
        %parallel_loop3A_402 = tpu.vector_load %arg6[%parallel_loop3A_399, %parallel_loop3A_400, %parallel_loop3A_401] {strides = array<i32>} : memref<2x32x512xi32, #tpu.memory_space<vmem>>, vector<16xi32>,
        %parallel_loop3A_403 = arith.constant 1 : i32
        %parallel_loop3A_404 = arith.index_cast %parallel_loop3A_403 : i32 to index
        %parallel_loop3A_405 = arith.index_cast %parallel_loop3A_307 : i32 to index
        %parallel_loop3A_406 = arith.constant 176 : index
        %parallel_loop3A_407 = tpu.vector_load %arg6[%parallel_loop3A_404, %parallel_loop3A_405, %parallel_loop3A_406] {strides = array<i32>} : memref<2x32x512xi32, #tpu.memory_space<vmem>>, vector<16xi32>,
        %parallel_loop3A_408 = arith.constant 1 : i32
        %parallel_loop3A_409 = arith.index_cast %parallel_loop3A_408 : i32 to index
        %parallel_loop3A_410 = arith.index_cast %parallel_loop3A_307 : i32 to index
        %parallel_loop3A_411 = arith.constant 192 : index
        %parallel_loop3A_412 = tpu.vector_load %arg6[%parallel_loop3A_409, %parallel_loop3A_410, %parallel_loop3A_411] {strides = array<i32>} : memref<2x32x512xi32, #tpu.memory_space<vmem>>, vector<16xi32>,
        %parallel_loop3A_413 = arith.constant 1 : i32
        %parallel_loop3A_414 = arith.index_cast %parallel_loop3A_413 : i32 to index
        %parallel_loop3A_415 = arith.index_cast %parallel_loop3A_307 : i32 to index
        %parallel_loop3A_416 = arith.constant 208 : index
        %parallel_loop3A_417 = tpu.vector_load %arg6[%parallel_loop3A_414, %parallel_loop3A_415, %parallel_loop3A_416] {strides = array<i32>} : memref<2x32x512xi32, #tpu.memory_space<vmem>>, vector<16xi32>,
        %parallel_loop3A_418 = arith.constant 1 : i32
        %parallel_loop3A_419 = arith.index_cast %parallel_loop3A_418 : i32 to index
        %parallel_loop3A_420 = arith.index_cast %parallel_loop3A_307 : i32 to index
        %parallel_loop3A_421 = arith.constant 224 : index
        %parallel_loop3A_422 = tpu.vector_load %arg6[%parallel_loop3A_419, %parallel_loop3A_420, %parallel_loop3A_421] {strides = array<i32>} : memref<2x32x512xi32, #tpu.memory_space<vmem>>, vector<16xi32>,
        %parallel_loop3A_423 = arith.constant 1 : i32
        %parallel_loop3A_424 = arith.index_cast %parallel_loop3A_423 : i32 to index
        %parallel_loop3A_425 = arith.index_cast %parallel_loop3A_307 : i32 to index
        %parallel_loop3A_426 = arith.constant 240 : index
        %parallel_loop3A_427 = tpu.vector_load %arg6[%parallel_loop3A_424, %parallel_loop3A_425, %parallel_loop3A_426] {strides = array<i32>} : memref<2x32x512xi32, #tpu.memory_space<vmem>>, vector<16xi32>,
        %parallel_loop3A_428 = arith.constant 1 : i32
        %parallel_loop3A_429 = arith.index_cast %parallel_loop3A_428 : i32 to index
        %parallel_loop3A_430 = arith.index_cast %parallel_loop3A_307 : i32 to index
        %parallel_loop3A_431 = arith.constant 128 : index
        %parallel_loop3A_432 = tpu.vector_load %arg7[%parallel_loop3A_429, %parallel_loop3A_430, %parallel_loop3A_431] {strides = array<i32>} : memref<2x32x512xf32, #tpu.memory_space<vmem>>, vector<16xf32>,
        %parallel_loop3A_433 = arith.constant 1 : i32
        %parallel_loop3A_434 = arith.index_cast %parallel_loop3A_433 : i32 to index
        %parallel_loop3A_435 = arith.index_cast %parallel_loop3A_307 : i32 to index
        %parallel_loop3A_436 = arith.constant 144 : index
        %parallel_loop3A_437 = tpu.vector_load %arg7[%parallel_loop3A_434, %parallel_loop3A_435, %parallel_loop3A_436] {strides = array<i32>} : memref<2x32x512xf32, #tpu.memory_space<vmem>>, vector<16xf32>,
        %parallel_loop3A_438 = arith.constant 1 : i32
        %parallel_loop3A_439 = arith.index_cast %parallel_loop3A_438 : i32 to index
        %parallel_loop3A_440 = arith.index_cast %parallel_loop3A_307 : i32 to index
        %parallel_loop3A_441 = arith.constant 160 : index
        %parallel_loop3A_442 = tpu.vector_load %arg7[%parallel_loop3A_439, %parallel_loop3A_440, %parallel_loop3A_441] {strides = array<i32>} : memref<2x32x512xf32, #tpu.memory_space<vmem>>, vector<16xf32>,
        %parallel_loop3A_443 = arith.constant 1 : i32
        %parallel_loop3A_444 = arith.index_cast %parallel_loop3A_443 : i32 to index
        %parallel_loop3A_445 = arith.index_cast %parallel_loop3A_307 : i32 to index
        %parallel_loop3A_446 = arith.constant 176 : index
        %parallel_loop3A_447 = tpu.vector_load %arg7[%parallel_loop3A_444, %parallel_loop3A_445, %parallel_loop3A_446] {strides = array<i32>} : memref<2x32x512xf32, #tpu.memory_space<vmem>>, vector<16xf32>,
        %parallel_loop3A_448 = arith.constant 1 : i32
        %parallel_loop3A_449 = arith.index_cast %parallel_loop3A_448 : i32 to index
        %parallel_loop3A_450 = arith.index_cast %parallel_loop3A_307 : i32 to index
        %parallel_loop3A_451 = arith.constant 192 : index
        %parallel_loop3A_452 = tpu.vector_load %arg7[%parallel_loop3A_449, %parallel_loop3A_450, %parallel_loop3A_451] {strides = array<i32>} : memref<2x32x512xf32, #tpu.memory_space<vmem>>, vector<16xf32>,
        %parallel_loop3A_453 = arith.constant 1 : i32
        %parallel_loop3A_454 = arith.index_cast %parallel_loop3A_453 : i32 to index
        %parallel_loop3A_455 = arith.index_cast %parallel_loop3A_307 : i32 to index
        %parallel_loop3A_456 = arith.constant 208 : index
        %parallel_loop3A_457 = tpu.vector_load %arg7[%parallel_loop3A_454, %parallel_loop3A_455, %parallel_loop3A_456] {strides = array<i32>} : memref<2x32x512xf32, #tpu.memory_space<vmem>>, vector<16xf32>,
        %parallel_loop3A_458 = arith.constant 1 : i32
        %parallel_loop3A_459 = arith.index_cast %parallel_loop3A_458 : i32 to index
        %parallel_loop3A_460 = arith.index_cast %parallel_loop3A_307 : i32 to index
        %parallel_loop3A_461 = arith.constant 224 : index
        %parallel_loop3A_462 = tpu.vector_load %arg7[%parallel_loop3A_459, %parallel_loop3A_460, %parallel_loop3A_461] {strides = array<i32>} : memref<2x32x512xf32, #tpu.memory_space<vmem>>, vector<16xf32>,
        %parallel_loop3A_463 = arith.constant 1 : i32
        %parallel_loop3A_464 = arith.index_cast %parallel_loop3A_463 : i32 to index
        %parallel_loop3A_465 = arith.index_cast %parallel_loop3A_307 : i32 to index
        %parallel_loop3A_466 = arith.constant 240 : index
        %parallel_loop3A_467 = tpu.vector_load %arg7[%parallel_loop3A_464, %parallel_loop3A_465, %parallel_loop3A_466] {strides = array<i32>} : memref<2x32x512xf32, #tpu.memory_space<vmem>>, vector<16xf32>,
        tpu.vector_store_idx %arg10[%parallel_loop3A_392], %parallel_loop3A_432 {add = true} : memref<512xf32, #tpu.memory_space<vmem>>[vector<16xi32>], vector<16xf32>,
        tpu.vector_store_idx %arg10[%parallel_loop3A_397], %parallel_loop3A_437 {add = true} : memref<512xf32, #tpu.memory_space<vmem>>[vector<16xi32>], vector<16xf32>,
        tpu.vector_store_idx %arg10[%parallel_loop3A_402], %parallel_loop3A_442 {add = true} : memref<512xf32, #tpu.memory_space<vmem>>[vector<16xi32>], vector<16xf32>,
        tpu.vector_store_idx %arg10[%parallel_loop3A_407], %parallel_loop3A_447 {add = true} : memref<512xf32, #tpu.memory_space<vmem>>[vector<16xi32>], vector<16xf32>,
        tpu.vector_store_idx %arg10[%parallel_loop3A_412], %parallel_loop3A_452 {add = true} : memref<512xf32, #tpu.memory_space<vmem>>[vector<16xi32>], vector<16xf32>,
        tpu.vector_store_idx %arg10[%parallel_loop3A_417], %parallel_loop3A_457 {add = true} : memref<512xf32, #tpu.memory_space<vmem>>[vector<16xi32>], vector<16xf32>,
        tpu.vector_store_idx %arg10[%parallel_loop3A_422], %parallel_loop3A_462 {add = true} : memref<512xf32, #tpu.memory_space<vmem>>[vector<16xi32>], vector<16xf32>,
        tpu.vector_store_idx %arg10[%parallel_loop3A_427], %parallel_loop3A_467 {add = true} : memref<512xf32, #tpu.memory_space<vmem>>[vector<16xi32>], vector<16xf32>,
        tpu.vector_store_idx %arg11[%parallel_loop3A_392], %broadcast_in_dim3A_3 {add = true} : memref<512xf32, #tpu.memory_space<vmem>>[vector<16xi32>], vector<16xf32>,
        tpu.vector_store_idx %arg11[%parallel_loop3A_397], %broadcast_in_dim3A_3 {add = true} : memref<512xf32, #tpu.memory_space<vmem>>[vector<16xi32>], vector<16xf32>,
        tpu.vector_store_idx %arg11[%parallel_loop3A_402], %broadcast_in_dim3A_3 {add = true} : memref<512xf32, #tpu.memory_space<vmem>>[vector<16xi32>], vector<16xf32>,
        tpu.vector_store_idx %arg11[%parallel_loop3A_407], %broadcast_in_dim3A_3 {add = true} : memref<512xf32, #tpu.memory_space<vmem>>[vector<16xi32>], vector<16xf32>,
        tpu.vector_store_idx %arg11[%parallel_loop3A_412], %broadcast_in_dim3A_3 {add = true} : memref<512xf32, #tpu.memory_space<vmem>>[vector<16xi32>], vector<16xf32>,
        tpu.vector_store_idx %arg11[%parallel_loop3A_417], %broadcast_in_dim3A_3 {add = true} : memref<512xf32, #tpu.memory_space<vmem>>[vector<16xi32>], vector<16xf32>,
        tpu.vector_store_idx %arg11[%parallel_loop3A_422], %broadcast_in_dim3A_3 {add = true} : memref<512xf32, #tpu.memory_space<vmem>>[vector<16xi32>], vector<16xf32>,
        tpu.vector_store_idx %arg11[%parallel_loop3A_427], %broadcast_in_dim3A_3 {add = true} : memref<512xf32, #tpu.memory_space<vmem>>[vector<16xi32>], vector<16xf32>,
        %parallel_loop3A_468 = arith.constant 1 : i32
        %parallel_loop3A_469 = arith.index_cast %parallel_loop3A_468 : i32 to index
        %parallel_loop3A_470 = arith.index_cast %parallel_loop3A_307 : i32 to index
        %parallel_loop3A_471 = arith.constant 256 : index
        %parallel_loop3A_472 = tpu.vector_load %arg6[%parallel_loop3A_469, %parallel_loop3A_470, %parallel_loop3A_471] {strides = array<i32>} : memref<2x32x512xi32, #tpu.memory_space<vmem>>, vector<16xi32>,
        %parallel_loop3A_473 = arith.constant 1 : i32
        %parallel_loop3A_474 = arith.index_cast %parallel_loop3A_473 : i32 to index
        %parallel_loop3A_475 = arith.index_cast %parallel_loop3A_307 : i32 to index
        %parallel_loop3A_476 = arith.constant 272 : index
        %parallel_loop3A_477 = tpu.vector_load %arg6[%parallel_loop3A_474, %parallel_loop3A_475, %parallel_loop3A_476] {strides = array<i32>} : memref<2x32x512xi32, #tpu.memory_space<vmem>>, vector<16xi32>,
        %parallel_loop3A_478 = arith.constant 1 : i32
        %parallel_loop3A_479 = arith.index_cast %parallel_loop3A_478 : i32 to index
        %parallel_loop3A_480 = arith.index_cast %parallel_loop3A_307 : i32 to index
        %parallel_loop3A_481 = arith.constant 288 : index
        %parallel_loop3A_482 = tpu.vector_load %arg6[%parallel_loop3A_479, %parallel_loop3A_480, %parallel_loop3A_481] {strides = array<i32>} : memref<2x32x512xi32, #tpu.memory_space<vmem>>, vector<16xi32>,
        %parallel_loop3A_483 = arith.constant 1 : i32
        %parallel_loop3A_484 = arith.index_cast %parallel_loop3A_483 : i32 to index
        %parallel_loop3A_485 = arith.index_cast %parallel_loop3A_307 : i32 to index
        %parallel_loop3A_486 = arith.constant 304 : index
        %parallel_loop3A_487 = tpu.vector_load %arg6[%parallel_loop3A_484, %parallel_loop3A_485, %parallel_loop3A_486] {strides = array<i32>} : memref<2x32x512xi32, #tpu.memory_space<vmem>>, vector<16xi32>,
        %parallel_loop3A_488 = arith.constant 1 : i32
        %parallel_loop3A_489 = arith.index_cast %parallel_loop3A_488 : i32 to index
        %parallel_loop3A_490 = arith.index_cast %parallel_loop3A_307 : i32 to index
        %parallel_loop3A_491 = arith.constant 320 : index
        %parallel_loop3A_492 = tpu.vector_load %arg6[%parallel_loop3A_489, %parallel_loop3A_490, %parallel_loop3A_491] {strides = array<i32>} : memref<2x32x512xi32, #tpu.memory_space<vmem>>, vector<16xi32>,
        %parallel_loop3A_493 = arith.constant 1 : i32
        %parallel_loop3A_494 = arith.index_cast %parallel_loop3A_493 : i32 to index
        %parallel_loop3A_495 = arith.index_cast %parallel_loop3A_307 : i32 to index
        %parallel_loop3A_496 = arith.constant 336 : index
        %parallel_loop3A_497 = tpu.vector_load %arg6[%parallel_loop3A_494, %parallel_loop3A_495, %parallel_loop3A_496] {strides = array<i32>} : memref<2x32x512xi32, #tpu.memory_space<vmem>>, vector<16xi32>,
        %parallel_loop3A_498 = arith.constant 1 : i32
        %parallel_loop3A_499 = arith.index_cast %parallel_loop3A_498 : i32 to index
        %parallel_loop3A_500 = arith.index_cast %parallel_loop3A_307 : i32 to index
        %parallel_loop3A_501 = arith.constant 352 : index
        %parallel_loop3A_502 = tpu.vector_load %arg6[%parallel_loop3A_499, %parallel_loop3A_500, %parallel_loop3A_501] {strides = array<i32>} : memref<2x32x512xi32, #tpu.memory_space<vmem>>, vector<16xi32>,
        %parallel_loop3A_503 = arith.constant 1 : i32
        %parallel_loop3A_504 = arith.index_cast %parallel_loop3A_503 : i32 to index
        %parallel_loop3A_505 = arith.index_cast %parallel_loop3A_307 : i32 to index
        %parallel_loop3A_506 = arith.constant 368 : index
        %parallel_loop3A_507 = tpu.vector_load %arg6[%parallel_loop3A_504, %parallel_loop3A_505, %parallel_loop3A_506] {strides = array<i32>} : memref<2x32x512xi32, #tpu.memory_space<vmem>>, vector<16xi32>,
        %parallel_loop3A_508 = arith.constant 1 : i32
        %parallel_loop3A_509 = arith.index_cast %parallel_loop3A_508 : i32 to index
        %parallel_loop3A_510 = arith.index_cast %parallel_loop3A_307 : i32 to index
        %parallel_loop3A_511 = arith.constant 256 : index
        %parallel_loop3A_512 = tpu.vector_load %arg7[%parallel_loop3A_509, %parallel_loop3A_510, %parallel_loop3A_511] {strides = array<i32>} : memref<2x32x512xf32, #tpu.memory_space<vmem>>, vector<16xf32>,
        %parallel_loop3A_513 = arith.constant 1 : i32
        %parallel_loop3A_514 = arith.index_cast %parallel_loop3A_513 : i32 to index
        %parallel_loop3A_515 = arith.index_cast %parallel_loop3A_307 : i32 to index
        %parallel_loop3A_516 = arith.constant 272 : index
        %parallel_loop3A_517 = tpu.vector_load %arg7[%parallel_loop3A_514, %parallel_loop3A_515, %parallel_loop3A_516] {strides = array<i32>} : memref<2x32x512xf32, #tpu.memory_space<vmem>>, vector<16xf32>,
        %parallel_loop3A_518 = arith.constant 1 : i32
        %parallel_loop3A_519 = arith.index_cast %parallel_loop3A_518 : i32 to index
        %parallel_loop3A_520 = arith.index_cast %parallel_loop3A_307 : i32 to index
        %parallel_loop3A_521 = arith.constant 288 : index
        %parallel_loop3A_522 = tpu.vector_load %arg7[%parallel_loop3A_519, %parallel_loop3A_520, %parallel_loop3A_521] {strides = array<i32>} : memref<2x32x512xf32, #tpu.memory_space<vmem>>, vector<16xf32>,
        %parallel_loop3A_523 = arith.constant 1 : i32
        %parallel_loop3A_524 = arith.index_cast %parallel_loop3A_523 : i32 to index
        %parallel_loop3A_525 = arith.index_cast %parallel_loop3A_307 : i32 to index
        %parallel_loop3A_526 = arith.constant 304 : index
        %parallel_loop3A_527 = tpu.vector_load %arg7[%parallel_loop3A_524, %parallel_loop3A_525, %parallel_loop3A_526] {strides = array<i32>} : memref<2x32x512xf32, #tpu.memory_space<vmem>>, vector<16xf32>,
        %parallel_loop3A_528 = arith.constant 1 : i32
        %parallel_loop3A_529 = arith.index_cast %parallel_loop3A_528 : i32 to index
        %parallel_loop3A_530 = arith.index_cast %parallel_loop3A_307 : i32 to index
        %parallel_loop3A_531 = arith.constant 320 : index
        %parallel_loop3A_532 = tpu.vector_load %arg7[%parallel_loop3A_529, %parallel_loop3A_530, %parallel_loop3A_531] {strides = array<i32>} : memref<2x32x512xf32, #tpu.memory_space<vmem>>, vector<16xf32>,
        %parallel_loop3A_533 = arith.constant 1 : i32
        %parallel_loop3A_534 = arith.index_cast %parallel_loop3A_533 : i32 to index
        %parallel_loop3A_535 = arith.index_cast %parallel_loop3A_307 : i32 to index
        %parallel_loop3A_536 = arith.constant 336 : index
        %parallel_loop3A_537 = tpu.vector_load %arg7[%parallel_loop3A_534, %parallel_loop3A_535, %parallel_loop3A_536] {strides = array<i32>} : memref<2x32x512xf32, #tpu.memory_space<vmem>>, vector<16xf32>,
        %parallel_loop3A_538 = arith.constant 1 : i32
        %parallel_loop3A_539 = arith.index_cast %parallel_loop3A_538 : i32 to index
        %parallel_loop3A_540 = arith.index_cast %parallel_loop3A_307 : i32 to index
        %parallel_loop3A_541 = arith.constant 352 : index
        %parallel_loop3A_542 = tpu.vector_load %arg7[%parallel_loop3A_539, %parallel_loop3A_540, %parallel_loop3A_541] {strides = array<i32>} : memref<2x32x512xf32, #tpu.memory_space<vmem>>, vector<16xf32>,
        %parallel_loop3A_543 = arith.constant 1 : i32
        %parallel_loop3A_544 = arith.index_cast %parallel_loop3A_543 : i32 to index
        %parallel_loop3A_545 = arith.index_cast %parallel_loop3A_307 : i32 to index
        %parallel_loop3A_546 = arith.constant 368 : index
        %parallel_loop3A_547 = tpu.vector_load %arg7[%parallel_loop3A_544, %parallel_loop3A_545, %parallel_loop3A_546] {strides = array<i32>} : memref<2x32x512xf32, #tpu.memory_space<vmem>>, vector<16xf32>,
        tpu.vector_store_idx %arg10[%parallel_loop3A_472], %parallel_loop3A_512 {add = true} : memref<512xf32, #tpu.memory_space<vmem>>[vector<16xi32>], vector<16xf32>,
        tpu.vector_store_idx %arg10[%parallel_loop3A_477], %parallel_loop3A_517 {add = true} : memref<512xf32, #tpu.memory_space<vmem>>[vector<16xi32>], vector<16xf32>,
        tpu.vector_store_idx %arg10[%parallel_loop3A_482], %parallel_loop3A_522 {add = true} : memref<512xf32, #tpu.memory_space<vmem>>[vector<16xi32>], vector<16xf32>,
        tpu.vector_store_idx %arg10[%parallel_loop3A_487], %parallel_loop3A_527 {add = true} : memref<512xf32, #tpu.memory_space<vmem>>[vector<16xi32>], vector<16xf32>,
        tpu.vector_store_idx %arg10[%parallel_loop3A_492], %parallel_loop3A_532 {add = true} : memref<512xf32, #tpu.memory_space<vmem>>[vector<16xi32>], vector<16xf32>,
        tpu.vector_store_idx %arg10[%parallel_loop3A_497], %parallel_loop3A_537 {add = true} : memref<512xf32, #tpu.memory_space<vmem>>[vector<16xi32>], vector<16xf32>,
        tpu.vector_store_idx %arg10[%parallel_loop3A_502], %parallel_loop3A_542 {add = true} : memref<512xf32, #tpu.memory_space<vmem>>[vector<16xi32>], vector<16xf32>,
        tpu.vector_store_idx %arg10[%parallel_loop3A_507], %parallel_loop3A_547 {add = true} : memref<512xf32, #tpu.memory_space<vmem>>[vector<16xi32>], vector<16xf32>,
        tpu.vector_store_idx %arg11[%parallel_loop3A_472], %broadcast_in_dim3A_3 {add = true} : memref<512xf32, #tpu.memory_space<vmem>>[vector<16xi32>], vector<16xf32>,
        tpu.vector_store_idx %arg11[%parallel_loop3A_477], %broadcast_in_dim3A_3 {add = true} : memref<512xf32, #tpu.memory_space<vmem>>[vector<16xi32>], vector<16xf32>,
        tpu.vector_store_idx %arg11[%parallel_loop3A_482], %broadcast_in_dim3A_3 {add = true} : memref<512xf32, #tpu.memory_space<vmem>>[vector<16xi32>], vector<16xf32>,
        tpu.vector_store_idx %arg11[%parallel_loop3A_487], %broadcast_in_dim3A_3 {add = true} : memref<512xf32, #tpu.memory_space<vmem>>[vector<16xi32>], vector<16xf32>,
        tpu.vector_store_idx %arg11[%parallel_loop3A_492], %broadcast_in_dim3A_3 {add = true} : memref<512xf32, #tpu.memory_space<vmem>>[vector<16xi32>], vector<16xf32>,
        tpu.vector_store_idx %arg11[%parallel_loop3A_497], %broadcast_in_dim3A_3 {add = true} : memref<512xf32, #tpu.memory_space<vmem>>[vector<16xi32>], vector<16xf32>,
        tpu.vector_store_idx %arg11[%parallel_loop3A_502], %broadcast_in_dim3A_3 {add = true} : memref<512xf32, #tpu.memory_space<vmem>>[vector<16xi32>], vector<16xf32>,
        tpu.vector_store_idx %arg11[%parallel_loop3A_507], %broadcast_in_dim3A_3 {add = true} : memref<512xf32, #tpu.memory_space<vmem>>[vector<16xi32>], vector<16xf32>,
        %parallel_loop3A_548 = arith.constant 1 : i32
        %parallel_loop3A_549 = arith.index_cast %parallel_loop3A_548 : i32 to index
        %parallel_loop3A_550 = arith.index_cast %parallel_loop3A_307 : i32 to index
        %parallel_loop3A_551 = arith.constant 384 : index
        %parallel_loop3A_552 = tpu.vector_load %arg6[%parallel_loop3A_549, %parallel_loop3A_550, %parallel_loop3A_551] {strides = array<i32>} : memref<2x32x512xi32, #tpu.memory_space<vmem>>, vector<16xi32>,
        %parallel_loop3A_553 = arith.constant 1 : i32
        %parallel_loop3A_554 = arith.index_cast %parallel_loop3A_553 : i32 to index
        %parallel_loop3A_555 = arith.index_cast %parallel_loop3A_307 : i32 to index
        %parallel_loop3A_556 = arith.constant 400 : index
        %parallel_loop3A_557 = tpu.vector_load %arg6[%parallel_loop3A_554, %parallel_loop3A_555, %parallel_loop3A_556] {strides = array<i32>} : memref<2x32x512xi32, #tpu.memory_space<vmem>>, vector<16xi32>,
        %parallel_loop3A_558 = arith.constant 1 : i32
        %parallel_loop3A_559 = arith.index_cast %parallel_loop3A_558 : i32 to index
        %parallel_loop3A_560 = arith.index_cast %parallel_loop3A_307 : i32 to index
        %parallel_loop3A_561 = arith.constant 416 : index
        %parallel_loop3A_562 = tpu.vector_load %arg6[%parallel_loop3A_559, %parallel_loop3A_560, %parallel_loop3A_561] {strides = array<i32>} : memref<2x32x512xi32, #tpu.memory_space<vmem>>, vector<16xi32>,
        %parallel_loop3A_563 = arith.constant 1 : i32
        %parallel_loop3A_564 = arith.index_cast %parallel_loop3A_563 : i32 to index
        %parallel_loop3A_565 = arith.index_cast %parallel_loop3A_307 : i32 to index
        %parallel_loop3A_566 = arith.constant 432 : index
        %parallel_loop3A_567 = tpu.vector_load %arg6[%parallel_loop3A_564, %parallel_loop3A_565, %parallel_loop3A_566] {strides = array<i32>} : memref<2x32x512xi32, #tpu.memory_space<vmem>>, vector<16xi32>,
        %parallel_loop3A_568 = arith.constant 1 : i32
        %parallel_loop3A_569 = arith.index_cast %parallel_loop3A_568 : i32 to index
        %parallel_loop3A_570 = arith.index_cast %parallel_loop3A_307 : i32 to index
        %parallel_loop3A_571 = arith.constant 448 : index
        %parallel_loop3A_572 = tpu.vector_load %arg6[%parallel_loop3A_569, %parallel_loop3A_570, %parallel_loop3A_571] {strides = array<i32>} : memref<2x32x512xi32, #tpu.memory_space<vmem>>, vector<16xi32>,
        %parallel_loop3A_573 = arith.constant 1 : i32
        %parallel_loop3A_574 = arith.index_cast %parallel_loop3A_573 : i32 to index
        %parallel_loop3A_575 = arith.index_cast %parallel_loop3A_307 : i32 to index
        %parallel_loop3A_576 = arith.constant 464 : index
        %parallel_loop3A_577 = tpu.vector_load %arg6[%parallel_loop3A_574, %parallel_loop3A_575, %parallel_loop3A_576] {strides = array<i32>} : memref<2x32x512xi32, #tpu.memory_space<vmem>>, vector<16xi32>,
        %parallel_loop3A_578 = arith.constant 1 : i32
        %parallel_loop3A_579 = arith.index_cast %parallel_loop3A_578 : i32 to index
        %parallel_loop3A_580 = arith.index_cast %parallel_loop3A_307 : i32 to index
        %parallel_loop3A_581 = arith.constant 480 : index
        %parallel_loop3A_582 = tpu.vector_load %arg6[%parallel_loop3A_579, %parallel_loop3A_580, %parallel_loop3A_581] {strides = array<i32>} : memref<2x32x512xi32, #tpu.memory_space<vmem>>, vector<16xi32>,
        %parallel_loop3A_583 = arith.constant 1 : i32
        %parallel_loop3A_584 = arith.index_cast %parallel_loop3A_583 : i32 to index
        %parallel_loop3A_585 = arith.index_cast %parallel_loop3A_307 : i32 to index
        %parallel_loop3A_586 = arith.constant 496 : index
        %parallel_loop3A_587 = tpu.vector_load %arg6[%parallel_loop3A_584, %parallel_loop3A_585, %parallel_loop3A_586] {strides = array<i32>} : memref<2x32x512xi32, #tpu.memory_space<vmem>>, vector<16xi32>,
        %parallel_loop3A_588 = arith.constant 1 : i32
        %parallel_loop3A_589 = arith.index_cast %parallel_loop3A_588 : i32 to index
        %parallel_loop3A_590 = arith.index_cast %parallel_loop3A_307 : i32 to index
        %parallel_loop3A_591 = arith.constant 384 : index
        %parallel_loop3A_592 = tpu.vector_load %arg7[%parallel_loop3A_589, %parallel_loop3A_590, %parallel_loop3A_591] {strides = array<i32>} : memref<2x32x512xf32, #tpu.memory_space<vmem>>, vector<16xf32>,
        %parallel_loop3A_593 = arith.constant 1 : i32
        %parallel_loop3A_594 = arith.index_cast %parallel_loop3A_593 : i32 to index
        %parallel_loop3A_595 = arith.index_cast %parallel_loop3A_307 : i32 to index
        %parallel_loop3A_596 = arith.constant 400 : index
        %parallel_loop3A_597 = tpu.vector_load %arg7[%parallel_loop3A_594, %parallel_loop3A_595, %parallel_loop3A_596] {strides = array<i32>} : memref<2x32x512xf32, #tpu.memory_space<vmem>>, vector<16xf32>,
        %parallel_loop3A_598 = arith.constant 1 : i32
        %parallel_loop3A_599 = arith.index_cast %parallel_loop3A_598 : i32 to index
        %parallel_loop3A_600 = arith.index_cast %parallel_loop3A_307 : i32 to index
        %parallel_loop3A_601 = arith.constant 416 : index
        %parallel_loop3A_602 = tpu.vector_load %arg7[%parallel_loop3A_599, %parallel_loop3A_600, %parallel_loop3A_601] {strides = array<i32>} : memref<2x32x512xf32, #tpu.memory_space<vmem>>, vector<16xf32>,
        %parallel_loop3A_603 = arith.constant 1 : i32
        %parallel_loop3A_604 = arith.index_cast %parallel_loop3A_603 : i32 to index
        %parallel_loop3A_605 = arith.index_cast %parallel_loop3A_307 : i32 to index
        %parallel_loop3A_606 = arith.constant 432 : index
        %parallel_loop3A_607 = tpu.vector_load %arg7[%parallel_loop3A_604, %parallel_loop3A_605, %parallel_loop3A_606] {strides = array<i32>} : memref<2x32x512xf32, #tpu.memory_space<vmem>>, vector<16xf32>,
        %parallel_loop3A_608 = arith.constant 1 : i32
        %parallel_loop3A_609 = arith.index_cast %parallel_loop3A_608 : i32 to index
        %parallel_loop3A_610 = arith.index_cast %parallel_loop3A_307 : i32 to index
        %parallel_loop3A_611 = arith.constant 448 : index
        %parallel_loop3A_612 = tpu.vector_load %arg7[%parallel_loop3A_609, %parallel_loop3A_610, %parallel_loop3A_611] {strides = array<i32>} : memref<2x32x512xf32, #tpu.memory_space<vmem>>, vector<16xf32>,
        %parallel_loop3A_613 = arith.constant 1 : i32
        %parallel_loop3A_614 = arith.index_cast %parallel_loop3A_613 : i32 to index
        %parallel_loop3A_615 = arith.index_cast %parallel_loop3A_307 : i32 to index
        %parallel_loop3A_616 = arith.constant 464 : index
        %parallel_loop3A_617 = tpu.vector_load %arg7[%parallel_loop3A_614, %parallel_loop3A_615, %parallel_loop3A_616] {strides = array<i32>} : memref<2x32x512xf32, #tpu.memory_space<vmem>>, vector<16xf32>,
        %parallel_loop3A_618 = arith.constant 1 : i32
        %parallel_loop3A_619 = arith.index_cast %parallel_loop3A_618 : i32 to index
        %parallel_loop3A_620 = arith.index_cast %parallel_loop3A_307 : i32 to index
        %parallel_loop3A_621 = arith.constant 480 : index
        %parallel_loop3A_622 = tpu.vector_load %arg7[%parallel_loop3A_619, %parallel_loop3A_620, %parallel_loop3A_621] {strides = array<i32>} : memref<2x32x512xf32, #tpu.memory_space<vmem>>, vector<16xf32>,
        %parallel_loop3A_623 = arith.constant 1 : i32
        %parallel_loop3A_624 = arith.index_cast %parallel_loop3A_623 : i32 to index
        %parallel_loop3A_625 = arith.index_cast %parallel_loop3A_307 : i32 to index
        %parallel_loop3A_626 = arith.constant 496 : index
        %parallel_loop3A_627 = tpu.vector_load %arg7[%parallel_loop3A_624, %parallel_loop3A_625, %parallel_loop3A_626] {strides = array<i32>} : memref<2x32x512xf32, #tpu.memory_space<vmem>>, vector<16xf32>,
        tpu.vector_store_idx %arg10[%parallel_loop3A_552], %parallel_loop3A_592 {add = true} : memref<512xf32, #tpu.memory_space<vmem>>[vector<16xi32>], vector<16xf32>,
        tpu.vector_store_idx %arg10[%parallel_loop3A_557], %parallel_loop3A_597 {add = true} : memref<512xf32, #tpu.memory_space<vmem>>[vector<16xi32>], vector<16xf32>,
        tpu.vector_store_idx %arg10[%parallel_loop3A_562], %parallel_loop3A_602 {add = true} : memref<512xf32, #tpu.memory_space<vmem>>[vector<16xi32>], vector<16xf32>,
        tpu.vector_store_idx %arg10[%parallel_loop3A_567], %parallel_loop3A_607 {add = true} : memref<512xf32, #tpu.memory_space<vmem>>[vector<16xi32>], vector<16xf32>,
        tpu.vector_store_idx %arg10[%parallel_loop3A_572], %parallel_loop3A_612 {add = true} : memref<512xf32, #tpu.memory_space<vmem>>[vector<16xi32>], vector<16xf32>,
        tpu.vector_store_idx %arg10[%parallel_loop3A_577], %parallel_loop3A_617 {add = true} : memref<512xf32, #tpu.memory_space<vmem>>[vector<16xi32>], vector<16xf32>,
        tpu.vector_store_idx %arg10[%parallel_loop3A_582], %parallel_loop3A_622 {add = true} : memref<512xf32, #tpu.memory_space<vmem>>[vector<16xi32>], vector<16xf32>,
        tpu.vector_store_idx %arg10[%parallel_loop3A_587], %parallel_loop3A_627 {add = true} : memref<512xf32, #tpu.memory_space<vmem>>[vector<16xi32>], vector<16xf32>,
        tpu.vector_store_idx %arg11[%parallel_loop3A_552], %broadcast_in_dim3A_3 {add = true} : memref<512xf32, #tpu.memory_space<vmem>>[vector<16xi32>], vector<16xf32>,
        tpu.vector_store_idx %arg11[%parallel_loop3A_557], %broadcast_in_dim3A_3 {add = true} : memref<512xf32, #tpu.memory_space<vmem>>[vector<16xi32>], vector<16xf32>,
        tpu.vector_store_idx %arg11[%parallel_loop3A_562], %broadcast_in_dim3A_3 {add = true} : memref<512xf32, #tpu.memory_space<vmem>>[vector<16xi32>], vector<16xf32>,
        tpu.vector_store_idx %arg11[%parallel_loop3A_567], %broadcast_in_dim3A_3 {add = true} : memref<512xf32, #tpu.memory_space<vmem>>[vector<16xi32>], vector<16xf32>,
        tpu.vector_store_idx %arg11[%parallel_loop3A_572], %broadcast_in_dim3A_3 {add = true} : memref<512xf32, #tpu.memory_space<vmem>>[vector<16xi32>], vector<16xf32>,
        tpu.vector_store_idx %arg11[%parallel_loop3A_577], %broadcast_in_dim3A_3 {add = true} : memref<512xf32, #tpu.memory_space<vmem>>[vector<16xi32>], vector<16xf32>,
        tpu.vector_store_idx %arg11[%parallel_loop3A_582], %broadcast_in_dim3A_3 {add = true} : memref<512xf32, #tpu.memory_space<vmem>>[vector<16xi32>], vector<16xf32>,
        tpu.vector_store_idx %arg11[%parallel_loop3A_587], %broadcast_in_dim3A_3 {add = true} : memref<512xf32, #tpu.memory_space<vmem>>[vector<16xi32>], vector<16xf32>,
      } {sc.loop_unroll_factor = 1 : i64, sc.parallel_access}
      %add3A_299 = arith.constant 2 : i32
      %add3A_300 = arith.addi %add3A_263, %add3A_299 : i32
      %lt3A_301 = arith.constant 16 : i32
      %lt3A_302 = arith.cmpi slt, %add3A_300, %lt3A_301 : i32
      %convert_element_type3A_303 = arith.extui %lt3A_302 : i1 to i32
      %cond3A_304 = arith.constant 0 : i32
      %cond3A_305 = arith.cmpi ne, %convert_element_type3A_303, %cond3A_304 : i32
      scf.if %cond3A_305 {
        %add3A_307 = arith.constant 2 : i32
        %add3A_308 = arith.addi %add3A_263, %add3A_307 : i32
        %mul3A_309 = arith.constant 32 : i32
        %mul3A_310 = arith.muli %add3A_308, %mul3A_309 : i32
        %dma_start3A_311 = arith.constant 1 : i32
        %dma_start3A_312 = arith.constant 0 : i32
        %dma_start3A_313 = arith.constant 0 : i32
        %dma_start3A_314 = tpu.memref_slice %arg6[%dma_start3A_311, %dma_start3A_312, %dma_start3A_313] : memref<2x32x512xi32, #tpu.memory_space<vmem>> -> memref<1x32x512xi32, #tpu.memory_space<vmem>>
        %dma_start3A_315 = tpu.memref_squeeze %dma_start3A_314 : memref<1x32x512xi32, #tpu.memory_space<vmem>> -> memref<32x512xi32, #tpu.memory_space<vmem>>
        %dma_start3A_316 = arith.constant 0 : i32
        %dma_start3A_317 = tpu.memref_slice %arg2[%add3A, %mul3A_310, %dma_start3A_316] : memref<32x512x512xi32, #tpu.memory_space<hbm>> -> memref<1x32x512xi32, #tpu.memory_space<hbm>>
        %dma_start3A_318 = tpu.memref_squeeze %dma_start3A_317 : memref<1x32x512xi32, #tpu.memory_space<hbm>> -> memref<32x512xi32, #tpu.memory_space<hbm>>
        %dma_start3A_319 = arith.constant 0 : i32
        %dma_start3A_320 = arith.constant 0 : i32
        %dma_start3A_321 = tpu.memref_slice %arg6[%dma_start3A_311, %dma_start3A_319, %dma_start3A_320] : memref<2x32x512xi32, #tpu.memory_space<vmem>> -> memref<1x32x512xi32, #tpu.memory_space<vmem>>
        %dma_start3A_322 = tpu.memref_squeeze %dma_start3A_321 : memref<1x32x512xi32, #tpu.memory_space<vmem>> -> memref<32x512xi32, #tpu.memory_space<vmem>>
        %dma_start3A_323 = arith.constant 0 : i32
        %dma_start3A_324 = tpu.memref_slice %arg2[%add3A, %mul3A_310, %dma_start3A_323] : memref<32x512x512xi32, #tpu.memory_space<hbm>> -> memref<1x32x512xi32, #tpu.memory_space<hbm>>
        %dma_start3A_325 = tpu.memref_squeeze %dma_start3A_324 : memref<1x32x512xi32, #tpu.memory_space<hbm>> -> memref<32x512xi32, #tpu.memory_space<hbm>>
        tpu.enqueue_dma source(%dma_start3A_325 : memref<32x512xi32, #tpu.memory_space<hbm>>) target(%dma_start3A_322 : memref<32x512xi32, #tpu.memory_space<vmem>>) target_semaphore(%arg16 : memref<!tpu.dma_semaphore, #tpu.memory_space<semaphore_mem>>)
        %dma_start3A_326 = arith.constant 1 : i32
        %dma_start3A_327 = arith.constant 0 : i32
        %dma_start3A_328 = arith.constant 0 : i32
        %dma_start3A_329 = tpu.memref_slice %arg7[%dma_start3A_326, %dma_start3A_327, %dma_start3A_328] : memref<2x32x512xf32, #tpu.memory_space<vmem>> -> memref<1x32x512xf32, #tpu.memory_space<vmem>>
        %dma_start3A_330 = tpu.memref_squeeze %dma_start3A_329 : memref<1x32x512xf32, #tpu.memory_space<vmem>> -> memref<32x512xf32, #tpu.memory_space<vmem>>
        %dma_start3A_331 = arith.constant 0 : i32
        %dma_start3A_332 = tpu.memref_slice %arg3[%add3A, %mul3A_310, %dma_start3A_331] : memref<32x512x512xf32, #tpu.memory_space<hbm>> -> memref<1x32x512xf32, #tpu.memory_space<hbm>>
        %dma_start3A_333 = tpu.memref_squeeze %dma_start3A_332 : memref<1x32x512xf32, #tpu.memory_space<hbm>> -> memref<32x512xf32, #tpu.memory_space<hbm>>
        %dma_start3A_334 = arith.constant 0 : i32
        %dma_start3A_335 = arith.constant 0 : i32
        %dma_start3A_336 = tpu.memref_slice %arg7[%dma_start3A_326, %dma_start3A_334, %dma_start3A_335] : memref<2x32x512xf32, #tpu.memory_space<vmem>> -> memref<1x32x512xf32, #tpu.memory_space<vmem>>
        %dma_start3A_337 = tpu.memref_squeeze %dma_start3A_336 : memref<1x32x512xf32, #tpu.memory_space<vmem>> -> memref<32x512xf32, #tpu.memory_space<vmem>>
        %dma_start3A_338 = arith.constant 0 : i32
        %dma_start3A_339 = tpu.memref_slice %arg3[%add3A, %mul3A_310, %dma_start3A_338] : memref<32x512x512xf32, #tpu.memory_space<hbm>> -> memref<1x32x512xf32, #tpu.memory_space<hbm>>
        %dma_start3A_340 = tpu.memref_squeeze %dma_start3A_339 : memref<1x32x512xf32, #tpu.memory_space<hbm>> -> memref<32x512xf32, #tpu.memory_space<hbm>>
        tpu.enqueue_dma source(%dma_start3A_340 : memref<32x512xf32, #tpu.memory_space<hbm>>) target(%dma_start3A_337 : memref<32x512xf32, #tpu.memory_space<vmem>>) target_semaphore(%arg18 : memref<!tpu.dma_semaphore, #tpu.memory_space<semaphore_mem>>)
      } else {
      }
      %scan3A_306 = arith.constant 0 : i32
      scf.yield %scan3A_306 : i32
    }
    %scan3A_87 = arith.constant 8 : i32
    %scan3A_88 = arith.constant 0 : i32
    %scan3A_89 = arith.constant 0 : i32
    %scan3A_90 = arith.constant 32 : i32
    %scan3A_91 = arith.addi %scan3A_89, %scan3A_90 : i32
    %scan3A_92 = arith.constant 1 : i32
    %scan3A_93 = scf.for %scan3A_214 = %scan3A_89 to %scan3A_91 step %scan3A_92 iter_args(%scan3A_215 = %scan3A_88) -> (i32)  : i32 {
      %mul3A_216 = arith.constant 16 : i32
      %mul3A_217 = arith.muli %scan3A_214, %mul3A_216 : i32
      %get3A = arith.index_cast %mul3A_217 : i32 to index
      %get3A_218 = tpu.vector_load %arg10[%get3A] {strides = array<i32>} : memref<512xf32, #tpu.memory_space<vmem>>, vector<16xf32>,
      %swap3A = arith.index_cast %mul3A_217 : i32 to index
      %swap3A_219 = tpu.vector_load %arg12[%swap3A] {strides = array<i32>} : memref<1024xf32, #tpu.memory_space<vmem>>, vector<16xf32>,
      tpu.vector_store %arg12[%swap3A], %get3A_218 {strides = array<i32>} : memref<1024xf32, #tpu.memory_space<vmem>>, vector<16xf32>,
      %get3A_220 = arith.index_cast %mul3A_217 : i32 to index
      %get3A_221 = tpu.vector_load %arg11[%get3A_220] {strides = array<i32>} : memref<512xf32, #tpu.memory_space<vmem>>, vector<16xf32>,
      %add3A_222 = arith.constant 512 : i32
      %add3A_223 = arith.addi %add3A_222, %mul3A_217 : i32
      %swap3A_224 = arith.index_cast %add3A_223 : i32 to index
      %swap3A_225 = tpu.vector_load %arg12[%swap3A_224] {strides = array<i32>} : memref<1024xf32, #tpu.memory_space<vmem>>, vector<16xf32>,
      tpu.vector_store %arg12[%swap3A_224], %get3A_221 {strides = array<i32>} : memref<1024xf32, #tpu.memory_space<vmem>>, vector<16xf32>,
      %scan3A_226 = arith.constant 0 : i32
      scf.yield %scan3A_226 : i32
    }
    %scan3A_94 = arith.constant 32 : i32
    %mul3A_95 = arith.constant 2 : i32
    %mul3A_96 = arith.muli %add3A, %mul3A_95 : i32
    %mul3A_97 = arith.constant 512 : i32
    %mul3A_98 = arith.muli %mul3A_96, %mul3A_97 : i32
    "tpu.region"() ({
      %run_scoped3A = tpu.sem_alloc : memref<!tpu.dma_semaphore, #tpu.memory_space<semaphore_mem>>
      %dma_start3A_214 = tpu.memref_slice %arg5[%mul3A_98] : memref<32800xf32, #tpu.memory_space<hbm>> -> memref<1024xf32, #tpu.memory_space<hbm>>
      %dma_start3A_215 = tpu.memref_slice %arg5[%mul3A_98] : memref<32800xf32, #tpu.memory_space<hbm>> -> memref<1024xf32, #tpu.memory_space<hbm>>
      tpu.enqueue_dma source(%arg12 : memref<1024xf32, #tpu.memory_space<vmem>>) target(%dma_start3A_215 : memref<1024xf32, #tpu.memory_space<hbm>>) target_semaphore(%run_scoped3A : memref<!tpu.dma_semaphore, #tpu.memory_space<semaphore_mem>>)
      %dma_wait3A_216 = tpu.memref_slice %arg5[%mul3A_98] : memref<32800xf32, #tpu.memory_space<hbm>> -> memref<1024xf32, #tpu.memory_space<hbm>>
      %dma_wait3A_217 = tpu.memref_slice %arg5[%mul3A_98] : memref<32800xf32, #tpu.memory_space<hbm>> -> memref<1024xf32, #tpu.memory_space<hbm>>
      tpu.wait_dma2 semaphore(%run_scoped3A : memref<!tpu.dma_semaphore, #tpu.memory_space<semaphore_mem>>) src(%arg12 : memref<1024xf32, #tpu.memory_space<vmem>>) dst(%dma_wait3A_217 : memref<1024xf32, #tpu.memory_space<hbm>>)
      tpu.yield
    }) : () -> ()
    %barrier3A = arith.constant 0 : index
    tpu.barrier barrier_id(%barrier3A)
    %eq3A_99 = arith.constant 0 : i32
    %eq3A_100 = arith.cmpi eq, %arg1, %eq3A_99 : i32
    %convert_element_type3A_101 = arith.extui %eq3A_100 : i1 to i32
    %cond3A_102 = arith.constant 0 : i32
    %cond3A_103 = arith.cmpi ne, %convert_element_type3A_101, %cond3A_102 : i32
    scf.if %cond3A_103 {
      %swap3A = arith.constant 0 : index
      %swap3A_214 = tpu.vector_load %arg14[%swap3A] {strides = array<i32>} : memref<32xf32, #tpu.memory_space<vmem>>, vector<16xf32>,
      tpu.vector_store %arg14[%swap3A], %broadcast_in_dim3A_5 {strides = array<i32>} : memref<32xf32, #tpu.memory_space<vmem>>, vector<16xf32>,
      %mul3A_215 = arith.constant 16 : i32
      %mul3A_216 = arith.muli %arg0, %mul3A_215 : i32
      %add3A_217 = arith.constant 32768 : i32
      %add3A_218 = arith.addi %add3A_217, %mul3A_216 : i32
      "tpu.region"() ({
        %run_scoped3A = tpu.sem_alloc : memref<!tpu.dma_semaphore, #tpu.memory_space<semaphore_mem>>
        %dma_start3A_219 = arith.constant 0 : i32
        %dma_start3A_220 = tpu.memref_slice %arg14[%dma_start3A_219] : memref<32xf32, #tpu.memory_space<vmem>> -> memref<16xf32, #tpu.memory_space<vmem>>
        %dma_start3A_221 = tpu.memref_slice %arg5[%add3A_218] : memref<32800xf32, #tpu.memory_space<hbm>> -> memref<16xf32, #tpu.memory_space<hbm>>
        %dma_start3A_222 = tpu.memref_slice %arg5[%add3A_218] : memref<32800xf32, #tpu.memory_space<hbm>> -> memref<16xf32, #tpu.memory_space<hbm>>
        %dma_start3A_223 = arith.constant 0 : i32
        %dma_start3A_224 = tpu.memref_slice %arg14[%dma_start3A_223] : memref<32xf32, #tpu.memory_space<vmem>> -> memref<16xf32, #tpu.memory_space<vmem>>
        tpu.enqueue_dma source(%dma_start3A_224 : memref<16xf32, #tpu.memory_space<vmem>>) target(%dma_start3A_222 : memref<16xf32, #tpu.memory_space<hbm>>) target_semaphore(%run_scoped3A : memref<!tpu.dma_semaphore, #tpu.memory_space<semaphore_mem>>)
        %dma_wait3A_225 = arith.constant 0 : i32
        %dma_wait3A_226 = tpu.memref_slice %arg14[%dma_wait3A_225] : memref<32xf32, #tpu.memory_space<vmem>> -> memref<16xf32, #tpu.memory_space<vmem>>
        %dma_wait3A_227 = tpu.memref_slice %arg5[%add3A_218] : memref<32800xf32, #tpu.memory_space<hbm>> -> memref<16xf32, #tpu.memory_space<hbm>>
        %dma_wait3A_228 = tpu.memref_slice %arg5[%add3A_218] : memref<32800xf32, #tpu.memory_space<hbm>> -> memref<16xf32, #tpu.memory_space<hbm>>
        %dma_wait3A_229 = arith.constant 0 : i32
        %dma_wait3A_230 = tpu.memref_slice %arg14[%dma_wait3A_229] : memref<32xf32, #tpu.memory_space<vmem>> -> memref<16xf32, #tpu.memory_space<vmem>>
        tpu.wait_dma2 semaphore(%run_scoped3A : memref<!tpu.dma_semaphore, #tpu.memory_space<semaphore_mem>>) src(%dma_wait3A_230 : memref<16xf32, #tpu.memory_space<vmem>>) dst(%dma_wait3A_228 : memref<16xf32, #tpu.memory_space<hbm>>)
        tpu.yield
      }) : () -> ()
    } else {
    }
    %dma_start3A_104 = arith.constant 0 : i32
    %dma_start3A_105 = arith.constant 0 : i32
    %dma_start3A_106 = arith.constant 0 : i32
    %dma_start3A_107 = tpu.memref_slice %arg6[%dma_start3A_104, %dma_start3A_105, %dma_start3A_106] : memref<2x32x512xi32, #tpu.memory_space<vmem>> -> memref<1x32x512xi32, #tpu.memory_space<vmem>>
    %dma_start3A_108 = tpu.memref_squeeze %dma_start3A_107 : memref<1x32x512xi32, #tpu.memory_space<vmem>> -> memref<32x512xi32, #tpu.memory_space<vmem>>
    %dma_start3A_109 = arith.constant 0 : i32
    %dma_start3A_110 = arith.constant 0 : i32
    %dma_start3A_111 = tpu.memref_slice %arg2[%add3A, %dma_start3A_109, %dma_start3A_110] : memref<32x512x512xi32, #tpu.memory_space<hbm>> -> memref<1x32x512xi32, #tpu.memory_space<hbm>>
    %dma_start3A_112 = tpu.memref_squeeze %dma_start3A_111 : memref<1x32x512xi32, #tpu.memory_space<hbm>> -> memref<32x512xi32, #tpu.memory_space<hbm>>
    %dma_start3A_113 = arith.constant 0 : i32
    %dma_start3A_114 = arith.constant 0 : i32
    %dma_start3A_115 = tpu.memref_slice %arg6[%dma_start3A_104, %dma_start3A_113, %dma_start3A_114] : memref<2x32x512xi32, #tpu.memory_space<vmem>> -> memref<1x32x512xi32, #tpu.memory_space<vmem>>
    %dma_start3A_116 = tpu.memref_squeeze %dma_start3A_115 : memref<1x32x512xi32, #tpu.memory_space<vmem>> -> memref<32x512xi32, #tpu.memory_space<vmem>>
    %dma_start3A_117 = arith.constant 0 : i32
    %dma_start3A_118 = arith.constant 0 : i32
    %dma_start3A_119 = tpu.memref_slice %arg2[%add3A, %dma_start3A_117, %dma_start3A_118] : memref<32x512x512xi32, #tpu.memory_space<hbm>> -> memref<1x32x512xi32, #tpu.memory_space<hbm>>
    %dma_start3A_120 = tpu.memref_squeeze %dma_start3A_119 : memref<1x32x512xi32, #tpu.memory_space<hbm>> -> memref<32x512xi32, #tpu.memory_space<hbm>>
    tpu.enqueue_dma source(%dma_start3A_120 : memref<32x512xi32, #tpu.memory_space<hbm>>) target(%dma_start3A_116 : memref<32x512xi32, #tpu.memory_space<vmem>>) target_semaphore(%arg15 : memref<!tpu.dma_semaphore, #tpu.memory_space<semaphore_mem>>)
    %dma_start3A_121 = arith.constant 1 : i32
    %dma_start3A_122 = arith.constant 0 : i32
    %dma_start3A_123 = arith.constant 0 : i32
    %dma_start3A_124 = tpu.memref_slice %arg6[%dma_start3A_121, %dma_start3A_122, %dma_start3A_123] : memref<2x32x512xi32, #tpu.memory_space<vmem>> -> memref<1x32x512xi32, #tpu.memory_space<vmem>>
    %dma_start3A_125 = tpu.memref_squeeze %dma_start3A_124 : memref<1x32x512xi32, #tpu.memory_space<vmem>> -> memref<32x512xi32, #tpu.memory_space<vmem>>
    %dma_start3A_126 = arith.constant 32 : i32
    %dma_start3A_127 = arith.constant 0 : i32
    %dma_start3A_128 = tpu.memref_slice %arg2[%add3A, %dma_start3A_126, %dma_start3A_127] : memref<32x512x512xi32, #tpu.memory_space<hbm>> -> memref<1x32x512xi32, #tpu.memory_space<hbm>>
    %dma_start3A_129 = tpu.memref_squeeze %dma_start3A_128 : memref<1x32x512xi32, #tpu.memory_space<hbm>> -> memref<32x512xi32, #tpu.memory_space<hbm>>
    %dma_start3A_130 = arith.constant 0 : i32
    %dma_start3A_131 = arith.constant 0 : i32
    %dma_start3A_132 = tpu.memref_slice %arg6[%dma_start3A_121, %dma_start3A_130, %dma_start3A_131] : memref<2x32x512xi32, #tpu.memory_space<vmem>> -> memref<1x32x512xi32, #tpu.memory_space<vmem>>
    %dma_start3A_133 = tpu.memref_squeeze %dma_start3A_132 : memref<1x32x512xi32, #tpu.memory_space<vmem>> -> memref<32x512xi32, #tpu.memory_space<vmem>>
    %dma_start3A_134 = arith.constant 32 : i32
    %dma_start3A_135 = arith.constant 0 : i32
    %dma_start3A_136 = tpu.memref_slice %arg2[%add3A, %dma_start3A_134, %dma_start3A_135] : memref<32x512x512xi32, #tpu.memory_space<hbm>> -> memref<1x32x512xi32, #tpu.memory_space<hbm>>
    %dma_start3A_137 = tpu.memref_squeeze %dma_start3A_136 : memref<1x32x512xi32, #tpu.memory_space<hbm>> -> memref<32x512xi32, #tpu.memory_space<hbm>>
    tpu.enqueue_dma source(%dma_start3A_137 : memref<32x512xi32, #tpu.memory_space<hbm>>) target(%dma_start3A_133 : memref<32x512xi32, #tpu.memory_space<vmem>>) target_semaphore(%arg16 : memref<!tpu.dma_semaphore, #tpu.memory_space<semaphore_mem>>)
    %while3A = arith.constant false
    %while3A_138 = scf.while (%while3A_214 = %while3A) : (i1) -> i1 {
      %not3A = arith.constant true
      %not3A_215 = arith.xori %while3A_214, %not3A : i1
      scf.condition(%not3A_215) %while3A_214 : i1
    } do {
    ^bb0(%while3A_214: i1):
      "tpu.region"() ({
        %run_scoped3A = tpu.sem_alloc : memref<!tpu.dma_semaphore, #tpu.memory_space<semaphore_mem>>
        %dma_start3A_234 = arith.constant 32768 : i32
        %dma_start3A_235 = tpu.memref_slice %arg5[%dma_start3A_234] : memref<32800xf32, #tpu.memory_space<hbm>> -> memref<32xf32, #tpu.memory_space<hbm>>
        %dma_start3A_236 = arith.constant 32768 : i32
        %dma_start3A_237 = tpu.memref_slice %arg5[%dma_start3A_236] : memref<32800xf32, #tpu.memory_space<hbm>> -> memref<32xf32, #tpu.memory_space<hbm>>
        tpu.enqueue_dma source(%dma_start3A_237 : memref<32xf32, #tpu.memory_space<hbm>>) target(%arg14 : memref<32xf32, #tpu.memory_space<vmem>>) target_semaphore(%run_scoped3A : memref<!tpu.dma_semaphore, #tpu.memory_space<semaphore_mem>>)
        %dma_wait3A_238 = arith.constant 32768 : i32
        %dma_wait3A_239 = tpu.memref_slice %arg5[%dma_wait3A_238] : memref<32800xf32, #tpu.memory_space<hbm>> -> memref<32xf32, #tpu.memory_space<hbm>>
        %dma_wait3A_240 = arith.constant 32768 : i32
        %dma_wait3A_241 = tpu.memref_slice %arg5[%dma_wait3A_240] : memref<32800xf32, #tpu.memory_space<hbm>> -> memref<32xf32, #tpu.memory_space<hbm>>
        tpu.wait_dma2 semaphore(%run_scoped3A : memref<!tpu.dma_semaphore, #tpu.memory_space<semaphore_mem>>) src(%dma_wait3A_241 : memref<32xf32, #tpu.memory_space<hbm>>) dst(%arg14 : memref<32xf32, #tpu.memory_space<vmem>>)
        tpu.yield
      }) : () -> ()
      %get3A = arith.constant 0 : index
      %get3A_215 = tpu.vector_load %arg14[%get3A] {strides = array<i32>} : memref<32xf32, #tpu.memory_space<vmem>>, vector<16xf32>,
      %get3A_216 = arith.constant 16 : index
      %get3A_217 = tpu.vector_load %arg14[%get3A_216] {strides = array<i32>} : memref<32xf32, #tpu.memory_space<vmem>>, vector<16xf32>,
      %eq3A_218 = arith.constant 0x4996B438 : f32
      %eq3A_219 = vector.broadcast %eq3A_218 : f32 to vector<16xf32>
      %eq3A_220 = arith.cmpf oeq, %get3A_215, %eq3A_219 : vector<16xf32>
      %eq3A_221 = arith.constant 0x4996B438 : f32
      %eq3A_222 = vector.broadcast %eq3A_221 : f32 to vector<16xf32>
      %eq3A_223 = arith.cmpf oeq, %get3A_217, %eq3A_222 : vector<16xf32>
      %and3A = arith.andi %eq3A_220, %eq3A_223 : vector<16xi1>
      %reduce_and3A = arith.constant 1.000000e+00 : f32
      %reduce_and3A_224 = arith.constant 0.000000e+00 : f32
      %reduce_and3A_225 = vector.broadcast %reduce_and3A : f32 to vector<16xf32>
      %reduce_and3A_226 = vector.broadcast %reduce_and3A_224 : f32 to vector<16xf32>
      %reduce_and3A_227 = arith.select %and3A, %reduce_and3A_225, %reduce_and3A_226 : vector<16xi1>, vector<16xf32>
      %reduce_and3A_228 = arith.constant true
      %reduce_and3A_229 = vector.broadcast %reduce_and3A_228 : i1 to vector<16xi1>
      %reduce_and3A_230 = tpu.scan <min>, %reduce_and3A_227 masked %reduce_and3A_229 : vector<16xf32>, vector<16xi1> -> vector<16xf32>
      %reduce_and3A_231 = vector.extract %reduce_and3A_230[15] : f32 from vector<16xf32>
      %reduce_and3A_232 = arith.constant 0.000000e+00 : f32
      %reduce_and3A_233 = arith.cmpf ogt, %reduce_and3A_231, %reduce_and3A_232 : f32
      scf.yield %reduce_and3A_233 : i1
    }
    "tpu.region"() ({
      %run_scoped3A = tpu.sem_alloc : memref<!tpu.dma_semaphore, #tpu.memory_space<semaphore_mem>>
      %dma_start3A_214 = arith.constant 0 : i32
      %dma_start3A_215 = tpu.memref_slice %arg5[%dma_start3A_214] : memref<32800xf32, #tpu.memory_space<hbm>> -> memref<8192xf32, #tpu.memory_space<hbm>>
      %dma_start3A_216 = arith.constant 0 : i32
      %dma_start3A_217 = tpu.memref_slice %arg5[%dma_start3A_216] : memref<32800xf32, #tpu.memory_space<hbm>> -> memref<8192xf32, #tpu.memory_space<hbm>>
      tpu.enqueue_dma source(%dma_start3A_217 : memref<8192xf32, #tpu.memory_space<hbm>>) target(%arg9 : memref<8192xf32, #tpu.memory_space<vmem>>) target_semaphore(%run_scoped3A : memref<!tpu.dma_semaphore, #tpu.memory_space<semaphore_mem>>)
      %dma_wait3A_218 = arith.constant 0 : i32
      %dma_wait3A_219 = tpu.memref_slice %arg5[%dma_wait3A_218] : memref<32800xf32, #tpu.memory_space<hbm>> -> memref<8192xf32, #tpu.memory_space<hbm>>
      %dma_wait3A_220 = arith.constant 0 : i32
      %dma_wait3A_221 = tpu.memref_slice %arg5[%dma_wait3A_220] : memref<32800xf32, #tpu.memory_space<hbm>> -> memref<8192xf32, #tpu.memory_space<hbm>>
      tpu.wait_dma2 semaphore(%run_scoped3A : memref<!tpu.dma_semaphore, #tpu.memory_space<semaphore_mem>>) src(%dma_wait3A_221 : memref<8192xf32, #tpu.memory_space<hbm>>) dst(%arg9 : memref<8192xf32, #tpu.memory_space<vmem>>)
      tpu.yield
    }) : () -> ()
    %scan3A_139 = arith.constant 0 : i32
    %scan3A_140 = arith.constant 0 : i32
    %scan3A_141 = arith.constant 32 : i32
    %scan3A_142 = arith.addi %scan3A_140, %scan3A_141 : i32
    %scan3A_143 = arith.constant 1 : i32
    %scan3A_144 = scf.for %scan3A_214 = %scan3A_140 to %scan3A_142 step %scan3A_143 iter_args(%scan3A_215 = %scan3A_139) -> (i32)  : i32 {
      %mul3A_216 = arith.constant 16 : i32
      %mul3A_217 = arith.muli %scan3A_214, %mul3A_216 : i32
      %add3A_218 = arith.constant 0 : i32
      %add3A_219 = arith.addi %add3A_218, %mul3A_217 : i32
      %get3A = arith.index_cast %add3A_219 : i32 to index
      %get3A_220 = tpu.vector_load %arg9[%get3A] {strides = array<i32>} : memref<8192xf32, #tpu.memory_space<vmem>>, vector<16xf32>,
      %add3A_221 = arith.addf %broadcast_in_dim3A_1, %get3A_220 : vector<16xf32>
      %add3A_222 = arith.constant 512 : i32
      %add3A_223 = arith.addi %add3A_222, %mul3A_217 : i32
      %get3A_224 = arith.index_cast %add3A_223 : i32 to index
      %get3A_225 = tpu.vector_load %arg9[%get3A_224] {strides = array<i32>} : memref<8192xf32, #tpu.memory_space<vmem>>, vector<16xf32>,
      %add3A_226 = arith.addf %broadcast_in_dim3A_1, %get3A_225 : vector<16xf32>
      %add3A_227 = arith.constant 1024 : i32
      %add3A_228 = arith.addi %add3A_227, %mul3A_217 : i32
      %get3A_229 = arith.index_cast %add3A_228 : i32 to index
      %get3A_230 = tpu.vector_load %arg9[%get3A_229] {strides = array<i32>} : memref<8192xf32, #tpu.memory_space<vmem>>, vector<16xf32>,
      %add3A_231 = arith.addf %add3A_221, %get3A_230 : vector<16xf32>
      %add3A_232 = arith.constant 1536 : i32
      %add3A_233 = arith.addi %add3A_232, %mul3A_217 : i32
      %get3A_234 = arith.index_cast %add3A_233 : i32 to index
      %get3A_235 = tpu.vector_load %arg9[%get3A_234] {strides = array<i32>} : memref<8192xf32, #tpu.memory_space<vmem>>, vector<16xf32>,
      %add3A_236 = arith.addf %add3A_226, %get3A_235 : vector<16xf32>
      %add3A_237 = arith.constant 2048 : i32
      %add3A_238 = arith.addi %add3A_237, %mul3A_217 : i32
      %get3A_239 = arith.index_cast %add3A_238 : i32 to index
      %get3A_240 = tpu.vector_load %arg9[%get3A_239] {strides = array<i32>} : memref<8192xf32, #tpu.memory_space<vmem>>, vector<16xf32>,
      %add3A_241 = arith.addf %add3A_231, %get3A_240 : vector<16xf32>
      %add3A_242 = arith.constant 2560 : i32
      %add3A_243 = arith.addi %add3A_242, %mul3A_217 : i32
      %get3A_244 = arith.index_cast %add3A_243 : i32 to index
      %get3A_245 = tpu.vector_load %arg9[%get3A_244] {strides = array<i32>} : memref<8192xf32, #tpu.memory_space<vmem>>, vector<16xf32>,
      %add3A_246 = arith.addf %add3A_236, %get3A_245 : vector<16xf32>
      %add3A_247 = arith.constant 3072 : i32
      %add3A_248 = arith.addi %add3A_247, %mul3A_217 : i32
      %get3A_249 = arith.index_cast %add3A_248 : i32 to index
      %get3A_250 = tpu.vector_load %arg9[%get3A_249] {strides = array<i32>} : memref<8192xf32, #tpu.memory_space<vmem>>, vector<16xf32>,
      %add3A_251 = arith.addf %add3A_241, %get3A_250 : vector<16xf32>
      %add3A_252 = arith.constant 3584 : i32
      %add3A_253 = arith.addi %add3A_252, %mul3A_217 : i32
      %get3A_254 = arith.index_cast %add3A_253 : i32 to index
      %get3A_255 = tpu.vector_load %arg9[%get3A_254] {strides = array<i32>} : memref<8192xf32, #tpu.memory_space<vmem>>, vector<16xf32>,
      %add3A_256 = arith.addf %add3A_246, %get3A_255 : vector<16xf32>
      %add3A_257 = arith.constant 4096 : i32
      %add3A_258 = arith.addi %add3A_257, %mul3A_217 : i32
      %get3A_259 = arith.index_cast %add3A_258 : i32 to index
      %get3A_260 = tpu.vector_load %arg9[%get3A_259] {strides = array<i32>} : memref<8192xf32, #tpu.memory_space<vmem>>, vector<16xf32>,
      %add3A_261 = arith.addf %add3A_251, %get3A_260 : vector<16xf32>
      %add3A_262 = arith.constant 4608 : i32
      %add3A_263 = arith.addi %add3A_262, %mul3A_217 : i32
      %get3A_264 = arith.index_cast %add3A_263 : i32 to index
      %get3A_265 = tpu.vector_load %arg9[%get3A_264] {strides = array<i32>} : memref<8192xf32, #tpu.memory_space<vmem>>, vector<16xf32>,
      %add3A_266 = arith.addf %add3A_256, %get3A_265 : vector<16xf32>
      %add3A_267 = arith.constant 5120 : i32
      %add3A_268 = arith.addi %add3A_267, %mul3A_217 : i32
      %get3A_269 = arith.index_cast %add3A_268 : i32 to index
      %get3A_270 = tpu.vector_load %arg9[%get3A_269] {strides = array<i32>} : memref<8192xf32, #tpu.memory_space<vmem>>, vector<16xf32>,
      %add3A_271 = arith.addf %add3A_261, %get3A_270 : vector<16xf32>
      %add3A_272 = arith.constant 5632 : i32
      %add3A_273 = arith.addi %add3A_272, %mul3A_217 : i32
      %get3A_274 = arith.index_cast %add3A_273 : i32 to index
      %get3A_275 = tpu.vector_load %arg9[%get3A_274] {strides = array<i32>} : memref<8192xf32, #tpu.memory_space<vmem>>, vector<16xf32>,
      %add3A_276 = arith.addf %add3A_266, %get3A_275 : vector<16xf32>
      %add3A_277 = arith.constant 6144 : i32
      %add3A_278 = arith.addi %add3A_277, %mul3A_217 : i32
      %get3A_279 = arith.index_cast %add3A_278 : i32 to index
      %get3A_280 = tpu.vector_load %arg9[%get3A_279] {strides = array<i32>} : memref<8192xf32, #tpu.memory_space<vmem>>, vector<16xf32>,
      %add3A_281 = arith.addf %add3A_271, %get3A_280 : vector<16xf32>
      %add3A_282 = arith.constant 6656 : i32
      %add3A_283 = arith.addi %add3A_282, %mul3A_217 : i32
      %get3A_284 = arith.index_cast %add3A_283 : i32 to index
      %get3A_285 = tpu.vector_load %arg9[%get3A_284] {strides = array<i32>} : memref<8192xf32, #tpu.memory_space<vmem>>, vector<16xf32>,
      %add3A_286 = arith.addf %add3A_276, %get3A_285 : vector<16xf32>
      %add3A_287 = arith.constant 7168 : i32
      %add3A_288 = arith.addi %add3A_287, %mul3A_217 : i32
      %get3A_289 = arith.index_cast %add3A_288 : i32 to index
      %get3A_290 = tpu.vector_load %arg9[%get3A_289] {strides = array<i32>} : memref<8192xf32, #tpu.memory_space<vmem>>, vector<16xf32>,
      %add3A_291 = arith.addf %add3A_281, %get3A_290 : vector<16xf32>
      %add3A_292 = arith.constant 7680 : i32
      %add3A_293 = arith.addi %add3A_292, %mul3A_217 : i32
      %get3A_294 = arith.index_cast %add3A_293 : i32 to index
      %get3A_295 = tpu.vector_load %arg9[%get3A_294] {strides = array<i32>} : memref<8192xf32, #tpu.memory_space<vmem>>, vector<16xf32>,
      %add3A_296 = arith.addf %add3A_286, %get3A_295 : vector<16xf32>
      %swap3A = arith.index_cast %mul3A_217 : i32 to index
      %swap3A_297 = tpu.vector_load %arg10[%swap3A] {strides = array<i32>} : memref<512xf32, #tpu.memory_space<vmem>>, vector<16xf32>,
      tpu.vector_store %arg10[%swap3A], %add3A_291 {strides = array<i32>} : memref<512xf32, #tpu.memory_space<vmem>>, vector<16xf32>,
      %swap3A_298 = arith.index_cast %mul3A_217 : i32 to index
      %swap3A_299 = tpu.vector_load %arg11[%swap3A_298] {strides = array<i32>} : memref<512xf32, #tpu.memory_space<vmem>>, vector<16xf32>,
      tpu.vector_store %arg11[%swap3A_298], %add3A_296 {strides = array<i32>} : memref<512xf32, #tpu.memory_space<vmem>>, vector<16xf32>,
      %scan3A_300 = arith.constant 0 : i32
      scf.yield %scan3A_300 : i32
    }
    %scan3A_145 = arith.constant 32 : i32
    "tpu.region"() ({
      %run_scoped3A = tpu.sem_alloc : memref<!tpu.dma_semaphore, #tpu.memory_space<semaphore_mem>>
      %dma_start3A_214 = arith.constant 8192 : i32
      %dma_start3A_215 = tpu.memref_slice %arg5[%dma_start3A_214] : memref<32800xf32, #tpu.memory_space<hbm>> -> memref<8192xf32, #tpu.memory_space<hbm>>
      %dma_start3A_216 = arith.constant 8192 : i32
      %dma_start3A_217 = tpu.memref_slice %arg5[%dma_start3A_216] : memref<32800xf32, #tpu.memory_space<hbm>> -> memref<8192xf32, #tpu.memory_space<hbm>>
      tpu.enqueue_dma source(%dma_start3A_217 : memref<8192xf32, #tpu.memory_space<hbm>>) target(%arg9 : memref<8192xf32, #tpu.memory_space<vmem>>) target_semaphore(%run_scoped3A : memref<!tpu.dma_semaphore, #tpu.memory_space<semaphore_mem>>)
      %dma_wait3A_218 = arith.constant 8192 : i32
      %dma_wait3A_219 = tpu.memref_slice %arg5[%dma_wait3A_218] : memref<32800xf32, #tpu.memory_space<hbm>> -> memref<8192xf32, #tpu.memory_space<hbm>>
      %dma_wait3A_220 = arith.constant 8192 : i32
      %dma_wait3A_221 = tpu.memref_slice %arg5[%dma_wait3A_220] : memref<32800xf32, #tpu.memory_space<hbm>> -> memref<8192xf32, #tpu.memory_space<hbm>>
      tpu.wait_dma2 semaphore(%run_scoped3A : memref<!tpu.dma_semaphore, #tpu.memory_space<semaphore_mem>>) src(%dma_wait3A_221 : memref<8192xf32, #tpu.memory_space<hbm>>) dst(%arg9 : memref<8192xf32, #tpu.memory_space<vmem>>)
      tpu.yield
    }) : () -> ()
    %scan3A_146 = arith.constant 0 : i32
    %scan3A_147 = arith.constant 0 : i32
    %scan3A_148 = arith.constant 32 : i32
    %scan3A_149 = arith.addi %scan3A_147, %scan3A_148 : i32
    %scan3A_150 = arith.constant 1 : i32
    %scan3A_151 = scf.for %scan3A_214 = %scan3A_147 to %scan3A_149 step %scan3A_150 iter_args(%scan3A_215 = %scan3A_146) -> (i32)  : i32 {
      %mul3A_216 = arith.constant 16 : i32
      %mul3A_217 = arith.muli %scan3A_214, %mul3A_216 : i32
      %get3A = arith.index_cast %mul3A_217 : i32 to index
      %get3A_218 = tpu.vector_load %arg10[%get3A] {strides = array<i32>} : memref<512xf32, #tpu.memory_space<vmem>>, vector<16xf32>,
      %get3A_219 = arith.index_cast %mul3A_217 : i32 to index
      %get3A_220 = tpu.vector_load %arg11[%get3A_219] {strides = array<i32>} : memref<512xf32, #tpu.memory_space<vmem>>, vector<16xf32>,
      %add3A_221 = arith.constant 0 : i32
      %add3A_222 = arith.addi %add3A_221, %mul3A_217 : i32
      %get3A_223 = arith.index_cast %add3A_222 : i32 to index
      %get3A_224 = tpu.vector_load %arg9[%get3A_223] {strides = array<i32>} : memref<8192xf32, #tpu.memory_space<vmem>>, vector<16xf32>,
      %add3A_225 = arith.addf %get3A_218, %get3A_224 : vector<16xf32>
      %add3A_226 = arith.constant 512 : i32
      %add3A_227 = arith.addi %add3A_226, %mul3A_217 : i32
      %get3A_228 = arith.index_cast %add3A_227 : i32 to index
      %get3A_229 = tpu.vector_load %arg9[%get3A_228] {strides = array<i32>} : memref<8192xf32, #tpu.memory_space<vmem>>, vector<16xf32>,
      %add3A_230 = arith.addf %get3A_220, %get3A_229 : vector<16xf32>
      %add3A_231 = arith.constant 1024 : i32
      %add3A_232 = arith.addi %add3A_231, %mul3A_217 : i32
      %get3A_233 = arith.index_cast %add3A_232 : i32 to index
      %get3A_234 = tpu.vector_load %arg9[%get3A_233] {strides = array<i32>} : memref<8192xf32, #tpu.memory_space<vmem>>, vector<16xf32>,
      %add3A_235 = arith.addf %add3A_225, %get3A_234 : vector<16xf32>
      %add3A_236 = arith.constant 1536 : i32
      %add3A_237 = arith.addi %add3A_236, %mul3A_217 : i32
      %get3A_238 = arith.index_cast %add3A_237 : i32 to index
      %get3A_239 = tpu.vector_load %arg9[%get3A_238] {strides = array<i32>} : memref<8192xf32, #tpu.memory_space<vmem>>, vector<16xf32>,
      %add3A_240 = arith.addf %add3A_230, %get3A_239 : vector<16xf32>
      %add3A_241 = arith.constant 2048 : i32
      %add3A_242 = arith.addi %add3A_241, %mul3A_217 : i32
      %get3A_243 = arith.index_cast %add3A_242 : i32 to index
      %get3A_244 = tpu.vector_load %arg9[%get3A_243] {strides = array<i32>} : memref<8192xf32, #tpu.memory_space<vmem>>, vector<16xf32>,
      %add3A_245 = arith.addf %add3A_235, %get3A_244 : vector<16xf32>
      %add3A_246 = arith.constant 2560 : i32
      %add3A_247 = arith.addi %add3A_246, %mul3A_217 : i32
      %get3A_248 = arith.index_cast %add3A_247 : i32 to index
      %get3A_249 = tpu.vector_load %arg9[%get3A_248] {strides = array<i32>} : memref<8192xf32, #tpu.memory_space<vmem>>, vector<16xf32>,
      %add3A_250 = arith.addf %add3A_240, %get3A_249 : vector<16xf32>
      %add3A_251 = arith.constant 3072 : i32
      %add3A_252 = arith.addi %add3A_251, %mul3A_217 : i32
      %get3A_253 = arith.index_cast %add3A_252 : i32 to index
      %get3A_254 = tpu.vector_load %arg9[%get3A_253] {strides = array<i32>} : memref<8192xf32, #tpu.memory_space<vmem>>, vector<16xf32>,
      %add3A_255 = arith.addf %add3A_245, %get3A_254 : vector<16xf32>
      %add3A_256 = arith.constant 3584 : i32
      %add3A_257 = arith.addi %add3A_256, %mul3A_217 : i32
      %get3A_258 = arith.index_cast %add3A_257 : i32 to index
      %get3A_259 = tpu.vector_load %arg9[%get3A_258] {strides = array<i32>} : memref<8192xf32, #tpu.memory_space<vmem>>, vector<16xf32>,
      %add3A_260 = arith.addf %add3A_250, %get3A_259 : vector<16xf32>
      %add3A_261 = arith.constant 4096 : i32
      %add3A_262 = arith.addi %add3A_261, %mul3A_217 : i32
      %get3A_263 = arith.index_cast %add3A_262 : i32 to index
      %get3A_264 = tpu.vector_load %arg9[%get3A_263] {strides = array<i32>} : memref<8192xf32, #tpu.memory_space<vmem>>, vector<16xf32>,
      %add3A_265 = arith.addf %add3A_255, %get3A_264 : vector<16xf32>
      %add3A_266 = arith.constant 4608 : i32
      %add3A_267 = arith.addi %add3A_266, %mul3A_217 : i32
      %get3A_268 = arith.index_cast %add3A_267 : i32 to index
      %get3A_269 = tpu.vector_load %arg9[%get3A_268] {strides = array<i32>} : memref<8192xf32, #tpu.memory_space<vmem>>, vector<16xf32>,
      %add3A_270 = arith.addf %add3A_260, %get3A_269 : vector<16xf32>
      %add3A_271 = arith.constant 5120 : i32
      %add3A_272 = arith.addi %add3A_271, %mul3A_217 : i32
      %get3A_273 = arith.index_cast %add3A_272 : i32 to index
      %get3A_274 = tpu.vector_load %arg9[%get3A_273] {strides = array<i32>} : memref<8192xf32, #tpu.memory_space<vmem>>, vector<16xf32>,
      %add3A_275 = arith.addf %add3A_265, %get3A_274 : vector<16xf32>
      %add3A_276 = arith.constant 5632 : i32
      %add3A_277 = arith.addi %add3A_276, %mul3A_217 : i32
      %get3A_278 = arith.index_cast %add3A_277 : i32 to index
      %get3A_279 = tpu.vector_load %arg9[%get3A_278] {strides = array<i32>} : memref<8192xf32, #tpu.memory_space<vmem>>, vector<16xf32>,
      %add3A_280 = arith.addf %add3A_270, %get3A_279 : vector<16xf32>
      %add3A_281 = arith.constant 6144 : i32
      %add3A_282 = arith.addi %add3A_281, %mul3A_217 : i32
      %get3A_283 = arith.index_cast %add3A_282 : i32 to index
      %get3A_284 = tpu.vector_load %arg9[%get3A_283] {strides = array<i32>} : memref<8192xf32, #tpu.memory_space<vmem>>, vector<16xf32>,
      %add3A_285 = arith.addf %add3A_275, %get3A_284 : vector<16xf32>
      %add3A_286 = arith.constant 6656 : i32
      %add3A_287 = arith.addi %add3A_286, %mul3A_217 : i32
      %get3A_288 = arith.index_cast %add3A_287 : i32 to index
      %get3A_289 = tpu.vector_load %arg9[%get3A_288] {strides = array<i32>} : memref<8192xf32, #tpu.memory_space<vmem>>, vector<16xf32>,
      %add3A_290 = arith.addf %add3A_280, %get3A_289 : vector<16xf32>
      %add3A_291 = arith.constant 7168 : i32
      %add3A_292 = arith.addi %add3A_291, %mul3A_217 : i32
      %get3A_293 = arith.index_cast %add3A_292 : i32 to index
      %get3A_294 = tpu.vector_load %arg9[%get3A_293] {strides = array<i32>} : memref<8192xf32, #tpu.memory_space<vmem>>, vector<16xf32>,
      %add3A_295 = arith.addf %add3A_285, %get3A_294 : vector<16xf32>
      %add3A_296 = arith.constant 7680 : i32
      %add3A_297 = arith.addi %add3A_296, %mul3A_217 : i32
      %get3A_298 = arith.index_cast %add3A_297 : i32 to index
      %get3A_299 = tpu.vector_load %arg9[%get3A_298] {strides = array<i32>} : memref<8192xf32, #tpu.memory_space<vmem>>, vector<16xf32>,
      %add3A_300 = arith.addf %add3A_290, %get3A_299 : vector<16xf32>
      %swap3A = arith.index_cast %mul3A_217 : i32 to index
      %swap3A_301 = tpu.vector_load %arg10[%swap3A] {strides = array<i32>} : memref<512xf32, #tpu.memory_space<vmem>>, vector<16xf32>,
      tpu.vector_store %arg10[%swap3A], %add3A_295 {strides = array<i32>} : memref<512xf32, #tpu.memory_space<vmem>>, vector<16xf32>,
      %swap3A_302 = arith.index_cast %mul3A_217 : i32 to index
      %swap3A_303 = tpu.vector_load %arg11[%swap3A_302] {strides = array<i32>} : memref<512xf32, #tpu.memory_space<vmem>>, vector<16xf32>,
      tpu.vector_store %arg11[%swap3A_302], %add3A_300 {strides = array<i32>} : memref<512xf32, #tpu.memory_space<vmem>>, vector<16xf32>,
      %scan3A_304 = arith.constant 0 : i32
      scf.yield %scan3A_304 : i32
    }
    %scan3A_152 = arith.constant 32 : i32
    "tpu.region"() ({
      %run_scoped3A = tpu.sem_alloc : memref<!tpu.dma_semaphore, #tpu.memory_space<semaphore_mem>>
      %dma_start3A_214 = arith.constant 16384 : i32
      %dma_start3A_215 = tpu.memref_slice %arg5[%dma_start3A_214] : memref<32800xf32, #tpu.memory_space<hbm>> -> memref<8192xf32, #tpu.memory_space<hbm>>
      %dma_start3A_216 = arith.constant 16384 : i32
      %dma_start3A_217 = tpu.memref_slice %arg5[%dma_start3A_216] : memref<32800xf32, #tpu.memory_space<hbm>> -> memref<8192xf32, #tpu.memory_space<hbm>>
      tpu.enqueue_dma source(%dma_start3A_217 : memref<8192xf32, #tpu.memory_space<hbm>>) target(%arg9 : memref<8192xf32, #tpu.memory_space<vmem>>) target_semaphore(%run_scoped3A : memref<!tpu.dma_semaphore, #tpu.memory_space<semaphore_mem>>)
      %dma_wait3A_218 = arith.constant 16384 : i32
      %dma_wait3A_219 = tpu.memref_slice %arg5[%dma_wait3A_218] : memref<32800xf32, #tpu.memory_space<hbm>> -> memref<8192xf32, #tpu.memory_space<hbm>>
      %dma_wait3A_220 = arith.constant 16384 : i32
      %dma_wait3A_221 = tpu.memref_slice %arg5[%dma_wait3A_220] : memref<32800xf32, #tpu.memory_space<hbm>> -> memref<8192xf32, #tpu.memory_space<hbm>>
      tpu.wait_dma2 semaphore(%run_scoped3A : memref<!tpu.dma_semaphore, #tpu.memory_space<semaphore_mem>>) src(%dma_wait3A_221 : memref<8192xf32, #tpu.memory_space<hbm>>) dst(%arg9 : memref<8192xf32, #tpu.memory_space<vmem>>)
      tpu.yield
    }) : () -> ()
    %scan3A_153 = arith.constant 0 : i32
    %scan3A_154 = arith.constant 0 : i32
    %scan3A_155 = arith.constant 32 : i32
    %scan3A_156 = arith.addi %scan3A_154, %scan3A_155 : i32
    %scan3A_157 = arith.constant 1 : i32
    %scan3A_158 = scf.for %scan3A_214 = %scan3A_154 to %scan3A_156 step %scan3A_157 iter_args(%scan3A_215 = %scan3A_153) -> (i32)  : i32 {
      %mul3A_216 = arith.constant 16 : i32
      %mul3A_217 = arith.muli %scan3A_214, %mul3A_216 : i32
      %get3A = arith.index_cast %mul3A_217 : i32 to index
      %get3A_218 = tpu.vector_load %arg10[%get3A] {strides = array<i32>} : memref<512xf32, #tpu.memory_space<vmem>>, vector<16xf32>,
      %get3A_219 = arith.index_cast %mul3A_217 : i32 to index
      %get3A_220 = tpu.vector_load %arg11[%get3A_219] {strides = array<i32>} : memref<512xf32, #tpu.memory_space<vmem>>, vector<16xf32>,
      %add3A_221 = arith.constant 0 : i32
      %add3A_222 = arith.addi %add3A_221, %mul3A_217 : i32
      %get3A_223 = arith.index_cast %add3A_222 : i32 to index
      %get3A_224 = tpu.vector_load %arg9[%get3A_223] {strides = array<i32>} : memref<8192xf32, #tpu.memory_space<vmem>>, vector<16xf32>,
      %add3A_225 = arith.addf %get3A_218, %get3A_224 : vector<16xf32>
      %add3A_226 = arith.constant 512 : i32
      %add3A_227 = arith.addi %add3A_226, %mul3A_217 : i32
      %get3A_228 = arith.index_cast %add3A_227 : i32 to index
      %get3A_229 = tpu.vector_load %arg9[%get3A_228] {strides = array<i32>} : memref<8192xf32, #tpu.memory_space<vmem>>, vector<16xf32>,
      %add3A_230 = arith.addf %get3A_220, %get3A_229 : vector<16xf32>
      %add3A_231 = arith.constant 1024 : i32
      %add3A_232 = arith.addi %add3A_231, %mul3A_217 : i32
      %get3A_233 = arith.index_cast %add3A_232 : i32 to index
      %get3A_234 = tpu.vector_load %arg9[%get3A_233] {strides = array<i32>} : memref<8192xf32, #tpu.memory_space<vmem>>, vector<16xf32>,
      %add3A_235 = arith.addf %add3A_225, %get3A_234 : vector<16xf32>
      %add3A_236 = arith.constant 1536 : i32
      %add3A_237 = arith.addi %add3A_236, %mul3A_217 : i32
      %get3A_238 = arith.index_cast %add3A_237 : i32 to index
      %get3A_239 = tpu.vector_load %arg9[%get3A_238] {strides = array<i32>} : memref<8192xf32, #tpu.memory_space<vmem>>, vector<16xf32>,
      %add3A_240 = arith.addf %add3A_230, %get3A_239 : vector<16xf32>
      %add3A_241 = arith.constant 2048 : i32
      %add3A_242 = arith.addi %add3A_241, %mul3A_217 : i32
      %get3A_243 = arith.index_cast %add3A_242 : i32 to index
      %get3A_244 = tpu.vector_load %arg9[%get3A_243] {strides = array<i32>} : memref<8192xf32, #tpu.memory_space<vmem>>, vector<16xf32>,
      %add3A_245 = arith.addf %add3A_235, %get3A_244 : vector<16xf32>
      %add3A_246 = arith.constant 2560 : i32
      %add3A_247 = arith.addi %add3A_246, %mul3A_217 : i32
      %get3A_248 = arith.index_cast %add3A_247 : i32 to index
      %get3A_249 = tpu.vector_load %arg9[%get3A_248] {strides = array<i32>} : memref<8192xf32, #tpu.memory_space<vmem>>, vector<16xf32>,
      %add3A_250 = arith.addf %add3A_240, %get3A_249 : vector<16xf32>
      %add3A_251 = arith.constant 3072 : i32
      %add3A_252 = arith.addi %add3A_251, %mul3A_217 : i32
      %get3A_253 = arith.index_cast %add3A_252 : i32 to index
      %get3A_254 = tpu.vector_load %arg9[%get3A_253] {strides = array<i32>} : memref<8192xf32, #tpu.memory_space<vmem>>, vector<16xf32>,
      %add3A_255 = arith.addf %add3A_245, %get3A_254 : vector<16xf32>
      %add3A_256 = arith.constant 3584 : i32
      %add3A_257 = arith.addi %add3A_256, %mul3A_217 : i32
      %get3A_258 = arith.index_cast %add3A_257 : i32 to index
      %get3A_259 = tpu.vector_load %arg9[%get3A_258] {strides = array<i32>} : memref<8192xf32, #tpu.memory_space<vmem>>, vector<16xf32>,
      %add3A_260 = arith.addf %add3A_250, %get3A_259 : vector<16xf32>
      %add3A_261 = arith.constant 4096 : i32
      %add3A_262 = arith.addi %add3A_261, %mul3A_217 : i32
      %get3A_263 = arith.index_cast %add3A_262 : i32 to index
      %get3A_264 = tpu.vector_load %arg9[%get3A_263] {strides = array<i32>} : memref<8192xf32, #tpu.memory_space<vmem>>, vector<16xf32>,
      %add3A_265 = arith.addf %add3A_255, %get3A_264 : vector<16xf32>
      %add3A_266 = arith.constant 4608 : i32
      %add3A_267 = arith.addi %add3A_266, %mul3A_217 : i32
      %get3A_268 = arith.index_cast %add3A_267 : i32 to index
      %get3A_269 = tpu.vector_load %arg9[%get3A_268] {strides = array<i32>} : memref<8192xf32, #tpu.memory_space<vmem>>, vector<16xf32>,
      %add3A_270 = arith.addf %add3A_260, %get3A_269 : vector<16xf32>
      %add3A_271 = arith.constant 5120 : i32
      %add3A_272 = arith.addi %add3A_271, %mul3A_217 : i32
      %get3A_273 = arith.index_cast %add3A_272 : i32 to index
      %get3A_274 = tpu.vector_load %arg9[%get3A_273] {strides = array<i32>} : memref<8192xf32, #tpu.memory_space<vmem>>, vector<16xf32>,
      %add3A_275 = arith.addf %add3A_265, %get3A_274 : vector<16xf32>
      %add3A_276 = arith.constant 5632 : i32
      %add3A_277 = arith.addi %add3A_276, %mul3A_217 : i32
      %get3A_278 = arith.index_cast %add3A_277 : i32 to index
      %get3A_279 = tpu.vector_load %arg9[%get3A_278] {strides = array<i32>} : memref<8192xf32, #tpu.memory_space<vmem>>, vector<16xf32>,
      %add3A_280 = arith.addf %add3A_270, %get3A_279 : vector<16xf32>
      %add3A_281 = arith.constant 6144 : i32
      %add3A_282 = arith.addi %add3A_281, %mul3A_217 : i32
      %get3A_283 = arith.index_cast %add3A_282 : i32 to index
      %get3A_284 = tpu.vector_load %arg9[%get3A_283] {strides = array<i32>} : memref<8192xf32, #tpu.memory_space<vmem>>, vector<16xf32>,
      %add3A_285 = arith.addf %add3A_275, %get3A_284 : vector<16xf32>
      %add3A_286 = arith.constant 6656 : i32
      %add3A_287 = arith.addi %add3A_286, %mul3A_217 : i32
      %get3A_288 = arith.index_cast %add3A_287 : i32 to index
      %get3A_289 = tpu.vector_load %arg9[%get3A_288] {strides = array<i32>} : memref<8192xf32, #tpu.memory_space<vmem>>, vector<16xf32>,
      %add3A_290 = arith.addf %add3A_280, %get3A_289 : vector<16xf32>
      %add3A_291 = arith.constant 7168 : i32
      %add3A_292 = arith.addi %add3A_291, %mul3A_217 : i32
      %get3A_293 = arith.index_cast %add3A_292 : i32 to index
      %get3A_294 = tpu.vector_load %arg9[%get3A_293] {strides = array<i32>} : memref<8192xf32, #tpu.memory_space<vmem>>, vector<16xf32>,
      %add3A_295 = arith.addf %add3A_285, %get3A_294 : vector<16xf32>
      %add3A_296 = arith.constant 7680 : i32
      %add3A_297 = arith.addi %add3A_296, %mul3A_217 : i32
      %get3A_298 = arith.index_cast %add3A_297 : i32 to index
      %get3A_299 = tpu.vector_load %arg9[%get3A_298] {strides = array<i32>} : memref<8192xf32, #tpu.memory_space<vmem>>, vector<16xf32>,
      %add3A_300 = arith.addf %add3A_290, %get3A_299 : vector<16xf32>
      %swap3A = arith.index_cast %mul3A_217 : i32 to index
      %swap3A_301 = tpu.vector_load %arg10[%swap3A] {strides = array<i32>} : memref<512xf32, #tpu.memory_space<vmem>>, vector<16xf32>,
      tpu.vector_store %arg10[%swap3A], %add3A_295 {strides = array<i32>} : memref<512xf32, #tpu.memory_space<vmem>>, vector<16xf32>,
      %swap3A_302 = arith.index_cast %mul3A_217 : i32 to index
      %swap3A_303 = tpu.vector_load %arg11[%swap3A_302] {strides = array<i32>} : memref<512xf32, #tpu.memory_space<vmem>>, vector<16xf32>,
      tpu.vector_store %arg11[%swap3A_302], %add3A_300 {strides = array<i32>} : memref<512xf32, #tpu.memory_space<vmem>>, vector<16xf32>,
      %scan3A_304 = arith.constant 0 : i32
      scf.yield %scan3A_304 : i32
    }
    %scan3A_159 = arith.constant 32 : i32
    "tpu.region"() ({
      %run_scoped3A = tpu.sem_alloc : memref<!tpu.dma_semaphore, #tpu.memory_space<semaphore_mem>>
      %dma_start3A_214 = arith.constant 24576 : i32
      %dma_start3A_215 = tpu.memref_slice %arg5[%dma_start3A_214] : memref<32800xf32, #tpu.memory_space<hbm>> -> memref<8192xf32, #tpu.memory_space<hbm>>
      %dma_start3A_216 = arith.constant 24576 : i32
      %dma_start3A_217 = tpu.memref_slice %arg5[%dma_start3A_216] : memref<32800xf32, #tpu.memory_space<hbm>> -> memref<8192xf32, #tpu.memory_space<hbm>>
      tpu.enqueue_dma source(%dma_start3A_217 : memref<8192xf32, #tpu.memory_space<hbm>>) target(%arg9 : memref<8192xf32, #tpu.memory_space<vmem>>) target_semaphore(%run_scoped3A : memref<!tpu.dma_semaphore, #tpu.memory_space<semaphore_mem>>)
      %dma_wait3A_218 = arith.constant 24576 : i32
      %dma_wait3A_219 = tpu.memref_slice %arg5[%dma_wait3A_218] : memref<32800xf32, #tpu.memory_space<hbm>> -> memref<8192xf32, #tpu.memory_space<hbm>>
      %dma_wait3A_220 = arith.constant 24576 : i32
      %dma_wait3A_221 = tpu.memref_slice %arg5[%dma_wait3A_220] : memref<32800xf32, #tpu.memory_space<hbm>> -> memref<8192xf32, #tpu.memory_space<hbm>>
      tpu.wait_dma2 semaphore(%run_scoped3A : memref<!tpu.dma_semaphore, #tpu.memory_space<semaphore_mem>>) src(%dma_wait3A_221 : memref<8192xf32, #tpu.memory_space<hbm>>) dst(%arg9 : memref<8192xf32, #tpu.memory_space<vmem>>)
      tpu.yield
    }) : () -> ()
    %scan3A_160 = arith.constant 0 : i32
    %scan3A_161 = arith.constant 0 : i32
    %scan3A_162 = arith.constant 32 : i32
    %scan3A_163 = arith.addi %scan3A_161, %scan3A_162 : i32
    %scan3A_164 = arith.constant 1 : i32
    %scan3A_165 = scf.for %scan3A_214 = %scan3A_161 to %scan3A_163 step %scan3A_164 iter_args(%scan3A_215 = %scan3A_160) -> (i32)  : i32 {
      %mul3A_216 = arith.constant 16 : i32
      %mul3A_217 = arith.muli %scan3A_214, %mul3A_216 : i32
      %get3A = arith.index_cast %mul3A_217 : i32 to index
      %get3A_218 = tpu.vector_load %arg10[%get3A] {strides = array<i32>} : memref<512xf32, #tpu.memory_space<vmem>>, vector<16xf32>,
      %get3A_219 = arith.index_cast %mul3A_217 : i32 to index
      %get3A_220 = tpu.vector_load %arg11[%get3A_219] {strides = array<i32>} : memref<512xf32, #tpu.memory_space<vmem>>, vector<16xf32>,
      %add3A_221 = arith.constant 0 : i32
      %add3A_222 = arith.addi %add3A_221, %mul3A_217 : i32
      %get3A_223 = arith.index_cast %add3A_222 : i32 to index
      %get3A_224 = tpu.vector_load %arg9[%get3A_223] {strides = array<i32>} : memref<8192xf32, #tpu.memory_space<vmem>>, vector<16xf32>,
      %add3A_225 = arith.addf %get3A_218, %get3A_224 : vector<16xf32>
      %add3A_226 = arith.constant 512 : i32
      %add3A_227 = arith.addi %add3A_226, %mul3A_217 : i32
      %get3A_228 = arith.index_cast %add3A_227 : i32 to index
      %get3A_229 = tpu.vector_load %arg9[%get3A_228] {strides = array<i32>} : memref<8192xf32, #tpu.memory_space<vmem>>, vector<16xf32>,
      %add3A_230 = arith.addf %get3A_220, %get3A_229 : vector<16xf32>
      %add3A_231 = arith.constant 1024 : i32
      %add3A_232 = arith.addi %add3A_231, %mul3A_217 : i32
      %get3A_233 = arith.index_cast %add3A_232 : i32 to index
      %get3A_234 = tpu.vector_load %arg9[%get3A_233] {strides = array<i32>} : memref<8192xf32, #tpu.memory_space<vmem>>, vector<16xf32>,
      %add3A_235 = arith.addf %add3A_225, %get3A_234 : vector<16xf32>
      %add3A_236 = arith.constant 1536 : i32
      %add3A_237 = arith.addi %add3A_236, %mul3A_217 : i32
      %get3A_238 = arith.index_cast %add3A_237 : i32 to index
      %get3A_239 = tpu.vector_load %arg9[%get3A_238] {strides = array<i32>} : memref<8192xf32, #tpu.memory_space<vmem>>, vector<16xf32>,
      %add3A_240 = arith.addf %add3A_230, %get3A_239 : vector<16xf32>
      %add3A_241 = arith.constant 2048 : i32
      %add3A_242 = arith.addi %add3A_241, %mul3A_217 : i32
      %get3A_243 = arith.index_cast %add3A_242 : i32 to index
      %get3A_244 = tpu.vector_load %arg9[%get3A_243] {strides = array<i32>} : memref<8192xf32, #tpu.memory_space<vmem>>, vector<16xf32>,
      %add3A_245 = arith.addf %add3A_235, %get3A_244 : vector<16xf32>
      %add3A_246 = arith.constant 2560 : i32
      %add3A_247 = arith.addi %add3A_246, %mul3A_217 : i32
      %get3A_248 = arith.index_cast %add3A_247 : i32 to index
      %get3A_249 = tpu.vector_load %arg9[%get3A_248] {strides = array<i32>} : memref<8192xf32, #tpu.memory_space<vmem>>, vector<16xf32>,
      %add3A_250 = arith.addf %add3A_240, %get3A_249 : vector<16xf32>
      %add3A_251 = arith.constant 3072 : i32
      %add3A_252 = arith.addi %add3A_251, %mul3A_217 : i32
      %get3A_253 = arith.index_cast %add3A_252 : i32 to index
      %get3A_254 = tpu.vector_load %arg9[%get3A_253] {strides = array<i32>} : memref<8192xf32, #tpu.memory_space<vmem>>, vector<16xf32>,
      %add3A_255 = arith.addf %add3A_245, %get3A_254 : vector<16xf32>
      %add3A_256 = arith.constant 3584 : i32
      %add3A_257 = arith.addi %add3A_256, %mul3A_217 : i32
      %get3A_258 = arith.index_cast %add3A_257 : i32 to index
      %get3A_259 = tpu.vector_load %arg9[%get3A_258] {strides = array<i32>} : memref<8192xf32, #tpu.memory_space<vmem>>, vector<16xf32>,
      %add3A_260 = arith.addf %add3A_250, %get3A_259 : vector<16xf32>
      %add3A_261 = arith.constant 4096 : i32
      %add3A_262 = arith.addi %add3A_261, %mul3A_217 : i32
      %get3A_263 = arith.index_cast %add3A_262 : i32 to index
      %get3A_264 = tpu.vector_load %arg9[%get3A_263] {strides = array<i32>} : memref<8192xf32, #tpu.memory_space<vmem>>, vector<16xf32>,
      %add3A_265 = arith.addf %add3A_255, %get3A_264 : vector<16xf32>
      %add3A_266 = arith.constant 4608 : i32
      %add3A_267 = arith.addi %add3A_266, %mul3A_217 : i32
      %get3A_268 = arith.index_cast %add3A_267 : i32 to index
      %get3A_269 = tpu.vector_load %arg9[%get3A_268] {strides = array<i32>} : memref<8192xf32, #tpu.memory_space<vmem>>, vector<16xf32>,
      %add3A_270 = arith.addf %add3A_260, %get3A_269 : vector<16xf32>
      %add3A_271 = arith.constant 5120 : i32
      %add3A_272 = arith.addi %add3A_271, %mul3A_217 : i32
      %get3A_273 = arith.index_cast %add3A_272 : i32 to index
      %get3A_274 = tpu.vector_load %arg9[%get3A_273] {strides = array<i32>} : memref<8192xf32, #tpu.memory_space<vmem>>, vector<16xf32>,
      %add3A_275 = arith.addf %add3A_265, %get3A_274 : vector<16xf32>
      %add3A_276 = arith.constant 5632 : i32
      %add3A_277 = arith.addi %add3A_276, %mul3A_217 : i32
      %get3A_278 = arith.index_cast %add3A_277 : i32 to index
      %get3A_279 = tpu.vector_load %arg9[%get3A_278] {strides = array<i32>} : memref<8192xf32, #tpu.memory_space<vmem>>, vector<16xf32>,
      %add3A_280 = arith.addf %add3A_270, %get3A_279 : vector<16xf32>
      %add3A_281 = arith.constant 6144 : i32
      %add3A_282 = arith.addi %add3A_281, %mul3A_217 : i32
      %get3A_283 = arith.index_cast %add3A_282 : i32 to index
      %get3A_284 = tpu.vector_load %arg9[%get3A_283] {strides = array<i32>} : memref<8192xf32, #tpu.memory_space<vmem>>, vector<16xf32>,
      %add3A_285 = arith.addf %add3A_275, %get3A_284 : vector<16xf32>
      %add3A_286 = arith.constant 6656 : i32
      %add3A_287 = arith.addi %add3A_286, %mul3A_217 : i32
      %get3A_288 = arith.index_cast %add3A_287 : i32 to index
      %get3A_289 = tpu.vector_load %arg9[%get3A_288] {strides = array<i32>} : memref<8192xf32, #tpu.memory_space<vmem>>, vector<16xf32>,
      %add3A_290 = arith.addf %add3A_280, %get3A_289 : vector<16xf32>
      %add3A_291 = arith.constant 7168 : i32
      %add3A_292 = arith.addi %add3A_291, %mul3A_217 : i32
      %get3A_293 = arith.index_cast %add3A_292 : i32 to index
      %get3A_294 = tpu.vector_load %arg9[%get3A_293] {strides = array<i32>} : memref<8192xf32, #tpu.memory_space<vmem>>, vector<16xf32>,
      %add3A_295 = arith.addf %add3A_285, %get3A_294 : vector<16xf32>
      %add3A_296 = arith.constant 7680 : i32
      %add3A_297 = arith.addi %add3A_296, %mul3A_217 : i32
      %get3A_298 = arith.index_cast %add3A_297 : i32 to index
      %get3A_299 = tpu.vector_load %arg9[%get3A_298] {strides = array<i32>} : memref<8192xf32, #tpu.memory_space<vmem>>, vector<16xf32>,
      %add3A_300 = arith.addf %add3A_290, %get3A_299 : vector<16xf32>
      %swap3A = arith.index_cast %mul3A_217 : i32 to index
      %swap3A_301 = tpu.vector_load %arg10[%swap3A] {strides = array<i32>} : memref<512xf32, #tpu.memory_space<vmem>>, vector<16xf32>,
      tpu.vector_store %arg10[%swap3A], %add3A_295 {strides = array<i32>} : memref<512xf32, #tpu.memory_space<vmem>>, vector<16xf32>,
      %swap3A_302 = arith.index_cast %mul3A_217 : i32 to index
      %swap3A_303 = tpu.vector_load %arg11[%swap3A_302] {strides = array<i32>} : memref<512xf32, #tpu.memory_space<vmem>>, vector<16xf32>,
      tpu.vector_store %arg11[%swap3A_302], %add3A_300 {strides = array<i32>} : memref<512xf32, #tpu.memory_space<vmem>>, vector<16xf32>,
      %scan3A_304 = arith.constant 0 : i32
      scf.yield %scan3A_304 : i32
    }
    %scan3A_166 = arith.constant 32 : i32
    %scan3A_167 = arith.constant 0 : i32
    %scan3A_168 = arith.constant 0 : i32
    %scan3A_169 = arith.constant 32 : i32
    %scan3A_170 = arith.addi %scan3A_168, %scan3A_169 : i32
    %scan3A_171 = arith.constant 1 : i32
    %scan3A_172 = scf.for %scan3A_214 = %scan3A_168 to %scan3A_170 step %scan3A_171 iter_args(%scan3A_215 = %scan3A_167) -> (i32)  : i32 {
      %mul3A_216 = arith.constant 16 : i32
      %mul3A_217 = arith.muli %scan3A_214, %mul3A_216 : i32
      %get3A = arith.index_cast %mul3A_217 : i32 to index
      %get3A_218 = tpu.vector_load %arg10[%get3A] {strides = array<i32>} : memref<512xf32, #tpu.memory_space<vmem>>, vector<16xf32>,
      %get3A_219 = arith.index_cast %mul3A_217 : i32 to index
      %get3A_220 = tpu.vector_load %arg11[%get3A_219] {strides = array<i32>} : memref<512xf32, #tpu.memory_space<vmem>>, vector<16xf32>,
      %max3A = arith.constant 1.000000e+00 : f32
      %max3A_221 = vector.broadcast %max3A : f32 to vector<16xf32>
      %max3A_222 = arith.maximumf %get3A_220, %max3A_221 : vector<16xf32>
      %div3A = arith.divf %get3A_218, %max3A_222 : vector<16xf32>
      %add3A_223 = vector.broadcast %mul3A_217 : i32 to vector<16xi32>
      %add3A_224 = arith.addi %iota3A, %add3A_223 : vector<16xi32>
      %lt3A = arith.constant 2.000000e-01 : f32
      %lt3A_225 = vector.broadcast %lt3A : f32 to vector<16xf32>
      %lt3A_226 = arith.cmpf olt, %div3A, %lt3A_225 : vector<16xf32>
      %gt3A = arith.constant 8.000000e-01 : f32
      %gt3A_227 = vector.broadcast %gt3A : f32 to vector<16xf32>
      %gt3A_228 = arith.cmpf ogt, %div3A, %gt3A_227 : vector<16xf32>
      %or3A = arith.ori %lt3A_226, %gt3A_228 : vector<16xi1>
      %ne3A = arith.constant 0 : i32
      %ne3A_229 = vector.broadcast %ne3A : i32 to vector<16xi32>
      %ne3A_230 = arith.cmpi ne, %add3A_224, %ne3A_229 : vector<16xi32>
      %and3A = arith.andi %or3A, %ne3A_230 : vector<16xi1>
      %gt3A_231 = arith.constant 0.000000e+00 : f32
      %gt3A_232 = vector.broadcast %gt3A_231 : f32 to vector<16xf32>
      %gt3A_233 = arith.cmpf ogt, %get3A_220, %gt3A_232 : vector<16xf32>
      %and3A_234 = arith.andi %and3A, %gt3A_233 : vector<16xi1>
      %jit3A = arith.constant 0 : i32
      %broadcast_in_dim3A_235 = vector.broadcast %jit3A : i32 to vector<16xi32>
      %select_n3A = arith.select %and3A_234, %broadcast_in_dim3A_235, %add3A_224 : vector<16xi1>, vector<16xi32>
      %swap3A = arith.index_cast %mul3A_217 : i32 to index
      %swap3A_236 = tpu.vector_load %arg13[%swap3A] {strides = array<i32>} : memref<512xi32, #tpu.memory_space<vmem>>, vector<16xi32>,
      tpu.vector_store %arg13[%swap3A], %select_n3A {strides = array<i32>} : memref<512xi32, #tpu.memory_space<vmem>>, vector<16xi32>,
      %scan3A_237 = arith.constant 0 : i32
      scf.yield %scan3A_237 : i32
    }
    %scan3A_173 = arith.constant 32 : i32
    %scan3A_174 = arith.constant 0 : i32
    %scan3A_175 = arith.constant 0 : i32
    %scan3A_176 = arith.constant 8 : i32
    %scan3A_177 = arith.addi %scan3A_175, %scan3A_176 : i32
    %scan3A_178 = arith.constant 1 : i32
    %scan3A_179 = scf.for %scan3A_214 = %scan3A_175 to %scan3A_177 step %scan3A_178 iter_args(%scan3A_215 = %scan3A_174) -> (i32)  : i32 {
      %mul3A_216 = arith.constant 2 : i32
      %mul3A_217 = arith.muli %scan3A_214, %mul3A_216 : i32
      %add3A_218 = arith.constant 0 : i32
      %add3A_219 = arith.addi %mul3A_217, %add3A_218 : i32
      %mul3A_220 = arith.constant 32 : i32
      %mul3A_221 = arith.muli %add3A_219, %mul3A_220 : i32
      %dma_wait3A_222 = arith.constant 0 : i32
      %dma_wait3A_223 = arith.constant 0 : i32
      %dma_wait3A_224 = arith.constant 0 : i32
      %dma_wait3A_225 = tpu.memref_slice %arg6[%dma_wait3A_222, %dma_wait3A_223, %dma_wait3A_224] : memref<2x32x512xi32, #tpu.memory_space<vmem>> -> memref<1x32x512xi32, #tpu.memory_space<vmem>>
      %dma_wait3A_226 = tpu.memref_squeeze %dma_wait3A_225 : memref<1x32x512xi32, #tpu.memory_space<vmem>> -> memref<32x512xi32, #tpu.memory_space<vmem>>
      %dma_wait3A_227 = arith.constant 0 : i32
      %dma_wait3A_228 = tpu.memref_slice %arg2[%add3A, %mul3A_221, %dma_wait3A_227] : memref<32x512x512xi32, #tpu.memory_space<hbm>> -> memref<1x32x512xi32, #tpu.memory_space<hbm>>
      %dma_wait3A_229 = tpu.memref_squeeze %dma_wait3A_228 : memref<1x32x512xi32, #tpu.memory_space<hbm>> -> memref<32x512xi32, #tpu.memory_space<hbm>>
      %dma_wait3A_230 = arith.constant 0 : i32
      %dma_wait3A_231 = arith.constant 0 : i32
      %dma_wait3A_232 = tpu.memref_slice %arg6[%dma_wait3A_222, %dma_wait3A_230, %dma_wait3A_231] : memref<2x32x512xi32, #tpu.memory_space<vmem>> -> memref<1x32x512xi32, #tpu.memory_space<vmem>>
      %dma_wait3A_233 = tpu.memref_squeeze %dma_wait3A_232 : memref<1x32x512xi32, #tpu.memory_space<vmem>> -> memref<32x512xi32, #tpu.memory_space<vmem>>
      %dma_wait3A_234 = arith.constant 0 : i32
      %dma_wait3A_235 = tpu.memref_slice %arg2[%add3A, %mul3A_221, %dma_wait3A_234] : memref<32x512x512xi32, #tpu.memory_space<hbm>> -> memref<1x32x512xi32, #tpu.memory_space<hbm>>
      %dma_wait3A_236 = tpu.memref_squeeze %dma_wait3A_235 : memref<1x32x512xi32, #tpu.memory_space<hbm>> -> memref<32x512xi32, #tpu.memory_space<hbm>>
      tpu.wait_dma2 semaphore(%arg15 : memref<!tpu.dma_semaphore, #tpu.memory_space<semaphore_mem>>) src(%dma_wait3A_236 : memref<32x512xi32, #tpu.memory_space<hbm>>) dst(%dma_wait3A_233 : memref<32x512xi32, #tpu.memory_space<vmem>>)
      %ge3A = arith.constant 2 : i32
      %ge3A_237 = arith.cmpi sge, %add3A_219, %ge3A : i32
      %convert_element_type3A_238 = arith.extui %ge3A_237 : i1 to i32
      %cond3A_239 = arith.constant 0 : i32
      %cond3A_240 = arith.cmpi ne, %convert_element_type3A_238, %cond3A_239 : i32
      scf.if %cond3A_240 {
        %sub3A = arith.constant 64 : i32
        %sub3A_316 = arith.subi %mul3A_221, %sub3A : i32
        %dma_wait3A_317 = arith.constant 0 : i32
        %dma_wait3A_318 = arith.constant 0 : i32
        %dma_wait3A_319 = arith.constant 0 : i32
        %dma_wait3A_320 = tpu.memref_slice %arg8[%dma_wait3A_317, %dma_wait3A_318, %dma_wait3A_319] : memref<2x32x512xi32, #tpu.memory_space<vmem>> -> memref<1x32x512xi32, #tpu.memory_space<vmem>>
        %dma_wait3A_321 = tpu.memref_squeeze %dma_wait3A_320 : memref<1x32x512xi32, #tpu.memory_space<vmem>> -> memref<32x512xi32, #tpu.memory_space<vmem>>
        %dma_wait3A_322 = arith.constant 0 : i32
        %dma_wait3A_323 = tpu.memref_slice %arg4[%add3A, %sub3A_316, %dma_wait3A_322] : memref<32x512x512xi32, #tpu.memory_space<hbm>> -> memref<1x32x512xi32, #tpu.memory_space<hbm>>
        %dma_wait3A_324 = tpu.memref_squeeze %dma_wait3A_323 : memref<1x32x512xi32, #tpu.memory_space<hbm>> -> memref<32x512xi32, #tpu.memory_space<hbm>>
        %dma_wait3A_325 = arith.constant 0 : i32
        %dma_wait3A_326 = tpu.memref_slice %arg4[%add3A, %sub3A_316, %dma_wait3A_325] : memref<32x512x512xi32, #tpu.memory_space<hbm>> -> memref<1x32x512xi32, #tpu.memory_space<hbm>>
        %dma_wait3A_327 = tpu.memref_squeeze %dma_wait3A_326 : memref<1x32x512xi32, #tpu.memory_space<hbm>> -> memref<32x512xi32, #tpu.memory_space<hbm>>
        %dma_wait3A_328 = arith.constant 0 : i32
        %dma_wait3A_329 = arith.constant 0 : i32
        %dma_wait3A_330 = tpu.memref_slice %arg8[%dma_wait3A_317, %dma_wait3A_328, %dma_wait3A_329] : memref<2x32x512xi32, #tpu.memory_space<vmem>> -> memref<1x32x512xi32, #tpu.memory_space<vmem>>
        %dma_wait3A_331 = tpu.memref_squeeze %dma_wait3A_330 : memref<1x32x512xi32, #tpu.memory_space<vmem>> -> memref<32x512xi32, #tpu.memory_space<vmem>>
        tpu.wait_dma2 semaphore(%arg19 : memref<!tpu.dma_semaphore, #tpu.memory_space<semaphore_mem>>) src(%dma_wait3A_331 : memref<32x512xi32, #tpu.memory_space<vmem>>) dst(%dma_wait3A_327 : memref<32x512xi32, #tpu.memory_space<hbm>>)
      } else {
      }
      %parallel_loop3A = arith.constant 0 : i32
      %parallel_loop3A_241 = arith.constant 32 : i32
      %parallel_loop3A_242 = arith.constant 1 : i32
      scf.for %parallel_loop3A_316 = %parallel_loop3A to %parallel_loop3A_241 step %parallel_loop3A_242  : i32 {
        %parallel_loop3A_317 = arith.constant 0 : i32
        %parallel_loop3A_318 = arith.index_cast %parallel_loop3A_317 : i32 to index
        %parallel_loop3A_319 = arith.index_cast %parallel_loop3A_316 : i32 to index
        %parallel_loop3A_320 = arith.constant 0 : index
        %parallel_loop3A_321 = tpu.vector_load %arg6[%parallel_loop3A_318, %parallel_loop3A_319, %parallel_loop3A_320] {strides = array<i32>} : memref<2x32x512xi32, #tpu.memory_space<vmem>>, vector<16xi32>,
        %parallel_loop3A_322 = arith.constant 0 : i32
        %parallel_loop3A_323 = arith.index_cast %parallel_loop3A_322 : i32 to index
        %parallel_loop3A_324 = arith.index_cast %parallel_loop3A_316 : i32 to index
        %parallel_loop3A_325 = arith.constant 16 : index
        %parallel_loop3A_326 = tpu.vector_load %arg6[%parallel_loop3A_323, %parallel_loop3A_324, %parallel_loop3A_325] {strides = array<i32>} : memref<2x32x512xi32, #tpu.memory_space<vmem>>, vector<16xi32>,
        %parallel_loop3A_327 = arith.constant 0 : i32
        %parallel_loop3A_328 = arith.index_cast %parallel_loop3A_327 : i32 to index
        %parallel_loop3A_329 = arith.index_cast %parallel_loop3A_316 : i32 to index
        %parallel_loop3A_330 = arith.constant 32 : index
        %parallel_loop3A_331 = tpu.vector_load %arg6[%parallel_loop3A_328, %parallel_loop3A_329, %parallel_loop3A_330] {strides = array<i32>} : memref<2x32x512xi32, #tpu.memory_space<vmem>>, vector<16xi32>,
        %parallel_loop3A_332 = arith.constant 0 : i32
        %parallel_loop3A_333 = arith.index_cast %parallel_loop3A_332 : i32 to index
        %parallel_loop3A_334 = arith.index_cast %parallel_loop3A_316 : i32 to index
        %parallel_loop3A_335 = arith.constant 48 : index
        %parallel_loop3A_336 = tpu.vector_load %arg6[%parallel_loop3A_333, %parallel_loop3A_334, %parallel_loop3A_335] {strides = array<i32>} : memref<2x32x512xi32, #tpu.memory_space<vmem>>, vector<16xi32>,
        %parallel_loop3A_337 = arith.constant 0 : i32
        %parallel_loop3A_338 = arith.index_cast %parallel_loop3A_337 : i32 to index
        %parallel_loop3A_339 = arith.index_cast %parallel_loop3A_316 : i32 to index
        %parallel_loop3A_340 = arith.constant 64 : index
        %parallel_loop3A_341 = tpu.vector_load %arg6[%parallel_loop3A_338, %parallel_loop3A_339, %parallel_loop3A_340] {strides = array<i32>} : memref<2x32x512xi32, #tpu.memory_space<vmem>>, vector<16xi32>,
        %parallel_loop3A_342 = arith.constant 0 : i32
        %parallel_loop3A_343 = arith.index_cast %parallel_loop3A_342 : i32 to index
        %parallel_loop3A_344 = arith.index_cast %parallel_loop3A_316 : i32 to index
        %parallel_loop3A_345 = arith.constant 80 : index
        %parallel_loop3A_346 = tpu.vector_load %arg6[%parallel_loop3A_343, %parallel_loop3A_344, %parallel_loop3A_345] {strides = array<i32>} : memref<2x32x512xi32, #tpu.memory_space<vmem>>, vector<16xi32>,
        %parallel_loop3A_347 = arith.constant 0 : i32
        %parallel_loop3A_348 = arith.index_cast %parallel_loop3A_347 : i32 to index
        %parallel_loop3A_349 = arith.index_cast %parallel_loop3A_316 : i32 to index
        %parallel_loop3A_350 = arith.constant 96 : index
        %parallel_loop3A_351 = tpu.vector_load %arg6[%parallel_loop3A_348, %parallel_loop3A_349, %parallel_loop3A_350] {strides = array<i32>} : memref<2x32x512xi32, #tpu.memory_space<vmem>>, vector<16xi32>,
        %parallel_loop3A_352 = arith.constant 0 : i32
        %parallel_loop3A_353 = arith.index_cast %parallel_loop3A_352 : i32 to index
        %parallel_loop3A_354 = arith.index_cast %parallel_loop3A_316 : i32 to index
        %parallel_loop3A_355 = arith.constant 112 : index
        %parallel_loop3A_356 = tpu.vector_load %arg6[%parallel_loop3A_353, %parallel_loop3A_354, %parallel_loop3A_355] {strides = array<i32>} : memref<2x32x512xi32, #tpu.memory_space<vmem>>, vector<16xi32>,
        %parallel_loop3A_357 = tpu.vector_load_idx %arg13[%parallel_loop3A_321] : memref<512xi32, #tpu.memory_space<vmem>>[vector<16xi32>], vector<16xi32>,
        %parallel_loop3A_358 = tpu.vector_load_idx %arg13[%parallel_loop3A_326] : memref<512xi32, #tpu.memory_space<vmem>>[vector<16xi32>], vector<16xi32>,
        %parallel_loop3A_359 = tpu.vector_load_idx %arg13[%parallel_loop3A_331] : memref<512xi32, #tpu.memory_space<vmem>>[vector<16xi32>], vector<16xi32>,
        %parallel_loop3A_360 = tpu.vector_load_idx %arg13[%parallel_loop3A_336] : memref<512xi32, #tpu.memory_space<vmem>>[vector<16xi32>], vector<16xi32>,
        %parallel_loop3A_361 = tpu.vector_load_idx %arg13[%parallel_loop3A_341] : memref<512xi32, #tpu.memory_space<vmem>>[vector<16xi32>], vector<16xi32>,
        %parallel_loop3A_362 = tpu.vector_load_idx %arg13[%parallel_loop3A_346] : memref<512xi32, #tpu.memory_space<vmem>>[vector<16xi32>], vector<16xi32>,
        %parallel_loop3A_363 = tpu.vector_load_idx %arg13[%parallel_loop3A_351] : memref<512xi32, #tpu.memory_space<vmem>>[vector<16xi32>], vector<16xi32>,
        %parallel_loop3A_364 = tpu.vector_load_idx %arg13[%parallel_loop3A_356] : memref<512xi32, #tpu.memory_space<vmem>>[vector<16xi32>], vector<16xi32>,
        %parallel_loop3A_365 = arith.constant 0 : i32
        %parallel_loop3A_366 = arith.index_cast %parallel_loop3A_365 : i32 to index
        %parallel_loop3A_367 = arith.index_cast %parallel_loop3A_316 : i32 to index
        %parallel_loop3A_368 = arith.constant 0 : index
        %parallel_loop3A_369 = tpu.vector_load %arg8[%parallel_loop3A_366, %parallel_loop3A_367, %parallel_loop3A_368] {strides = array<i32>} : memref<2x32x512xi32, #tpu.memory_space<vmem>>, vector<16xi32>,
        tpu.vector_store %arg8[%parallel_loop3A_366, %parallel_loop3A_367, %parallel_loop3A_368], %parallel_loop3A_357 {strides = array<i32>} : memref<2x32x512xi32, #tpu.memory_space<vmem>>, vector<16xi32>,
        %parallel_loop3A_370 = arith.constant 0 : i32
        %parallel_loop3A_371 = arith.index_cast %parallel_loop3A_370 : i32 to index
        %parallel_loop3A_372 = arith.index_cast %parallel_loop3A_316 : i32 to index
        %parallel_loop3A_373 = arith.constant 16 : index
        %parallel_loop3A_374 = tpu.vector_load %arg8[%parallel_loop3A_371, %parallel_loop3A_372, %parallel_loop3A_373] {strides = array<i32>} : memref<2x32x512xi32, #tpu.memory_space<vmem>>, vector<16xi32>,
        tpu.vector_store %arg8[%parallel_loop3A_371, %parallel_loop3A_372, %parallel_loop3A_373], %parallel_loop3A_358 {strides = array<i32>} : memref<2x32x512xi32, #tpu.memory_space<vmem>>, vector<16xi32>,
        %parallel_loop3A_375 = arith.constant 0 : i32
        %parallel_loop3A_376 = arith.index_cast %parallel_loop3A_375 : i32 to index
        %parallel_loop3A_377 = arith.index_cast %parallel_loop3A_316 : i32 to index
        %parallel_loop3A_378 = arith.constant 32 : index
        %parallel_loop3A_379 = tpu.vector_load %arg8[%parallel_loop3A_376, %parallel_loop3A_377, %parallel_loop3A_378] {strides = array<i32>} : memref<2x32x512xi32, #tpu.memory_space<vmem>>, vector<16xi32>,
        tpu.vector_store %arg8[%parallel_loop3A_376, %parallel_loop3A_377, %parallel_loop3A_378], %parallel_loop3A_359 {strides = array<i32>} : memref<2x32x512xi32, #tpu.memory_space<vmem>>, vector<16xi32>,
        %parallel_loop3A_380 = arith.constant 0 : i32
        %parallel_loop3A_381 = arith.index_cast %parallel_loop3A_380 : i32 to index
        %parallel_loop3A_382 = arith.index_cast %parallel_loop3A_316 : i32 to index
        %parallel_loop3A_383 = arith.constant 48 : index
        %parallel_loop3A_384 = tpu.vector_load %arg8[%parallel_loop3A_381, %parallel_loop3A_382, %parallel_loop3A_383] {strides = array<i32>} : memref<2x32x512xi32, #tpu.memory_space<vmem>>, vector<16xi32>,
        tpu.vector_store %arg8[%parallel_loop3A_381, %parallel_loop3A_382, %parallel_loop3A_383], %parallel_loop3A_360 {strides = array<i32>} : memref<2x32x512xi32, #tpu.memory_space<vmem>>, vector<16xi32>,
        %parallel_loop3A_385 = arith.constant 0 : i32
        %parallel_loop3A_386 = arith.index_cast %parallel_loop3A_385 : i32 to index
        %parallel_loop3A_387 = arith.index_cast %parallel_loop3A_316 : i32 to index
        %parallel_loop3A_388 = arith.constant 64 : index
        %parallel_loop3A_389 = tpu.vector_load %arg8[%parallel_loop3A_386, %parallel_loop3A_387, %parallel_loop3A_388] {strides = array<i32>} : memref<2x32x512xi32, #tpu.memory_space<vmem>>, vector<16xi32>,
        tpu.vector_store %arg8[%parallel_loop3A_386, %parallel_loop3A_387, %parallel_loop3A_388], %parallel_loop3A_361 {strides = array<i32>} : memref<2x32x512xi32, #tpu.memory_space<vmem>>, vector<16xi32>,
        %parallel_loop3A_390 = arith.constant 0 : i32
        %parallel_loop3A_391 = arith.index_cast %parallel_loop3A_390 : i32 to index
        %parallel_loop3A_392 = arith.index_cast %parallel_loop3A_316 : i32 to index
        %parallel_loop3A_393 = arith.constant 80 : index
        %parallel_loop3A_394 = tpu.vector_load %arg8[%parallel_loop3A_391, %parallel_loop3A_392, %parallel_loop3A_393] {strides = array<i32>} : memref<2x32x512xi32, #tpu.memory_space<vmem>>, vector<16xi32>,
        tpu.vector_store %arg8[%parallel_loop3A_391, %parallel_loop3A_392, %parallel_loop3A_393], %parallel_loop3A_362 {strides = array<i32>} : memref<2x32x512xi32, #tpu.memory_space<vmem>>, vector<16xi32>,
        %parallel_loop3A_395 = arith.constant 0 : i32
        %parallel_loop3A_396 = arith.index_cast %parallel_loop3A_395 : i32 to index
        %parallel_loop3A_397 = arith.index_cast %parallel_loop3A_316 : i32 to index
        %parallel_loop3A_398 = arith.constant 96 : index
        %parallel_loop3A_399 = tpu.vector_load %arg8[%parallel_loop3A_396, %parallel_loop3A_397, %parallel_loop3A_398] {strides = array<i32>} : memref<2x32x512xi32, #tpu.memory_space<vmem>>, vector<16xi32>,
        tpu.vector_store %arg8[%parallel_loop3A_396, %parallel_loop3A_397, %parallel_loop3A_398], %parallel_loop3A_363 {strides = array<i32>} : memref<2x32x512xi32, #tpu.memory_space<vmem>>, vector<16xi32>,
        %parallel_loop3A_400 = arith.constant 0 : i32
        %parallel_loop3A_401 = arith.index_cast %parallel_loop3A_400 : i32 to index
        %parallel_loop3A_402 = arith.index_cast %parallel_loop3A_316 : i32 to index
        %parallel_loop3A_403 = arith.constant 112 : index
        %parallel_loop3A_404 = tpu.vector_load %arg8[%parallel_loop3A_401, %parallel_loop3A_402, %parallel_loop3A_403] {strides = array<i32>} : memref<2x32x512xi32, #tpu.memory_space<vmem>>, vector<16xi32>,
        tpu.vector_store %arg8[%parallel_loop3A_401, %parallel_loop3A_402, %parallel_loop3A_403], %parallel_loop3A_364 {strides = array<i32>} : memref<2x32x512xi32, #tpu.memory_space<vmem>>, vector<16xi32>,
        %parallel_loop3A_405 = arith.constant 0 : i32
        %parallel_loop3A_406 = arith.index_cast %parallel_loop3A_405 : i32 to index
        %parallel_loop3A_407 = arith.index_cast %parallel_loop3A_316 : i32 to index
        %parallel_loop3A_408 = arith.constant 128 : index
        %parallel_loop3A_409 = tpu.vector_load %arg6[%parallel_loop3A_406, %parallel_loop3A_407, %parallel_loop3A_408] {strides = array<i32>} : memref<2x32x512xi32, #tpu.memory_space<vmem>>, vector<16xi32>,
        %parallel_loop3A_410 = arith.constant 0 : i32
        %parallel_loop3A_411 = arith.index_cast %parallel_loop3A_410 : i32 to index
        %parallel_loop3A_412 = arith.index_cast %parallel_loop3A_316 : i32 to index
        %parallel_loop3A_413 = arith.constant 144 : index
        %parallel_loop3A_414 = tpu.vector_load %arg6[%parallel_loop3A_411, %parallel_loop3A_412, %parallel_loop3A_413] {strides = array<i32>} : memref<2x32x512xi32, #tpu.memory_space<vmem>>, vector<16xi32>,
        %parallel_loop3A_415 = arith.constant 0 : i32
        %parallel_loop3A_416 = arith.index_cast %parallel_loop3A_415 : i32 to index
        %parallel_loop3A_417 = arith.index_cast %parallel_loop3A_316 : i32 to index
        %parallel_loop3A_418 = arith.constant 160 : index
        %parallel_loop3A_419 = tpu.vector_load %arg6[%parallel_loop3A_416, %parallel_loop3A_417, %parallel_loop3A_418] {strides = array<i32>} : memref<2x32x512xi32, #tpu.memory_space<vmem>>, vector<16xi32>,
        %parallel_loop3A_420 = arith.constant 0 : i32
        %parallel_loop3A_421 = arith.index_cast %parallel_loop3A_420 : i32 to index
        %parallel_loop3A_422 = arith.index_cast %parallel_loop3A_316 : i32 to index
        %parallel_loop3A_423 = arith.constant 176 : index
        %parallel_loop3A_424 = tpu.vector_load %arg6[%parallel_loop3A_421, %parallel_loop3A_422, %parallel_loop3A_423] {strides = array<i32>} : memref<2x32x512xi32, #tpu.memory_space<vmem>>, vector<16xi32>,
        %parallel_loop3A_425 = arith.constant 0 : i32
        %parallel_loop3A_426 = arith.index_cast %parallel_loop3A_425 : i32 to index
        %parallel_loop3A_427 = arith.index_cast %parallel_loop3A_316 : i32 to index
        %parallel_loop3A_428 = arith.constant 192 : index
        %parallel_loop3A_429 = tpu.vector_load %arg6[%parallel_loop3A_426, %parallel_loop3A_427, %parallel_loop3A_428] {strides = array<i32>} : memref<2x32x512xi32, #tpu.memory_space<vmem>>, vector<16xi32>,
        %parallel_loop3A_430 = arith.constant 0 : i32
        %parallel_loop3A_431 = arith.index_cast %parallel_loop3A_430 : i32 to index
        %parallel_loop3A_432 = arith.index_cast %parallel_loop3A_316 : i32 to index
        %parallel_loop3A_433 = arith.constant 208 : index
        %parallel_loop3A_434 = tpu.vector_load %arg6[%parallel_loop3A_431, %parallel_loop3A_432, %parallel_loop3A_433] {strides = array<i32>} : memref<2x32x512xi32, #tpu.memory_space<vmem>>, vector<16xi32>,
        %parallel_loop3A_435 = arith.constant 0 : i32
        %parallel_loop3A_436 = arith.index_cast %parallel_loop3A_435 : i32 to index
        %parallel_loop3A_437 = arith.index_cast %parallel_loop3A_316 : i32 to index
        %parallel_loop3A_438 = arith.constant 224 : index
        %parallel_loop3A_439 = tpu.vector_load %arg6[%parallel_loop3A_436, %parallel_loop3A_437, %parallel_loop3A_438] {strides = array<i32>} : memref<2x32x512xi32, #tpu.memory_space<vmem>>, vector<16xi32>,
        %parallel_loop3A_440 = arith.constant 0 : i32
        %parallel_loop3A_441 = arith.index_cast %parallel_loop3A_440 : i32 to index
        %parallel_loop3A_442 = arith.index_cast %parallel_loop3A_316 : i32 to index
        %parallel_loop3A_443 = arith.constant 240 : index
        %parallel_loop3A_444 = tpu.vector_load %arg6[%parallel_loop3A_441, %parallel_loop3A_442, %parallel_loop3A_443] {strides = array<i32>} : memref<2x32x512xi32, #tpu.memory_space<vmem>>, vector<16xi32>,
        %parallel_loop3A_445 = tpu.vector_load_idx %arg13[%parallel_loop3A_409] : memref<512xi32, #tpu.memory_space<vmem>>[vector<16xi32>], vector<16xi32>,
        %parallel_loop3A_446 = tpu.vector_load_idx %arg13[%parallel_loop3A_414] : memref<512xi32, #tpu.memory_space<vmem>>[vector<16xi32>], vector<16xi32>,
        %parallel_loop3A_447 = tpu.vector_load_idx %arg13[%parallel_loop3A_419] : memref<512xi32, #tpu.memory_space<vmem>>[vector<16xi32>], vector<16xi32>,
        %parallel_loop3A_448 = tpu.vector_load_idx %arg13[%parallel_loop3A_424] : memref<512xi32, #tpu.memory_space<vmem>>[vector<16xi32>], vector<16xi32>,
        %parallel_loop3A_449 = tpu.vector_load_idx %arg13[%parallel_loop3A_429] : memref<512xi32, #tpu.memory_space<vmem>>[vector<16xi32>], vector<16xi32>,
        %parallel_loop3A_450 = tpu.vector_load_idx %arg13[%parallel_loop3A_434] : memref<512xi32, #tpu.memory_space<vmem>>[vector<16xi32>], vector<16xi32>,
        %parallel_loop3A_451 = tpu.vector_load_idx %arg13[%parallel_loop3A_439] : memref<512xi32, #tpu.memory_space<vmem>>[vector<16xi32>], vector<16xi32>,
        %parallel_loop3A_452 = tpu.vector_load_idx %arg13[%parallel_loop3A_444] : memref<512xi32, #tpu.memory_space<vmem>>[vector<16xi32>], vector<16xi32>,
        %parallel_loop3A_453 = arith.constant 0 : i32
        %parallel_loop3A_454 = arith.index_cast %parallel_loop3A_453 : i32 to index
        %parallel_loop3A_455 = arith.index_cast %parallel_loop3A_316 : i32 to index
        %parallel_loop3A_456 = arith.constant 128 : index
        %parallel_loop3A_457 = tpu.vector_load %arg8[%parallel_loop3A_454, %parallel_loop3A_455, %parallel_loop3A_456] {strides = array<i32>} : memref<2x32x512xi32, #tpu.memory_space<vmem>>, vector<16xi32>,
        tpu.vector_store %arg8[%parallel_loop3A_454, %parallel_loop3A_455, %parallel_loop3A_456], %parallel_loop3A_445 {strides = array<i32>} : memref<2x32x512xi32, #tpu.memory_space<vmem>>, vector<16xi32>,
        %parallel_loop3A_458 = arith.constant 0 : i32
        %parallel_loop3A_459 = arith.index_cast %parallel_loop3A_458 : i32 to index
        %parallel_loop3A_460 = arith.index_cast %parallel_loop3A_316 : i32 to index
        %parallel_loop3A_461 = arith.constant 144 : index
        %parallel_loop3A_462 = tpu.vector_load %arg8[%parallel_loop3A_459, %parallel_loop3A_460, %parallel_loop3A_461] {strides = array<i32>} : memref<2x32x512xi32, #tpu.memory_space<vmem>>, vector<16xi32>,
        tpu.vector_store %arg8[%parallel_loop3A_459, %parallel_loop3A_460, %parallel_loop3A_461], %parallel_loop3A_446 {strides = array<i32>} : memref<2x32x512xi32, #tpu.memory_space<vmem>>, vector<16xi32>,
        %parallel_loop3A_463 = arith.constant 0 : i32
        %parallel_loop3A_464 = arith.index_cast %parallel_loop3A_463 : i32 to index
        %parallel_loop3A_465 = arith.index_cast %parallel_loop3A_316 : i32 to index
        %parallel_loop3A_466 = arith.constant 160 : index
        %parallel_loop3A_467 = tpu.vector_load %arg8[%parallel_loop3A_464, %parallel_loop3A_465, %parallel_loop3A_466] {strides = array<i32>} : memref<2x32x512xi32, #tpu.memory_space<vmem>>, vector<16xi32>,
        tpu.vector_store %arg8[%parallel_loop3A_464, %parallel_loop3A_465, %parallel_loop3A_466], %parallel_loop3A_447 {strides = array<i32>} : memref<2x32x512xi32, #tpu.memory_space<vmem>>, vector<16xi32>,
        %parallel_loop3A_468 = arith.constant 0 : i32
        %parallel_loop3A_469 = arith.index_cast %parallel_loop3A_468 : i32 to index
        %parallel_loop3A_470 = arith.index_cast %parallel_loop3A_316 : i32 to index
        %parallel_loop3A_471 = arith.constant 176 : index
        %parallel_loop3A_472 = tpu.vector_load %arg8[%parallel_loop3A_469, %parallel_loop3A_470, %parallel_loop3A_471] {strides = array<i32>} : memref<2x32x512xi32, #tpu.memory_space<vmem>>, vector<16xi32>,
        tpu.vector_store %arg8[%parallel_loop3A_469, %parallel_loop3A_470, %parallel_loop3A_471], %parallel_loop3A_448 {strides = array<i32>} : memref<2x32x512xi32, #tpu.memory_space<vmem>>, vector<16xi32>,
        %parallel_loop3A_473 = arith.constant 0 : i32
        %parallel_loop3A_474 = arith.index_cast %parallel_loop3A_473 : i32 to index
        %parallel_loop3A_475 = arith.index_cast %parallel_loop3A_316 : i32 to index
        %parallel_loop3A_476 = arith.constant 192 : index
        %parallel_loop3A_477 = tpu.vector_load %arg8[%parallel_loop3A_474, %parallel_loop3A_475, %parallel_loop3A_476] {strides = array<i32>} : memref<2x32x512xi32, #tpu.memory_space<vmem>>, vector<16xi32>,
        tpu.vector_store %arg8[%parallel_loop3A_474, %parallel_loop3A_475, %parallel_loop3A_476], %parallel_loop3A_449 {strides = array<i32>} : memref<2x32x512xi32, #tpu.memory_space<vmem>>, vector<16xi32>,
        %parallel_loop3A_478 = arith.constant 0 : i32
        %parallel_loop3A_479 = arith.index_cast %parallel_loop3A_478 : i32 to index
        %parallel_loop3A_480 = arith.index_cast %parallel_loop3A_316 : i32 to index
        %parallel_loop3A_481 = arith.constant 208 : index
        %parallel_loop3A_482 = tpu.vector_load %arg8[%parallel_loop3A_479, %parallel_loop3A_480, %parallel_loop3A_481] {strides = array<i32>} : memref<2x32x512xi32, #tpu.memory_space<vmem>>, vector<16xi32>,
        tpu.vector_store %arg8[%parallel_loop3A_479, %parallel_loop3A_480, %parallel_loop3A_481], %parallel_loop3A_450 {strides = array<i32>} : memref<2x32x512xi32, #tpu.memory_space<vmem>>, vector<16xi32>,
        %parallel_loop3A_483 = arith.constant 0 : i32
        %parallel_loop3A_484 = arith.index_cast %parallel_loop3A_483 : i32 to index
        %parallel_loop3A_485 = arith.index_cast %parallel_loop3A_316 : i32 to index
        %parallel_loop3A_486 = arith.constant 224 : index
        %parallel_loop3A_487 = tpu.vector_load %arg8[%parallel_loop3A_484, %parallel_loop3A_485, %parallel_loop3A_486] {strides = array<i32>} : memref<2x32x512xi32, #tpu.memory_space<vmem>>, vector<16xi32>,
        tpu.vector_store %arg8[%parallel_loop3A_484, %parallel_loop3A_485, %parallel_loop3A_486], %parallel_loop3A_451 {strides = array<i32>} : memref<2x32x512xi32, #tpu.memory_space<vmem>>, vector<16xi32>,
        %parallel_loop3A_488 = arith.constant 0 : i32
        %parallel_loop3A_489 = arith.index_cast %parallel_loop3A_488 : i32 to index
        %parallel_loop3A_490 = arith.index_cast %parallel_loop3A_316 : i32 to index
        %parallel_loop3A_491 = arith.constant 240 : index
        %parallel_loop3A_492 = tpu.vector_load %arg8[%parallel_loop3A_489, %parallel_loop3A_490, %parallel_loop3A_491] {strides = array<i32>} : memref<2x32x512xi32, #tpu.memory_space<vmem>>, vector<16xi32>,
        tpu.vector_store %arg8[%parallel_loop3A_489, %parallel_loop3A_490, %parallel_loop3A_491], %parallel_loop3A_452 {strides = array<i32>} : memref<2x32x512xi32, #tpu.memory_space<vmem>>, vector<16xi32>,
        %parallel_loop3A_493 = arith.constant 0 : i32
        %parallel_loop3A_494 = arith.index_cast %parallel_loop3A_493 : i32 to index
        %parallel_loop3A_495 = arith.index_cast %parallel_loop3A_316 : i32 to index
        %parallel_loop3A_496 = arith.constant 256 : index
        %parallel_loop3A_497 = tpu.vector_load %arg6[%parallel_loop3A_494, %parallel_loop3A_495, %parallel_loop3A_496] {strides = array<i32>} : memref<2x32x512xi32, #tpu.memory_space<vmem>>, vector<16xi32>,
        %parallel_loop3A_498 = arith.constant 0 : i32
        %parallel_loop3A_499 = arith.index_cast %parallel_loop3A_498 : i32 to index
        %parallel_loop3A_500 = arith.index_cast %parallel_loop3A_316 : i32 to index
        %parallel_loop3A_501 = arith.constant 272 : index
        %parallel_loop3A_502 = tpu.vector_load %arg6[%parallel_loop3A_499, %parallel_loop3A_500, %parallel_loop3A_501] {strides = array<i32>} : memref<2x32x512xi32, #tpu.memory_space<vmem>>, vector<16xi32>,
        %parallel_loop3A_503 = arith.constant 0 : i32
        %parallel_loop3A_504 = arith.index_cast %parallel_loop3A_503 : i32 to index
        %parallel_loop3A_505 = arith.index_cast %parallel_loop3A_316 : i32 to index
        %parallel_loop3A_506 = arith.constant 288 : index
        %parallel_loop3A_507 = tpu.vector_load %arg6[%parallel_loop3A_504, %parallel_loop3A_505, %parallel_loop3A_506] {strides = array<i32>} : memref<2x32x512xi32, #tpu.memory_space<vmem>>, vector<16xi32>,
        %parallel_loop3A_508 = arith.constant 0 : i32
        %parallel_loop3A_509 = arith.index_cast %parallel_loop3A_508 : i32 to index
        %parallel_loop3A_510 = arith.index_cast %parallel_loop3A_316 : i32 to index
        %parallel_loop3A_511 = arith.constant 304 : index
        %parallel_loop3A_512 = tpu.vector_load %arg6[%parallel_loop3A_509, %parallel_loop3A_510, %parallel_loop3A_511] {strides = array<i32>} : memref<2x32x512xi32, #tpu.memory_space<vmem>>, vector<16xi32>,
        %parallel_loop3A_513 = arith.constant 0 : i32
        %parallel_loop3A_514 = arith.index_cast %parallel_loop3A_513 : i32 to index
        %parallel_loop3A_515 = arith.index_cast %parallel_loop3A_316 : i32 to index
        %parallel_loop3A_516 = arith.constant 320 : index
        %parallel_loop3A_517 = tpu.vector_load %arg6[%parallel_loop3A_514, %parallel_loop3A_515, %parallel_loop3A_516] {strides = array<i32>} : memref<2x32x512xi32, #tpu.memory_space<vmem>>, vector<16xi32>,
        %parallel_loop3A_518 = arith.constant 0 : i32
        %parallel_loop3A_519 = arith.index_cast %parallel_loop3A_518 : i32 to index
        %parallel_loop3A_520 = arith.index_cast %parallel_loop3A_316 : i32 to index
        %parallel_loop3A_521 = arith.constant 336 : index
        %parallel_loop3A_522 = tpu.vector_load %arg6[%parallel_loop3A_519, %parallel_loop3A_520, %parallel_loop3A_521] {strides = array<i32>} : memref<2x32x512xi32, #tpu.memory_space<vmem>>, vector<16xi32>,
        %parallel_loop3A_523 = arith.constant 0 : i32
        %parallel_loop3A_524 = arith.index_cast %parallel_loop3A_523 : i32 to index
        %parallel_loop3A_525 = arith.index_cast %parallel_loop3A_316 : i32 to index
        %parallel_loop3A_526 = arith.constant 352 : index
        %parallel_loop3A_527 = tpu.vector_load %arg6[%parallel_loop3A_524, %parallel_loop3A_525, %parallel_loop3A_526] {strides = array<i32>} : memref<2x32x512xi32, #tpu.memory_space<vmem>>, vector<16xi32>,
        %parallel_loop3A_528 = arith.constant 0 : i32
        %parallel_loop3A_529 = arith.index_cast %parallel_loop3A_528 : i32 to index
        %parallel_loop3A_530 = arith.index_cast %parallel_loop3A_316 : i32 to index
        %parallel_loop3A_531 = arith.constant 368 : index
        %parallel_loop3A_532 = tpu.vector_load %arg6[%parallel_loop3A_529, %parallel_loop3A_530, %parallel_loop3A_531] {strides = array<i32>} : memref<2x32x512xi32, #tpu.memory_space<vmem>>, vector<16xi32>,
        %parallel_loop3A_533 = tpu.vector_load_idx %arg13[%parallel_loop3A_497] : memref<512xi32, #tpu.memory_space<vmem>>[vector<16xi32>], vector<16xi32>,
        %parallel_loop3A_534 = tpu.vector_load_idx %arg13[%parallel_loop3A_502] : memref<512xi32, #tpu.memory_space<vmem>>[vector<16xi32>], vector<16xi32>,
        %parallel_loop3A_535 = tpu.vector_load_idx %arg13[%parallel_loop3A_507] : memref<512xi32, #tpu.memory_space<vmem>>[vector<16xi32>], vector<16xi32>,
        %parallel_loop3A_536 = tpu.vector_load_idx %arg13[%parallel_loop3A_512] : memref<512xi32, #tpu.memory_space<vmem>>[vector<16xi32>], vector<16xi32>,
        %parallel_loop3A_537 = tpu.vector_load_idx %arg13[%parallel_loop3A_517] : memref<512xi32, #tpu.memory_space<vmem>>[vector<16xi32>], vector<16xi32>,
        %parallel_loop3A_538 = tpu.vector_load_idx %arg13[%parallel_loop3A_522] : memref<512xi32, #tpu.memory_space<vmem>>[vector<16xi32>], vector<16xi32>,
        %parallel_loop3A_539 = tpu.vector_load_idx %arg13[%parallel_loop3A_527] : memref<512xi32, #tpu.memory_space<vmem>>[vector<16xi32>], vector<16xi32>,
        %parallel_loop3A_540 = tpu.vector_load_idx %arg13[%parallel_loop3A_532] : memref<512xi32, #tpu.memory_space<vmem>>[vector<16xi32>], vector<16xi32>,
        %parallel_loop3A_541 = arith.constant 0 : i32
        %parallel_loop3A_542 = arith.index_cast %parallel_loop3A_541 : i32 to index
        %parallel_loop3A_543 = arith.index_cast %parallel_loop3A_316 : i32 to index
        %parallel_loop3A_544 = arith.constant 256 : index
        %parallel_loop3A_545 = tpu.vector_load %arg8[%parallel_loop3A_542, %parallel_loop3A_543, %parallel_loop3A_544] {strides = array<i32>} : memref<2x32x512xi32, #tpu.memory_space<vmem>>, vector<16xi32>,
        tpu.vector_store %arg8[%parallel_loop3A_542, %parallel_loop3A_543, %parallel_loop3A_544], %parallel_loop3A_533 {strides = array<i32>} : memref<2x32x512xi32, #tpu.memory_space<vmem>>, vector<16xi32>,
        %parallel_loop3A_546 = arith.constant 0 : i32
        %parallel_loop3A_547 = arith.index_cast %parallel_loop3A_546 : i32 to index
        %parallel_loop3A_548 = arith.index_cast %parallel_loop3A_316 : i32 to index
        %parallel_loop3A_549 = arith.constant 272 : index
        %parallel_loop3A_550 = tpu.vector_load %arg8[%parallel_loop3A_547, %parallel_loop3A_548, %parallel_loop3A_549] {strides = array<i32>} : memref<2x32x512xi32, #tpu.memory_space<vmem>>, vector<16xi32>,
        tpu.vector_store %arg8[%parallel_loop3A_547, %parallel_loop3A_548, %parallel_loop3A_549], %parallel_loop3A_534 {strides = array<i32>} : memref<2x32x512xi32, #tpu.memory_space<vmem>>, vector<16xi32>,
        %parallel_loop3A_551 = arith.constant 0 : i32
        %parallel_loop3A_552 = arith.index_cast %parallel_loop3A_551 : i32 to index
        %parallel_loop3A_553 = arith.index_cast %parallel_loop3A_316 : i32 to index
        %parallel_loop3A_554 = arith.constant 288 : index
        %parallel_loop3A_555 = tpu.vector_load %arg8[%parallel_loop3A_552, %parallel_loop3A_553, %parallel_loop3A_554] {strides = array<i32>} : memref<2x32x512xi32, #tpu.memory_space<vmem>>, vector<16xi32>,
        tpu.vector_store %arg8[%parallel_loop3A_552, %parallel_loop3A_553, %parallel_loop3A_554], %parallel_loop3A_535 {strides = array<i32>} : memref<2x32x512xi32, #tpu.memory_space<vmem>>, vector<16xi32>,
        %parallel_loop3A_556 = arith.constant 0 : i32
        %parallel_loop3A_557 = arith.index_cast %parallel_loop3A_556 : i32 to index
        %parallel_loop3A_558 = arith.index_cast %parallel_loop3A_316 : i32 to index
        %parallel_loop3A_559 = arith.constant 304 : index
        %parallel_loop3A_560 = tpu.vector_load %arg8[%parallel_loop3A_557, %parallel_loop3A_558, %parallel_loop3A_559] {strides = array<i32>} : memref<2x32x512xi32, #tpu.memory_space<vmem>>, vector<16xi32>,
        tpu.vector_store %arg8[%parallel_loop3A_557, %parallel_loop3A_558, %parallel_loop3A_559], %parallel_loop3A_536 {strides = array<i32>} : memref<2x32x512xi32, #tpu.memory_space<vmem>>, vector<16xi32>,
        %parallel_loop3A_561 = arith.constant 0 : i32
        %parallel_loop3A_562 = arith.index_cast %parallel_loop3A_561 : i32 to index
        %parallel_loop3A_563 = arith.index_cast %parallel_loop3A_316 : i32 to index
        %parallel_loop3A_564 = arith.constant 320 : index
        %parallel_loop3A_565 = tpu.vector_load %arg8[%parallel_loop3A_562, %parallel_loop3A_563, %parallel_loop3A_564] {strides = array<i32>} : memref<2x32x512xi32, #tpu.memory_space<vmem>>, vector<16xi32>,
        tpu.vector_store %arg8[%parallel_loop3A_562, %parallel_loop3A_563, %parallel_loop3A_564], %parallel_loop3A_537 {strides = array<i32>} : memref<2x32x512xi32, #tpu.memory_space<vmem>>, vector<16xi32>,
        %parallel_loop3A_566 = arith.constant 0 : i32
        %parallel_loop3A_567 = arith.index_cast %parallel_loop3A_566 : i32 to index
        %parallel_loop3A_568 = arith.index_cast %parallel_loop3A_316 : i32 to index
        %parallel_loop3A_569 = arith.constant 336 : index
        %parallel_loop3A_570 = tpu.vector_load %arg8[%parallel_loop3A_567, %parallel_loop3A_568, %parallel_loop3A_569] {strides = array<i32>} : memref<2x32x512xi32, #tpu.memory_space<vmem>>, vector<16xi32>,
        tpu.vector_store %arg8[%parallel_loop3A_567, %parallel_loop3A_568, %parallel_loop3A_569], %parallel_loop3A_538 {strides = array<i32>} : memref<2x32x512xi32, #tpu.memory_space<vmem>>, vector<16xi32>,
        %parallel_loop3A_571 = arith.constant 0 : i32
        %parallel_loop3A_572 = arith.index_cast %parallel_loop3A_571 : i32 to index
        %parallel_loop3A_573 = arith.index_cast %parallel_loop3A_316 : i32 to index
        %parallel_loop3A_574 = arith.constant 352 : index
        %parallel_loop3A_575 = tpu.vector_load %arg8[%parallel_loop3A_572, %parallel_loop3A_573, %parallel_loop3A_574] {strides = array<i32>} : memref<2x32x512xi32, #tpu.memory_space<vmem>>, vector<16xi32>,
        tpu.vector_store %arg8[%parallel_loop3A_572, %parallel_loop3A_573, %parallel_loop3A_574], %parallel_loop3A_539 {strides = array<i32>} : memref<2x32x512xi32, #tpu.memory_space<vmem>>, vector<16xi32>,
        %parallel_loop3A_576 = arith.constant 0 : i32
        %parallel_loop3A_577 = arith.index_cast %parallel_loop3A_576 : i32 to index
        %parallel_loop3A_578 = arith.index_cast %parallel_loop3A_316 : i32 to index
        %parallel_loop3A_579 = arith.constant 368 : index
        %parallel_loop3A_580 = tpu.vector_load %arg8[%parallel_loop3A_577, %parallel_loop3A_578, %parallel_loop3A_579] {strides = array<i32>} : memref<2x32x512xi32, #tpu.memory_space<vmem>>, vector<16xi32>,
        tpu.vector_store %arg8[%parallel_loop3A_577, %parallel_loop3A_578, %parallel_loop3A_579], %parallel_loop3A_540 {strides = array<i32>} : memref<2x32x512xi32, #tpu.memory_space<vmem>>, vector<16xi32>,
        %parallel_loop3A_581 = arith.constant 0 : i32
        %parallel_loop3A_582 = arith.index_cast %parallel_loop3A_581 : i32 to index
        %parallel_loop3A_583 = arith.index_cast %parallel_loop3A_316 : i32 to index
        %parallel_loop3A_584 = arith.constant 384 : index
        %parallel_loop3A_585 = tpu.vector_load %arg6[%parallel_loop3A_582, %parallel_loop3A_583, %parallel_loop3A_584] {strides = array<i32>} : memref<2x32x512xi32, #tpu.memory_space<vmem>>, vector<16xi32>,
        %parallel_loop3A_586 = arith.constant 0 : i32
        %parallel_loop3A_587 = arith.index_cast %parallel_loop3A_586 : i32 to index
        %parallel_loop3A_588 = arith.index_cast %parallel_loop3A_316 : i32 to index
        %parallel_loop3A_589 = arith.constant 400 : index
        %parallel_loop3A_590 = tpu.vector_load %arg6[%parallel_loop3A_587, %parallel_loop3A_588, %parallel_loop3A_589] {strides = array<i32>} : memref<2x32x512xi32, #tpu.memory_space<vmem>>, vector<16xi32>,
        %parallel_loop3A_591 = arith.constant 0 : i32
        %parallel_loop3A_592 = arith.index_cast %parallel_loop3A_591 : i32 to index
        %parallel_loop3A_593 = arith.index_cast %parallel_loop3A_316 : i32 to index
        %parallel_loop3A_594 = arith.constant 416 : index
        %parallel_loop3A_595 = tpu.vector_load %arg6[%parallel_loop3A_592, %parallel_loop3A_593, %parallel_loop3A_594] {strides = array<i32>} : memref<2x32x512xi32, #tpu.memory_space<vmem>>, vector<16xi32>,
        %parallel_loop3A_596 = arith.constant 0 : i32
        %parallel_loop3A_597 = arith.index_cast %parallel_loop3A_596 : i32 to index
        %parallel_loop3A_598 = arith.index_cast %parallel_loop3A_316 : i32 to index
        %parallel_loop3A_599 = arith.constant 432 : index
        %parallel_loop3A_600 = tpu.vector_load %arg6[%parallel_loop3A_597, %parallel_loop3A_598, %parallel_loop3A_599] {strides = array<i32>} : memref<2x32x512xi32, #tpu.memory_space<vmem>>, vector<16xi32>,
        %parallel_loop3A_601 = arith.constant 0 : i32
        %parallel_loop3A_602 = arith.index_cast %parallel_loop3A_601 : i32 to index
        %parallel_loop3A_603 = arith.index_cast %parallel_loop3A_316 : i32 to index
        %parallel_loop3A_604 = arith.constant 448 : index
        %parallel_loop3A_605 = tpu.vector_load %arg6[%parallel_loop3A_602, %parallel_loop3A_603, %parallel_loop3A_604] {strides = array<i32>} : memref<2x32x512xi32, #tpu.memory_space<vmem>>, vector<16xi32>,
        %parallel_loop3A_606 = arith.constant 0 : i32
        %parallel_loop3A_607 = arith.index_cast %parallel_loop3A_606 : i32 to index
        %parallel_loop3A_608 = arith.index_cast %parallel_loop3A_316 : i32 to index
        %parallel_loop3A_609 = arith.constant 464 : index
        %parallel_loop3A_610 = tpu.vector_load %arg6[%parallel_loop3A_607, %parallel_loop3A_608, %parallel_loop3A_609] {strides = array<i32>} : memref<2x32x512xi32, #tpu.memory_space<vmem>>, vector<16xi32>,
        %parallel_loop3A_611 = arith.constant 0 : i32
        %parallel_loop3A_612 = arith.index_cast %parallel_loop3A_611 : i32 to index
        %parallel_loop3A_613 = arith.index_cast %parallel_loop3A_316 : i32 to index
        %parallel_loop3A_614 = arith.constant 480 : index
        %parallel_loop3A_615 = tpu.vector_load %arg6[%parallel_loop3A_612, %parallel_loop3A_613, %parallel_loop3A_614] {strides = array<i32>} : memref<2x32x512xi32, #tpu.memory_space<vmem>>, vector<16xi32>,
        %parallel_loop3A_616 = arith.constant 0 : i32
        %parallel_loop3A_617 = arith.index_cast %parallel_loop3A_616 : i32 to index
        %parallel_loop3A_618 = arith.index_cast %parallel_loop3A_316 : i32 to index
        %parallel_loop3A_619 = arith.constant 496 : index
        %parallel_loop3A_620 = tpu.vector_load %arg6[%parallel_loop3A_617, %parallel_loop3A_618, %parallel_loop3A_619] {strides = array<i32>} : memref<2x32x512xi32, #tpu.memory_space<vmem>>, vector<16xi32>,
        %parallel_loop3A_621 = tpu.vector_load_idx %arg13[%parallel_loop3A_585] : memref<512xi32, #tpu.memory_space<vmem>>[vector<16xi32>], vector<16xi32>,
        %parallel_loop3A_622 = tpu.vector_load_idx %arg13[%parallel_loop3A_590] : memref<512xi32, #tpu.memory_space<vmem>>[vector<16xi32>], vector<16xi32>,
        %parallel_loop3A_623 = tpu.vector_load_idx %arg13[%parallel_loop3A_595] : memref<512xi32, #tpu.memory_space<vmem>>[vector<16xi32>], vector<16xi32>,
        %parallel_loop3A_624 = tpu.vector_load_idx %arg13[%parallel_loop3A_600] : memref<512xi32, #tpu.memory_space<vmem>>[vector<16xi32>], vector<16xi32>,
        %parallel_loop3A_625 = tpu.vector_load_idx %arg13[%parallel_loop3A_605] : memref<512xi32, #tpu.memory_space<vmem>>[vector<16xi32>], vector<16xi32>,
        %parallel_loop3A_626 = tpu.vector_load_idx %arg13[%parallel_loop3A_610] : memref<512xi32, #tpu.memory_space<vmem>>[vector<16xi32>], vector<16xi32>,
        %parallel_loop3A_627 = tpu.vector_load_idx %arg13[%parallel_loop3A_615] : memref<512xi32, #tpu.memory_space<vmem>>[vector<16xi32>], vector<16xi32>,
        %parallel_loop3A_628 = tpu.vector_load_idx %arg13[%parallel_loop3A_620] : memref<512xi32, #tpu.memory_space<vmem>>[vector<16xi32>], vector<16xi32>,
        %parallel_loop3A_629 = arith.constant 0 : i32
        %parallel_loop3A_630 = arith.index_cast %parallel_loop3A_629 : i32 to index
        %parallel_loop3A_631 = arith.index_cast %parallel_loop3A_316 : i32 to index
        %parallel_loop3A_632 = arith.constant 384 : index
        %parallel_loop3A_633 = tpu.vector_load %arg8[%parallel_loop3A_630, %parallel_loop3A_631, %parallel_loop3A_632] {strides = array<i32>} : memref<2x32x512xi32, #tpu.memory_space<vmem>>, vector<16xi32>,
        tpu.vector_store %arg8[%parallel_loop3A_630, %parallel_loop3A_631, %parallel_loop3A_632], %parallel_loop3A_621 {strides = array<i32>} : memref<2x32x512xi32, #tpu.memory_space<vmem>>, vector<16xi32>,
        %parallel_loop3A_634 = arith.constant 0 : i32
        %parallel_loop3A_635 = arith.index_cast %parallel_loop3A_634 : i32 to index
        %parallel_loop3A_636 = arith.index_cast %parallel_loop3A_316 : i32 to index
        %parallel_loop3A_637 = arith.constant 400 : index
        %parallel_loop3A_638 = tpu.vector_load %arg8[%parallel_loop3A_635, %parallel_loop3A_636, %parallel_loop3A_637] {strides = array<i32>} : memref<2x32x512xi32, #tpu.memory_space<vmem>>, vector<16xi32>,
        tpu.vector_store %arg8[%parallel_loop3A_635, %parallel_loop3A_636, %parallel_loop3A_637], %parallel_loop3A_622 {strides = array<i32>} : memref<2x32x512xi32, #tpu.memory_space<vmem>>, vector<16xi32>,
        %parallel_loop3A_639 = arith.constant 0 : i32
        %parallel_loop3A_640 = arith.index_cast %parallel_loop3A_639 : i32 to index
        %parallel_loop3A_641 = arith.index_cast %parallel_loop3A_316 : i32 to index
        %parallel_loop3A_642 = arith.constant 416 : index
        %parallel_loop3A_643 = tpu.vector_load %arg8[%parallel_loop3A_640, %parallel_loop3A_641, %parallel_loop3A_642] {strides = array<i32>} : memref<2x32x512xi32, #tpu.memory_space<vmem>>, vector<16xi32>,
        tpu.vector_store %arg8[%parallel_loop3A_640, %parallel_loop3A_641, %parallel_loop3A_642], %parallel_loop3A_623 {strides = array<i32>} : memref<2x32x512xi32, #tpu.memory_space<vmem>>, vector<16xi32>,
        %parallel_loop3A_644 = arith.constant 0 : i32
        %parallel_loop3A_645 = arith.index_cast %parallel_loop3A_644 : i32 to index
        %parallel_loop3A_646 = arith.index_cast %parallel_loop3A_316 : i32 to index
        %parallel_loop3A_647 = arith.constant 432 : index
        %parallel_loop3A_648 = tpu.vector_load %arg8[%parallel_loop3A_645, %parallel_loop3A_646, %parallel_loop3A_647] {strides = array<i32>} : memref<2x32x512xi32, #tpu.memory_space<vmem>>, vector<16xi32>,
        tpu.vector_store %arg8[%parallel_loop3A_645, %parallel_loop3A_646, %parallel_loop3A_647], %parallel_loop3A_624 {strides = array<i32>} : memref<2x32x512xi32, #tpu.memory_space<vmem>>, vector<16xi32>,
        %parallel_loop3A_649 = arith.constant 0 : i32
        %parallel_loop3A_650 = arith.index_cast %parallel_loop3A_649 : i32 to index
        %parallel_loop3A_651 = arith.index_cast %parallel_loop3A_316 : i32 to index
        %parallel_loop3A_652 = arith.constant 448 : index
        %parallel_loop3A_653 = tpu.vector_load %arg8[%parallel_loop3A_650, %parallel_loop3A_651, %parallel_loop3A_652] {strides = array<i32>} : memref<2x32x512xi32, #tpu.memory_space<vmem>>, vector<16xi32>,
        tpu.vector_store %arg8[%parallel_loop3A_650, %parallel_loop3A_651, %parallel_loop3A_652], %parallel_loop3A_625 {strides = array<i32>} : memref<2x32x512xi32, #tpu.memory_space<vmem>>, vector<16xi32>,
        %parallel_loop3A_654 = arith.constant 0 : i32
        %parallel_loop3A_655 = arith.index_cast %parallel_loop3A_654 : i32 to index
        %parallel_loop3A_656 = arith.index_cast %parallel_loop3A_316 : i32 to index
        %parallel_loop3A_657 = arith.constant 464 : index
        %parallel_loop3A_658 = tpu.vector_load %arg8[%parallel_loop3A_655, %parallel_loop3A_656, %parallel_loop3A_657] {strides = array<i32>} : memref<2x32x512xi32, #tpu.memory_space<vmem>>, vector<16xi32>,
        tpu.vector_store %arg8[%parallel_loop3A_655, %parallel_loop3A_656, %parallel_loop3A_657], %parallel_loop3A_626 {strides = array<i32>} : memref<2x32x512xi32, #tpu.memory_space<vmem>>, vector<16xi32>,
        %parallel_loop3A_659 = arith.constant 0 : i32
        %parallel_loop3A_660 = arith.index_cast %parallel_loop3A_659 : i32 to index
        %parallel_loop3A_661 = arith.index_cast %parallel_loop3A_316 : i32 to index
        %parallel_loop3A_662 = arith.constant 480 : index
        %parallel_loop3A_663 = tpu.vector_load %arg8[%parallel_loop3A_660, %parallel_loop3A_661, %parallel_loop3A_662] {strides = array<i32>} : memref<2x32x512xi32, #tpu.memory_space<vmem>>, vector<16xi32>,
        tpu.vector_store %arg8[%parallel_loop3A_660, %parallel_loop3A_661, %parallel_loop3A_662], %parallel_loop3A_627 {strides = array<i32>} : memref<2x32x512xi32, #tpu.memory_space<vmem>>, vector<16xi32>,
        %parallel_loop3A_664 = arith.constant 0 : i32
        %parallel_loop3A_665 = arith.index_cast %parallel_loop3A_664 : i32 to index
        %parallel_loop3A_666 = arith.index_cast %parallel_loop3A_316 : i32 to index
        %parallel_loop3A_667 = arith.constant 496 : index
        %parallel_loop3A_668 = tpu.vector_load %arg8[%parallel_loop3A_665, %parallel_loop3A_666, %parallel_loop3A_667] {strides = array<i32>} : memref<2x32x512xi32, #tpu.memory_space<vmem>>, vector<16xi32>,
        tpu.vector_store %arg8[%parallel_loop3A_665, %parallel_loop3A_666, %parallel_loop3A_667], %parallel_loop3A_628 {strides = array<i32>} : memref<2x32x512xi32, #tpu.memory_space<vmem>>, vector<16xi32>,
      } {sc.loop_unroll_factor = 1 : i64, sc.parallel_access}
      %dma_start3A_243 = arith.constant 0 : i32
      %dma_start3A_244 = arith.constant 0 : i32
      %dma_start3A_245 = arith.constant 0 : i32
      %dma_start3A_246 = tpu.memref_slice %arg8[%dma_start3A_243, %dma_start3A_244, %dma_start3A_245] : memref<2x32x512xi32, #tpu.memory_space<vmem>> -> memref<1x32x512xi32, #tpu.memory_space<vmem>>
      %dma_start3A_247 = tpu.memref_squeeze %dma_start3A_246 : memref<1x32x512xi32, #tpu.memory_space<vmem>> -> memref<32x512xi32, #tpu.memory_space<vmem>>
      %dma_start3A_248 = arith.constant 0 : i32
      %dma_start3A_249 = tpu.memref_slice %arg4[%add3A, %mul3A_221, %dma_start3A_248] : memref<32x512x512xi32, #tpu.memory_space<hbm>> -> memref<1x32x512xi32, #tpu.memory_space<hbm>>
      %dma_start3A_250 = tpu.memref_squeeze %dma_start3A_249 : memref<1x32x512xi32, #tpu.memory_space<hbm>> -> memref<32x512xi32, #tpu.memory_space<hbm>>
      %dma_start3A_251 = arith.constant 0 : i32
      %dma_start3A_252 = tpu.memref_slice %arg4[%add3A, %mul3A_221, %dma_start3A_251] : memref<32x512x512xi32, #tpu.memory_space<hbm>> -> memref<1x32x512xi32, #tpu.memory_space<hbm>>
      %dma_start3A_253 = tpu.memref_squeeze %dma_start3A_252 : memref<1x32x512xi32, #tpu.memory_space<hbm>> -> memref<32x512xi32, #tpu.memory_space<hbm>>
      %dma_start3A_254 = arith.constant 0 : i32
      %dma_start3A_255 = arith.constant 0 : i32
      %dma_start3A_256 = tpu.memref_slice %arg8[%dma_start3A_243, %dma_start3A_254, %dma_start3A_255] : memref<2x32x512xi32, #tpu.memory_space<vmem>> -> memref<1x32x512xi32, #tpu.memory_space<vmem>>
      %dma_start3A_257 = tpu.memref_squeeze %dma_start3A_256 : memref<1x32x512xi32, #tpu.memory_space<vmem>> -> memref<32x512xi32, #tpu.memory_space<vmem>>
      tpu.enqueue_dma source(%dma_start3A_257 : memref<32x512xi32, #tpu.memory_space<vmem>>) target(%dma_start3A_253 : memref<32x512xi32, #tpu.memory_space<hbm>>) target_semaphore(%arg19 : memref<!tpu.dma_semaphore, #tpu.memory_space<semaphore_mem>>)
      %add3A_258 = arith.constant 2 : i32
      %add3A_259 = arith.addi %add3A_219, %add3A_258 : i32
      %lt3A = arith.constant 16 : i32
      %lt3A_260 = arith.cmpi slt, %add3A_259, %lt3A : i32
      %convert_element_type3A_261 = arith.extui %lt3A_260 : i1 to i32
      %cond3A_262 = arith.constant 0 : i32
      %cond3A_263 = arith.cmpi ne, %convert_element_type3A_261, %cond3A_262 : i32
      scf.if %cond3A_263 {
        %add3A_316 = arith.constant 2 : i32
        %add3A_317 = arith.addi %add3A_219, %add3A_316 : i32
        %mul3A_318 = arith.constant 32 : i32
        %mul3A_319 = arith.muli %add3A_317, %mul3A_318 : i32
        %dma_start3A_320 = arith.constant 0 : i32
        %dma_start3A_321 = arith.constant 0 : i32
        %dma_start3A_322 = arith.constant 0 : i32
        %dma_start3A_323 = tpu.memref_slice %arg6[%dma_start3A_320, %dma_start3A_321, %dma_start3A_322] : memref<2x32x512xi32, #tpu.memory_space<vmem>> -> memref<1x32x512xi32, #tpu.memory_space<vmem>>
        %dma_start3A_324 = tpu.memref_squeeze %dma_start3A_323 : memref<1x32x512xi32, #tpu.memory_space<vmem>> -> memref<32x512xi32, #tpu.memory_space<vmem>>
        %dma_start3A_325 = arith.constant 0 : i32
        %dma_start3A_326 = tpu.memref_slice %arg2[%add3A, %mul3A_319, %dma_start3A_325] : memref<32x512x512xi32, #tpu.memory_space<hbm>> -> memref<1x32x512xi32, #tpu.memory_space<hbm>>
        %dma_start3A_327 = tpu.memref_squeeze %dma_start3A_326 : memref<1x32x512xi32, #tpu.memory_space<hbm>> -> memref<32x512xi32, #tpu.memory_space<hbm>>
        %dma_start3A_328 = arith.constant 0 : i32
        %dma_start3A_329 = arith.constant 0 : i32
        %dma_start3A_330 = tpu.memref_slice %arg6[%dma_start3A_320, %dma_start3A_328, %dma_start3A_329] : memref<2x32x512xi32, #tpu.memory_space<vmem>> -> memref<1x32x512xi32, #tpu.memory_space<vmem>>
        %dma_start3A_331 = tpu.memref_squeeze %dma_start3A_330 : memref<1x32x512xi32, #tpu.memory_space<vmem>> -> memref<32x512xi32, #tpu.memory_space<vmem>>
        %dma_start3A_332 = arith.constant 0 : i32
        %dma_start3A_333 = tpu.memref_slice %arg2[%add3A, %mul3A_319, %dma_start3A_332] : memref<32x512x512xi32, #tpu.memory_space<hbm>> -> memref<1x32x512xi32, #tpu.memory_space<hbm>>
        %dma_start3A_334 = tpu.memref_squeeze %dma_start3A_333 : memref<1x32x512xi32, #tpu.memory_space<hbm>> -> memref<32x512xi32, #tpu.memory_space<hbm>>
        tpu.enqueue_dma source(%dma_start3A_334 : memref<32x512xi32, #tpu.memory_space<hbm>>) target(%dma_start3A_331 : memref<32x512xi32, #tpu.memory_space<vmem>>) target_semaphore(%arg15 : memref<!tpu.dma_semaphore, #tpu.memory_space<semaphore_mem>>)
      } else {
      }
      %mul3A_264 = arith.constant 2 : i32
      %mul3A_265 = arith.muli %scan3A_214, %mul3A_264 : i32
      %add3A_266 = arith.constant 1 : i32
      %add3A_267 = arith.addi %mul3A_265, %add3A_266 : i32
      %mul3A_268 = arith.constant 32 : i32
      %mul3A_269 = arith.muli %add3A_267, %mul3A_268 : i32
      %dma_wait3A_270 = arith.constant 1 : i32
      %dma_wait3A_271 = arith.constant 0 : i32
      %dma_wait3A_272 = arith.constant 0 : i32
      %dma_wait3A_273 = tpu.memref_slice %arg6[%dma_wait3A_270, %dma_wait3A_271, %dma_wait3A_272] : memref<2x32x512xi32, #tpu.memory_space<vmem>> -> memref<1x32x512xi32, #tpu.memory_space<vmem>>
      %dma_wait3A_274 = tpu.memref_squeeze %dma_wait3A_273 : memref<1x32x512xi32, #tpu.memory_space<vmem>> -> memref<32x512xi32, #tpu.memory_space<vmem>>
      %dma_wait3A_275 = arith.constant 0 : i32
      %dma_wait3A_276 = tpu.memref_slice %arg2[%add3A, %mul3A_269, %dma_wait3A_275] : memref<32x512x512xi32, #tpu.memory_space<hbm>> -> memref<1x32x512xi32, #tpu.memory_space<hbm>>
      %dma_wait3A_277 = tpu.memref_squeeze %dma_wait3A_276 : memref<1x32x512xi32, #tpu.memory_space<hbm>> -> memref<32x512xi32, #tpu.memory_space<hbm>>
      %dma_wait3A_278 = arith.constant 0 : i32
      %dma_wait3A_279 = arith.constant 0 : i32
      %dma_wait3A_280 = tpu.memref_slice %arg6[%dma_wait3A_270, %dma_wait3A_278, %dma_wait3A_279] : memref<2x32x512xi32, #tpu.memory_space<vmem>> -> memref<1x32x512xi32, #tpu.memory_space<vmem>>
      %dma_wait3A_281 = tpu.memref_squeeze %dma_wait3A_280 : memref<1x32x512xi32, #tpu.memory_space<vmem>> -> memref<32x512xi32, #tpu.memory_space<vmem>>
      %dma_wait3A_282 = arith.constant 0 : i32
      %dma_wait3A_283 = tpu.memref_slice %arg2[%add3A, %mul3A_269, %dma_wait3A_282] : memref<32x512x512xi32, #tpu.memory_space<hbm>> -> memref<1x32x512xi32, #tpu.memory_space<hbm>>
      %dma_wait3A_284 = tpu.memref_squeeze %dma_wait3A_283 : memref<1x32x512xi32, #tpu.memory_space<hbm>> -> memref<32x512xi32, #tpu.memory_space<hbm>>
      tpu.wait_dma2 semaphore(%arg16 : memref<!tpu.dma_semaphore, #tpu.memory_space<semaphore_mem>>) src(%dma_wait3A_284 : memref<32x512xi32, #tpu.memory_space<hbm>>) dst(%dma_wait3A_281 : memref<32x512xi32, #tpu.memory_space<vmem>>)
      %ge3A_285 = arith.constant 2 : i32
      %ge3A_286 = arith.cmpi sge, %add3A_267, %ge3A_285 : i32
      %convert_element_type3A_287 = arith.extui %ge3A_286 : i1 to i32
      %cond3A_288 = arith.constant 0 : i32
      %cond3A_289 = arith.cmpi ne, %convert_element_type3A_287, %cond3A_288 : i32
      scf.if %cond3A_289 {
        %sub3A = arith.constant 64 : i32
        %sub3A_316 = arith.subi %mul3A_269, %sub3A : i32
        %dma_wait3A_317 = arith.constant 1 : i32
        %dma_wait3A_318 = arith.constant 0 : i32
        %dma_wait3A_319 = arith.constant 0 : i32
        %dma_wait3A_320 = tpu.memref_slice %arg8[%dma_wait3A_317, %dma_wait3A_318, %dma_wait3A_319] : memref<2x32x512xi32, #tpu.memory_space<vmem>> -> memref<1x32x512xi32, #tpu.memory_space<vmem>>
        %dma_wait3A_321 = tpu.memref_squeeze %dma_wait3A_320 : memref<1x32x512xi32, #tpu.memory_space<vmem>> -> memref<32x512xi32, #tpu.memory_space<vmem>>
        %dma_wait3A_322 = arith.constant 0 : i32
        %dma_wait3A_323 = tpu.memref_slice %arg4[%add3A, %sub3A_316, %dma_wait3A_322] : memref<32x512x512xi32, #tpu.memory_space<hbm>> -> memref<1x32x512xi32, #tpu.memory_space<hbm>>
        %dma_wait3A_324 = tpu.memref_squeeze %dma_wait3A_323 : memref<1x32x512xi32, #tpu.memory_space<hbm>> -> memref<32x512xi32, #tpu.memory_space<hbm>>
        %dma_wait3A_325 = arith.constant 0 : i32
        %dma_wait3A_326 = tpu.memref_slice %arg4[%add3A, %sub3A_316, %dma_wait3A_325] : memref<32x512x512xi32, #tpu.memory_space<hbm>> -> memref<1x32x512xi32, #tpu.memory_space<hbm>>
        %dma_wait3A_327 = tpu.memref_squeeze %dma_wait3A_326 : memref<1x32x512xi32, #tpu.memory_space<hbm>> -> memref<32x512xi32, #tpu.memory_space<hbm>>
        %dma_wait3A_328 = arith.constant 0 : i32
        %dma_wait3A_329 = arith.constant 0 : i32
        %dma_wait3A_330 = tpu.memref_slice %arg8[%dma_wait3A_317, %dma_wait3A_328, %dma_wait3A_329] : memref<2x32x512xi32, #tpu.memory_space<vmem>> -> memref<1x32x512xi32, #tpu.memory_space<vmem>>
        %dma_wait3A_331 = tpu.memref_squeeze %dma_wait3A_330 : memref<1x32x512xi32, #tpu.memory_space<vmem>> -> memref<32x512xi32, #tpu.memory_space<vmem>>
        tpu.wait_dma2 semaphore(%arg20 : memref<!tpu.dma_semaphore, #tpu.memory_space<semaphore_mem>>) src(%dma_wait3A_331 : memref<32x512xi32, #tpu.memory_space<vmem>>) dst(%dma_wait3A_327 : memref<32x512xi32, #tpu.memory_space<hbm>>)
      } else {
      }
      %parallel_loop3A_290 = arith.constant 0 : i32
      %parallel_loop3A_291 = arith.constant 32 : i32
      %parallel_loop3A_292 = arith.constant 1 : i32
      scf.for %parallel_loop3A_316 = %parallel_loop3A_290 to %parallel_loop3A_291 step %parallel_loop3A_292  : i32 {
        %parallel_loop3A_317 = arith.constant 1 : i32
        %parallel_loop3A_318 = arith.index_cast %parallel_loop3A_317 : i32 to index
        %parallel_loop3A_319 = arith.index_cast %parallel_loop3A_316 : i32 to index
        %parallel_loop3A_320 = arith.constant 0 : index
        %parallel_loop3A_321 = tpu.vector_load %arg6[%parallel_loop3A_318, %parallel_loop3A_319, %parallel_loop3A_320] {strides = array<i32>} : memref<2x32x512xi32, #tpu.memory_space<vmem>>, vector<16xi32>,
        %parallel_loop3A_322 = arith.constant 1 : i32
        %parallel_loop3A_323 = arith.index_cast %parallel_loop3A_322 : i32 to index
        %parallel_loop3A_324 = arith.index_cast %parallel_loop3A_316 : i32 to index
        %parallel_loop3A_325 = arith.constant 16 : index
        %parallel_loop3A_326 = tpu.vector_load %arg6[%parallel_loop3A_323, %parallel_loop3A_324, %parallel_loop3A_325] {strides = array<i32>} : memref<2x32x512xi32, #tpu.memory_space<vmem>>, vector<16xi32>,
        %parallel_loop3A_327 = arith.constant 1 : i32
        %parallel_loop3A_328 = arith.index_cast %parallel_loop3A_327 : i32 to index
        %parallel_loop3A_329 = arith.index_cast %parallel_loop3A_316 : i32 to index
        %parallel_loop3A_330 = arith.constant 32 : index
        %parallel_loop3A_331 = tpu.vector_load %arg6[%parallel_loop3A_328, %parallel_loop3A_329, %parallel_loop3A_330] {strides = array<i32>} : memref<2x32x512xi32, #tpu.memory_space<vmem>>, vector<16xi32>,
        %parallel_loop3A_332 = arith.constant 1 : i32
        %parallel_loop3A_333 = arith.index_cast %parallel_loop3A_332 : i32 to index
        %parallel_loop3A_334 = arith.index_cast %parallel_loop3A_316 : i32 to index
        %parallel_loop3A_335 = arith.constant 48 : index
        %parallel_loop3A_336 = tpu.vector_load %arg6[%parallel_loop3A_333, %parallel_loop3A_334, %parallel_loop3A_335] {strides = array<i32>} : memref<2x32x512xi32, #tpu.memory_space<vmem>>, vector<16xi32>,
        %parallel_loop3A_337 = arith.constant 1 : i32
        %parallel_loop3A_338 = arith.index_cast %parallel_loop3A_337 : i32 to index
        %parallel_loop3A_339 = arith.index_cast %parallel_loop3A_316 : i32 to index
        %parallel_loop3A_340 = arith.constant 64 : index
        %parallel_loop3A_341 = tpu.vector_load %arg6[%parallel_loop3A_338, %parallel_loop3A_339, %parallel_loop3A_340] {strides = array<i32>} : memref<2x32x512xi32, #tpu.memory_space<vmem>>, vector<16xi32>,
        %parallel_loop3A_342 = arith.constant 1 : i32
        %parallel_loop3A_343 = arith.index_cast %parallel_loop3A_342 : i32 to index
        %parallel_loop3A_344 = arith.index_cast %parallel_loop3A_316 : i32 to index
        %parallel_loop3A_345 = arith.constant 80 : index
        %parallel_loop3A_346 = tpu.vector_load %arg6[%parallel_loop3A_343, %parallel_loop3A_344, %parallel_loop3A_345] {strides = array<i32>} : memref<2x32x512xi32, #tpu.memory_space<vmem>>, vector<16xi32>,
        %parallel_loop3A_347 = arith.constant 1 : i32
        %parallel_loop3A_348 = arith.index_cast %parallel_loop3A_347 : i32 to index
        %parallel_loop3A_349 = arith.index_cast %parallel_loop3A_316 : i32 to index
        %parallel_loop3A_350 = arith.constant 96 : index
        %parallel_loop3A_351 = tpu.vector_load %arg6[%parallel_loop3A_348, %parallel_loop3A_349, %parallel_loop3A_350] {strides = array<i32>} : memref<2x32x512xi32, #tpu.memory_space<vmem>>, vector<16xi32>,
        %parallel_loop3A_352 = arith.constant 1 : i32
        %parallel_loop3A_353 = arith.index_cast %parallel_loop3A_352 : i32 to index
        %parallel_loop3A_354 = arith.index_cast %parallel_loop3A_316 : i32 to index
        %parallel_loop3A_355 = arith.constant 112 : index
        %parallel_loop3A_356 = tpu.vector_load %arg6[%parallel_loop3A_353, %parallel_loop3A_354, %parallel_loop3A_355] {strides = array<i32>} : memref<2x32x512xi32, #tpu.memory_space<vmem>>, vector<16xi32>,
        %parallel_loop3A_357 = tpu.vector_load_idx %arg13[%parallel_loop3A_321] : memref<512xi32, #tpu.memory_space<vmem>>[vector<16xi32>], vector<16xi32>,
        %parallel_loop3A_358 = tpu.vector_load_idx %arg13[%parallel_loop3A_326] : memref<512xi32, #tpu.memory_space<vmem>>[vector<16xi32>], vector<16xi32>,
        %parallel_loop3A_359 = tpu.vector_load_idx %arg13[%parallel_loop3A_331] : memref<512xi32, #tpu.memory_space<vmem>>[vector<16xi32>], vector<16xi32>,
        %parallel_loop3A_360 = tpu.vector_load_idx %arg13[%parallel_loop3A_336] : memref<512xi32, #tpu.memory_space<vmem>>[vector<16xi32>], vector<16xi32>,
        %parallel_loop3A_361 = tpu.vector_load_idx %arg13[%parallel_loop3A_341] : memref<512xi32, #tpu.memory_space<vmem>>[vector<16xi32>], vector<16xi32>,
        %parallel_loop3A_362 = tpu.vector_load_idx %arg13[%parallel_loop3A_346] : memref<512xi32, #tpu.memory_space<vmem>>[vector<16xi32>], vector<16xi32>,
        %parallel_loop3A_363 = tpu.vector_load_idx %arg13[%parallel_loop3A_351] : memref<512xi32, #tpu.memory_space<vmem>>[vector<16xi32>], vector<16xi32>,
        %parallel_loop3A_364 = tpu.vector_load_idx %arg13[%parallel_loop3A_356] : memref<512xi32, #tpu.memory_space<vmem>>[vector<16xi32>], vector<16xi32>,
        %parallel_loop3A_365 = arith.constant 1 : i32
        %parallel_loop3A_366 = arith.index_cast %parallel_loop3A_365 : i32 to index
        %parallel_loop3A_367 = arith.index_cast %parallel_loop3A_316 : i32 to index
        %parallel_loop3A_368 = arith.constant 0 : index
        %parallel_loop3A_369 = tpu.vector_load %arg8[%parallel_loop3A_366, %parallel_loop3A_367, %parallel_loop3A_368] {strides = array<i32>} : memref<2x32x512xi32, #tpu.memory_space<vmem>>, vector<16xi32>,
        tpu.vector_store %arg8[%parallel_loop3A_366, %parallel_loop3A_367, %parallel_loop3A_368], %parallel_loop3A_357 {strides = array<i32>} : memref<2x32x512xi32, #tpu.memory_space<vmem>>, vector<16xi32>,
        %parallel_loop3A_370 = arith.constant 1 : i32
        %parallel_loop3A_371 = arith.index_cast %parallel_loop3A_370 : i32 to index
        %parallel_loop3A_372 = arith.index_cast %parallel_loop3A_316 : i32 to index
        %parallel_loop3A_373 = arith.constant 16 : index
        %parallel_loop3A_374 = tpu.vector_load %arg8[%parallel_loop3A_371, %parallel_loop3A_372, %parallel_loop3A_373] {strides = array<i32>} : memref<2x32x512xi32, #tpu.memory_space<vmem>>, vector<16xi32>,
        tpu.vector_store %arg8[%parallel_loop3A_371, %parallel_loop3A_372, %parallel_loop3A_373], %parallel_loop3A_358 {strides = array<i32>} : memref<2x32x512xi32, #tpu.memory_space<vmem>>, vector<16xi32>,
        %parallel_loop3A_375 = arith.constant 1 : i32
        %parallel_loop3A_376 = arith.index_cast %parallel_loop3A_375 : i32 to index
        %parallel_loop3A_377 = arith.index_cast %parallel_loop3A_316 : i32 to index
        %parallel_loop3A_378 = arith.constant 32 : index
        %parallel_loop3A_379 = tpu.vector_load %arg8[%parallel_loop3A_376, %parallel_loop3A_377, %parallel_loop3A_378] {strides = array<i32>} : memref<2x32x512xi32, #tpu.memory_space<vmem>>, vector<16xi32>,
        tpu.vector_store %arg8[%parallel_loop3A_376, %parallel_loop3A_377, %parallel_loop3A_378], %parallel_loop3A_359 {strides = array<i32>} : memref<2x32x512xi32, #tpu.memory_space<vmem>>, vector<16xi32>,
        %parallel_loop3A_380 = arith.constant 1 : i32
        %parallel_loop3A_381 = arith.index_cast %parallel_loop3A_380 : i32 to index
        %parallel_loop3A_382 = arith.index_cast %parallel_loop3A_316 : i32 to index
        %parallel_loop3A_383 = arith.constant 48 : index
        %parallel_loop3A_384 = tpu.vector_load %arg8[%parallel_loop3A_381, %parallel_loop3A_382, %parallel_loop3A_383] {strides = array<i32>} : memref<2x32x512xi32, #tpu.memory_space<vmem>>, vector<16xi32>,
        tpu.vector_store %arg8[%parallel_loop3A_381, %parallel_loop3A_382, %parallel_loop3A_383], %parallel_loop3A_360 {strides = array<i32>} : memref<2x32x512xi32, #tpu.memory_space<vmem>>, vector<16xi32>,
        %parallel_loop3A_385 = arith.constant 1 : i32
        %parallel_loop3A_386 = arith.index_cast %parallel_loop3A_385 : i32 to index
        %parallel_loop3A_387 = arith.index_cast %parallel_loop3A_316 : i32 to index
        %parallel_loop3A_388 = arith.constant 64 : index
        %parallel_loop3A_389 = tpu.vector_load %arg8[%parallel_loop3A_386, %parallel_loop3A_387, %parallel_loop3A_388] {strides = array<i32>} : memref<2x32x512xi32, #tpu.memory_space<vmem>>, vector<16xi32>,
        tpu.vector_store %arg8[%parallel_loop3A_386, %parallel_loop3A_387, %parallel_loop3A_388], %parallel_loop3A_361 {strides = array<i32>} : memref<2x32x512xi32, #tpu.memory_space<vmem>>, vector<16xi32>,
        %parallel_loop3A_390 = arith.constant 1 : i32
        %parallel_loop3A_391 = arith.index_cast %parallel_loop3A_390 : i32 to index
        %parallel_loop3A_392 = arith.index_cast %parallel_loop3A_316 : i32 to index
        %parallel_loop3A_393 = arith.constant 80 : index
        %parallel_loop3A_394 = tpu.vector_load %arg8[%parallel_loop3A_391, %parallel_loop3A_392, %parallel_loop3A_393] {strides = array<i32>} : memref<2x32x512xi32, #tpu.memory_space<vmem>>, vector<16xi32>,
        tpu.vector_store %arg8[%parallel_loop3A_391, %parallel_loop3A_392, %parallel_loop3A_393], %parallel_loop3A_362 {strides = array<i32>} : memref<2x32x512xi32, #tpu.memory_space<vmem>>, vector<16xi32>,
        %parallel_loop3A_395 = arith.constant 1 : i32
        %parallel_loop3A_396 = arith.index_cast %parallel_loop3A_395 : i32 to index
        %parallel_loop3A_397 = arith.index_cast %parallel_loop3A_316 : i32 to index
        %parallel_loop3A_398 = arith.constant 96 : index
        %parallel_loop3A_399 = tpu.vector_load %arg8[%parallel_loop3A_396, %parallel_loop3A_397, %parallel_loop3A_398] {strides = array<i32>} : memref<2x32x512xi32, #tpu.memory_space<vmem>>, vector<16xi32>,
        tpu.vector_store %arg8[%parallel_loop3A_396, %parallel_loop3A_397, %parallel_loop3A_398], %parallel_loop3A_363 {strides = array<i32>} : memref<2x32x512xi32, #tpu.memory_space<vmem>>, vector<16xi32>,
        %parallel_loop3A_400 = arith.constant 1 : i32
        %parallel_loop3A_401 = arith.index_cast %parallel_loop3A_400 : i32 to index
        %parallel_loop3A_402 = arith.index_cast %parallel_loop3A_316 : i32 to index
        %parallel_loop3A_403 = arith.constant 112 : index
        %parallel_loop3A_404 = tpu.vector_load %arg8[%parallel_loop3A_401, %parallel_loop3A_402, %parallel_loop3A_403] {strides = array<i32>} : memref<2x32x512xi32, #tpu.memory_space<vmem>>, vector<16xi32>,
        tpu.vector_store %arg8[%parallel_loop3A_401, %parallel_loop3A_402, %parallel_loop3A_403], %parallel_loop3A_364 {strides = array<i32>} : memref<2x32x512xi32, #tpu.memory_space<vmem>>, vector<16xi32>,
        %parallel_loop3A_405 = arith.constant 1 : i32
        %parallel_loop3A_406 = arith.index_cast %parallel_loop3A_405 : i32 to index
        %parallel_loop3A_407 = arith.index_cast %parallel_loop3A_316 : i32 to index
        %parallel_loop3A_408 = arith.constant 128 : index
        %parallel_loop3A_409 = tpu.vector_load %arg6[%parallel_loop3A_406, %parallel_loop3A_407, %parallel_loop3A_408] {strides = array<i32>} : memref<2x32x512xi32, #tpu.memory_space<vmem>>, vector<16xi32>,
        %parallel_loop3A_410 = arith.constant 1 : i32
        %parallel_loop3A_411 = arith.index_cast %parallel_loop3A_410 : i32 to index
        %parallel_loop3A_412 = arith.index_cast %parallel_loop3A_316 : i32 to index
        %parallel_loop3A_413 = arith.constant 144 : index
        %parallel_loop3A_414 = tpu.vector_load %arg6[%parallel_loop3A_411, %parallel_loop3A_412, %parallel_loop3A_413] {strides = array<i32>} : memref<2x32x512xi32, #tpu.memory_space<vmem>>, vector<16xi32>,
        %parallel_loop3A_415 = arith.constant 1 : i32
        %parallel_loop3A_416 = arith.index_cast %parallel_loop3A_415 : i32 to index
        %parallel_loop3A_417 = arith.index_cast %parallel_loop3A_316 : i32 to index
        %parallel_loop3A_418 = arith.constant 160 : index
        %parallel_loop3A_419 = tpu.vector_load %arg6[%parallel_loop3A_416, %parallel_loop3A_417, %parallel_loop3A_418] {strides = array<i32>} : memref<2x32x512xi32, #tpu.memory_space<vmem>>, vector<16xi32>,
        %parallel_loop3A_420 = arith.constant 1 : i32
        %parallel_loop3A_421 = arith.index_cast %parallel_loop3A_420 : i32 to index
        %parallel_loop3A_422 = arith.index_cast %parallel_loop3A_316 : i32 to index
        %parallel_loop3A_423 = arith.constant 176 : index
        %parallel_loop3A_424 = tpu.vector_load %arg6[%parallel_loop3A_421, %parallel_loop3A_422, %parallel_loop3A_423] {strides = array<i32>} : memref<2x32x512xi32, #tpu.memory_space<vmem>>, vector<16xi32>,
        %parallel_loop3A_425 = arith.constant 1 : i32
        %parallel_loop3A_426 = arith.index_cast %parallel_loop3A_425 : i32 to index
        %parallel_loop3A_427 = arith.index_cast %parallel_loop3A_316 : i32 to index
        %parallel_loop3A_428 = arith.constant 192 : index
        %parallel_loop3A_429 = tpu.vector_load %arg6[%parallel_loop3A_426, %parallel_loop3A_427, %parallel_loop3A_428] {strides = array<i32>} : memref<2x32x512xi32, #tpu.memory_space<vmem>>, vector<16xi32>,
        %parallel_loop3A_430 = arith.constant 1 : i32
        %parallel_loop3A_431 = arith.index_cast %parallel_loop3A_430 : i32 to index
        %parallel_loop3A_432 = arith.index_cast %parallel_loop3A_316 : i32 to index
        %parallel_loop3A_433 = arith.constant 208 : index
        %parallel_loop3A_434 = tpu.vector_load %arg6[%parallel_loop3A_431, %parallel_loop3A_432, %parallel_loop3A_433] {strides = array<i32>} : memref<2x32x512xi32, #tpu.memory_space<vmem>>, vector<16xi32>,
        %parallel_loop3A_435 = arith.constant 1 : i32
        %parallel_loop3A_436 = arith.index_cast %parallel_loop3A_435 : i32 to index
        %parallel_loop3A_437 = arith.index_cast %parallel_loop3A_316 : i32 to index
        %parallel_loop3A_438 = arith.constant 224 : index
        %parallel_loop3A_439 = tpu.vector_load %arg6[%parallel_loop3A_436, %parallel_loop3A_437, %parallel_loop3A_438] {strides = array<i32>} : memref<2x32x512xi32, #tpu.memory_space<vmem>>, vector<16xi32>,
        %parallel_loop3A_440 = arith.constant 1 : i32
        %parallel_loop3A_441 = arith.index_cast %parallel_loop3A_440 : i32 to index
        %parallel_loop3A_442 = arith.index_cast %parallel_loop3A_316 : i32 to index
        %parallel_loop3A_443 = arith.constant 240 : index
        %parallel_loop3A_444 = tpu.vector_load %arg6[%parallel_loop3A_441, %parallel_loop3A_442, %parallel_loop3A_443] {strides = array<i32>} : memref<2x32x512xi32, #tpu.memory_space<vmem>>, vector<16xi32>,
        %parallel_loop3A_445 = tpu.vector_load_idx %arg13[%parallel_loop3A_409] : memref<512xi32, #tpu.memory_space<vmem>>[vector<16xi32>], vector<16xi32>,
        %parallel_loop3A_446 = tpu.vector_load_idx %arg13[%parallel_loop3A_414] : memref<512xi32, #tpu.memory_space<vmem>>[vector<16xi32>], vector<16xi32>,
        %parallel_loop3A_447 = tpu.vector_load_idx %arg13[%parallel_loop3A_419] : memref<512xi32, #tpu.memory_space<vmem>>[vector<16xi32>], vector<16xi32>,
        %parallel_loop3A_448 = tpu.vector_load_idx %arg13[%parallel_loop3A_424] : memref<512xi32, #tpu.memory_space<vmem>>[vector<16xi32>], vector<16xi32>,
        %parallel_loop3A_449 = tpu.vector_load_idx %arg13[%parallel_loop3A_429] : memref<512xi32, #tpu.memory_space<vmem>>[vector<16xi32>], vector<16xi32>,
        %parallel_loop3A_450 = tpu.vector_load_idx %arg13[%parallel_loop3A_434] : memref<512xi32, #tpu.memory_space<vmem>>[vector<16xi32>], vector<16xi32>,
        %parallel_loop3A_451 = tpu.vector_load_idx %arg13[%parallel_loop3A_439] : memref<512xi32, #tpu.memory_space<vmem>>[vector<16xi32>], vector<16xi32>,
        %parallel_loop3A_452 = tpu.vector_load_idx %arg13[%parallel_loop3A_444] : memref<512xi32, #tpu.memory_space<vmem>>[vector<16xi32>], vector<16xi32>,
        %parallel_loop3A_453 = arith.constant 1 : i32
        %parallel_loop3A_454 = arith.index_cast %parallel_loop3A_453 : i32 to index
        %parallel_loop3A_455 = arith.index_cast %parallel_loop3A_316 : i32 to index
        %parallel_loop3A_456 = arith.constant 128 : index
        %parallel_loop3A_457 = tpu.vector_load %arg8[%parallel_loop3A_454, %parallel_loop3A_455, %parallel_loop3A_456] {strides = array<i32>} : memref<2x32x512xi32, #tpu.memory_space<vmem>>, vector<16xi32>,
        tpu.vector_store %arg8[%parallel_loop3A_454, %parallel_loop3A_455, %parallel_loop3A_456], %parallel_loop3A_445 {strides = array<i32>} : memref<2x32x512xi32, #tpu.memory_space<vmem>>, vector<16xi32>,
        %parallel_loop3A_458 = arith.constant 1 : i32
        %parallel_loop3A_459 = arith.index_cast %parallel_loop3A_458 : i32 to index
        %parallel_loop3A_460 = arith.index_cast %parallel_loop3A_316 : i32 to index
        %parallel_loop3A_461 = arith.constant 144 : index
        %parallel_loop3A_462 = tpu.vector_load %arg8[%parallel_loop3A_459, %parallel_loop3A_460, %parallel_loop3A_461] {strides = array<i32>} : memref<2x32x512xi32, #tpu.memory_space<vmem>>, vector<16xi32>,
        tpu.vector_store %arg8[%parallel_loop3A_459, %parallel_loop3A_460, %parallel_loop3A_461], %parallel_loop3A_446 {strides = array<i32>} : memref<2x32x512xi32, #tpu.memory_space<vmem>>, vector<16xi32>,
        %parallel_loop3A_463 = arith.constant 1 : i32
        %parallel_loop3A_464 = arith.index_cast %parallel_loop3A_463 : i32 to index
        %parallel_loop3A_465 = arith.index_cast %parallel_loop3A_316 : i32 to index
        %parallel_loop3A_466 = arith.constant 160 : index
        %parallel_loop3A_467 = tpu.vector_load %arg8[%parallel_loop3A_464, %parallel_loop3A_465, %parallel_loop3A_466] {strides = array<i32>} : memref<2x32x512xi32, #tpu.memory_space<vmem>>, vector<16xi32>,
        tpu.vector_store %arg8[%parallel_loop3A_464, %parallel_loop3A_465, %parallel_loop3A_466], %parallel_loop3A_447 {strides = array<i32>} : memref<2x32x512xi32, #tpu.memory_space<vmem>>, vector<16xi32>,
        %parallel_loop3A_468 = arith.constant 1 : i32
        %parallel_loop3A_469 = arith.index_cast %parallel_loop3A_468 : i32 to index
        %parallel_loop3A_470 = arith.index_cast %parallel_loop3A_316 : i32 to index
        %parallel_loop3A_471 = arith.constant 176 : index
        %parallel_loop3A_472 = tpu.vector_load %arg8[%parallel_loop3A_469, %parallel_loop3A_470, %parallel_loop3A_471] {strides = array<i32>} : memref<2x32x512xi32, #tpu.memory_space<vmem>>, vector<16xi32>,
        tpu.vector_store %arg8[%parallel_loop3A_469, %parallel_loop3A_470, %parallel_loop3A_471], %parallel_loop3A_448 {strides = array<i32>} : memref<2x32x512xi32, #tpu.memory_space<vmem>>, vector<16xi32>,
        %parallel_loop3A_473 = arith.constant 1 : i32
        %parallel_loop3A_474 = arith.index_cast %parallel_loop3A_473 : i32 to index
        %parallel_loop3A_475 = arith.index_cast %parallel_loop3A_316 : i32 to index
        %parallel_loop3A_476 = arith.constant 192 : index
        %parallel_loop3A_477 = tpu.vector_load %arg8[%parallel_loop3A_474, %parallel_loop3A_475, %parallel_loop3A_476] {strides = array<i32>} : memref<2x32x512xi32, #tpu.memory_space<vmem>>, vector<16xi32>,
        tpu.vector_store %arg8[%parallel_loop3A_474, %parallel_loop3A_475, %parallel_loop3A_476], %parallel_loop3A_449 {strides = array<i32>} : memref<2x32x512xi32, #tpu.memory_space<vmem>>, vector<16xi32>,
        %parallel_loop3A_478 = arith.constant 1 : i32
        %parallel_loop3A_479 = arith.index_cast %parallel_loop3A_478 : i32 to index
        %parallel_loop3A_480 = arith.index_cast %parallel_loop3A_316 : i32 to index
        %parallel_loop3A_481 = arith.constant 208 : index
        %parallel_loop3A_482 = tpu.vector_load %arg8[%parallel_loop3A_479, %parallel_loop3A_480, %parallel_loop3A_481] {strides = array<i32>} : memref<2x32x512xi32, #tpu.memory_space<vmem>>, vector<16xi32>,
        tpu.vector_store %arg8[%parallel_loop3A_479, %parallel_loop3A_480, %parallel_loop3A_481], %parallel_loop3A_450 {strides = array<i32>} : memref<2x32x512xi32, #tpu.memory_space<vmem>>, vector<16xi32>,
        %parallel_loop3A_483 = arith.constant 1 : i32
        %parallel_loop3A_484 = arith.index_cast %parallel_loop3A_483 : i32 to index
        %parallel_loop3A_485 = arith.index_cast %parallel_loop3A_316 : i32 to index
        %parallel_loop3A_486 = arith.constant 224 : index
        %parallel_loop3A_487 = tpu.vector_load %arg8[%parallel_loop3A_484, %parallel_loop3A_485, %parallel_loop3A_486] {strides = array<i32>} : memref<2x32x512xi32, #tpu.memory_space<vmem>>, vector<16xi32>,
        tpu.vector_store %arg8[%parallel_loop3A_484, %parallel_loop3A_485, %parallel_loop3A_486], %parallel_loop3A_451 {strides = array<i32>} : memref<2x32x512xi32, #tpu.memory_space<vmem>>, vector<16xi32>,
        %parallel_loop3A_488 = arith.constant 1 : i32
        %parallel_loop3A_489 = arith.index_cast %parallel_loop3A_488 : i32 to index
        %parallel_loop3A_490 = arith.index_cast %parallel_loop3A_316 : i32 to index
        %parallel_loop3A_491 = arith.constant 240 : index
        %parallel_loop3A_492 = tpu.vector_load %arg8[%parallel_loop3A_489, %parallel_loop3A_490, %parallel_loop3A_491] {strides = array<i32>} : memref<2x32x512xi32, #tpu.memory_space<vmem>>, vector<16xi32>,
        tpu.vector_store %arg8[%parallel_loop3A_489, %parallel_loop3A_490, %parallel_loop3A_491], %parallel_loop3A_452 {strides = array<i32>} : memref<2x32x512xi32, #tpu.memory_space<vmem>>, vector<16xi32>,
        %parallel_loop3A_493 = arith.constant 1 : i32
        %parallel_loop3A_494 = arith.index_cast %parallel_loop3A_493 : i32 to index
        %parallel_loop3A_495 = arith.index_cast %parallel_loop3A_316 : i32 to index
        %parallel_loop3A_496 = arith.constant 256 : index
        %parallel_loop3A_497 = tpu.vector_load %arg6[%parallel_loop3A_494, %parallel_loop3A_495, %parallel_loop3A_496] {strides = array<i32>} : memref<2x32x512xi32, #tpu.memory_space<vmem>>, vector<16xi32>,
        %parallel_loop3A_498 = arith.constant 1 : i32
        %parallel_loop3A_499 = arith.index_cast %parallel_loop3A_498 : i32 to index
        %parallel_loop3A_500 = arith.index_cast %parallel_loop3A_316 : i32 to index
        %parallel_loop3A_501 = arith.constant 272 : index
        %parallel_loop3A_502 = tpu.vector_load %arg6[%parallel_loop3A_499, %parallel_loop3A_500, %parallel_loop3A_501] {strides = array<i32>} : memref<2x32x512xi32, #tpu.memory_space<vmem>>, vector<16xi32>,
        %parallel_loop3A_503 = arith.constant 1 : i32
        %parallel_loop3A_504 = arith.index_cast %parallel_loop3A_503 : i32 to index
        %parallel_loop3A_505 = arith.index_cast %parallel_loop3A_316 : i32 to index
        %parallel_loop3A_506 = arith.constant 288 : index
        %parallel_loop3A_507 = tpu.vector_load %arg6[%parallel_loop3A_504, %parallel_loop3A_505, %parallel_loop3A_506] {strides = array<i32>} : memref<2x32x512xi32, #tpu.memory_space<vmem>>, vector<16xi32>,
        %parallel_loop3A_508 = arith.constant 1 : i32
        %parallel_loop3A_509 = arith.index_cast %parallel_loop3A_508 : i32 to index
        %parallel_loop3A_510 = arith.index_cast %parallel_loop3A_316 : i32 to index
        %parallel_loop3A_511 = arith.constant 304 : index
        %parallel_loop3A_512 = tpu.vector_load %arg6[%parallel_loop3A_509, %parallel_loop3A_510, %parallel_loop3A_511] {strides = array<i32>} : memref<2x32x512xi32, #tpu.memory_space<vmem>>, vector<16xi32>,
        %parallel_loop3A_513 = arith.constant 1 : i32
        %parallel_loop3A_514 = arith.index_cast %parallel_loop3A_513 : i32 to index
        %parallel_loop3A_515 = arith.index_cast %parallel_loop3A_316 : i32 to index
        %parallel_loop3A_516 = arith.constant 320 : index
        %parallel_loop3A_517 = tpu.vector_load %arg6[%parallel_loop3A_514, %parallel_loop3A_515, %parallel_loop3A_516] {strides = array<i32>} : memref<2x32x512xi32, #tpu.memory_space<vmem>>, vector<16xi32>,
        %parallel_loop3A_518 = arith.constant 1 : i32
        %parallel_loop3A_519 = arith.index_cast %parallel_loop3A_518 : i32 to index
        %parallel_loop3A_520 = arith.index_cast %parallel_loop3A_316 : i32 to index
        %parallel_loop3A_521 = arith.constant 336 : index
        %parallel_loop3A_522 = tpu.vector_load %arg6[%parallel_loop3A_519, %parallel_loop3A_520, %parallel_loop3A_521] {strides = array<i32>} : memref<2x32x512xi32, #tpu.memory_space<vmem>>, vector<16xi32>,
        %parallel_loop3A_523 = arith.constant 1 : i32
        %parallel_loop3A_524 = arith.index_cast %parallel_loop3A_523 : i32 to index
        %parallel_loop3A_525 = arith.index_cast %parallel_loop3A_316 : i32 to index
        %parallel_loop3A_526 = arith.constant 352 : index
        %parallel_loop3A_527 = tpu.vector_load %arg6[%parallel_loop3A_524, %parallel_loop3A_525, %parallel_loop3A_526] {strides = array<i32>} : memref<2x32x512xi32, #tpu.memory_space<vmem>>, vector<16xi32>,
        %parallel_loop3A_528 = arith.constant 1 : i32
        %parallel_loop3A_529 = arith.index_cast %parallel_loop3A_528 : i32 to index
        %parallel_loop3A_530 = arith.index_cast %parallel_loop3A_316 : i32 to index
        %parallel_loop3A_531 = arith.constant 368 : index
        %parallel_loop3A_532 = tpu.vector_load %arg6[%parallel_loop3A_529, %parallel_loop3A_530, %parallel_loop3A_531] {strides = array<i32>} : memref<2x32x512xi32, #tpu.memory_space<vmem>>, vector<16xi32>,
        %parallel_loop3A_533 = tpu.vector_load_idx %arg13[%parallel_loop3A_497] : memref<512xi32, #tpu.memory_space<vmem>>[vector<16xi32>], vector<16xi32>,
        %parallel_loop3A_534 = tpu.vector_load_idx %arg13[%parallel_loop3A_502] : memref<512xi32, #tpu.memory_space<vmem>>[vector<16xi32>], vector<16xi32>,
        %parallel_loop3A_535 = tpu.vector_load_idx %arg13[%parallel_loop3A_507] : memref<512xi32, #tpu.memory_space<vmem>>[vector<16xi32>], vector<16xi32>,
        %parallel_loop3A_536 = tpu.vector_load_idx %arg13[%parallel_loop3A_512] : memref<512xi32, #tpu.memory_space<vmem>>[vector<16xi32>], vector<16xi32>,
        %parallel_loop3A_537 = tpu.vector_load_idx %arg13[%parallel_loop3A_517] : memref<512xi32, #tpu.memory_space<vmem>>[vector<16xi32>], vector<16xi32>,
        %parallel_loop3A_538 = tpu.vector_load_idx %arg13[%parallel_loop3A_522] : memref<512xi32, #tpu.memory_space<vmem>>[vector<16xi32>], vector<16xi32>,
        %parallel_loop3A_539 = tpu.vector_load_idx %arg13[%parallel_loop3A_527] : memref<512xi32, #tpu.memory_space<vmem>>[vector<16xi32>], vector<16xi32>,
        %parallel_loop3A_540 = tpu.vector_load_idx %arg13[%parallel_loop3A_532] : memref<512xi32, #tpu.memory_space<vmem>>[vector<16xi32>], vector<16xi32>,
        %parallel_loop3A_541 = arith.constant 1 : i32
        %parallel_loop3A_542 = arith.index_cast %parallel_loop3A_541 : i32 to index
        %parallel_loop3A_543 = arith.index_cast %parallel_loop3A_316 : i32 to index
        %parallel_loop3A_544 = arith.constant 256 : index
        %parallel_loop3A_545 = tpu.vector_load %arg8[%parallel_loop3A_542, %parallel_loop3A_543, %parallel_loop3A_544] {strides = array<i32>} : memref<2x32x512xi32, #tpu.memory_space<vmem>>, vector<16xi32>,
        tpu.vector_store %arg8[%parallel_loop3A_542, %parallel_loop3A_543, %parallel_loop3A_544], %parallel_loop3A_533 {strides = array<i32>} : memref<2x32x512xi32, #tpu.memory_space<vmem>>, vector<16xi32>,
        %parallel_loop3A_546 = arith.constant 1 : i32
        %parallel_loop3A_547 = arith.index_cast %parallel_loop3A_546 : i32 to index
        %parallel_loop3A_548 = arith.index_cast %parallel_loop3A_316 : i32 to index
        %parallel_loop3A_549 = arith.constant 272 : index
        %parallel_loop3A_550 = tpu.vector_load %arg8[%parallel_loop3A_547, %parallel_loop3A_548, %parallel_loop3A_549] {strides = array<i32>} : memref<2x32x512xi32, #tpu.memory_space<vmem>>, vector<16xi32>,
        tpu.vector_store %arg8[%parallel_loop3A_547, %parallel_loop3A_548, %parallel_loop3A_549], %parallel_loop3A_534 {strides = array<i32>} : memref<2x32x512xi32, #tpu.memory_space<vmem>>, vector<16xi32>,
        %parallel_loop3A_551 = arith.constant 1 : i32
        %parallel_loop3A_552 = arith.index_cast %parallel_loop3A_551 : i32 to index
        %parallel_loop3A_553 = arith.index_cast %parallel_loop3A_316 : i32 to index
        %parallel_loop3A_554 = arith.constant 288 : index
        %parallel_loop3A_555 = tpu.vector_load %arg8[%parallel_loop3A_552, %parallel_loop3A_553, %parallel_loop3A_554] {strides = array<i32>} : memref<2x32x512xi32, #tpu.memory_space<vmem>>, vector<16xi32>,
        tpu.vector_store %arg8[%parallel_loop3A_552, %parallel_loop3A_553, %parallel_loop3A_554], %parallel_loop3A_535 {strides = array<i32>} : memref<2x32x512xi32, #tpu.memory_space<vmem>>, vector<16xi32>,
        %parallel_loop3A_556 = arith.constant 1 : i32
        %parallel_loop3A_557 = arith.index_cast %parallel_loop3A_556 : i32 to index
        %parallel_loop3A_558 = arith.index_cast %parallel_loop3A_316 : i32 to index
        %parallel_loop3A_559 = arith.constant 304 : index
        %parallel_loop3A_560 = tpu.vector_load %arg8[%parallel_loop3A_557, %parallel_loop3A_558, %parallel_loop3A_559] {strides = array<i32>} : memref<2x32x512xi32, #tpu.memory_space<vmem>>, vector<16xi32>,
        tpu.vector_store %arg8[%parallel_loop3A_557, %parallel_loop3A_558, %parallel_loop3A_559], %parallel_loop3A_536 {strides = array<i32>} : memref<2x32x512xi32, #tpu.memory_space<vmem>>, vector<16xi32>,
        %parallel_loop3A_561 = arith.constant 1 : i32
        %parallel_loop3A_562 = arith.index_cast %parallel_loop3A_561 : i32 to index
        %parallel_loop3A_563 = arith.index_cast %parallel_loop3A_316 : i32 to index
        %parallel_loop3A_564 = arith.constant 320 : index
        %parallel_loop3A_565 = tpu.vector_load %arg8[%parallel_loop3A_562, %parallel_loop3A_563, %parallel_loop3A_564] {strides = array<i32>} : memref<2x32x512xi32, #tpu.memory_space<vmem>>, vector<16xi32>,
        tpu.vector_store %arg8[%parallel_loop3A_562, %parallel_loop3A_563, %parallel_loop3A_564], %parallel_loop3A_537 {strides = array<i32>} : memref<2x32x512xi32, #tpu.memory_space<vmem>>, vector<16xi32>,
        %parallel_loop3A_566 = arith.constant 1 : i32
        %parallel_loop3A_567 = arith.index_cast %parallel_loop3A_566 : i32 to index
        %parallel_loop3A_568 = arith.index_cast %parallel_loop3A_316 : i32 to index
        %parallel_loop3A_569 = arith.constant 336 : index
        %parallel_loop3A_570 = tpu.vector_load %arg8[%parallel_loop3A_567, %parallel_loop3A_568, %parallel_loop3A_569] {strides = array<i32>} : memref<2x32x512xi32, #tpu.memory_space<vmem>>, vector<16xi32>,
        tpu.vector_store %arg8[%parallel_loop3A_567, %parallel_loop3A_568, %parallel_loop3A_569], %parallel_loop3A_538 {strides = array<i32>} : memref<2x32x512xi32, #tpu.memory_space<vmem>>, vector<16xi32>,
        %parallel_loop3A_571 = arith.constant 1 : i32
        %parallel_loop3A_572 = arith.index_cast %parallel_loop3A_571 : i32 to index
        %parallel_loop3A_573 = arith.index_cast %parallel_loop3A_316 : i32 to index
        %parallel_loop3A_574 = arith.constant 352 : index
        %parallel_loop3A_575 = tpu.vector_load %arg8[%parallel_loop3A_572, %parallel_loop3A_573, %parallel_loop3A_574] {strides = array<i32>} : memref<2x32x512xi32, #tpu.memory_space<vmem>>, vector<16xi32>,
        tpu.vector_store %arg8[%parallel_loop3A_572, %parallel_loop3A_573, %parallel_loop3A_574], %parallel_loop3A_539 {strides = array<i32>} : memref<2x32x512xi32, #tpu.memory_space<vmem>>, vector<16xi32>,
        %parallel_loop3A_576 = arith.constant 1 : i32
        %parallel_loop3A_577 = arith.index_cast %parallel_loop3A_576 : i32 to index
        %parallel_loop3A_578 = arith.index_cast %parallel_loop3A_316 : i32 to index
        %parallel_loop3A_579 = arith.constant 368 : index
        %parallel_loop3A_580 = tpu.vector_load %arg8[%parallel_loop3A_577, %parallel_loop3A_578, %parallel_loop3A_579] {strides = array<i32>} : memref<2x32x512xi32, #tpu.memory_space<vmem>>, vector<16xi32>,
        tpu.vector_store %arg8[%parallel_loop3A_577, %parallel_loop3A_578, %parallel_loop3A_579], %parallel_loop3A_540 {strides = array<i32>} : memref<2x32x512xi32, #tpu.memory_space<vmem>>, vector<16xi32>,
        %parallel_loop3A_581 = arith.constant 1 : i32
        %parallel_loop3A_582 = arith.index_cast %parallel_loop3A_581 : i32 to index
        %parallel_loop3A_583 = arith.index_cast %parallel_loop3A_316 : i32 to index
        %parallel_loop3A_584 = arith.constant 384 : index
        %parallel_loop3A_585 = tpu.vector_load %arg6[%parallel_loop3A_582, %parallel_loop3A_583, %parallel_loop3A_584] {strides = array<i32>} : memref<2x32x512xi32, #tpu.memory_space<vmem>>, vector<16xi32>,
        %parallel_loop3A_586 = arith.constant 1 : i32
        %parallel_loop3A_587 = arith.index_cast %parallel_loop3A_586 : i32 to index
        %parallel_loop3A_588 = arith.index_cast %parallel_loop3A_316 : i32 to index
        %parallel_loop3A_589 = arith.constant 400 : index
        %parallel_loop3A_590 = tpu.vector_load %arg6[%parallel_loop3A_587, %parallel_loop3A_588, %parallel_loop3A_589] {strides = array<i32>} : memref<2x32x512xi32, #tpu.memory_space<vmem>>, vector<16xi32>,
        %parallel_loop3A_591 = arith.constant 1 : i32
        %parallel_loop3A_592 = arith.index_cast %parallel_loop3A_591 : i32 to index
        %parallel_loop3A_593 = arith.index_cast %parallel_loop3A_316 : i32 to index
        %parallel_loop3A_594 = arith.constant 416 : index
        %parallel_loop3A_595 = tpu.vector_load %arg6[%parallel_loop3A_592, %parallel_loop3A_593, %parallel_loop3A_594] {strides = array<i32>} : memref<2x32x512xi32, #tpu.memory_space<vmem>>, vector<16xi32>,
        %parallel_loop3A_596 = arith.constant 1 : i32
        %parallel_loop3A_597 = arith.index_cast %parallel_loop3A_596 : i32 to index
        %parallel_loop3A_598 = arith.index_cast %parallel_loop3A_316 : i32 to index
        %parallel_loop3A_599 = arith.constant 432 : index
        %parallel_loop3A_600 = tpu.vector_load %arg6[%parallel_loop3A_597, %parallel_loop3A_598, %parallel_loop3A_599] {strides = array<i32>} : memref<2x32x512xi32, #tpu.memory_space<vmem>>, vector<16xi32>,
        %parallel_loop3A_601 = arith.constant 1 : i32
        %parallel_loop3A_602 = arith.index_cast %parallel_loop3A_601 : i32 to index
        %parallel_loop3A_603 = arith.index_cast %parallel_loop3A_316 : i32 to index
        %parallel_loop3A_604 = arith.constant 448 : index
        %parallel_loop3A_605 = tpu.vector_load %arg6[%parallel_loop3A_602, %parallel_loop3A_603, %parallel_loop3A_604] {strides = array<i32>} : memref<2x32x512xi32, #tpu.memory_space<vmem>>, vector<16xi32>,
        %parallel_loop3A_606 = arith.constant 1 : i32
        %parallel_loop3A_607 = arith.index_cast %parallel_loop3A_606 : i32 to index
        %parallel_loop3A_608 = arith.index_cast %parallel_loop3A_316 : i32 to index
        %parallel_loop3A_609 = arith.constant 464 : index
        %parallel_loop3A_610 = tpu.vector_load %arg6[%parallel_loop3A_607, %parallel_loop3A_608, %parallel_loop3A_609] {strides = array<i32>} : memref<2x32x512xi32, #tpu.memory_space<vmem>>, vector<16xi32>,
        %parallel_loop3A_611 = arith.constant 1 : i32
        %parallel_loop3A_612 = arith.index_cast %parallel_loop3A_611 : i32 to index
        %parallel_loop3A_613 = arith.index_cast %parallel_loop3A_316 : i32 to index
        %parallel_loop3A_614 = arith.constant 480 : index
        %parallel_loop3A_615 = tpu.vector_load %arg6[%parallel_loop3A_612, %parallel_loop3A_613, %parallel_loop3A_614] {strides = array<i32>} : memref<2x32x512xi32, #tpu.memory_space<vmem>>, vector<16xi32>,
        %parallel_loop3A_616 = arith.constant 1 : i32
        %parallel_loop3A_617 = arith.index_cast %parallel_loop3A_616 : i32 to index
        %parallel_loop3A_618 = arith.index_cast %parallel_loop3A_316 : i32 to index
        %parallel_loop3A_619 = arith.constant 496 : index
        %parallel_loop3A_620 = tpu.vector_load %arg6[%parallel_loop3A_617, %parallel_loop3A_618, %parallel_loop3A_619] {strides = array<i32>} : memref<2x32x512xi32, #tpu.memory_space<vmem>>, vector<16xi32>,
        %parallel_loop3A_621 = tpu.vector_load_idx %arg13[%parallel_loop3A_585] : memref<512xi32, #tpu.memory_space<vmem>>[vector<16xi32>], vector<16xi32>,
        %parallel_loop3A_622 = tpu.vector_load_idx %arg13[%parallel_loop3A_590] : memref<512xi32, #tpu.memory_space<vmem>>[vector<16xi32>], vector<16xi32>,
        %parallel_loop3A_623 = tpu.vector_load_idx %arg13[%parallel_loop3A_595] : memref<512xi32, #tpu.memory_space<vmem>>[vector<16xi32>], vector<16xi32>,
        %parallel_loop3A_624 = tpu.vector_load_idx %arg13[%parallel_loop3A_600] : memref<512xi32, #tpu.memory_space<vmem>>[vector<16xi32>], vector<16xi32>,
        %parallel_loop3A_625 = tpu.vector_load_idx %arg13[%parallel_loop3A_605] : memref<512xi32, #tpu.memory_space<vmem>>[vector<16xi32>], vector<16xi32>,
        %parallel_loop3A_626 = tpu.vector_load_idx %arg13[%parallel_loop3A_610] : memref<512xi32, #tpu.memory_space<vmem>>[vector<16xi32>], vector<16xi32>,
        %parallel_loop3A_627 = tpu.vector_load_idx %arg13[%parallel_loop3A_615] : memref<512xi32, #tpu.memory_space<vmem>>[vector<16xi32>], vector<16xi32>,
        %parallel_loop3A_628 = tpu.vector_load_idx %arg13[%parallel_loop3A_620] : memref<512xi32, #tpu.memory_space<vmem>>[vector<16xi32>], vector<16xi32>,
        %parallel_loop3A_629 = arith.constant 1 : i32
        %parallel_loop3A_630 = arith.index_cast %parallel_loop3A_629 : i32 to index
        %parallel_loop3A_631 = arith.index_cast %parallel_loop3A_316 : i32 to index
        %parallel_loop3A_632 = arith.constant 384 : index
        %parallel_loop3A_633 = tpu.vector_load %arg8[%parallel_loop3A_630, %parallel_loop3A_631, %parallel_loop3A_632] {strides = array<i32>} : memref<2x32x512xi32, #tpu.memory_space<vmem>>, vector<16xi32>,
        tpu.vector_store %arg8[%parallel_loop3A_630, %parallel_loop3A_631, %parallel_loop3A_632], %parallel_loop3A_621 {strides = array<i32>} : memref<2x32x512xi32, #tpu.memory_space<vmem>>, vector<16xi32>,
        %parallel_loop3A_634 = arith.constant 1 : i32
        %parallel_loop3A_635 = arith.index_cast %parallel_loop3A_634 : i32 to index
        %parallel_loop3A_636 = arith.index_cast %parallel_loop3A_316 : i32 to index
        %parallel_loop3A_637 = arith.constant 400 : index
        %parallel_loop3A_638 = tpu.vector_load %arg8[%parallel_loop3A_635, %parallel_loop3A_636, %parallel_loop3A_637] {strides = array<i32>} : memref<2x32x512xi32, #tpu.memory_space<vmem>>, vector<16xi32>,
        tpu.vector_store %arg8[%parallel_loop3A_635, %parallel_loop3A_636, %parallel_loop3A_637], %parallel_loop3A_622 {strides = array<i32>} : memref<2x32x512xi32, #tpu.memory_space<vmem>>, vector<16xi32>,
        %parallel_loop3A_639 = arith.constant 1 : i32
        %parallel_loop3A_640 = arith.index_cast %parallel_loop3A_639 : i32 to index
        %parallel_loop3A_641 = arith.index_cast %parallel_loop3A_316 : i32 to index
        %parallel_loop3A_642 = arith.constant 416 : index
        %parallel_loop3A_643 = tpu.vector_load %arg8[%parallel_loop3A_640, %parallel_loop3A_641, %parallel_loop3A_642] {strides = array<i32>} : memref<2x32x512xi32, #tpu.memory_space<vmem>>, vector<16xi32>,
        tpu.vector_store %arg8[%parallel_loop3A_640, %parallel_loop3A_641, %parallel_loop3A_642], %parallel_loop3A_623 {strides = array<i32>} : memref<2x32x512xi32, #tpu.memory_space<vmem>>, vector<16xi32>,
        %parallel_loop3A_644 = arith.constant 1 : i32
        %parallel_loop3A_645 = arith.index_cast %parallel_loop3A_644 : i32 to index
        %parallel_loop3A_646 = arith.index_cast %parallel_loop3A_316 : i32 to index
        %parallel_loop3A_647 = arith.constant 432 : index
        %parallel_loop3A_648 = tpu.vector_load %arg8[%parallel_loop3A_645, %parallel_loop3A_646, %parallel_loop3A_647] {strides = array<i32>} : memref<2x32x512xi32, #tpu.memory_space<vmem>>, vector<16xi32>,
        tpu.vector_store %arg8[%parallel_loop3A_645, %parallel_loop3A_646, %parallel_loop3A_647], %parallel_loop3A_624 {strides = array<i32>} : memref<2x32x512xi32, #tpu.memory_space<vmem>>, vector<16xi32>,
        %parallel_loop3A_649 = arith.constant 1 : i32
        %parallel_loop3A_650 = arith.index_cast %parallel_loop3A_649 : i32 to index
        %parallel_loop3A_651 = arith.index_cast %parallel_loop3A_316 : i32 to index
        %parallel_loop3A_652 = arith.constant 448 : index
        %parallel_loop3A_653 = tpu.vector_load %arg8[%parallel_loop3A_650, %parallel_loop3A_651, %parallel_loop3A_652] {strides = array<i32>} : memref<2x32x512xi32, #tpu.memory_space<vmem>>, vector<16xi32>,
        tpu.vector_store %arg8[%parallel_loop3A_650, %parallel_loop3A_651, %parallel_loop3A_652], %parallel_loop3A_625 {strides = array<i32>} : memref<2x32x512xi32, #tpu.memory_space<vmem>>, vector<16xi32>,
        %parallel_loop3A_654 = arith.constant 1 : i32
        %parallel_loop3A_655 = arith.index_cast %parallel_loop3A_654 : i32 to index
        %parallel_loop3A_656 = arith.index_cast %parallel_loop3A_316 : i32 to index
        %parallel_loop3A_657 = arith.constant 464 : index
        %parallel_loop3A_658 = tpu.vector_load %arg8[%parallel_loop3A_655, %parallel_loop3A_656, %parallel_loop3A_657] {strides = array<i32>} : memref<2x32x512xi32, #tpu.memory_space<vmem>>, vector<16xi32>,
        tpu.vector_store %arg8[%parallel_loop3A_655, %parallel_loop3A_656, %parallel_loop3A_657], %parallel_loop3A_626 {strides = array<i32>} : memref<2x32x512xi32, #tpu.memory_space<vmem>>, vector<16xi32>,
        %parallel_loop3A_659 = arith.constant 1 : i32
        %parallel_loop3A_660 = arith.index_cast %parallel_loop3A_659 : i32 to index
        %parallel_loop3A_661 = arith.index_cast %parallel_loop3A_316 : i32 to index
        %parallel_loop3A_662 = arith.constant 480 : index
        %parallel_loop3A_663 = tpu.vector_load %arg8[%parallel_loop3A_660, %parallel_loop3A_661, %parallel_loop3A_662] {strides = array<i32>} : memref<2x32x512xi32, #tpu.memory_space<vmem>>, vector<16xi32>,
        tpu.vector_store %arg8[%parallel_loop3A_660, %parallel_loop3A_661, %parallel_loop3A_662], %parallel_loop3A_627 {strides = array<i32>} : memref<2x32x512xi32, #tpu.memory_space<vmem>>, vector<16xi32>,
        %parallel_loop3A_664 = arith.constant 1 : i32
        %parallel_loop3A_665 = arith.index_cast %parallel_loop3A_664 : i32 to index
        %parallel_loop3A_666 = arith.index_cast %parallel_loop3A_316 : i32 to index
        %parallel_loop3A_667 = arith.constant 496 : index
        %parallel_loop3A_668 = tpu.vector_load %arg8[%parallel_loop3A_665, %parallel_loop3A_666, %parallel_loop3A_667] {strides = array<i32>} : memref<2x32x512xi32, #tpu.memory_space<vmem>>, vector<16xi32>,
        tpu.vector_store %arg8[%parallel_loop3A_665, %parallel_loop3A_666, %parallel_loop3A_667], %parallel_loop3A_628 {strides = array<i32>} : memref<2x32x512xi32, #tpu.memory_space<vmem>>, vector<16xi32>,
      } {sc.loop_unroll_factor = 1 : i64, sc.parallel_access}
      %dma_start3A_293 = arith.constant 1 : i32
      %dma_start3A_294 = arith.constant 0 : i32
      %dma_start3A_295 = arith.constant 0 : i32
      %dma_start3A_296 = tpu.memref_slice %arg8[%dma_start3A_293, %dma_start3A_294, %dma_start3A_295] : memref<2x32x512xi32, #tpu.memory_space<vmem>> -> memref<1x32x512xi32, #tpu.memory_space<vmem>>
      %dma_start3A_297 = tpu.memref_squeeze %dma_start3A_296 : memref<1x32x512xi32, #tpu.memory_space<vmem>> -> memref<32x512xi32, #tpu.memory_space<vmem>>
      %dma_start3A_298 = arith.constant 0 : i32
      %dma_start3A_299 = tpu.memref_slice %arg4[%add3A, %mul3A_269, %dma_start3A_298] : memref<32x512x512xi32, #tpu.memory_space<hbm>> -> memref<1x32x512xi32, #tpu.memory_space<hbm>>
      %dma_start3A_300 = tpu.memref_squeeze %dma_start3A_299 : memref<1x32x512xi32, #tpu.memory_space<hbm>> -> memref<32x512xi32, #tpu.memory_space<hbm>>
      %dma_start3A_301 = arith.constant 0 : i32
      %dma_start3A_302 = tpu.memref_slice %arg4[%add3A, %mul3A_269, %dma_start3A_301] : memref<32x512x512xi32, #tpu.memory_space<hbm>> -> memref<1x32x512xi32, #tpu.memory_space<hbm>>
      %dma_start3A_303 = tpu.memref_squeeze %dma_start3A_302 : memref<1x32x512xi32, #tpu.memory_space<hbm>> -> memref<32x512xi32, #tpu.memory_space<hbm>>
      %dma_start3A_304 = arith.constant 0 : i32
      %dma_start3A_305 = arith.constant 0 : i32
      %dma_start3A_306 = tpu.memref_slice %arg8[%dma_start3A_293, %dma_start3A_304, %dma_start3A_305] : memref<2x32x512xi32, #tpu.memory_space<vmem>> -> memref<1x32x512xi32, #tpu.memory_space<vmem>>
      %dma_start3A_307 = tpu.memref_squeeze %dma_start3A_306 : memref<1x32x512xi32, #tpu.memory_space<vmem>> -> memref<32x512xi32, #tpu.memory_space<vmem>>
      tpu.enqueue_dma source(%dma_start3A_307 : memref<32x512xi32, #tpu.memory_space<vmem>>) target(%dma_start3A_303 : memref<32x512xi32, #tpu.memory_space<hbm>>) target_semaphore(%arg20 : memref<!tpu.dma_semaphore, #tpu.memory_space<semaphore_mem>>)
      %add3A_308 = arith.constant 2 : i32
      %add3A_309 = arith.addi %add3A_267, %add3A_308 : i32
      %lt3A_310 = arith.constant 16 : i32
      %lt3A_311 = arith.cmpi slt, %add3A_309, %lt3A_310 : i32
      %convert_element_type3A_312 = arith.extui %lt3A_311 : i1 to i32
      %cond3A_313 = arith.constant 0 : i32
      %cond3A_314 = arith.cmpi ne, %convert_element_type3A_312, %cond3A_313 : i32
      scf.if %cond3A_314 {
        %add3A_316 = arith.constant 2 : i32
        %add3A_317 = arith.addi %add3A_267, %add3A_316 : i32
        %mul3A_318 = arith.constant 32 : i32
        %mul3A_319 = arith.muli %add3A_317, %mul3A_318 : i32
        %dma_start3A_320 = arith.constant 1 : i32
        %dma_start3A_321 = arith.constant 0 : i32
        %dma_start3A_322 = arith.constant 0 : i32
        %dma_start3A_323 = tpu.memref_slice %arg6[%dma_start3A_320, %dma_start3A_321, %dma_start3A_322] : memref<2x32x512xi32, #tpu.memory_space<vmem>> -> memref<1x32x512xi32, #tpu.memory_space<vmem>>
        %dma_start3A_324 = tpu.memref_squeeze %dma_start3A_323 : memref<1x32x512xi32, #tpu.memory_space<vmem>> -> memref<32x512xi32, #tpu.memory_space<vmem>>
        %dma_start3A_325 = arith.constant 0 : i32
        %dma_start3A_326 = tpu.memref_slice %arg2[%add3A, %mul3A_319, %dma_start3A_325] : memref<32x512x512xi32, #tpu.memory_space<hbm>> -> memref<1x32x512xi32, #tpu.memory_space<hbm>>
        %dma_start3A_327 = tpu.memref_squeeze %dma_start3A_326 : memref<1x32x512xi32, #tpu.memory_space<hbm>> -> memref<32x512xi32, #tpu.memory_space<hbm>>
        %dma_start3A_328 = arith.constant 0 : i32
        %dma_start3A_329 = arith.constant 0 : i32
        %dma_start3A_330 = tpu.memref_slice %arg6[%dma_start3A_320, %dma_start3A_328, %dma_start3A_329] : memref<2x32x512xi32, #tpu.memory_space<vmem>> -> memref<1x32x512xi32, #tpu.memory_space<vmem>>
        %dma_start3A_331 = tpu.memref_squeeze %dma_start3A_330 : memref<1x32x512xi32, #tpu.memory_space<vmem>> -> memref<32x512xi32, #tpu.memory_space<vmem>>
        %dma_start3A_332 = arith.constant 0 : i32
        %dma_start3A_333 = tpu.memref_slice %arg2[%add3A, %mul3A_319, %dma_start3A_332] : memref<32x512x512xi32, #tpu.memory_space<hbm>> -> memref<1x32x512xi32, #tpu.memory_space<hbm>>
        %dma_start3A_334 = tpu.memref_squeeze %dma_start3A_333 : memref<1x32x512xi32, #tpu.memory_space<hbm>> -> memref<32x512xi32, #tpu.memory_space<hbm>>
        tpu.enqueue_dma source(%dma_start3A_334 : memref<32x512xi32, #tpu.memory_space<hbm>>) target(%dma_start3A_331 : memref<32x512xi32, #tpu.memory_space<vmem>>) target_semaphore(%arg16 : memref<!tpu.dma_semaphore, #tpu.memory_space<semaphore_mem>>)
      } else {
      }
      %scan3A_315 = arith.constant 0 : i32
      scf.yield %scan3A_315 : i32
    }
    %scan3A_180 = arith.constant 8 : i32
    %dma_wait3A = arith.constant 0 : i32
    %dma_wait3A_181 = arith.constant 0 : i32
    %dma_wait3A_182 = arith.constant 0 : i32
    %dma_wait3A_183 = tpu.memref_slice %arg8[%dma_wait3A, %dma_wait3A_181, %dma_wait3A_182] : memref<2x32x512xi32, #tpu.memory_space<vmem>> -> memref<1x32x512xi32, #tpu.memory_space<vmem>>
    %dma_wait3A_184 = tpu.memref_squeeze %dma_wait3A_183 : memref<1x32x512xi32, #tpu.memory_space<vmem>> -> memref<32x512xi32, #tpu.memory_space<vmem>>
    %dma_wait3A_185 = arith.constant 448 : i32
    %dma_wait3A_186 = arith.constant 0 : i32
    %dma_wait3A_187 = tpu.memref_slice %arg4[%add3A, %dma_wait3A_185, %dma_wait3A_186] : memref<32x512x512xi32, #tpu.memory_space<hbm>> -> memref<1x32x512xi32, #tpu.memory_space<hbm>>
    %dma_wait3A_188 = tpu.memref_squeeze %dma_wait3A_187 : memref<1x32x512xi32, #tpu.memory_space<hbm>> -> memref<32x512xi32, #tpu.memory_space<hbm>>
    %dma_wait3A_189 = arith.constant 448 : i32
    %dma_wait3A_190 = arith.constant 0 : i32
    %dma_wait3A_191 = tpu.memref_slice %arg4[%add3A, %dma_wait3A_189, %dma_wait3A_190] : memref<32x512x512xi32, #tpu.memory_space<hbm>> -> memref<1x32x512xi32, #tpu.memory_space<hbm>>
    %dma_wait3A_192 = tpu.memref_squeeze %dma_wait3A_191 : memref<1x32x512xi32, #tpu.memory_space<hbm>> -> memref<32x512xi32, #tpu.memory_space<hbm>>
    %dma_wait3A_193 = arith.constant 0 : i32
    %dma_wait3A_194 = arith.constant 0 : i32
    %dma_wait3A_195 = tpu.memref_slice %arg8[%dma_wait3A, %dma_wait3A_193, %dma_wait3A_194] : memref<2x32x512xi32, #tpu.memory_space<vmem>> -> memref<1x32x512xi32, #tpu.memory_space<vmem>>
    %dma_wait3A_196 = tpu.memref_squeeze %dma_wait3A_195 : memref<1x32x512xi32, #tpu.memory_space<vmem>> -> memref<32x512xi32, #tpu.memory_space<vmem>>
    tpu.wait_dma2 semaphore(%arg19 : memref<!tpu.dma_semaphore, #tpu.memory_space<semaphore_mem>>) src(%dma_wait3A_196 : memref<32x512xi32, #tpu.memory_space<vmem>>) dst(%dma_wait3A_192 : memref<32x512xi32, #tpu.memory_space<hbm>>)
    %dma_wait3A_197 = arith.constant 1 : i32
    %dma_wait3A_198 = arith.constant 0 : i32
    %dma_wait3A_199 = arith.constant 0 : i32
    %dma_wait3A_200 = tpu.memref_slice %arg8[%dma_wait3A_197, %dma_wait3A_198, %dma_wait3A_199] : memref<2x32x512xi32, #tpu.memory_space<vmem>> -> memref<1x32x512xi32, #tpu.memory_space<vmem>>
    %dma_wait3A_201 = tpu.memref_squeeze %dma_wait3A_200 : memref<1x32x512xi32, #tpu.memory_space<vmem>> -> memref<32x512xi32, #tpu.memory_space<vmem>>
    %dma_wait3A_202 = arith.constant 480 : i32
    %dma_wait3A_203 = arith.constant 0 : i32
    %dma_wait3A_204 = tpu.memref_slice %arg4[%add3A, %dma_wait3A_202, %dma_wait3A_203] : memref<32x512x512xi32, #tpu.memory_space<hbm>> -> memref<1x32x512xi32, #tpu.memory_space<hbm>>
    %dma_wait3A_205 = tpu.memref_squeeze %dma_wait3A_204 : memref<1x32x512xi32, #tpu.memory_space<hbm>> -> memref<32x512xi32, #tpu.memory_space<hbm>>
    %dma_wait3A_206 = arith.constant 480 : i32
    %dma_wait3A_207 = arith.constant 0 : i32
    %dma_wait3A_208 = tpu.memref_slice %arg4[%add3A, %dma_wait3A_206, %dma_wait3A_207] : memref<32x512x512xi32, #tpu.memory_space<hbm>> -> memref<1x32x512xi32, #tpu.memory_space<hbm>>
    %dma_wait3A_209 = tpu.memref_squeeze %dma_wait3A_208 : memref<1x32x512xi32, #tpu.memory_space<hbm>> -> memref<32x512xi32, #tpu.memory_space<hbm>>
    %dma_wait3A_210 = arith.constant 0 : i32
    %dma_wait3A_211 = arith.constant 0 : i32
    %dma_wait3A_212 = tpu.memref_slice %arg8[%dma_wait3A_197, %dma_wait3A_210, %dma_wait3A_211] : memref<2x32x512xi32, #tpu.memory_space<vmem>> -> memref<1x32x512xi32, #tpu.memory_space<vmem>>
    %dma_wait3A_213 = tpu.memref_squeeze %dma_wait3A_212 : memref<1x32x512xi32, #tpu.memory_space<vmem>> -> memref<32x512xi32, #tpu.memory_space<vmem>>
    tpu.wait_dma2 semaphore(%arg20 : memref<!tpu.dma_semaphore, #tpu.memory_space<semaphore_mem>>) src(%dma_wait3A_213 : memref<32x512xi32, #tpu.memory_space<vmem>>) dst(%dma_wait3A_209 : memref<32x512xi32, #tpu.memory_space<hbm>>)
    return
  }
}

</mosaic_0001>

<sc_bundles>
// kernel: kernel.3.cloned.1.call-start
scs
__scs_entry_jumppad:
0x0: {  	(pc) =	sbr.rel $0x88, $3  }
0x1: {  	(tag) =	ssettag $0x0;
	lr =	simm.s32 $0x1  }
0x2: {  	[smem:$0x3F9F] =	sst lr;
	_ =	strace $0xD0000000  }
0x3: {  	_ = 	snop  }
0x4: {  	_ = 	snop  }
0x5: {  	_ = 	snop  }
0x6: {  	_ = 	snop  }
0x7: {  	_ = 	snop  }
__scs_overlays_trampoline_lowered:
0x8: {  	[smem:$0x3FAE] =	sst s0  }
0x9: {  	[smem:$0x3FAF] =	sst s1  }
0xa: {  	[smem:$0x3FB0] =	sst s2  }
0xb: {  	[smem:$0x3FB1] =	sst s3  }
0xc: {  	[smem:$0x3FB2] =	sst s4  }
0xd: {  	[smem:$0x3FB3] =	sst s5  }
0xe: {  	[smem:$0x3FB4] =	sst s6  }
0xf: {  	[smem:$0x3FB5] =	sst s7  }
0x10: {  	[smem:$0x3FB6] =	sst s8  }
0x11: {  	[smem:$0x3FB7] =	sst s9;
	s0 =	simm.s32 @!p0 $0x0  }
0x12: {  	s1 =	sld [smem:$0x3F9D];
	s0 =	simm.s32 @p0 $0x1  }
0x13: {  	[smem:$0x3FB8] =	sst s0;
	s0 =	simm.s32 @!p1 $0x0  }
0x14: {  	s2 =	sld [smem:$0x3F9C];
	s0 =	simm.s32 @p1 $0x1  }
0x15: {  	[smem:$0x3FB9] =	sst s0;
	s0 =	simm.s32 @!p2 $0x0  }
0x16: {  	s3 =	sld [smem:$0x3FDB];
	s0 =	simm.s32 @p2 $0x1  }
0x17: {  	s4 =	simm.s32 $0x1BF5;
	[smem:$0x3FBB] =	sst s0  }
0x18: {  	s0 =	sld [smem:$0x3F9E];
	_ =	swait.ge [sflag:s4], $0x0  }
0x19: {  	s7 =	sld [smem:$0x3F9F]  }
0x1a: {  	s8 =	sadd.s32 $0xFFFFE003, lr  }
0x1b: {  	s9 =	sadd.s32 $0xFFFFFEF7, lr;
	s5 =	simm.s32 $0xFFFFFFFF;
	p2 =	slt.u32 s8, $0xFFFFF086  }
0x1c: {  	p1 =	slt.u32 s9, $0xF7A;
	s5 =	simm.s32 @!p2 $0x0  }
0x1d: {  	s5 =	simm.s32 @p1 $0x1;
	p0 =	seq.s32 s7, s2  }
0x1e: {  	s7 =	smul.u32 @!p0 $0xF7A, s2;
	p2 =	seq.s32 @!p0 s5, $0x0  }
0x1f: {  	s9 =	smul.u32 $0xF7A, s1;
	s8 =	simm.s32 @!p0 $0x1BF5;
	p2 =	por !p2, p0  }
0x20: {  	[sflag:s8] =	ssyncset.s32 @!p0 $0xFFFFF086;
	s6 =	sadd.s32 @!p0 s3, s7;
	s7 =	simm.s32 @!p0 $0x108  }
0x21: {  	s3 =	sadd.s32 s3, s9;
	s6 =	sadd.s32 @!p0 $0x88, s6;
	s7 =	simm.s32 @p2 $0x1082  }
0x22: {  	[simem:s7], [sflag:s8] =	dma.local @!p0 [hbm:s6], $0xF7A  }
0x23: {  	s9 =	sor.u32 $0xD0000000, s2;
	s6 =	simm.s32 $0x108;
	_ =	swait.ge @!p0 [sflag:s8], $0x0  }
0x24: {  	s3 =	sadd.s32 $0x88, s3;
	s6 =	simm.s32 @!p1 $0x1082;
	[sflag:s4] =	ssyncset.s32 $0xFFFFF086  }
0x25: {  	[simem:s6], [sflag:s4] =	dma.local [hbm:s3], $0xF7A  }
0x26: {  	[smem:$0x3F9F] =	sst s1;
	(tag) =	ssettag s2;
	_ =	strace s9  }
0x27: {  	s1 =	sld [smem:$0x3FAF]  }
0x28: {  	s2 =	sld [smem:$0x3FB0]  }
0x29: {  	s4 =	sld [smem:$0x3FB2]  }
0x2a: {  	p0 =	seq.s32 s5, $0x0;
	s5 =	sld [smem:$0x3FB3]  }
0x2b: {  	s6 =	sld [smem:$0x3FB4]  }
0x2c: {  	s7 =	sld [smem:$0x3FB5]  }
0x2d: {  	s3 =	simm.s32 $0x108;
	s8 =	sld [smem:$0x3FB6]  }
0x2e: {  	s3 =	simm.s32 @!p0 $0x1082;
	s9 =	sld [smem:$0x3FB7]  }
0x2f: {  	lr =	sadd.s32 s0, s3;
	s0 =	sld [smem:$0x3FAE]  }
0x30: {  	s3 =	sld [smem:$0x3FB1]  }
0x31: {  	[smem:$0x3FBA] =	sst s10  }
0x32: {  	s10 =	sld [smem:$0x3FB8];
	_ =	sdelay $0x3  }
0x33: {  	p0 =	seq.s32 s10, $0x1;
	s10 =	sld [smem:$0x3FBA];
	_ =	sdelay $0x3  }
0x34: {  	[smem:$0x3FBA] =	sst s10  }
0x35: {  	s10 =	sld [smem:$0x3FB9];
	_ =	sdelay $0x3  }
0x36: {  	p1 =	seq.s32 s10, $0x1;
	s10 =	sld [smem:$0x3FBA];
	_ =	sdelay $0x3  }
0x37: {  	[smem:$0x3FBA] =	sst s10  }
0x38: {  	s10 =	sld [smem:$0x3FBB]  }
0x39: {  	_ = 	snop;
	(pc) =	sbr.ind lr, $3  }
0x3a: {  	_ = 	snop  }
0x3b: {  	_ = 	snop  }
0x3c: {  	p2 =	seq.s32 s10, $0x1;
	s10 =	sld [smem:$0x3FBA]  }
0x3d: {  	_ =	shalt  }
0x3e: {  	_ =	shalt  }
0x3f: {  	_ =	shalt  }
0x40: {  	_ =	shalt  }
0x41: {  	_ =	shalt  }
0x42: {  	_ =	shalt  }
0x43: {  	_ =	shalt  }
0x44: {  	_ =	shalt  }
0x45: {  	_ =	shalt  }
0x46: {  	_ =	shalt  }
0x47: {  	_ =	shalt  }
0x48: {  	_ =	shalt  }
0x49: {  	_ =	shalt  }
0x4a: {  	_ =	shalt  }
0x4b: {  	_ =	shalt  }
0x4c: {  	_ =	shalt  }
0x4d: {  	_ =	shalt  }
0x4e: {  	_ =	shalt  }
0x4f: {  	_ =	shalt  }
0x50: {  	_ =	shalt  }
0x51: {  	_ =	shalt  }
0x52: {  	_ =	shalt  }
0x53: {  	_ =	shalt  }
0x54: {  	_ =	shalt  }
0x55: {  	_ =	shalt  }
0x56: {  	_ =	shalt  }
0x57: {  	_ =	shalt  }
0x58: {  	_ =	shalt  }
0x59: {  	_ =	shalt  }
0x5a: {  	_ =	shalt  }
0x5b: {  	_ =	shalt  }
0x5c: {  	_ =	shalt  }
0x5d: {  	_ =	shalt  }
0x5e: {  	_ =	shalt  }
0x5f: {  	_ =	shalt  }
0x60: {  	_ =	shalt  }
0x61: {  	_ =	shalt  }
0x62: {  	_ =	shalt  }
0x63: {  	_ =	shalt  }
0x64: {  	_ =	shalt  }
0x65: {  	_ =	shalt  }
0x66: {  	_ =	shalt  }
0x67: {  	_ =	shalt  }
0x68: {  	_ =	shalt  }
0x69: {  	_ =	shalt  }
0x6a: {  	_ =	shalt  }
0x6b: {  	_ =	shalt  }
0x6c: {  	_ =	shalt  }
0x6d: {  	_ =	shalt  }
0x6e: {  	_ =	shalt  }
0x6f: {  	_ =	shalt  }
0x70: {  	_ =	shalt  }
0x71: {  	_ =	shalt  }
0x72: {  	_ =	shalt  }
0x73: {  	_ =	shalt  }
0x74: {  	_ =	shalt  }
0x75: {  	_ =	shalt  }
0x76: {  	_ =	shalt  }
0x77: {  	_ =	shalt  }
0x78: {  	_ =	shalt  }
0x79: {  	_ =	shalt  }
0x7a: {  	_ =	shalt  }
0x7b: {  	_ =	shalt  }
0x7c: {  	_ =	shalt  }
0x7d: {  	_ =	shalt  }
0x7e: {  	_ =	shalt  }
0x7f: {  	_ =	shalt  }
0x80: {  	_ =	shalt  }
0x81: {  	_ =	shalt  }
0x82: {  	_ =	shalt  }
0x83: {  	_ =	shalt  }
0x84: {  	_ =	shalt  }
0x85: {  	_ =	shalt  }
0x86: {  	_ =	shalt  }
0x87: {  	_ =	shalt  }
.Lfunc_end0:
.L_simem_size_0:
called_computation_lowered:
.L_overlay_start_0:
0x88: {  	s2 =	sld [smem:$0x3FD9]  }
0x89: {  	s3 =	sld [smem:$0x3FFE];
	_ =	sdelay $0x1  }
0x8a: {  	s1 =	srdreg.scid  }
0x8b: {  	s0 =	sand.u32 $0x1, s1  }
0x8c: {  	s17 =	sshll.u32 s0, $0xA;
	s2 =	sadd.s32 s3, s2  }
0x8d: {  	s2 =	sadd.s32 s2, s17  }
0x8e: {  	[smem:$0x3FC6] =	sst s2  }
0x8f: {  	_ = 	snop  }
0x90: {  	s2 =	sld [smem:$0x3FC9]  }
0x91: {  	s18 =	sld [smem:$0x3FC8]  }
0x92: {  	s4 =	sld [smem:$0x3FD0];
	(tm) =	ssettm $0x1  }
0x93: {  	s5 =	sld [smem:$0x3FFB];
	_ =	sdelay $0x3  }
0x94: {  	_ =	strace s5  }
0x95: {  	s5 =	sld [smem:$0x3FFC];
	_ =	sdelay $0x3  }
0x96: {  	_ =	strace s5  }
0x97: {  	s5 =	sld [smem:$0x3FFD];
	_ =	sdelay $0x3  }
0x98: {  	_ =	strace s5  }
0x99: {  	_ =	strace $0x8FFFFFFF  }
0x9a: {  	s19 =	sld [smem:$0x3FDB];
	_ =	sdelay $0x1  }
0x9b: {  	s6 =	simm.s32 $_scs_section_size  }
0x9c: {  	s7 =	simm.s32 $_size__tile_overlayer_lowered;
	s8 =	simm.s32 $_tile_overlayer_lowered  }
0x9d: {  	s22 =	simm.s32 $0x1BFF;
	s21 =	sshll.u32 s8, $0x1;
	s5 =	sadd.s32 s6, s19  }
0x9e: {  	s9 =	simm.s32 $0x0;
	s20 =	sshll.u32 s7, $0x1;
	s7 =	sadd.s32 s21, s5  }
0x9f: {  	[timem:s9], [sflag:s22] =	dma.local [hbm:s7], s20  }
0xa0: {  	_ =	swait.ge [sflag:s22], s20  }
0xa1: {  	s6 =	ssub.s32 $0x0, s20;
	[sflag:s22] =	ssyncset.done $0x0  }
0xa2: {  	[sflag:s22] =	ssyncadd.s32 s6;
	_ =	sdelay $0x1  }
0xa3: {  	s23 =	simm.s32 $0x1B8B  }
0xa4: {  	_ =	swait.ge [sflag:s23], $0x1  }
0xa5: {  	[sflag:s23] =	ssyncset.done $0x0  }
0xa6: {  	s25 =	simm.s32 $0x1B8E;
	s24 =	sld [smem:$0x3FFE];
	[sflag:s23] =	ssyncadd.s32 $0xFFFFFFFF  }
0xa7: {  	s26 =	simm.s32 $execute0_lowered;
	[smem:$0x3FD2] =	sst s25  }
0xa8: {  	s7 =	sshll.u32 s26, $0x1;
	_ =	strace $0x80000046;
	[dreg:$0x1] =	wrdreg $0xFFFFFFFF  }
0xa9: {  	s28 =	simm.s32 $_size_execute0_lowered;
	s5 =	sadd.s32 s5, s7;
	[dreg:$0x0] =	wrdreg $0x0  }
0xaa: {  	s7 =	sshll.u32 s28, $0x1;
	[dreg:$0x2] =	wrdreg s5  }
0xab: {  	[dreg:$0x3] =	wrdreg s7  }
0xac: {  	[dreg:$0x4] =	wrdreg $0xC0  }
0xad: {  	_ =	task [dreg:s9], $0x5FFFF  }
0xae: {  	[dreg:$0x1] =	wrdreg $0xFFFFFFFF  }
0xaf: {  	[dreg:$0x0] =	wrdreg $0x60  }
0xb0: {  	[dreg:$0x2] =	wrdreg s2  }
0xb1: {  	[dreg:$0x3] =	wrdreg s18  }
0xb2: {  	[dreg:$0x4] =	wrdreg s4  }
0xb3: {  	[dreg:$0x5] =	wrdreg s24  }
0xb4: {  	[dreg:$0x6] =	wrdreg $0x9  }
0xb5: {  	_ =	task.clear_ibuf [dreg:s9], $0x7FFFF;
	_ =	strace $0x90000046  }
0xb6: {  	s29 =	simm.s32 $0x9;
	_ =	strace $0x80000048  }
0xb7: {  	_ =	swait.ge [sflag:s29], $0x1  }
0xb8: {  	[sflag:s29] =	ssyncadd.s32 $0xFFFFFFFF  }
0xb9: {  	_ =	strace $0x90000048  }
0xba: {  	_ =	sfence  }
0xbb: {  	s30 =	sld [smem:$0x0];
	_ =	sdelay $0x2  }
0xbc: {  	s31 =	sshll.u32 s1, $0xD;
	s1 =	sshrl.u32 s1, $0x2  }
0xbd: {  	s3 =	sand.u32 $0x4000, s31;
	s1 =	sadd.s32 s1, s30  }
0xbe: {  	s0 =	sor.u32 s3, s0;
	s1 =	sshll.u32 s1, $0x11  }
0xbf: {  	s0 =	sor.u32 s1, s0  }
0xc0: {  	s0 =	sadd.s32 $0x8F2B, s0  }
0xc1: {  	[sflag:s0] =	ssyncadd.remote.s32 $0x1  }
0xc2: {  	_ =	sfence.sel $0xFFFF  }
0xc3: {  	[dreg:$0x0] =	wrdreg $0xFFFFFFFF;
	(pc) =	sbr.abs _section_cstart, $3  }
0xc4: {  	[dreg:$0x1] =	wrdreg $0xFFFFFFFF  }
0xc5: {  	_ =	task.clear_ibuf [dreg:s9], $0x2FFFF;
	_ =	strace $0x9FFFFFFF  }
0xc6: {  	(tm) =	ssettm $0x7FFFFFFF  }
0xc7: {  	_ =	shalt  }
tec
execute0_lowered:
.L_overlay_start_1:
0x0: {  	(tag) =	ssettag $0x1  }
0x1: {  	s1 =	rddreg [dreg:$0x0]  }
0x2: {  	s2 =	rddreg [dreg:$0x1]  }
0x3: {  	s21 =	rddreg [dreg:$0x2]  }
0x4: {  	s0 =	rddreg [dreg:$0x3];
	s4 =	simm.s32 $0x0;
	s5 =	srdreg.scid  }
0x5: {  	s7 =	stileid.u32;
	s28 =	simm.s32 $0x2;
	s29 =	simm.s32 $0x4  }
0x6: {  	s31 =	simm.s32 $0x7;
	[smem:$0x7FF] =	sst s4;
	s5 =	sand.u32 $0x1, s5  }
0x7: {  	s12 =	sadd.s32 $0x800, s0;
	s6 =	sshll.u32 s7, $0x1;
	s17 =	sadd.s32 $0x1800, s0  }
0x8: {  	s25 =	sadd.s32 $0xC00, s0;
	_ =	strace $0x80000047;
	[dreg:$0x6] =	wrdreg s17  }
0x9: {  	s26 =	sadd.s32 $0x1000, s0;
	s0 =	sadd.s32 $0x1400, s0;
	[dreg:$0x5] =	wrdreg s12  }
0xa: {  	p0 =	sne.s32 s7, $0x0;
	s8 =	ssub.s32 $0x2, s5;
	[dreg:$0xe] =	wrdreg s25  }
0xb: {  	s10 =	sor.u32 s5, s6;
	s5 =	sshll.u32 s5, $0x1;
	[dreg:$0xf] =	wrdreg s26  }
0xc: {  	[dreg:$0x10] =	wrdreg s0;
	s6 =	simm.s32 $0x4000;
	s25 =	simm.s32 $0x1A000  }
0xd: {  	s26 =	simm.s32 $0x1A200;
	s9 =	sshrl.u32 s8, $0x1;
	s5 =	sadd.s32 s5, s17  }
0xe: {  	s18 =	sshll.u32 s10, $0xF;
	s19 =	sshll.u32 s10, $0x12;
	s23 =	sshll.u32 s10, $0x7  }
0xf: {  	s10 =	simm.s32 $0x6;
	s9 =	ssub.s32 s8, s9;
	[dreg:$0x7] =	wrdreg s5  }
0x10: {  	s20 =	sadd.s32 s1, s18;
	s11 =	sor.u32 $0x800, s18;
	[dreg:$0x8] =	wrdreg s19  }
0x11: {  	s5 =	sadd.s32 s2, s18;
	s13 =	sor.u32 $0x8000, s19;
	[dreg:$0x9] =	wrdreg s20  }
.Ltmp0:
0x12: {  	s24 =	sadd.s32 s12, s23;
	[dreg:$0xa] =	wrdreg s5;
	(pc) =	sbr.rel .LBB2_1-.Ltmp0, $4  }
0x13: {  	s14 =	sor.u32 $0xC000, s19;
	s22 =	sadd.s32 s1, s11;
	[dreg:$0xd] =	wrdreg s24  }
0x14: {  	s23 =	simm.s32 $0x1;
	s2 =	sadd.s32 s2, s11;
	[dreg:$0xb] =	wrdreg s22  }
0x15: {  	s30 =	smax.u32 s9, $0x1;
	s24 =	simm.s32 $0x3;
	[dreg:$0xc] =	wrdreg s2  }
0x16: {  	v0 =	vimm.f32 $0.0e+00;
	v1 =	vimm.f32 $1.000000000e+00;
	v2 =	vlaneseq.u32;
	s20 =	simm.s32 $0x1A800;
	[dreg:$0x11] =	wrdreg s30;
	s2 =	simm.s32 $0x0  }
.LBB2_34:
0x17: {  	s0 =	simm.s32 $0x5  }
0x18: {  	_ =	swait.ge [sflag:s0], $0x4000  }
0x19: {  	[sflag:s0] =	ssyncset.done $0x0  }
0x1a: {  	[sflag:s0] =	ssyncadd.s32 $0xFFFFC000  }
0x1b: {  	_ =	swait.ge [sflag:s10], $0x4000  }
0x1c: {  	s2 =	rddreg [dreg:$0x12]  }
0x1d: {  	s30 =	rddreg [dreg:$0x11];
	s2 =	sadd.s32 $0x1, s2  }
0x1e: {  	p1 =	sne.s32 s2, s30  }
.Ltmp1:
0x1f: {  	_ = 	snop;
	(pc) =	sbr.rel @!p1 .LBB2_35-.Ltmp1, $3  }
0x20: {  	_ =	sdelay $0x1  }
0x21: {  	[sflag:s10] =	ssyncset.done $0x0  }
0x22: {  	s6 =	simm.s32 $0x4000;
	[sflag:s10] =	ssyncadd.s32 $0xFFFFC000  }
.LBB2_1:
0x23: {  	v3 =	vimm.f32 @!p0 $0.0e+00  }
0x24: {  	s5 =	simm.s32 @!p0 $0x0;
	s7 =	simm.s32 @!p0 $0x1AA00;
	s0 =	rddreg [dreg:$0x7];
	[tilespmem:$0x1AA00] =	vst @!p0 v3  }
0x25: {  	[hbm4b:s0+s5] =	stream.linear.scatter @!p0 [tilespmem:s7], [sflag:$0x7], $0x10, $0x38;
	[tilespmem:$0x1AA80] =	vst v63  }
0x26: {  	[dreg:$0x12] =	wrdreg s2;
	s5 =	simm.s32 @!p0 $0x7  }
0x27: {  	_ =	swait.ge @!p0 [sflag:s5], $0x10  }
0x28: {  	[sflag:s5] =	ssyncset.done @!p0 $0x0  }
0x29: {  	s7 =	simm.s32 $0x0;
	[sflag:s5] =	ssyncadd.s32 @!p0 $0xFFFFFFF0;
	s5 =	simm.s32 $0x40  }
.LBB2_2:
0x2a: {  	p1 =	sne.s32 s5, $0x7C0;
	[tilespmem:s7+$0x1A000] =	vst v0;
	s9 =	smov.u32 s5;
	s5 =	sadd.s32 $0x40, s5  }
.Ltmp2:
0x2b: {  	[tilespmem:s7+$0x1A200] =	vst v0;
	(pc) =	sbr.rel @p1 .LBB2_2-.Ltmp2, $2  }
0x2c: {  	_ =	sdelay $0x2  }
0x2d: {  	s7 =	sshra.s32 s9, $0x2  }
0x2e: {  	[tilespmem:s7+$0x1A000] =	vst v0  }
0x2f: {  	[tilespmem:s7+$0x1A200] =	vst v0;
	s17 =	simm.s32 $0x0;
	s0 =	rddreg [dreg:$0x9]  }
0x30: {  	[tilespmem:s17], [sflag:$0x1] =	stream.linear.gather [hbm4b:s0+s17], $0x4000, $0x38;
	[tilespmem:$0x1AA80] =	vst v63  }
0x31: {  	s18 =	rddreg [dreg:$0xa];
	s2 =	simm.s32 $0x8000  }
0x32: {  	[tilespmem:s2], [sflag:$0x3] =	stream.linear.gather [hbm4b:s18+s17], $0x4000, $0x38;
	[tilespmem:$0x1AA80] =	vst v63  }
0x33: {  	s19 =	rddreg [dreg:$0xb]  }
0x34: {  	[tilespmem:s6], [sflag:$0x2] =	stream.linear.gather [hbm4b:s19+s17], $0x4000, $0x38;
	[tilespmem:$0x1AA80] =	vst v63  }
0x35: {  	s22 =	rddreg [dreg:$0xc];
	s30 =	simm.s32 $0xC000;
	s18 =	simm.s32 $0x0  }
0x36: {  	[tilespmem:s30], [sflag:$0x4] =	stream.linear.gather [hbm4b:s22+s17], $0x4000, $0x38;
	[tilespmem:$0x1AA80] =	vst v63  }
.LBB2_4:
0x37: {  	_ =	swait.ge [sflag:s23], $0x4000  }
0x38: {  	[sflag:s23] =	ssyncset.done $0x0  }
0x39: {  	[sflag:s23] =	ssyncadd.s32 $0xFFFFC000  }
0x3a: {  	_ =	swait.ge [sflag:s24], $0x4000  }
0x3b: {  	s5 =	sand.u32 $0x3000, s17;
	s7 =	sand.u32 $0x380, s17;
	[sflag:s24] =	ssyncset.done $0x0  }
0x3c: {  	s5 =	sor.u32 s7, s5;
	[sflag:s24] =	ssyncadd.s32 $0xFFFFC000  }
0x3d: {  	v3 =	vld [tilespmem:s5+$0x8000]  }
0x3e: {  	v4 =	vld [tilespmem:s5+$0x8010]  }
0x3f: {  	v5 =	vld [tilespmem:s5+$0x8020]  }
0x40: {  	v6 =	vld [tilespmem:s5+$0x8030]  }
0x41: {  	v7 =	vld [tilespmem:s5+$0x8040]  }
0x42: {  	v8 =	vld [tilespmem:s5+$0x8050]  }
0x43: {  	v9 =	vld [tilespmem:s5+$0x8060]  }
0x44: {  	v10 =	vld [tilespmem:s5+$0x8070]  }
0x45: {  	v11 =	vld [tilespmem:s5+$0x0]  }
0x46: {  	v12 =	vld [tilespmem:s5+$0x10]  }
0x47: {  	v13 =	vld [tilespmem:s5+$0x20]  }
0x48: {  	v14 =	vld [tilespmem:s5+$0x30]  }
0x49: {  	v15 =	vld [tilespmem:s5+$0x40]  }
0x4a: {  	v16 =	vld [tilespmem:s5+$0x50]  }
0x4b: {  	v17 =	vld [tilespmem:s5+$0x60]  }
0x4c: {  	v18 =	vld [tilespmem:s5+$0x70]  }
0x4d: {  	[tilespmem:v11+s25+$0x0] =	vst.idx.add.f32.msk $0xffff, v3  }
0x4e: {  	[tilespmem:v12+s25+$0x0] =	vst.idx.add.f32.msk $0xffff, v4  }
0x4f: {  	[tilespmem:v13+s25+$0x0] =	vst.idx.add.f32.msk $0xffff, v5  }
0x50: {  	[tilespmem:v14+s25+$0x0] =	vst.idx.add.f32.msk $0xffff, v6  }
0x51: {  	[tilespmem:v15+s25+$0x0] =	vst.idx.add.f32.msk $0xffff, v7  }
0x52: {  	[tilespmem:v16+s25+$0x0] =	vst.idx.add.f32.msk $0xffff, v8  }
0x53: {  	[tilespmem:v17+s25+$0x0] =	vst.idx.add.f32.msk $0xffff, v9  }
0x54: {  	[tilespmem:v18+s25+$0x0] =	vst.idx.add.f32.msk $0xffff, v10  }
0x55: {  	[tilespmem:v11+s26+$0x0] =	vst.idx.add.f32.msk $0xffff, v1  }
0x56: {  	[tilespmem:v12+s26+$0x0] =	vst.idx.add.f32.msk $0xffff, v1  }
0x57: {  	[tilespmem:v13+s26+$0x0] =	vst.idx.add.f32.msk $0xffff, v1  }
0x58: {  	[tilespmem:v14+s26+$0x0] =	vst.idx.add.f32.msk $0xffff, v1  }
0x59: {  	[tilespmem:v15+s26+$0x0] =	vst.idx.add.f32.msk $0xffff, v1  }
0x5a: {  	[tilespmem:v16+s26+$0x0] =	vst.idx.add.f32.msk $0xffff, v1  }
0x5b: {  	[tilespmem:v17+s26+$0x0] =	vst.idx.add.f32.msk $0xffff, v1  }
0x5c: {  	[tilespmem:v18+s26+$0x0] =	vst.idx.add.f32.msk $0xffff, v1  }
0x5d: {  	v3 =	vld [tilespmem:s5+$0x8400]  }
0x5e: {  	v4 =	vld [tilespmem:s5+$0x8410]  }
0x5f: {  	v5 =	vld [tilespmem:s5+$0x8420]  }
0x60: {  	v6 =	vld [tilespmem:s5+$0x8430]  }
0x61: {  	v7 =	vld [tilespmem:s5+$0x8440]  }
0x62: {  	v8 =	vld [tilespmem:s5+$0x8450]  }
0x63: {  	v9 =	vld [tilespmem:s5+$0x8460]  }
0x64: {  	v10 =	vld [tilespmem:s5+$0x8470]  }
0x65: {  	v11 =	vld [tilespmem:s5+$0x400]  }
0x66: {  	v12 =	vld [tilespmem:s5+$0x410]  }
0x67: {  	v13 =	vld [tilespmem:s5+$0x420]  }
0x68: {  	v14 =	vld [tilespmem:s5+$0x430]  }
0x69: {  	v15 =	vld [tilespmem:s5+$0x440]  }
0x6a: {  	v16 =	vld [tilespmem:s5+$0x450]  }
0x6b: {  	v17 =	vld [tilespmem:s5+$0x460]  }
0x6c: {  	v18 =	vld [tilespmem:s5+$0x470]  }
0x6d: {  	[tilespmem:v11+s25+$0x0] =	vst.idx.add.f32.msk $0xffff, v3  }
0x6e: {  	[tilespmem:v12+s25+$0x0] =	vst.idx.add.f32.msk $0xffff, v4  }
0x6f: {  	[tilespmem:v13+s25+$0x0] =	vst.idx.add.f32.msk $0xffff, v5  }
0x70: {  	[tilespmem:v14+s25+$0x0] =	vst.idx.add.f32.msk $0xffff, v6  }
0x71: {  	[tilespmem:v15+s25+$0x0] =	vst.idx.add.f32.msk $0xffff, v7  }
0x72: {  	[tilespmem:v16+s25+$0x0] =	vst.idx.add.f32.msk $0xffff, v8  }
0x73: {  	[tilespmem:v17+s25+$0x0] =	vst.idx.add.f32.msk $0xffff, v9  }
0x74: {  	[tilespmem:v18+s25+$0x0] =	vst.idx.add.f32.msk $0xffff, v10  }
0x75: {  	[tilespmem:v11+s26+$0x0] =	vst.idx.add.f32.msk $0xffff, v1  }
0x76: {  	[tilespmem:v12+s26+$0x0] =	vst.idx.add.f32.msk $0xffff, v1  }
0x77: {  	[tilespmem:v13+s26+$0x0] =	vst.idx.add.f32.msk $0xffff, v1  }
0x78: {  	[tilespmem:v14+s26+$0x0] =	vst.idx.add.f32.msk $0xffff, v1  }
0x79: {  	[tilespmem:v15+s26+$0x0] =	vst.idx.add.f32.msk $0xffff, v1  }
0x7a: {  	[tilespmem:v16+s26+$0x0] =	vst.idx.add.f32.msk $0xffff, v1  }
0x7b: {  	[tilespmem:v17+s26+$0x0] =	vst.idx.add.f32.msk $0xffff, v1  }
0x7c: {  	[tilespmem:v18+s26+$0x0] =	vst.idx.add.f32.msk $0xffff, v1  }
0x7d: {  	v8 =	vld [tilespmem:s5+$0x8800]  }
0x7e: {  	v9 =	vld [tilespmem:s5+$0x8810]  }
0x7f: {  	v10 =	vld [tilespmem:s5+$0x8820]  }
0x80: {  	v11 =	vld [tilespmem:s5+$0x8830]  }
0x81: {  	v12 =	vld [tilespmem:s5+$0x8840]  }
0x82: {  	v13 =	vld [tilespmem:s5+$0x8850]  }
0x83: {  	v14 =	vld [tilespmem:s5+$0x8860]  }
0x84: {  	v15 =	vld [tilespmem:s5+$0x8870]  }
0x85: {  	v16 =	vld [tilespmem:s5+$0x800]  }
0x86: {  	v17 =	vld [tilespmem:s5+$0x810]  }
0x87: {  	v18 =	vld [tilespmem:s5+$0x820]  }
0x88: {  	v3 =	vld [tilespmem:s5+$0x830]  }
0x89: {  	v4 =	vld [tilespmem:s5+$0x840]  }
0x8a: {  	v5 =	vld [tilespmem:s5+$0x850]  }
0x8b: {  	v6 =	vld [tilespmem:s5+$0x860]  }
0x8c: {  	v7 =	vld [tilespmem:s5+$0x870]  }
0x8d: {  	[tilespmem:v16+s25+$0x0] =	vst.idx.add.f32.msk $0xffff, v8  }
0x8e: {  	[tilespmem:v17+s25+$0x0] =	vst.idx.add.f32.msk $0xffff, v9  }
0x8f: {  	[tilespmem:v18+s25+$0x0] =	vst.idx.add.f32.msk $0xffff, v10  }
0x90: {  	[tilespmem:v3+s25+$0x0] =	vst.idx.add.f32.msk $0xffff, v11  }
0x91: {  	[tilespmem:v4+s25+$0x0] =	vst.idx.add.f32.msk $0xffff, v12  }
0x92: {  	[tilespmem:v5+s25+$0x0] =	vst.idx.add.f32.msk $0xffff, v13  }
0x93: {  	[tilespmem:v6+s25+$0x0] =	vst.idx.add.f32.msk $0xffff, v14  }
0x94: {  	[tilespmem:v7+s25+$0x0] =	vst.idx.add.f32.msk $0xffff, v15  }
0x95: {  	[tilespmem:v16+s26+$0x0] =	vst.idx.add.f32.msk $0xffff, v1  }
0x96: {  	[tilespmem:v17+s26+$0x0] =	vst.idx.add.f32.msk $0xffff, v1  }
0x97: {  	s15 =	simm.s32 $0x0;
	s7 =	simm.s32 $0x200;
	[tilespmem:v18+s26+$0x0] =	vst.idx.add.f32.msk $0xffff, v1  }
.LBB2_5:
0x98: {  	p1 =	sne.s32 s7, $0x3E00;
	[tilespmem:v3+s26+$0x0] =	vst.idx.add.f32.msk $0xffff, v1  }
0x99: {  	[tilespmem:v4+s26+$0x0] =	vst.idx.add.f32.msk $0xffff, v1  }
0x9a: {  	[tilespmem:v5+s26+$0x0] =	vst.idx.add.f32.msk $0xffff, v1  }
0x9b: {  	[tilespmem:v6+s26+$0x0] =	vst.idx.add.f32.msk $0xffff, v1  }
0x9c: {  	[tilespmem:v7+s26+$0x0] =	vst.idx.add.f32.msk $0xffff, v1  }
0x9d: {  	v3 =	vld [tilespmem:s5+$0x8C00]  }
0x9e: {  	v4 =	vld [tilespmem:s5+$0x8C10]  }
0x9f: {  	v5 =	vld [tilespmem:s5+$0x8C20]  }
0xa0: {  	v6 =	vld [tilespmem:s5+$0x8C30]  }
0xa1: {  	v7 =	vld [tilespmem:s5+$0x8C40]  }
0xa2: {  	v8 =	vld [tilespmem:s5+$0x8C50]  }
0xa3: {  	v9 =	vld [tilespmem:s5+$0x8C60]  }
0xa4: {  	v10 =	vld [tilespmem:s5+$0x8C70]  }
0xa5: {  	v11 =	vld [tilespmem:s5+$0xC00]  }
0xa6: {  	v12 =	vld [tilespmem:s5+$0xC10]  }
0xa7: {  	v13 =	vld [tilespmem:s5+$0xC20]  }
0xa8: {  	v14 =	vld [tilespmem:s5+$0xC30]  }
0xa9: {  	v15 =	vld [tilespmem:s5+$0xC40]  }
0xaa: {  	v16 =	vld [tilespmem:s5+$0xC50]  }
0xab: {  	v17 =	vld [tilespmem:s5+$0xC60]  }
0xac: {  	v18 =	vld [tilespmem:s5+$0xC70]  }
0xad: {  	[tilespmem:v11+s25+$0x0] =	vst.idx.add.f32.msk $0xffff, v3  }
0xae: {  	[tilespmem:v12+s25+$0x0] =	vst.idx.add.f32.msk $0xffff, v4  }
0xaf: {  	[tilespmem:v13+s25+$0x0] =	vst.idx.add.f32.msk $0xffff, v5  }
0xb0: {  	[tilespmem:v14+s25+$0x0] =	vst.idx.add.f32.msk $0xffff, v6  }
0xb1: {  	[tilespmem:v15+s25+$0x0] =	vst.idx.add.f32.msk $0xffff, v7  }
0xb2: {  	[tilespmem:v16+s25+$0x0] =	vst.idx.add.f32.msk $0xffff, v8  }
0xb3: {  	[tilespmem:v17+s25+$0x0] =	vst.idx.add.f32.msk $0xffff, v9  }
0xb4: {  	[tilespmem:v18+s25+$0x0] =	vst.idx.add.f32.msk $0xffff, v10  }
0xb5: {  	[tilespmem:v11+s26+$0x0] =	vst.idx.add.f32.msk $0xffff, v1  }
0xb6: {  	[tilespmem:v12+s26+$0x0] =	vst.idx.add.f32.msk $0xffff, v1  }
0xb7: {  	[tilespmem:v13+s26+$0x0] =	vst.idx.add.f32.msk $0xffff, v1  }
0xb8: {  	[tilespmem:v14+s26+$0x0] =	vst.idx.add.f32.msk $0xffff, v1  }
0xb9: {  	[tilespmem:v15+s26+$0x0] =	vst.idx.add.f32.msk $0xffff, v1  }
0xba: {  	s15 =	sadd.s32 $0x80, s15;
	[tilespmem:v16+s26+$0x0] =	vst.idx.add.f32.msk $0xffff, v1  }
0xbb: {  	s9 =	sand.u32 $0x380, s15;
	s5 =	sand.u32 $0x3000, s7;
	[tilespmem:v17+s26+$0x0] =	vst.idx.add.f32.msk $0xffff, v1  }
0xbc: {  	s5 =	sor.u32 s9, s5;
	[tilespmem:v18+s26+$0x0] =	vst.idx.add.f32.msk $0xffff, v1  }
0xbd: {  	v3 =	vld [tilespmem:s5+$0x8000]  }
0xbe: {  	v4 =	vld [tilespmem:s5+$0x8010]  }
0xbf: {  	v5 =	vld [tilespmem:s5+$0x8020]  }
0xc0: {  	v6 =	vld [tilespmem:s5+$0x8030]  }
0xc1: {  	v7 =	vld [tilespmem:s5+$0x8040]  }
0xc2: {  	v8 =	vld [tilespmem:s5+$0x8050]  }
0xc3: {  	v9 =	vld [tilespmem:s5+$0x8060]  }
0xc4: {  	v10 =	vld [tilespmem:s5+$0x8070]  }
0xc5: {  	v11 =	vld [tilespmem:s5+$0x0]  }
0xc6: {  	v12 =	vld [tilespmem:s5+$0x10]  }
0xc7: {  	v13 =	vld [tilespmem:s5+$0x20]  }
0xc8: {  	v14 =	vld [tilespmem:s5+$0x30]  }
0xc9: {  	v15 =	vld [tilespmem:s5+$0x40]  }
0xca: {  	v16 =	vld [tilespmem:s5+$0x50]  }
0xcb: {  	v17 =	vld [tilespmem:s5+$0x60]  }
0xcc: {  	v18 =	vld [tilespmem:s5+$0x70]  }
0xcd: {  	[tilespmem:v11+s25+$0x0] =	vst.idx.add.f32.msk $0xffff, v3  }
0xce: {  	[tilespmem:v12+s25+$0x0] =	vst.idx.add.f32.msk $0xffff, v4  }
0xcf: {  	[tilespmem:v13+s25+$0x0] =	vst.idx.add.f32.msk $0xffff, v5  }
0xd0: {  	[tilespmem:v14+s25+$0x0] =	vst.idx.add.f32.msk $0xffff, v6  }
0xd1: {  	[tilespmem:v15+s25+$0x0] =	vst.idx.add.f32.msk $0xffff, v7  }
0xd2: {  	[tilespmem:v16+s25+$0x0] =	vst.idx.add.f32.msk $0xffff, v8  }
0xd3: {  	[tilespmem:v17+s25+$0x0] =	vst.idx.add.f32.msk $0xffff, v9  }
0xd4: {  	[tilespmem:v18+s25+$0x0] =	vst.idx.add.f32.msk $0xffff, v10  }
0xd5: {  	[tilespmem:v11+s26+$0x0] =	vst.idx.add.f32.msk $0xffff, v1  }
0xd6: {  	[tilespmem:v12+s26+$0x0] =	vst.idx.add.f32.msk $0xffff, v1  }
0xd7: {  	[tilespmem:v13+s26+$0x0] =	vst.idx.add.f32.msk $0xffff, v1  }
0xd8: {  	[tilespmem:v14+s26+$0x0] =	vst.idx.add.f32.msk $0xffff, v1  }
0xd9: {  	[tilespmem:v15+s26+$0x0] =	vst.idx.add.f32.msk $0xffff, v1  }
0xda: {  	[tilespmem:v16+s26+$0x0] =	vst.idx.add.f32.msk $0xffff, v1  }
0xdb: {  	[tilespmem:v17+s26+$0x0] =	vst.idx.add.f32.msk $0xffff, v1  }
0xdc: {  	[tilespmem:v18+s26+$0x0] =	vst.idx.add.f32.msk $0xffff, v1  }
0xdd: {  	v3 =	vld [tilespmem:s5+$0x8400]  }
0xde: {  	v4 =	vld [tilespmem:s5+$0x8410]  }
0xdf: {  	v5 =	vld [tilespmem:s5+$0x8420]  }
0xe0: {  	v6 =	vld [tilespmem:s5+$0x8430]  }
0xe1: {  	v7 =	vld [tilespmem:s5+$0x8440]  }
0xe2: {  	v8 =	vld [tilespmem:s5+$0x8450]  }
0xe3: {  	v9 =	vld [tilespmem:s5+$0x8460]  }
0xe4: {  	v10 =	vld [tilespmem:s5+$0x8470]  }
0xe5: {  	v11 =	vld [tilespmem:s5+$0x400]  }
0xe6: {  	v12 =	vld [tilespmem:s5+$0x410]  }
0xe7: {  	v13 =	vld [tilespmem:s5+$0x420]  }
0xe8: {  	v14 =	vld [tilespmem:s5+$0x430]  }
0xe9: {  	v15 =	vld [tilespmem:s5+$0x440]  }
0xea: {  	v16 =	vld [tilespmem:s5+$0x450]  }
0xeb: {  	v17 =	vld [tilespmem:s5+$0x460]  }
0xec: {  	v18 =	vld [tilespmem:s5+$0x470]  }
0xed: {  	[tilespmem:v11+s25+$0x0] =	vst.idx.add.f32.msk $0xffff, v3  }
0xee: {  	[tilespmem:v12+s25+$0x0] =	vst.idx.add.f32.msk $0xffff, v4  }
0xef: {  	[tilespmem:v13+s25+$0x0] =	vst.idx.add.f32.msk $0xffff, v5  }
0xf0: {  	[tilespmem:v14+s25+$0x0] =	vst.idx.add.f32.msk $0xffff, v6  }
0xf1: {  	[tilespmem:v15+s25+$0x0] =	vst.idx.add.f32.msk $0xffff, v7  }
0xf2: {  	[tilespmem:v16+s25+$0x0] =	vst.idx.add.f32.msk $0xffff, v8  }
0xf3: {  	[tilespmem:v17+s25+$0x0] =	vst.idx.add.f32.msk $0xffff, v9  }
0xf4: {  	[tilespmem:v18+s25+$0x0] =	vst.idx.add.f32.msk $0xffff, v10  }
0xf5: {  	[tilespmem:v11+s26+$0x0] =	vst.idx.add.f32.msk $0xffff, v1  }
0xf6: {  	[tilespmem:v12+s26+$0x0] =	vst.idx.add.f32.msk $0xffff, v1  }
0xf7: {  	[tilespmem:v13+s26+$0x0] =	vst.idx.add.f32.msk $0xffff, v1  }
0xf8: {  	[tilespmem:v14+s26+$0x0] =	vst.idx.add.f32.msk $0xffff, v1  }
0xf9: {  	[tilespmem:v15+s26+$0x0] =	vst.idx.add.f32.msk $0xffff, v1  }
0xfa: {  	[tilespmem:v16+s26+$0x0] =	vst.idx.add.f32.msk $0xffff, v1  }
0xfb: {  	[tilespmem:v17+s26+$0x0] =	vst.idx.add.f32.msk $0xffff, v1  }
0xfc: {  	[tilespmem:v18+s26+$0x0] =	vst.idx.add.f32.msk $0xffff, v1  }
0xfd: {  	v8 =	vld [tilespmem:s5+$0x8800]  }
0xfe: {  	v9 =	vld [tilespmem:s5+$0x8810]  }
0xff: {  	v10 =	vld [tilespmem:s5+$0x8820]  }
0x100: {  	v11 =	vld [tilespmem:s5+$0x8830]  }
0x101: {  	v12 =	vld [tilespmem:s5+$0x8840]  }
0x102: {  	v13 =	vld [tilespmem:s5+$0x8850]  }
0x103: {  	v14 =	vld [tilespmem:s5+$0x8860]  }
0x104: {  	v15 =	vld [tilespmem:s5+$0x8870]  }
0x105: {  	v16 =	vld [tilespmem:s5+$0x800]  }
0x106: {  	v17 =	vld [tilespmem:s5+$0x810]  }
0x107: {  	v18 =	vld [tilespmem:s5+$0x820]  }
0x108: {  	v3 =	vld [tilespmem:s5+$0x830]  }
0x109: {  	v4 =	vld [tilespmem:s5+$0x840]  }
0x10a: {  	v5 =	vld [tilespmem:s5+$0x850]  }
0x10b: {  	v6 =	vld [tilespmem:s5+$0x860]  }
0x10c: {  	v7 =	vld [tilespmem:s5+$0x870]  }
0x10d: {  	[tilespmem:v16+s25+$0x0] =	vst.idx.add.f32.msk $0xffff, v8  }
0x10e: {  	[tilespmem:v17+s25+$0x0] =	vst.idx.add.f32.msk $0xffff, v9  }
0x10f: {  	[tilespmem:v18+s25+$0x0] =	vst.idx.add.f32.msk $0xffff, v10  }
0x110: {  	[tilespmem:v3+s25+$0x0] =	vst.idx.add.f32.msk $0xffff, v11  }
0x111: {  	[tilespmem:v4+s25+$0x0] =	vst.idx.add.f32.msk $0xffff, v12  }
0x112: {  	[tilespmem:v5+s25+$0x0] =	vst.idx.add.f32.msk $0xffff, v13  }
.Ltmp3:
0x113: {  	[tilespmem:v6+s25+$0x0] =	vst.idx.add.f32.msk $0xffff, v14;
	(pc) =	sbr.rel @p1 .LBB2_5-.Ltmp3, $4  }
0x114: {  	[tilespmem:v7+s25+$0x0] =	vst.idx.add.f32.msk $0xffff, v15  }
0x115: {  	[tilespmem:v16+s26+$0x0] =	vst.idx.add.f32.msk $0xffff, v1  }
0x116: {  	[tilespmem:v17+s26+$0x0] =	vst.idx.add.f32.msk $0xffff, v1  }
0x117: {  	s7 =	sadd.s32 $0x200, s7;
	[tilespmem:v18+s26+$0x0] =	vst.idx.add.f32.msk $0xffff, v1  }
0x118: {  	_ =	sdelay $0x3  }
0x119: {  	[tilespmem:v3+s26+$0x0] =	vst.idx.add.f32.msk $0xffff, v1  }
0x11a: {  	[tilespmem:v4+s26+$0x0] =	vst.idx.add.f32.msk $0xffff, v1  }
0x11b: {  	[tilespmem:v5+s26+$0x0] =	vst.idx.add.f32.msk $0xffff, v1  }
0x11c: {  	[tilespmem:v6+s26+$0x0] =	vst.idx.add.f32.msk $0xffff, v1  }
0x11d: {  	[tilespmem:v7+s26+$0x0] =	vst.idx.add.f32.msk $0xffff, v1  }
0x11e: {  	v3 =	vld [tilespmem:s5+$0x8C00]  }
0x11f: {  	v4 =	vld [tilespmem:s5+$0x8C10]  }
0x120: {  	v5 =	vld [tilespmem:s5+$0x8C20]  }
0x121: {  	v6 =	vld [tilespmem:s5+$0x8C30]  }
0x122: {  	v7 =	vld [tilespmem:s5+$0x8C40]  }
0x123: {  	v8 =	vld [tilespmem:s5+$0x8C50]  }
0x124: {  	v9 =	vld [tilespmem:s5+$0x8C60]  }
0x125: {  	v10 =	vld [tilespmem:s5+$0x8C70]  }
0x126: {  	v11 =	vld [tilespmem:s5+$0xC00]  }
0x127: {  	v12 =	vld [tilespmem:s5+$0xC10]  }
0x128: {  	v13 =	vld [tilespmem:s5+$0xC20]  }
0x129: {  	v14 =	vld [tilespmem:s5+$0xC30]  }
0x12a: {  	v15 =	vld [tilespmem:s5+$0xC40]  }
0x12b: {  	v16 =	vld [tilespmem:s5+$0xC50]  }
0x12c: {  	v17 =	vld [tilespmem:s5+$0xC60]  }
0x12d: {  	v18 =	vld [tilespmem:s5+$0xC70]  }
0x12e: {  	[tilespmem:v11+s25+$0x0] =	vst.idx.add.f32.msk $0xffff, v3  }
0x12f: {  	[tilespmem:v12+s25+$0x0] =	vst.idx.add.f32.msk $0xffff, v4  }
0x130: {  	[tilespmem:v13+s25+$0x0] =	vst.idx.add.f32.msk $0xffff, v5  }
0x131: {  	[tilespmem:v14+s25+$0x0] =	vst.idx.add.f32.msk $0xffff, v6  }
0x132: {  	[tilespmem:v15+s25+$0x0] =	vst.idx.add.f32.msk $0xffff, v7  }
0x133: {  	[tilespmem:v16+s25+$0x0] =	vst.idx.add.f32.msk $0xffff, v8  }
0x134: {  	[tilespmem:v17+s25+$0x0] =	vst.idx.add.f32.msk $0xffff, v9  }
0x135: {  	[tilespmem:v18+s25+$0x0] =	vst.idx.add.f32.msk $0xffff, v10  }
0x136: {  	[tilespmem:v11+s26+$0x0] =	vst.idx.add.f32.msk $0xffff, v1  }
0x137: {  	[tilespmem:v12+s26+$0x0] =	vst.idx.add.f32.msk $0xffff, v1  }
0x138: {  	[tilespmem:v13+s26+$0x0] =	vst.idx.add.f32.msk $0xffff, v1  }
0x139: {  	[tilespmem:v14+s26+$0x0] =	vst.idx.add.f32.msk $0xffff, v1  }
0x13a: {  	s19 =	sshll.u32 s18, $0xF;
	p1 =	seq.s32 s18, $0x7;
	[tilespmem:v15+s26+$0x0] =	vst.idx.add.f32.msk $0xffff, v1  }
0x13b: {  	s5 =	sadd.s32 @!p1 s19, s13;
	[tilespmem:v16+s26+$0x0] =	vst.idx.add.f32.msk $0xffff, v1  }
0x13c: {  	s5 =	sshrl.u32 @!p1 s5, $0x3;
	[tilespmem:v17+s26+$0x0] =	vst.idx.add.f32.msk $0xffff, v1  }
0x13d: {  	s0 =	rddreg [dreg:$0x1];
	s9 =	simm.s32 @!p1 $0x0;
	s7 =	sadd.s32 @!p1 s1, s5;
	[tilespmem:v18+s26+$0x0] =	vst.idx.add.f32.msk $0xffff, v1  }
0x13e: {  	[tilespmem:s9], [sflag:$0x1] =	stream.linear.gather @!p1 [hbm4b:s7+s9], $0x4000, $0x38;
	[tilespmem:$0x1AA80] =	vst v63  }
0x13f: {  	s5 =	sadd.s32 @!p1 s0, s5;
	s7 =	simm.s32 @!p1 $0x8000  }
0x140: {  	[tilespmem:s7], [sflag:$0x3] =	stream.linear.gather @!p1 [hbm4b:s5+s9], $0x4000, $0x38;
	[tilespmem:$0x1AA80] =	vst v63  }
0x141: {  	_ =	swait.ge [sflag:s28], $0x4000  }
0x142: {  	[sflag:s28] =	ssyncset.done $0x0  }
0x143: {  	[sflag:s28] =	ssyncadd.s32 $0xFFFFC000  }
0x144: {  	s5 =	simm.s32 $0x0;
	_ =	swait.ge [sflag:s29], $0x4000  }
0x145: {  	s22 =	sand.u32 $0x3000, s5;
	s30 =	sand.u32 $0x380, s5;
	[sflag:s29] =	ssyncset.done $0x0  }
0x146: {  	s7 =	sor.u32 s30, s22;
	[sflag:s29] =	ssyncadd.s32 $0xFFFFC000  }
0x147: {  	v3 =	vld [tilespmem:s7+$0xC000]  }
0x148: {  	v4 =	vld [tilespmem:s7+$0xC010]  }
0x149: {  	v5 =	vld [tilespmem:s7+$0xC020]  }
0x14a: {  	v6 =	vld [tilespmem:s7+$0xC030]  }
0x14b: {  	v7 =	vld [tilespmem:s7+$0xC040]  }
0x14c: {  	v8 =	vld [tilespmem:s7+$0xC050]  }
0x14d: {  	v54 =	vld [tilespmem:s7+$0xC060]  }
0x14e: {  	v55 =	vld [tilespmem:s7+$0xC070]  }
0x14f: {  	v56 =	vld [tilespmem:s7+$0x4000]  }
0x150: {  	v57 =	vld [tilespmem:s7+$0x4010]  }
0x151: {  	v58 =	vld [tilespmem:s7+$0x4020]  }
0x152: {  	v59 =	vld [tilespmem:s7+$0x4030]  }
0x153: {  	v60 =	vld [tilespmem:s7+$0x4040]  }
0x154: {  	v61 =	vld [tilespmem:s7+$0x4050]  }
0x155: {  	v62 =	vld [tilespmem:s7+$0x4060]  }
0x156: {  	v63 =	vld [tilespmem:s7+$0x4070]  }
0x157: {  	[tilespmem:v56+s25+$0x0] =	vst.idx.add.f32.msk $0xffff, v3  }
0x158: {  	[tilespmem:v57+s25+$0x0] =	vst.idx.add.f32.msk $0xffff, v4  }
0x159: {  	[tilespmem:v58+s25+$0x0] =	vst.idx.add.f32.msk $0xffff, v5  }
0x15a: {  	[tilespmem:v59+s25+$0x0] =	vst.idx.add.f32.msk $0xffff, v6  }
0x15b: {  	[tilespmem:v60+s25+$0x0] =	vst.idx.add.f32.msk $0xffff, v7  }
0x15c: {  	[tilespmem:v61+s25+$0x0] =	vst.idx.add.f32.msk $0xffff, v8  }
0x15d: {  	[tilespmem:v62+s25+$0x0] =	vst.idx.add.f32.msk $0xffff, v54  }
0x15e: {  	[tilespmem:v63+s25+$0x0] =	vst.idx.add.f32.msk $0xffff, v55  }
0x15f: {  	[tilespmem:v56+s26+$0x0] =	vst.idx.add.f32.msk $0xffff, v1  }
0x160: {  	[tilespmem:v57+s26+$0x0] =	vst.idx.add.f32.msk $0xffff, v1  }
0x161: {  	[tilespmem:v58+s26+$0x0] =	vst.idx.add.f32.msk $0xffff, v1  }
0x162: {  	[tilespmem:v59+s26+$0x0] =	vst.idx.add.f32.msk $0xffff, v1  }
0x163: {  	[tilespmem:v60+s26+$0x0] =	vst.idx.add.f32.msk $0xffff, v1  }
0x164: {  	[tilespmem:v61+s26+$0x0] =	vst.idx.add.f32.msk $0xffff, v1  }
0x165: {  	[tilespmem:v62+s26+$0x0] =	vst.idx.add.f32.msk $0xffff, v1  }
0x166: {  	[tilespmem:v63+s26+$0x0] =	vst.idx.add.f32.msk $0xffff, v1  }
0x167: {  	v3 =	vld [tilespmem:s7+$0xC400]  }
0x168: {  	v4 =	vld [tilespmem:s7+$0xC410]  }
0x169: {  	v5 =	vld [tilespmem:s7+$0xC420]  }
0x16a: {  	v6 =	vld [tilespmem:s7+$0xC430]  }
0x16b: {  	v7 =	vld [tilespmem:s7+$0xC440]  }
0x16c: {  	v8 =	vld [tilespmem:s7+$0xC450]  }
0x16d: {  	v9 =	vld [tilespmem:s7+$0xC460]  }
0x16e: {  	v10 =	vld [tilespmem:s7+$0xC470]  }
0x16f: {  	v11 =	vld [tilespmem:s7+$0x4400]  }
0x170: {  	v12 =	vld [tilespmem:s7+$0x4410]  }
0x171: {  	v13 =	vld [tilespmem:s7+$0x4420]  }
0x172: {  	v14 =	vld [tilespmem:s7+$0x4430]  }
0x173: {  	v15 =	vld [tilespmem:s7+$0x4440]  }
0x174: {  	v16 =	vld [tilespmem:s7+$0x4450]  }
0x175: {  	v17 =	vld [tilespmem:s7+$0x4460]  }
0x176: {  	v18 =	vld [tilespmem:s7+$0x4470]  }
0x177: {  	[tilespmem:v11+s25+$0x0] =	vst.idx.add.f32.msk $0xffff, v3  }
0x178: {  	[tilespmem:v12+s25+$0x0] =	vst.idx.add.f32.msk $0xffff, v4  }
0x179: {  	[tilespmem:v13+s25+$0x0] =	vst.idx.add.f32.msk $0xffff, v5  }
0x17a: {  	[tilespmem:v14+s25+$0x0] =	vst.idx.add.f32.msk $0xffff, v6  }
0x17b: {  	[tilespmem:v15+s25+$0x0] =	vst.idx.add.f32.msk $0xffff, v7  }
0x17c: {  	[tilespmem:v16+s25+$0x0] =	vst.idx.add.f32.msk $0xffff, v8  }
0x17d: {  	[tilespmem:v17+s25+$0x0] =	vst.idx.add.f32.msk $0xffff, v9  }
0x17e: {  	[tilespmem:v18+s25+$0x0] =	vst.idx.add.f32.msk $0xffff, v10  }
0x17f: {  	[tilespmem:v11+s26+$0x0] =	vst.idx.add.f32.msk $0xffff, v1  }
0x180: {  	[tilespmem:v12+s26+$0x0] =	vst.idx.add.f32.msk $0xffff, v1  }
0x181: {  	[tilespmem:v13+s26+$0x0] =	vst.idx.add.f32.msk $0xffff, v1  }
0x182: {  	[tilespmem:v14+s26+$0x0] =	vst.idx.add.f32.msk $0xffff, v1  }
0x183: {  	[tilespmem:v15+s26+$0x0] =	vst.idx.add.f32.msk $0xffff, v1  }
0x184: {  	[tilespmem:v16+s26+$0x0] =	vst.idx.add.f32.msk $0xffff, v1  }
0x185: {  	[tilespmem:v17+s26+$0x0] =	vst.idx.add.f32.msk $0xffff, v1  }
0x186: {  	[tilespmem:v18+s26+$0x0] =	vst.idx.add.f32.msk $0xffff, v1  }
0x187: {  	v8 =	vld [tilespmem:s7+$0xC800]  }
0x188: {  	v9 =	vld [tilespmem:s7+$0xC810]  }
0x189: {  	v10 =	vld [tilespmem:s7+$0xC820]  }
0x18a: {  	v11 =	vld [tilespmem:s7+$0xC830]  }
0x18b: {  	v12 =	vld [tilespmem:s7+$0xC840]  }
0x18c: {  	v13 =	vld [tilespmem:s7+$0xC850]  }
0x18d: {  	v14 =	vld [tilespmem:s7+$0xC860]  }
0x18e: {  	v15 =	vld [tilespmem:s7+$0xC870]  }
0x18f: {  	v16 =	vld [tilespmem:s7+$0x4800]  }
0x190: {  	v17 =	vld [tilespmem:s7+$0x4810]  }
0x191: {  	v18 =	vld [tilespmem:s7+$0x4820]  }
0x192: {  	v6 =	vld [tilespmem:s7+$0x4830]  }
0x193: {  	v7 =	vld [tilespmem:s7+$0x4840]  }
0x194: {  	v5 =	vld [tilespmem:s7+$0x4850]  }
0x195: {  	v3 =	vld [tilespmem:s7+$0x4860]  }
0x196: {  	v4 =	vld [tilespmem:s7+$0x4870]  }
0x197: {  	[tilespmem:v16+s25+$0x0] =	vst.idx.add.f32.msk $0xffff, v8  }
0x198: {  	[tilespmem:v17+s25+$0x0] =	vst.idx.add.f32.msk $0xffff, v9  }
0x199: {  	[tilespmem:v18+s25+$0x0] =	vst.idx.add.f32.msk $0xffff, v10  }
0x19a: {  	[tilespmem:v6+s25+$0x0] =	vst.idx.add.f32.msk $0xffff, v11  }
0x19b: {  	[tilespmem:v7+s25+$0x0] =	vst.idx.add.f32.msk $0xffff, v12  }
0x19c: {  	[tilespmem:v5+s25+$0x0] =	vst.idx.add.f32.msk $0xffff, v13  }
0x19d: {  	[tilespmem:v3+s25+$0x0] =	vst.idx.add.f32.msk $0xffff, v14  }
0x19e: {  	[tilespmem:v4+s25+$0x0] =	vst.idx.add.f32.msk $0xffff, v15  }
0x19f: {  	[tilespmem:v16+s26+$0x0] =	vst.idx.add.f32.msk $0xffff, v1  }
0x1a0: {  	[tilespmem:v17+s26+$0x0] =	vst.idx.add.f32.msk $0xffff, v1  }
0x1a1: {  	s15 =	simm.s32 $0x0;
	s7 =	simm.s32 $0x200;
	[tilespmem:v18+s26+$0x0] =	vst.idx.add.f32.msk $0xffff, v1  }
.LBB2_7:
0x1a2: {  	p2 =	sne.s32 s7, $0x3E00;
	[tilespmem:v6+s26+$0x0] =	vst.idx.add.f32.msk $0xffff, v1  }
0x1a3: {  	[tilespmem:v7+s26+$0x0] =	vst.idx.add.f32.msk $0xffff, v1  }
0x1a4: {  	s9 =	sand.u32 $0xFFFFF000, s5;
	s5 =	smov.u32 s7;
	[tilespmem:v5+s26+$0x0] =	vst.idx.add.f32.msk $0xffff, v1  }
0x1a5: {  	s9 =	sadd.s32 s9, s15;
	[tilespmem:v3+s26+$0x0] =	vst.idx.add.f32.msk $0xffff, v1  }
0x1a6: {  	s11 =	sor.u32 $0x4C00, s9;
	[tilespmem:v4+s26+$0x0] =	vst.idx.add.f32.msk $0xffff, v1  }
0x1a7: {  	s16 =	sor.u32 $0x4C10, s9;
	v3 =	vld [tilespmem:s11+$0x8000]  }
0x1a8: {  	s22 =	sor.u32 $0x4C20, s9;
	v4 =	vld [tilespmem:s16+$0x8000]  }
0x1a9: {  	s0 =	sor.u32 $0x4C30, s9;
	v5 =	vld [tilespmem:s22+$0x8000]  }
0x1aa: {  	s30 =	sor.u32 $0x4C40, s9;
	v6 =	vld [tilespmem:s0+$0x8000]  }
0x1ab: {  	s12 =	sor.u32 $0x4C50, s9;
	v7 =	vld [tilespmem:s30+$0x8000]  }
0x1ac: {  	s2 =	sor.u32 $0x4C60, s9;
	v8 =	vld [tilespmem:s12+$0x8000]  }
0x1ad: {  	s9 =	sor.u32 $0x4C70, s9;
	v9 =	vld [tilespmem:s2+$0x8000]  }
0x1ae: {  	v10 =	vld [tilespmem:s9+$0x8000]  }
0x1af: {  	v11 =	vld [tilespmem:s11+$0x0]  }
0x1b0: {  	v12 =	vld [tilespmem:s16+$0x0]  }
0x1b1: {  	v13 =	vld [tilespmem:s22+$0x0]  }
0x1b2: {  	v14 =	vld [tilespmem:s0+$0x0]  }
0x1b3: {  	v15 =	vld [tilespmem:s30+$0x0]  }
0x1b4: {  	v16 =	vld [tilespmem:s12+$0x0]  }
0x1b5: {  	v17 =	vld [tilespmem:s2+$0x0]  }
0x1b6: {  	v18 =	vld [tilespmem:s9+$0x0]  }
0x1b7: {  	[tilespmem:v11+s25+$0x0] =	vst.idx.add.f32.msk $0xffff, v3  }
0x1b8: {  	[tilespmem:v12+s25+$0x0] =	vst.idx.add.f32.msk $0xffff, v4  }
0x1b9: {  	[tilespmem:v13+s25+$0x0] =	vst.idx.add.f32.msk $0xffff, v5  }
0x1ba: {  	[tilespmem:v14+s25+$0x0] =	vst.idx.add.f32.msk $0xffff, v6  }
0x1bb: {  	[tilespmem:v15+s25+$0x0] =	vst.idx.add.f32.msk $0xffff, v7  }
0x1bc: {  	[tilespmem:v16+s25+$0x0] =	vst.idx.add.f32.msk $0xffff, v8  }
0x1bd: {  	[tilespmem:v17+s25+$0x0] =	vst.idx.add.f32.msk $0xffff, v9  }
0x1be: {  	[tilespmem:v18+s25+$0x0] =	vst.idx.add.f32.msk $0xffff, v10  }
0x1bf: {  	[tilespmem:v11+s26+$0x0] =	vst.idx.add.f32.msk $0xffff, v1  }
0x1c0: {  	[tilespmem:v12+s26+$0x0] =	vst.idx.add.f32.msk $0xffff, v1  }
0x1c1: {  	[tilespmem:v13+s26+$0x0] =	vst.idx.add.f32.msk $0xffff, v1  }
0x1c2: {  	[tilespmem:v14+s26+$0x0] =	vst.idx.add.f32.msk $0xffff, v1  }
0x1c3: {  	[tilespmem:v15+s26+$0x0] =	vst.idx.add.f32.msk $0xffff, v1  }
0x1c4: {  	s15 =	sadd.s32 $0x80, s15;
	[tilespmem:v16+s26+$0x0] =	vst.idx.add.f32.msk $0xffff, v1  }
0x1c5: {  	s0 =	sand.u32 $0x3000, s7;
	s2 =	sand.u32 $0x380, s15;
	[tilespmem:v17+s26+$0x0] =	vst.idx.add.f32.msk $0xffff, v1  }
0x1c6: {  	s9 =	sor.u32 s2, s0;
	[tilespmem:v18+s26+$0x0] =	vst.idx.add.f32.msk $0xffff, v1  }
0x1c7: {  	v3 =	vld [tilespmem:s9+$0xC000]  }
0x1c8: {  	v4 =	vld [tilespmem:s9+$0xC010]  }
0x1c9: {  	v5 =	vld [tilespmem:s9+$0xC020]  }
0x1ca: {  	v6 =	vld [tilespmem:s9+$0xC030]  }
0x1cb: {  	v7 =	vld [tilespmem:s9+$0xC040]  }
0x1cc: {  	v8 =	vld [tilespmem:s9+$0xC050]  }
0x1cd: {  	v9 =	vld [tilespmem:s9+$0xC060]  }
0x1ce: {  	v10 =	vld [tilespmem:s9+$0xC070]  }
0x1cf: {  	v11 =	vld [tilespmem:s9+$0x4000]  }
0x1d0: {  	v12 =	vld [tilespmem:s9+$0x4010]  }
0x1d1: {  	v13 =	vld [tilespmem:s9+$0x4020]  }
0x1d2: {  	v14 =	vld [tilespmem:s9+$0x4030]  }
0x1d3: {  	v15 =	vld [tilespmem:s9+$0x4040]  }
0x1d4: {  	v16 =	vld [tilespmem:s9+$0x4050]  }
0x1d5: {  	v17 =	vld [tilespmem:s9+$0x4060]  }
0x1d6: {  	v18 =	vld [tilespmem:s9+$0x4070]  }
0x1d7: {  	[tilespmem:v11+s25+$0x0] =	vst.idx.add.f32.msk $0xffff, v3  }
0x1d8: {  	[tilespmem:v12+s25+$0x0] =	vst.idx.add.f32.msk $0xffff, v4  }
0x1d9: {  	[tilespmem:v13+s25+$0x0] =	vst.idx.add.f32.msk $0xffff, v5  }
0x1da: {  	[tilespmem:v14+s25+$0x0] =	vst.idx.add.f32.msk $0xffff, v6  }
0x1db: {  	[tilespmem:v15+s25+$0x0] =	vst.idx.add.f32.msk $0xffff, v7  }
0x1dc: {  	[tilespmem:v16+s25+$0x0] =	vst.idx.add.f32.msk $0xffff, v8  }
0x1dd: {  	[tilespmem:v17+s25+$0x0] =	vst.idx.add.f32.msk $0xffff, v9  }
0x1de: {  	[tilespmem:v18+s25+$0x0] =	vst.idx.add.f32.msk $0xffff, v10  }
0x1df: {  	[tilespmem:v11+s26+$0x0] =	vst.idx.add.f32.msk $0xffff, v1  }
0x1e0: {  	[tilespmem:v12+s26+$0x0] =	vst.idx.add.f32.msk $0xffff, v1  }
0x1e1: {  	[tilespmem:v13+s26+$0x0] =	vst.idx.add.f32.msk $0xffff, v1  }
0x1e2: {  	[tilespmem:v14+s26+$0x0] =	vst.idx.add.f32.msk $0xffff, v1  }
0x1e3: {  	[tilespmem:v15+s26+$0x0] =	vst.idx.add.f32.msk $0xffff, v1  }
0x1e4: {  	[tilespmem:v16+s26+$0x0] =	vst.idx.add.f32.msk $0xffff, v1  }
0x1e5: {  	[tilespmem:v17+s26+$0x0] =	vst.idx.add.f32.msk $0xffff, v1  }
0x1e6: {  	[tilespmem:v18+s26+$0x0] =	vst.idx.add.f32.msk $0xffff, v1  }
0x1e7: {  	v3 =	vld [tilespmem:s9+$0xC400]  }
0x1e8: {  	v4 =	vld [tilespmem:s9+$0xC410]  }
0x1e9: {  	v5 =	vld [tilespmem:s9+$0xC420]  }
0x1ea: {  	v6 =	vld [tilespmem:s9+$0xC430]  }
0x1eb: {  	v7 =	vld [tilespmem:s9+$0xC440]  }
0x1ec: {  	v8 =	vld [tilespmem:s9+$0xC450]  }
0x1ed: {  	v9 =	vld [tilespmem:s9+$0xC460]  }
0x1ee: {  	v10 =	vld [tilespmem:s9+$0xC470]  }
0x1ef: {  	v11 =	vld [tilespmem:s9+$0x4400]  }
0x1f0: {  	v12 =	vld [tilespmem:s9+$0x4410]  }
0x1f1: {  	v13 =	vld [tilespmem:s9+$0x4420]  }
0x1f2: {  	v14 =	vld [tilespmem:s9+$0x4430]  }
0x1f3: {  	v15 =	vld [tilespmem:s9+$0x4440]  }
0x1f4: {  	v16 =	vld [tilespmem:s9+$0x4450]  }
0x1f5: {  	v17 =	vld [tilespmem:s9+$0x4460]  }
0x1f6: {  	v18 =	vld [tilespmem:s9+$0x4470]  }
0x1f7: {  	[tilespmem:v11+s25+$0x0] =	vst.idx.add.f32.msk $0xffff, v3  }
0x1f8: {  	[tilespmem:v12+s25+$0x0] =	vst.idx.add.f32.msk $0xffff, v4  }
0x1f9: {  	[tilespmem:v13+s25+$0x0] =	vst.idx.add.f32.msk $0xffff, v5  }
0x1fa: {  	[tilespmem:v14+s25+$0x0] =	vst.idx.add.f32.msk $0xffff, v6  }
0x1fb: {  	[tilespmem:v15+s25+$0x0] =	vst.idx.add.f32.msk $0xffff, v7  }
0x1fc: {  	[tilespmem:v16+s25+$0x0] =	vst.idx.add.f32.msk $0xffff, v8  }
0x1fd: {  	[tilespmem:v17+s25+$0x0] =	vst.idx.add.f32.msk $0xffff, v9  }
0x1fe: {  	[tilespmem:v18+s25+$0x0] =	vst.idx.add.f32.msk $0xffff, v10  }
0x1ff: {  	[tilespmem:v11+s26+$0x0] =	vst.idx.add.f32.msk $0xffff, v1  }
0x200: {  	[tilespmem:v12+s26+$0x0] =	vst.idx.add.f32.msk $0xffff, v1  }
0x201: {  	[tilespmem:v13+s26+$0x0] =	vst.idx.add.f32.msk $0xffff, v1  }
0x202: {  	[tilespmem:v14+s26+$0x0] =	vst.idx.add.f32.msk $0xffff, v1  }
0x203: {  	[tilespmem:v15+s26+$0x0] =	vst.idx.add.f32.msk $0xffff, v1  }
0x204: {  	[tilespmem:v16+s26+$0x0] =	vst.idx.add.f32.msk $0xffff, v1  }
0x205: {  	[tilespmem:v17+s26+$0x0] =	vst.idx.add.f32.msk $0xffff, v1  }
0x206: {  	[tilespmem:v18+s26+$0x0] =	vst.idx.add.f32.msk $0xffff, v1  }
0x207: {  	v8 =	vld [tilespmem:s9+$0xC800]  }
0x208: {  	v9 =	vld [tilespmem:s9+$0xC810]  }
0x209: {  	v10 =	vld [tilespmem:s9+$0xC820]  }
0x20a: {  	v11 =	vld [tilespmem:s9+$0xC830]  }
0x20b: {  	v12 =	vld [tilespmem:s9+$0xC840]  }
0x20c: {  	v13 =	vld [tilespmem:s9+$0xC850]  }
0x20d: {  	v14 =	vld [tilespmem:s9+$0xC860]  }
0x20e: {  	v15 =	vld [tilespmem:s9+$0xC870]  }
0x20f: {  	v16 =	vld [tilespmem:s9+$0x4800]  }
0x210: {  	v17 =	vld [tilespmem:s9+$0x4810]  }
0x211: {  	v18 =	vld [tilespmem:s9+$0x4820]  }
0x212: {  	v6 =	vld [tilespmem:s9+$0x4830]  }
0x213: {  	v7 =	vld [tilespmem:s9+$0x4840]  }
0x214: {  	v5 =	vld [tilespmem:s9+$0x4850]  }
0x215: {  	v3 =	vld [tilespmem:s9+$0x4860]  }
0x216: {  	v4 =	vld [tilespmem:s9+$0x4870]  }
0x217: {  	[tilespmem:v16+s25+$0x0] =	vst.idx.add.f32.msk $0xffff, v8  }
0x218: {  	[tilespmem:v17+s25+$0x0] =	vst.idx.add.f32.msk $0xffff, v9  }
0x219: {  	[tilespmem:v18+s25+$0x0] =	vst.idx.add.f32.msk $0xffff, v10  }
0x21a: {  	[tilespmem:v6+s25+$0x0] =	vst.idx.add.f32.msk $0xffff, v11  }
0x21b: {  	[tilespmem:v7+s25+$0x0] =	vst.idx.add.f32.msk $0xffff, v12  }
0x21c: {  	[tilespmem:v5+s25+$0x0] =	vst.idx.add.f32.msk $0xffff, v13  }
.Ltmp4:
0x21d: {  	[tilespmem:v3+s25+$0x0] =	vst.idx.add.f32.msk $0xffff, v14;
	(pc) =	sbr.rel @p2 .LBB2_7-.Ltmp4, $4  }
0x21e: {  	[tilespmem:v4+s25+$0x0] =	vst.idx.add.f32.msk $0xffff, v15  }
0x21f: {  	[tilespmem:v16+s26+$0x0] =	vst.idx.add.f32.msk $0xffff, v1  }
0x220: {  	[tilespmem:v17+s26+$0x0] =	vst.idx.add.f32.msk $0xffff, v1  }
0x221: {  	s7 =	sadd.s32 $0x200, s7;
	[tilespmem:v18+s26+$0x0] =	vst.idx.add.f32.msk $0xffff, v1  }
0x222: {  	_ =	sdelay $0x3  }
0x223: {  	[tilespmem:v6+s26+$0x0] =	vst.idx.add.f32.msk $0xffff, v1  }
0x224: {  	[tilespmem:v7+s26+$0x0] =	vst.idx.add.f32.msk $0xffff, v1  }
0x225: {  	s0 =	sand.u32 $0xFFFFF000, s5;
	[tilespmem:v5+s26+$0x0] =	vst.idx.add.f32.msk $0xffff, v1  }
0x226: {  	s0 =	sadd.s32 s0, s15;
	[tilespmem:v3+s26+$0x0] =	vst.idx.add.f32.msk $0xffff, v1  }
0x227: {  	s2 =	sor.u32 $0x4C00, s0;
	[tilespmem:v4+s26+$0x0] =	vst.idx.add.f32.msk $0xffff, v1  }
0x228: {  	s30 =	sor.u32 $0x4C10, s0;
	v3 =	vld [tilespmem:s2+$0x8000]  }
0x229: {  	s7 =	sor.u32 $0x4C20, s0;
	v4 =	vld [tilespmem:s30+$0x8000]  }
0x22a: {  	s9 =	sor.u32 $0x4C30, s0;
	v5 =	vld [tilespmem:s7+$0x8000]  }
0x22b: {  	s11 =	sor.u32 $0x4C40, s0;
	v6 =	vld [tilespmem:s9+$0x8000]  }
0x22c: {  	s12 =	sor.u32 $0x4C50, s0;
	v7 =	vld [tilespmem:s11+$0x8000]  }
0x22d: {  	s15 =	sor.u32 $0x4C60, s0;
	v8 =	vld [tilespmem:s12+$0x8000]  }
0x22e: {  	s0 =	sor.u32 $0x4C70, s0;
	v9 =	vld [tilespmem:s15+$0x8000]  }
0x22f: {  	v10 =	vld [tilespmem:s0+$0x8000]  }
0x230: {  	v11 =	vld [tilespmem:s2+$0x0]  }
0x231: {  	v12 =	vld [tilespmem:s30+$0x0]  }
0x232: {  	v13 =	vld [tilespmem:s7+$0x0]  }
0x233: {  	v14 =	vld [tilespmem:s9+$0x0]  }
0x234: {  	v15 =	vld [tilespmem:s11+$0x0]  }
0x235: {  	v16 =	vld [tilespmem:s12+$0x0]  }
0x236: {  	v17 =	vld [tilespmem:s15+$0x0]  }
0x237: {  	v18 =	vld [tilespmem:s0+$0x0]  }
0x238: {  	[tilespmem:v11+s25+$0x0] =	vst.idx.add.f32.msk $0xffff, v3  }
0x239: {  	[tilespmem:v12+s25+$0x0] =	vst.idx.add.f32.msk $0xffff, v4  }
0x23a: {  	[tilespmem:v13+s25+$0x0] =	vst.idx.add.f32.msk $0xffff, v5  }
0x23b: {  	[tilespmem:v14+s25+$0x0] =	vst.idx.add.f32.msk $0xffff, v6  }
0x23c: {  	[tilespmem:v15+s25+$0x0] =	vst.idx.add.f32.msk $0xffff, v7  }
0x23d: {  	[tilespmem:v16+s25+$0x0] =	vst.idx.add.f32.msk $0xffff, v8  }
0x23e: {  	[tilespmem:v17+s25+$0x0] =	vst.idx.add.f32.msk $0xffff, v9  }
0x23f: {  	[tilespmem:v18+s25+$0x0] =	vst.idx.add.f32.msk $0xffff, v10  }
0x240: {  	[tilespmem:v11+s26+$0x0] =	vst.idx.add.f32.msk $0xffff, v1  }
0x241: {  	[tilespmem:v12+s26+$0x0] =	vst.idx.add.f32.msk $0xffff, v1  }
0x242: {  	[tilespmem:v13+s26+$0x0] =	vst.idx.add.f32.msk $0xffff, v1  }
.Ltmp5:
0x243: {  	[tilespmem:v14+s26+$0x0] =	vst.idx.add.f32.msk $0xffff, v1;
	(pc) =	sbr.rel @p1 .LBB2_9-.Ltmp5, $4  }
0x244: {  	[tilespmem:v15+s26+$0x0] =	vst.idx.add.f32.msk $0xffff, v1  }
0x245: {  	[tilespmem:v16+s26+$0x0] =	vst.idx.add.f32.msk $0xffff, v1  }
0x246: {  	[tilespmem:v17+s26+$0x0] =	vst.idx.add.f32.msk $0xffff, v1  }
0x247: {  	[tilespmem:v18+s26+$0x0] =	vst.idx.add.f32.msk $0xffff, v1  }
0x248: {  	s0 =	sadd.s32 s19, s14  }
.Ltmp6:
0x249: {  	s0 =	sshrl.u32 s0, $0x3;
	(pc) =	sbr.rel .LBB2_4-.Ltmp6, $4  }
0x24a: {  	s22 =	rddreg [dreg:$0x1];
	s2 =	sadd.s32 s1, s0  }
0x24b: {  	[tilespmem:s6], [sflag:$0x2] =	stream.linear.gather [hbm4b:s2+s4], $0x4000, $0x38;
	[tilespmem:$0x1AA80] =	vst v63  }
0x24c: {  	s30 =	simm.s32 $0xC000;
	s18 =	sadd.s32 $0x1, s18;
	s0 =	sadd.s32 s22, s0  }
0x24d: {  	[tilespmem:s30], [sflag:$0x4] =	stream.linear.gather [hbm4b:s0+s4], $0x4000, $0x38;
	[tilespmem:$0x1AA80] =	vst v63  }
.LBB2_9:
0x24e: {  	s11 =	simm.s32 $0x1A000  }
0x24f: {  	v3 =	vld [tilespmem:s11+$0x0];
	_ =	sdelay $0x3  }
0x250: {  	s7 =	simm.s32 $0x1A400  }
0x251: {  	s5 =	simm.s32 $0x1A200;
	[tilespmem:s7+$0x0] =	vst v3  }
0x252: {  	v3 =	vld [tilespmem:s5+$0x0];
	_ =	sdelay $0x2  }
0x253: {  	s9 =	simm.s32 $0x0  }
0x254: {  	s0 =	sand.u32 $0x1F0, s9  }
0x255: {  	s11 =	simm.s32 $0x1A010;
	[tilespmem:s0+$0x1A600] =	vst v3  }
0x256: {  	s15 =	simm.s32 $0x20;
	s9 =	simm.s32 $0x10;
	v3 =	vld [tilespmem:s11+$0x0]  }
.LBB2_10:
0x257: {  	p1 =	sne.s32 s15, $0x1F0;
	_ =	sdelay $0x2  }
0x258: {  	s7 =	sadd.s32 $0x10, s7  }
0x259: {  	s5 =	sadd.s32 $0x10, s5;
	[tilespmem:s7+$0x0] =	vst v3  }
0x25a: {  	v3 =	vld [tilespmem:s5+$0x0];
	_ =	sdelay $0x1  }
.Ltmp7:
0x25b: {  	(pc) =	sbr.rel @p1 .LBB2_10-.Ltmp7, $4  }
0x25c: {  	_ = 	snop  }
0x25d: {  	s0 =	sand.u32 $0x1F0, s9;
	s9 =	smov.u32 s15  }
0x25e: {  	s11 =	sadd.s32 $0x10, s11;
	[tilespmem:s0+$0x1A600] =	vst v3  }
0x25f: {  	s15 =	sadd.s32 $0x10, s15;
	v3 =	vld [tilespmem:s11+$0x0]  }
0x260: {  	_ =	sdelay $0x2  }
0x261: {  	s0 =	sadd.s32 $0x10, s7  }
0x262: {  	s17 =	sadd.s32 $0x10, s5;
	[tilespmem:s0+$0x0] =	vst v3  }
0x263: {  	v3 =	vld [tilespmem:s17+$0x0];
	_ =	sdelay $0x3  }
0x264: {  	s18 =	sand.u32 $0x1F0, s9  }
0x265: {  	s19 =	rddreg [dreg:$0xd];
	s2 =	simm.s32 $0x1A400;
	[tilespmem:s18+$0x1A600] =	vst v3  }
0x266: {  	[hbm4b:s19+s4] =	stream.linear.scatter [tilespmem:s2], [sflag:$0x7], $0x400, $0x38;
	[tilespmem:$0x1AA80] =	vst v63  }
0x267: {  	_ =	swait.ge [sflag:s31], $0x400  }
0x268: {  	[sflag:s31] =	ssyncset.done $0x0  }
0x269: {  	[sflag:s31] =	ssyncadd.s32 $0xFFFFFC00  }
0x26a: {  	v3 =	vimm.f32 @!p0 $1.234567000e+06;
	[bflag:$0x0] =	sbarrier.arrive $0xFFFF  }
0x26b: {  	s0 =	simm.s32 @!p0 $0x0;
	s2 =	simm.s32 @!p0 $0x1AA00;
	[tilespmem:$0x1AA00] =	vst @!p0 v3;
	s5 =	rddreg [dreg:$0x7]  }
0x26c: {  	[hbm4b:s5+s0] =	stream.linear.scatter @!p0 [tilespmem:s2], [sflag:$0x7], $0x10, $0x38;
	[tilespmem:$0x1AA80] =	vst v63  }
0x26d: {  	s0 =	simm.s32 @!p0 $0x7  }
0x26e: {  	_ =	swait.ge @!p0 [sflag:s0], $0x10  }
0x26f: {  	[sflag:s0] =	ssyncset.done @!p0 $0x0;
	s22 =	rddreg [dreg:$0x9]  }
0x270: {  	s30 =	rddreg [dreg:$0xb];
	[sflag:s0] =	ssyncadd.s32 @!p0 $0xFFFFFFF0  }
0x271: {  	[tilespmem:s4], [sflag:$0x1] =	stream.linear.gather [hbm4b:s22+s4], $0x4000, $0x38;
	[tilespmem:$0x1AA80] =	vst v63  }
0x272: {  	s5 =	simm.s32 $0x1AA00;
	s2 =	rddreg [dreg:$0x6]  }
0x273: {  	[tilespmem:s6], [sflag:$0x2] =	stream.linear.gather [hbm4b:s30+s4], $0x4000, $0x38;
	[tilespmem:$0x1AA80] =	vst v63  }
.LBB2_12:
0x274: {  	[tilespmem:s5], [sflag:$0x7] =	stream.linear.gather [hbm4b:s2+s4], $0x20, $0x38;
	[tilespmem:$0x1AA80] =	vst v63  }
0x275: {  	_ =	swait.ge [sflag:s31], $0x20  }
0x276: {  	[sflag:s31] =	ssyncset.done $0x0  }
0x277: {  	[sflag:s31] =	ssyncadd.s32 $0xFFFFFFE0  }
0x278: {  	v3 =	vld [tilespmem:$0x1AA00]  }
0x279: {  	v4 =	vld [tilespmem:$0x1AA10];
	_ =	sdelay $0x4  }
0x27a: {  	vm0 =	veq.f32 v3, $1.234567000e+06;
	vm1 =	veq.f32 v4, $1.234567000e+06  }
0x27b: {  	vm0 =	vmand vm0, vm1  }
0x27c: {  	v3 =	vsel vm0, $0x3F800000, v0  }
0x27d: {  	(xrf0) =	vmin.scan.msk.f32 $0xffff, v3;
	_ =	sdelay $0x5  }
0x27e: {  	v3, _, _ =	vpop (xrf0)  }
0x27f: {  	(v2sf) =	vpush v3, $0xF;
	_ =	sdelay $0xe  }
0x280: {  	s0 =	spop (v2sf)  }
0x281: {  	p1 =	sgt.f32 s0, $0.0e+00  }
.Ltmp8:
0x282: {  	_ = 	snop;
	(pc) =	sbr.rel @!p1 .LBB2_12-.Ltmp8, $1  }
0x283: {  	_ =	sdelay $0x3  }
0x284: {  	s0 =	simm.s32 $0x0;
	s2 =	simm.s32 $0x18000;
	s5 =	rddreg [dreg:$0x5]  }
0x285: {  	[tilespmem:s2], [sflag:$0x7] =	stream.linear.gather [hbm4b:s5+s0], $0x2000, $0x38;
	[tilespmem:$0x1AA80] =	vst v63  }
0x286: {  	_ =	swait.ge [sflag:s31], $0x2000  }
0x287: {  	[sflag:s31] =	ssyncset.done $0x0  }
0x288: {  	[sflag:s31] =	ssyncadd.s32 $0xFFFFE000  }
0x289: {  	s0 =	sand.u32 $0x1F0, s0;
	v3 =	vld [tilespmem:s2+$0x0]  }
0x28a: {  	v4 =	vld [tilespmem:s0+$0x18200]  }
0x28b: {  	v5 =	vld [tilespmem:s0+$0x18400]  }
0x28c: {  	v6 =	vld [tilespmem:s0+$0x18600]  }
0x28d: {  	v7 =	vld [tilespmem:s0+$0x18800]  }
0x28e: {  	v8 =	vld [tilespmem:s0+$0x18A00];
	v3 =	vadd.f32 $0.0e+00, v3  }
0x28f: {  	v9 =	vld [tilespmem:s0+$0x18C00];
	v4 =	vadd.f32 $0.0e+00, v4  }
0x290: {  	v3 =	vadd.f32 v5, v3;
	v5 =	vld [tilespmem:s0+$0x18E00]  }
0x291: {  	v57 =	vld [tilespmem:s0+$0x19000];
	v4 =	vadd.f32 v6, v4  }
0x292: {  	v58 =	vld [tilespmem:s0+$0x19200];
	v3 =	vadd.f32 v7, v3  }
0x293: {  	v59 =	vld [tilespmem:s0+$0x19400];
	v4 =	vadd.f32 v8, v4  }
0x294: {  	v60 =	vld [tilespmem:s0+$0x19600];
	v3 =	vadd.f32 v9, v3  }
0x295: {  	v4 =	vadd.f32 v5, v4;
	v5 =	vld [tilespmem:s0+$0x19800]  }
0x296: {  	v61 =	vld [tilespmem:s0+$0x19A00];
	v3 =	vadd.f32 v57, v3  }
0x297: {  	v62 =	vld [tilespmem:s0+$0x19C00];
	v4 =	vadd.f32 v58, v4  }
0x298: {  	v63 =	vld [tilespmem:s0+$0x19E00];
	v3 =	vadd.f32 v59, v3  }
0x299: {  	v4 =	vadd.f32 v60, v4  }
0x29a: {  	v3 =	vadd.f32 v5, v3  }
0x29b: {  	v4 =	vadd.f32 v61, v4  }
0x29c: {  	v3 =	vadd.f32 v62, v3  }
0x29d: {  	s5 =	simm.s32 $0x1A000;
	v4 =	vadd.f32 v63, v4  }
0x29e: {  	s7 =	simm.s32 $0x1A200;
	[tilespmem:s5+$0x0] =	vst v3  }
0x29f: {  	s30 =	simm.s32 $0x10;
	s11 =	simm.s32 $0x18010;
	[tilespmem:s7+$0x0] =	vst v4  }
0x2a0: {  	s15 =	simm.s32 $0x20;
	s9 =	sand.u32 $0x1F0, s30;
	v3 =	vld [tilespmem:s11+$0x0]  }
.LBB2_14:
0x2a1: {  	p1 =	sne.s32 s15, $0x1F0;
	v4 =	vld [tilespmem:s9+$0x18200]  }
0x2a2: {  	v5 =	vld [tilespmem:s9+$0x18400]  }
0x2a3: {  	v6 =	vld [tilespmem:s9+$0x18600]  }
0x2a4: {  	v7 =	vld [tilespmem:s9+$0x18800]  }
0x2a5: {  	v3 =	vadd.f32 $0.0e+00, v3;
	v8 =	vld [tilespmem:s9+$0x18A00]  }
0x2a6: {  	v4 =	vadd.f32 $0.0e+00, v4;
	v9 =	vld [tilespmem:s9+$0x18C00]  }
0x2a7: {  	v3 =	vadd.f32 v5, v3;
	v5 =	vld [tilespmem:s9+$0x18E00]  }
0x2a8: {  	v4 =	vadd.f32 v6, v4;
	v6 =	vld [tilespmem:s9+$0x19000]  }
0x2a9: {  	v3 =	vadd.f32 v7, v3;
	v7 =	vld [tilespmem:s9+$0x19200]  }
0x2aa: {  	v4 =	vadd.f32 v8, v4;
	v8 =	vld [tilespmem:s9+$0x19400]  }
0x2ab: {  	v3 =	vadd.f32 v9, v3;
	v9 =	vld [tilespmem:s9+$0x19600]  }
0x2ac: {  	v4 =	vadd.f32 v5, v4;
	v5 =	vld [tilespmem:s9+$0x19800]  }
0x2ad: {  	v3 =	vadd.f32 v6, v3;
	v6 =	vld [tilespmem:s9+$0x19A00]  }
0x2ae: {  	v4 =	vadd.f32 v7, v4;
	v7 =	vld [tilespmem:s9+$0x19C00]  }
0x2af: {  	v3 =	vadd.f32 v8, v3;
	v8 =	vld [tilespmem:s9+$0x19E00]  }
0x2b0: {  	v4 =	vadd.f32 v9, v4  }
0x2b1: {  	v3 =	vadd.f32 v5, v3  }
0x2b2: {  	v4 =	vadd.f32 v6, v4  }
.Ltmp9:
0x2b3: {  	v3 =	vadd.f32 v7, v3;
	(pc) =	sbr.rel @p1 .LBB2_14-.Ltmp9, $4  }
0x2b4: {  	s5 =	sadd.s32 $0x10, s5;
	v4 =	vadd.f32 v8, v4  }
0x2b5: {  	s7 =	sadd.s32 $0x10, s7;
	[tilespmem:s5+$0x0] =	vst v3  }
0x2b6: {  	s11 =	sadd.s32 $0x10, s11;
	[tilespmem:s7+$0x0] =	vst v4  }
0x2b7: {  	s9 =	sand.u32 $0x1F0, s15;
	s15 =	sadd.s32 $0x10, s15;
	v3 =	vld [tilespmem:s11+$0x0]  }
0x2b8: {  	v4 =	vld [tilespmem:s9+$0x18200]  }
0x2b9: {  	v5 =	vld [tilespmem:s9+$0x18400]  }
0x2ba: {  	v6 =	vld [tilespmem:s9+$0x18600]  }
0x2bb: {  	v7 =	vld [tilespmem:s9+$0x18800]  }
0x2bc: {  	v8 =	vld [tilespmem:s9+$0x18A00];
	v3 =	vadd.f32 $0.0e+00, v3  }
0x2bd: {  	v9 =	vld [tilespmem:s9+$0x18C00];
	v4 =	vadd.f32 $0.0e+00, v4  }
0x2be: {  	v3 =	vadd.f32 v5, v3;
	v5 =	vld [tilespmem:s9+$0x18E00]  }
0x2bf: {  	v4 =	vadd.f32 v6, v4;
	v6 =	vld [tilespmem:s9+$0x19000]  }
0x2c0: {  	v3 =	vadd.f32 v7, v3;
	v7 =	vld [tilespmem:s9+$0x19200]  }
0x2c1: {  	v61 =	vld [tilespmem:s9+$0x19400];
	v4 =	vadd.f32 v8, v4  }
0x2c2: {  	v62 =	vld [tilespmem:s9+$0x19600];
	v3 =	vadd.f32 v9, v3  }
0x2c3: {  	v4 =	vadd.f32 v5, v4;
	v5 =	vld [tilespmem:s9+$0x19800]  }
0x2c4: {  	v3 =	vadd.f32 v6, v3;
	v6 =	vld [tilespmem:s9+$0x19A00]  }
0x2c5: {  	v4 =	vadd.f32 v7, v4;
	v7 =	vld [tilespmem:s9+$0x19C00]  }
0x2c6: {  	v63 =	vld [tilespmem:s9+$0x19E00];
	v3 =	vadd.f32 v61, v3  }
0x2c7: {  	v4 =	vadd.f32 v62, v4  }
0x2c8: {  	v3 =	vadd.f32 v5, v3  }
0x2c9: {  	v4 =	vadd.f32 v6, v4  }
0x2ca: {  	v3 =	vadd.f32 v7, v3  }
0x2cb: {  	s0 =	sadd.s32 $0x10, s5;
	v4 =	vadd.f32 v63, v4  }
0x2cc: {  	s22 =	sadd.s32 $0x10, s7;
	[tilespmem:s0+$0x0] =	vst v3  }
0x2cd: {  	s30 =	simm.s32 $0x0;
	s11 =	simm.s32 $0x18000;
	s2 =	rddreg [dreg:$0xe];
	[tilespmem:s22+$0x0] =	vst v4  }
0x2ce: {  	[tilespmem:s11], [sflag:$0x7] =	stream.linear.gather [hbm4b:s2+s30], $0x2000, $0x38;
	[tilespmem:$0x1AA80] =	vst v63  }
0x2cf: {  	_ =	swait.ge [sflag:s31], $0x2000  }
0x2d0: {  	[sflag:s31] =	ssyncset.done $0x0  }
0x2d1: {  	s9 =	sand.u32 $0x1F0, s30;
	[sflag:s31] =	ssyncadd.s32 $0xFFFFE000  }
0x2d2: {  	v3 =	vld [tilespmem:s9+$0x18200]  }
0x2d3: {  	s5 =	simm.s32 $0x1A000;
	v4 =	vld [tilespmem:s11+$0x0]  }
0x2d4: {  	s7 =	simm.s32 $0x1A200;
	s15 =	simm.s32 $0x10;
	v5 =	vld [tilespmem:s5+$0x0]  }
.LBB2_16:
0x2d5: {  	p1 =	sne.s32 s15, $0x1F0;
	v6 =	vld [tilespmem:s7+$0x0]  }
0x2d6: {  	v7 =	vld [tilespmem:s9+$0x18400]  }
0x2d7: {  	v8 =	vld [tilespmem:s9+$0x18600]  }
0x2d8: {  	v9 =	vld [tilespmem:s9+$0x18800]  }
0x2d9: {  	v4 =	vadd.f32 v4, v5;
	v5 =	vld [tilespmem:s9+$0x18A00]  }
0x2da: {  	v3 =	vadd.f32 v3, v6;
	v6 =	vld [tilespmem:s9+$0x18C00]  }
0x2db: {  	v4 =	vadd.f32 v7, v4;
	v7 =	vld [tilespmem:s9+$0x18E00]  }
0x2dc: {  	v3 =	vadd.f32 v8, v3;
	v8 =	vld [tilespmem:s9+$0x19000]  }
0x2dd: {  	v4 =	vadd.f32 v9, v4;
	v9 =	vld [tilespmem:s9+$0x19200]  }
0x2de: {  	v3 =	vadd.f32 v5, v3;
	v5 =	vld [tilespmem:s9+$0x19400]  }
0x2df: {  	v4 =	vadd.f32 v6, v4;
	v6 =	vld [tilespmem:s9+$0x19600]  }
0x2e0: {  	v3 =	vadd.f32 v7, v3;
	v7 =	vld [tilespmem:s9+$0x19800]  }
0x2e1: {  	v4 =	vadd.f32 v8, v4;
	v8 =	vld [tilespmem:s9+$0x19A00]  }
0x2e2: {  	v3 =	vadd.f32 v9, v3;
	v9 =	vld [tilespmem:s9+$0x19C00]  }
0x2e3: {  	v4 =	vadd.f32 v5, v4;
	v5 =	vld [tilespmem:s9+$0x19E00]  }
0x2e4: {  	v3 =	vadd.f32 v6, v3  }
0x2e5: {  	v4 =	vadd.f32 v7, v4  }
0x2e6: {  	v3 =	vadd.f32 v8, v3  }
0x2e7: {  	v4 =	vadd.f32 v9, v4  }
0x2e8: {  	v3 =	vadd.f32 v5, v3  }
.Ltmp10:
0x2e9: {  	[tilespmem:s5+$0x0] =	vst v4;
	(pc) =	sbr.rel @p1 .LBB2_16-.Ltmp10, $4  }
0x2ea: {  	s9 =	sand.u32 $0x1F0, s15;
	[tilespmem:s7+$0x0] =	vst v3  }
0x2eb: {  	s11 =	sadd.s32 $0x10, s11;
	v3 =	vld [tilespmem:s9+$0x18200]  }
0x2ec: {  	s5 =	sadd.s32 $0x10, s5;
	v4 =	vld [tilespmem:s11+$0x0]  }
0x2ed: {  	s15 =	sadd.s32 $0x10, s15;
	s7 =	sadd.s32 $0x10, s7;
	v5 =	vld [tilespmem:s5+$0x0]  }
0x2ee: {  	v6 =	vld [tilespmem:s7+$0x0]  }
0x2ef: {  	v7 =	vld [tilespmem:s9+$0x18400]  }
0x2f0: {  	v8 =	vld [tilespmem:s9+$0x18600]  }
0x2f1: {  	v9 =	vld [tilespmem:s9+$0x18800]  }
0x2f2: {  	v4 =	vadd.f32 v4, v5;
	v5 =	vld [tilespmem:s9+$0x18A00]  }
0x2f3: {  	v3 =	vadd.f32 v3, v6;
	v6 =	vld [tilespmem:s9+$0x18C00]  }
0x2f4: {  	v4 =	vadd.f32 v7, v4;
	v7 =	vld [tilespmem:s9+$0x18E00]  }
0x2f5: {  	v60 =	vld [tilespmem:s9+$0x19000];
	v3 =	vadd.f32 v8, v3  }
0x2f6: {  	v61 =	vld [tilespmem:s9+$0x19200];
	v4 =	vadd.f32 v9, v4  }
0x2f7: {  	v3 =	vadd.f32 v5, v3;
	v5 =	vld [tilespmem:s9+$0x19400]  }
0x2f8: {  	v4 =	vadd.f32 v6, v4;
	v6 =	vld [tilespmem:s9+$0x19600]  }
0x2f9: {  	v3 =	vadd.f32 v7, v3;
	v7 =	vld [tilespmem:s9+$0x19800]  }
0x2fa: {  	v62 =	vld [tilespmem:s9+$0x19A00];
	v4 =	vadd.f32 v60, v4  }
0x2fb: {  	v63 =	vld [tilespmem:s9+$0x19C00];
	v3 =	vadd.f32 v61, v3  }
0x2fc: {  	v4 =	vadd.f32 v5, v4;
	v5 =	vld [tilespmem:s9+$0x19E00]  }
0x2fd: {  	v3 =	vadd.f32 v6, v3  }
0x2fe: {  	v4 =	vadd.f32 v7, v4  }
0x2ff: {  	v3 =	vadd.f32 v62, v3  }
0x300: {  	v4 =	vadd.f32 v63, v4  }
0x301: {  	v3 =	vadd.f32 v5, v3  }
0x302: {  	[tilespmem:s5+$0x0] =	vst v4  }
0x303: {  	s0 =	simm.s32 $0x0;
	s11 =	simm.s32 $0x18000;
	s2 =	rddreg [dreg:$0xf];
	[tilespmem:s7+$0x0] =	vst v3  }
0x304: {  	[tilespmem:s11], [sflag:$0x7] =	stream.linear.gather [hbm4b:s2+s0], $0x2000, $0x38;
	[tilespmem:$0x1AA80] =	vst v63  }
0x305: {  	_ =	swait.ge [sflag:s31], $0x2000  }
0x306: {  	[sflag:s31] =	ssyncset.done $0x0  }
0x307: {  	s9 =	sand.u32 $0x1F0, s0;
	[sflag:s31] =	ssyncadd.s32 $0xFFFFE000  }
0x308: {  	v3 =	vld [tilespmem:s9+$0x18200]  }
0x309: {  	s5 =	simm.s32 $0x1A000;
	v4 =	vld [tilespmem:s11+$0x0]  }
0x30a: {  	s15 =	simm.s32 $0x10;
	s7 =	simm.s32 $0x1A200;
	v5 =	vld [tilespmem:s5+$0x0]  }
.LBB2_18:
0x30b: {  	p1 =	sne.s32 s15, $0x1F0;
	v6 =	vld [tilespmem:s7+$0x0]  }
0x30c: {  	v7 =	vld [tilespmem:s9+$0x18400]  }
0x30d: {  	v8 =	vld [tilespmem:s9+$0x18600]  }
0x30e: {  	v9 =	vld [tilespmem:s9+$0x18800]  }
0x30f: {  	v4 =	vadd.f32 v4, v5;
	v5 =	vld [tilespmem:s9+$0x18A00]  }
0x310: {  	v3 =	vadd.f32 v3, v6;
	v6 =	vld [tilespmem:s9+$0x18C00]  }
0x311: {  	v4 =	vadd.f32 v7, v4;
	v7 =	vld [tilespmem:s9+$0x18E00]  }
0x312: {  	v3 =	vadd.f32 v8, v3;
	v8 =	vld [tilespmem:s9+$0x19000]  }
0x313: {  	v4 =	vadd.f32 v9, v4;
	v9 =	vld [tilespmem:s9+$0x19200]  }
0x314: {  	v3 =	vadd.f32 v5, v3;
	v5 =	vld [tilespmem:s9+$0x19400]  }
0x315: {  	v4 =	vadd.f32 v6, v4;
	v6 =	vld [tilespmem:s9+$0x19600]  }
0x316: {  	v3 =	vadd.f32 v7, v3;
	v7 =	vld [tilespmem:s9+$0x19800]  }
0x317: {  	v4 =	vadd.f32 v8, v4;
	v8 =	vld [tilespmem:s9+$0x19A00]  }
0x318: {  	v3 =	vadd.f32 v9, v3;
	v9 =	vld [tilespmem:s9+$0x19C00]  }
0x319: {  	v4 =	vadd.f32 v5, v4;
	v5 =	vld [tilespmem:s9+$0x19E00]  }
0x31a: {  	v3 =	vadd.f32 v6, v3  }
0x31b: {  	v4 =	vadd.f32 v7, v4  }
0x31c: {  	v3 =	vadd.f32 v8, v3  }
0x31d: {  	v4 =	vadd.f32 v9, v4  }
0x31e: {  	v3 =	vadd.f32 v5, v3  }
.Ltmp11:
0x31f: {  	[tilespmem:s5+$0x0] =	vst v4;
	(pc) =	sbr.rel @p1 .LBB2_18-.Ltmp11, $4  }
0x320: {  	s9 =	sand.u32 $0x1F0, s15;
	[tilespmem:s7+$0x0] =	vst v3  }
0x321: {  	s11 =	sadd.s32 $0x10, s11;
	v3 =	vld [tilespmem:s9+$0x18200]  }
0x322: {  	s5 =	sadd.s32 $0x10, s5;
	v4 =	vld [tilespmem:s11+$0x0]  }
0x323: {  	s15 =	sadd.s32 $0x10, s15;
	s7 =	sadd.s32 $0x10, s7;
	v5 =	vld [tilespmem:s5+$0x0]  }
0x324: {  	v6 =	vld [tilespmem:s7+$0x0]  }
0x325: {  	v7 =	vld [tilespmem:s9+$0x18400]  }
0x326: {  	v8 =	vld [tilespmem:s9+$0x18600]  }
0x327: {  	v9 =	vld [tilespmem:s9+$0x18800]  }
0x328: {  	v4 =	vadd.f32 v4, v5;
	v5 =	vld [tilespmem:s9+$0x18A00]  }
0x329: {  	v3 =	vadd.f32 v3, v6;
	v6 =	vld [tilespmem:s9+$0x18C00]  }
0x32a: {  	v4 =	vadd.f32 v7, v4;
	v7 =	vld [tilespmem:s9+$0x18E00]  }
0x32b: {  	v60 =	vld [tilespmem:s9+$0x19000];
	v3 =	vadd.f32 v8, v3  }
0x32c: {  	v61 =	vld [tilespmem:s9+$0x19200];
	v4 =	vadd.f32 v9, v4  }
0x32d: {  	v3 =	vadd.f32 v5, v3;
	v5 =	vld [tilespmem:s9+$0x19400]  }
0x32e: {  	v4 =	vadd.f32 v6, v4;
	v6 =	vld [tilespmem:s9+$0x19600]  }
0x32f: {  	v3 =	vadd.f32 v7, v3;
	v7 =	vld [tilespmem:s9+$0x19800]  }
0x330: {  	v62 =	vld [tilespmem:s9+$0x19A00];
	v4 =	vadd.f32 v60, v4  }
0x331: {  	v63 =	vld [tilespmem:s9+$0x19C00];
	v3 =	vadd.f32 v61, v3  }
0x332: {  	v4 =	vadd.f32 v5, v4;
	v5 =	vld [tilespmem:s9+$0x19E00]  }
0x333: {  	v3 =	vadd.f32 v6, v3  }
0x334: {  	v4 =	vadd.f32 v7, v4  }
0x335: {  	v3 =	vadd.f32 v62, v3  }
0x336: {  	v4 =	vadd.f32 v63, v4  }
0x337: {  	v3 =	vadd.f32 v5, v3  }
0x338: {  	[tilespmem:s5+$0x0] =	vst v4  }
0x339: {  	s17 =	simm.s32 $0x18000;
	s0 =	rddreg [dreg:$0x10];
	[tilespmem:s7+$0x0] =	vst v3;
	s7 =	simm.s32 $0x0  }
0x33a: {  	[tilespmem:s17], [sflag:$0x7] =	stream.linear.gather [hbm4b:s0+s7], $0x2000, $0x38;
	[tilespmem:$0x1AA80] =	vst v63  }
0x33b: {  	_ =	swait.ge [sflag:s31], $0x2000  }
0x33c: {  	[sflag:s31] =	ssyncset.done $0x0  }
0x33d: {  	s16 =	sand.u32 $0x1F0, s7;
	[sflag:s31] =	ssyncadd.s32 $0xFFFFE000  }
0x33e: {  	v3 =	vld [tilespmem:s16+$0x18200]  }
0x33f: {  	s18 =	simm.s32 $0x10;
	s5 =	simm.s32 $0x1A000;
	v4 =	vld [tilespmem:s17+$0x0]  }
0x340: {  	s11 =	simm.s32 $0x1A200;
	s15 =	simm.s32 $0x1A000;
	s9 =	simm.s32 $0x1A200;
	v5 =	vld [tilespmem:s5+$0x0]  }
.LBB2_20:
0x341: {  	p1 =	sne.s32 s18, $0x1F0;
	v6 =	vld [tilespmem:s11+$0x0]  }
0x342: {  	v7 =	vld [tilespmem:s16+$0x18400]  }
0x343: {  	v8 =	vld [tilespmem:s16+$0x18600]  }
0x344: {  	v9 =	vld [tilespmem:s16+$0x18800]  }
0x345: {  	v4 =	vadd.f32 v4, v5;
	v5 =	vld [tilespmem:s16+$0x18A00]  }
0x346: {  	v3 =	vadd.f32 v3, v6;
	v6 =	vld [tilespmem:s16+$0x18C00]  }
0x347: {  	v4 =	vadd.f32 v7, v4;
	v7 =	vld [tilespmem:s16+$0x18E00]  }
0x348: {  	v3 =	vadd.f32 v8, v3;
	v8 =	vld [tilespmem:s16+$0x19000]  }
0x349: {  	v4 =	vadd.f32 v9, v4;
	v9 =	vld [tilespmem:s16+$0x19200]  }
0x34a: {  	v3 =	vadd.f32 v5, v3;
	v5 =	vld [tilespmem:s16+$0x19400]  }
0x34b: {  	v4 =	vadd.f32 v6, v4;
	v6 =	vld [tilespmem:s16+$0x19600]  }
0x34c: {  	v3 =	vadd.f32 v7, v3;
	v7 =	vld [tilespmem:s16+$0x19800]  }
0x34d: {  	v4 =	vadd.f32 v8, v4;
	v8 =	vld [tilespmem:s16+$0x19A00]  }
0x34e: {  	v3 =	vadd.f32 v9, v3;
	v9 =	vld [tilespmem:s16+$0x19C00]  }
0x34f: {  	v4 =	vadd.f32 v5, v4;
	v5 =	vld [tilespmem:s16+$0x19E00]  }
0x350: {  	v3 =	vadd.f32 v6, v3  }
0x351: {  	v4 =	vadd.f32 v7, v4  }
0x352: {  	v3 =	vadd.f32 v8, v3  }
0x353: {  	v4 =	vadd.f32 v9, v4  }
0x354: {  	v3 =	vadd.f32 v5, v3  }
.Ltmp12:
0x355: {  	[tilespmem:s15+$0x0] =	vst v4;
	(pc) =	sbr.rel @p1 .LBB2_20-.Ltmp12, $4  }
0x356: {  	s16 =	sand.u32 $0x1F0, s18;
	[tilespmem:s11+$0x0] =	vst v3  }
0x357: {  	s17 =	sadd.s32 $0x10, s17;
	v3 =	vld [tilespmem:s16+$0x18200]  }
0x358: {  	s15 =	sadd.s32 $0x10, s15;
	v4 =	vld [tilespmem:s17+$0x0]  }
0x359: {  	s18 =	sadd.s32 $0x10, s18;
	s11 =	sadd.s32 $0x10, s11;
	v5 =	vld [tilespmem:s15+$0x0]  }
0x35a: {  	v6 =	vld [tilespmem:s11+$0x0]  }
0x35b: {  	v7 =	vld [tilespmem:s16+$0x18400]  }
0x35c: {  	v8 =	vld [tilespmem:s16+$0x18600]  }
0x35d: {  	v9 =	vld [tilespmem:s16+$0x18800]  }
0x35e: {  	v4 =	vadd.f32 v4, v5;
	v5 =	vld [tilespmem:s16+$0x18A00]  }
0x35f: {  	v56 =	vld [tilespmem:s16+$0x18C00];
	v3 =	vadd.f32 v3, v6  }
0x360: {  	v57 =	vld [tilespmem:s16+$0x18E00];
	v4 =	vadd.f32 v7, v4  }
0x361: {  	v58 =	vld [tilespmem:s16+$0x19000];
	v3 =	vadd.f32 v8, v3  }
0x362: {  	v59 =	vld [tilespmem:s16+$0x19200];
	v4 =	vadd.f32 v9, v4  }
0x363: {  	v3 =	vadd.f32 v5, v3;
	v5 =	vld [tilespmem:s16+$0x19400]  }
0x364: {  	v60 =	vld [tilespmem:s16+$0x19600];
	v4 =	vadd.f32 v56, v4  }
0x365: {  	v61 =	vld [tilespmem:s16+$0x19800];
	v3 =	vadd.f32 v57, v3  }
0x366: {  	v62 =	vld [tilespmem:s16+$0x19A00];
	v4 =	vadd.f32 v58, v4  }
0x367: {  	v63 =	vld [tilespmem:s16+$0x19C00];
	v3 =	vadd.f32 v59, v3  }
0x368: {  	v4 =	vadd.f32 v5, v4;
	v5 =	vld [tilespmem:s16+$0x19E00]  }
0x369: {  	v3 =	vadd.f32 v60, v3  }
0x36a: {  	v4 =	vadd.f32 v61, v4  }
0x36b: {  	v3 =	vadd.f32 v62, v3  }
0x36c: {  	v4 =	vadd.f32 v63, v4  }
0x36d: {  	v3 =	vadd.f32 v5, v3  }
0x36e: {  	[tilespmem:s15+$0x0] =	vst v4  }
0x36f: {  	[tilespmem:s11+$0x0] =	vst v3  }
0x370: {  	v3 =	vld [tilespmem:s9+$0x0];
	_ =	sdelay $0x4  }
0x371: {  	v4 =	vmax.f32 v3, $1.000000000e+00  }
0x372: {  	(erf) = vrcp.f32 v4;
	_ =	sdelay $0x4  }
0x373: {  	v4 =	vld [tilespmem:s5+$0x0];
	_ =	sdelay $0x3  }
0x374: {  	v5 =	vpop (erf)  }
0x375: {  	v4 =	vmul.f32 v5, v4;
	_ =	sdelay $0x1  }
0x376: {  	v5 =	vmov s7;
	vm0 =	vlt.f32 v4, $2.000000030e-01;
	vm1 =	vgt.f32 v4, $8.000000110e-01  }
0x377: {  	vm14 =	vne.s32 v5, v2;
	vm0 =	vmor vm0, vm1  }
0x378: {  	vm15 =	vgt.f32 v3, $0.0e+00;
	vm0 =	vmand vm14, vm0  }
0x379: {  	v3 =	vor.u32 s7, v2;
	vm0 =	vmand vm15, vm0  }
0x37a: {  	s7 =	simm.s32 $0x1A800;
	v3 =	vsel vm0, $0x0, v3  }
0x37b: {  	s11 =	simm.s32 $0x1A210;
	[tilespmem:s7+$0x0] =	vst v3  }
0x37c: {  	s15 =	simm.s32 $0x20;
	s9 =	simm.s32 $0x10;
	v3 =	vld [tilespmem:s11+$0x0]  }
.LBB2_22:
0x37d: {  	p1 =	sne.s32 s15, $0x1F0;
	_ =	sdelay $0x3  }
0x37e: {  	v4 =	vmax.f32 v3, $1.000000000e+00  }
0x37f: {  	(erf) = vrcp.f32 v4;
	_ =	sdelay $0x3  }
0x380: {  	s5 =	sadd.s32 $0x10, s5  }
0x381: {  	v4 =	vld [tilespmem:s5+$0x0];
	_ =	sdelay $0x3  }
0x382: {  	v5 =	vpop (erf)  }
0x383: {  	v4 =	vmul.f32 v5, v4;
	_ =	sdelay $0x1  }
0x384: {  	v5 =	vmov s9;
	vm0 =	vlt.f32 v4, $2.000000030e-01;
	vm1 =	vgt.f32 v4, $8.000000110e-01  }
0x385: {  	vm0 =	vmor vm0, vm1;
	vm1 =	vne.s32 v5, v2  }
.Ltmp13:
0x386: {  	vm0 =	vmand vm1, vm0;
	vm1 =	vgt.f32 v3, $0.0e+00;
	(pc) =	sbr.rel @p1 .LBB2_22-.Ltmp13, $4  }
0x387: {  	v3 =	vor.u32 s9, v2;
	s9 =	smov.u32 s15;
	vm0 =	vmand vm1, vm0  }
0x388: {  	s7 =	sadd.s32 $0x10, s7;
	v3 =	vsel vm0, $0x0, v3  }
0x389: {  	s11 =	sadd.s32 $0x10, s11;
	[tilespmem:s7+$0x0] =	vst v3  }
0x38a: {  	s15 =	sadd.s32 $0x10, s15;
	v3 =	vld [tilespmem:s11+$0x0]  }
0x38b: {  	_ =	sdelay $0x3  }
0x38c: {  	v4 =	vmax.f32 v3, $1.000000000e+00  }
0x38d: {  	(erf) = vrcp.f32 v4;
	_ =	sdelay $0x3  }
0x38e: {  	s0 =	sadd.s32 $0x10, s5  }
0x38f: {  	v62 =	vld [tilespmem:s0+$0x0];
	_ =	sdelay $0x3  }
0x390: {  	v5 =	vpop (erf)  }
0x391: {  	v4 =	vmul.f32 v5, v62;
	_ =	sdelay $0x1  }
0x392: {  	v63 =	vmov s9;
	vm0 =	vlt.f32 v4, $2.000000030e-01;
	vm1 =	vgt.f32 v4, $8.000000110e-01  }
0x393: {  	vm14 =	vne.s32 v63, v2;
	vm0 =	vmor vm0, vm1  }
0x394: {  	vm15 =	vgt.f32 v3, $0.0e+00;
	vm0 =	vmand vm14, vm0  }
0x395: {  	v3 =	vor.u32 s9, v2;
	vm0 =	vmand vm15, vm0  }
0x396: {  	s30 =	sadd.s32 $0x10, s7;
	v3 =	vsel vm0, $0x0, v3  }
0x397: {  	s17 =	simm.s32 $0x0;
	s18 =	simm.s32 $0x0;
	[tilespmem:s30+$0x0] =	vst v3  }
.LBB2_24:
0x398: {  	_ =	swait.ge [sflag:s23], $0x4000  }
0x399: {  	p1 =	seq.s32 s18, $0x0;
	[sflag:s23] =	ssyncset.done $0x0  }
0x39a: {  	s0 =	simm.s32 @!p1 $0x5;
	[sflag:s23] =	ssyncadd.s32 $0xFFFFC000  }
0x39b: {  	_ =	swait.ge @!p1 [sflag:s0], $0x4000  }
0x39c: {  	s2 =	sand.u32 $0x3000, s17;
	s5 =	sand.u32 $0x380, s17;
	[sflag:s0] =	ssyncset.done @!p1 $0x0  }
0x39d: {  	s7 =	sor.u32 s5, s2;
	[sflag:s0] =	ssyncadd.s32 @!p1 $0xFFFFC000  }
0x39e: {  	v3 =	vld [tilespmem:s7+$0xC00]  }
0x39f: {  	v4 =	vld [tilespmem:s7+$0x800]  }
0x3a0: {  	v12 =	vld [tilespmem:s7+$0x400]  }
0x3a1: {  	v5 =	vld [tilespmem:s7+$0x0]  }
0x3a2: {  	v6 =	vld [tilespmem:s7+$0x10]  }
0x3a3: {  	v7 =	vld [tilespmem:s7+$0x20]  }
0x3a4: {  	v8 =	vld [tilespmem:s7+$0x30]  }
0x3a5: {  	v9 =	vld [tilespmem:s7+$0x40]  }
0x3a6: {  	v10 =	vld [tilespmem:s7+$0x50]  }
0x3a7: {  	v11 =	vld [tilespmem:s7+$0x60]  }
0x3a8: {  	v13 =	vld [tilespmem:s7+$0x70]  }
0x3a9: {  	v5 =	vld.idx.msk [tilespmem:v5+s20+$0x0], $0xffff  }
0x3aa: {  	v6 =	vld.idx.msk [tilespmem:v6+s20+$0x0], $0xffff  }
0x3ab: {  	v7 =	vld.idx.msk [tilespmem:v7+s20+$0x0], $0xffff  }
0x3ac: {  	v8 =	vld.idx.msk [tilespmem:v8+s20+$0x0], $0xffff  }
0x3ad: {  	v9 =	vld.idx.msk [tilespmem:v9+s20+$0x0], $0xffff  }
0x3ae: {  	v10 =	vld.idx.msk [tilespmem:v10+s20+$0x0], $0xffff  }
0x3af: {  	v11 =	vld.idx.msk [tilespmem:v11+s20+$0x0], $0xffff  }
0x3b0: {  	v13 =	vld.idx.msk [tilespmem:v13+s20+$0x0], $0xffff;
	[tilespmem:s7+$0x10000] =	vst v5  }
0x3b1: {  	[tilespmem:s7+$0x10010] =	vst v6;
	v5 =	vld [tilespmem:s7+$0x410]  }
0x3b2: {  	[tilespmem:s7+$0x10020] =	vst v7;
	v6 =	vld [tilespmem:s7+$0x420]  }
0x3b3: {  	p2 =	por $0x1, $0x1;
	[tilespmem:s7+$0x10030] =	vst v8;
	v7 =	vld [tilespmem:s7+$0x430]  }
.Ltmp14:
0x3b4: {  	[tilespmem:s7+$0x10040] =	vst v9;
	v8 =	vld [tilespmem:s7+$0x440];
	(pc) =	sbr.rel @!p2 .LBB2_26-.Ltmp14, $4  }
0x3b5: {  	[tilespmem:s7+$0x10050] =	vst v10;
	v9 =	vld [tilespmem:s7+$0x450]  }
0x3b6: {  	[tilespmem:s7+$0x10060] =	vst v11;
	v10 =	vld [tilespmem:s7+$0x460]  }
0x3b7: {  	[tilespmem:s7+$0x10070] =	vst v13;
	v11 =	vld [tilespmem:s7+$0x470]  }
0x3b8: {  	s19 =	sshll.u32 s18, $0xF;
	s9 =	simm.s32 $0x0;
	s5 =	simm.s32 $0x200;
	v12 =	vld.idx.msk [tilespmem:v12+s20+$0x0], $0xffff  }
.LBB2_25:
0x3b9: {  	p2 =	sne.s32 s5, $0x3E00;
	v5 =	vld.idx.msk [tilespmem:v5+s20+$0x0], $0xffff  }
0x3ba: {  	v6 =	vld.idx.msk [tilespmem:v6+s20+$0x0], $0xffff  }
0x3bb: {  	v7 =	vld.idx.msk [tilespmem:v7+s20+$0x0], $0xffff  }
0x3bc: {  	v8 =	vld.idx.msk [tilespmem:v8+s20+$0x0], $0xffff  }
0x3bd: {  	v9 =	vld.idx.msk [tilespmem:v9+s20+$0x0], $0xffff  }
0x3be: {  	v10 =	vld.idx.msk [tilespmem:v10+s20+$0x0], $0xffff  }
0x3bf: {  	v11 =	vld.idx.msk [tilespmem:v11+s20+$0x0], $0xffff;
	[tilespmem:s7+$0x10400] =	vst v12  }
0x3c0: {  	[tilespmem:s7+$0x10410] =	vst v5;
	v5 =	vld [tilespmem:s7+$0x810]  }
0x3c1: {  	[tilespmem:s7+$0x10420] =	vst v6;
	v6 =	vld [tilespmem:s7+$0x820]  }
0x3c2: {  	[tilespmem:s7+$0x10430] =	vst v7;
	v7 =	vld [tilespmem:s7+$0x830]  }
0x3c3: {  	[tilespmem:s7+$0x10440] =	vst v8;
	v8 =	vld [tilespmem:s7+$0x840]  }
0x3c4: {  	[tilespmem:s7+$0x10450] =	vst v9;
	v9 =	vld [tilespmem:s7+$0x850]  }
0x3c5: {  	[tilespmem:s7+$0x10460] =	vst v10;
	v10 =	vld [tilespmem:s7+$0x860]  }
0x3c6: {  	[tilespmem:s7+$0x10470] =	vst v11;
	v11 =	vld [tilespmem:s7+$0x870]  }
0x3c7: {  	v4 =	vld.idx.msk [tilespmem:v4+s20+$0x0], $0xffff  }
0x3c8: {  	v5 =	vld.idx.msk [tilespmem:v5+s20+$0x0], $0xffff  }
0x3c9: {  	v6 =	vld.idx.msk [tilespmem:v6+s20+$0x0], $0xffff  }
0x3ca: {  	v7 =	vld.idx.msk [tilespmem:v7+s20+$0x0], $0xffff  }
0x3cb: {  	v8 =	vld.idx.msk [tilespmem:v8+s20+$0x0], $0xffff  }
0x3cc: {  	v9 =	vld.idx.msk [tilespmem:v9+s20+$0x0], $0xffff  }
0x3cd: {  	v10 =	vld.idx.msk [tilespmem:v10+s20+$0x0], $0xffff  }
0x3ce: {  	v11 =	vld.idx.msk [tilespmem:v11+s20+$0x0], $0xffff;
	[tilespmem:s7+$0x10800] =	vst v4  }
0x3cf: {  	[tilespmem:s7+$0x10810] =	vst v5;
	v4 =	vld [tilespmem:s7+$0xC70]  }
0x3d0: {  	[tilespmem:s7+$0x10820] =	vst v6;
	v5 =	vld [tilespmem:s7+$0xC10]  }
0x3d1: {  	[tilespmem:s7+$0x10830] =	vst v7;
	v6 =	vld [tilespmem:s7+$0xC20]  }
0x3d2: {  	[tilespmem:s7+$0x10840] =	vst v8;
	v7 =	vld [tilespmem:s7+$0xC30]  }
0x3d3: {  	[tilespmem:s7+$0x10850] =	vst v9;
	v8 =	vld [tilespmem:s7+$0xC40]  }
0x3d4: {  	[tilespmem:s7+$0x10860] =	vst v10;
	v9 =	vld [tilespmem:s7+$0xC50]  }
0x3d5: {  	[tilespmem:s7+$0x10870] =	vst v11;
	v10 =	vld [tilespmem:s7+$0xC60]  }
0x3d6: {  	v11 =	vld.idx.msk [tilespmem:v3+s20+$0x0], $0xffff  }
0x3d7: {  	v3 =	vld.idx.msk [tilespmem:v4+s20+$0x0], $0xffff  }
0x3d8: {  	v5 =	vld.idx.msk [tilespmem:v5+s20+$0x0], $0xffff  }
0x3d9: {  	v6 =	vld.idx.msk [tilespmem:v6+s20+$0x0], $0xffff  }
0x3da: {  	v7 =	vld.idx.msk [tilespmem:v7+s20+$0x0], $0xffff  }
0x3db: {  	s9 =	sadd.s32 $0x80, s9;
	v8 =	vld.idx.msk [tilespmem:v8+s20+$0x0], $0xffff  }
0x3dc: {  	s0 =	sand.u32 $0x3000, s5;
	s2 =	sand.u32 $0x380, s9;
	v9 =	vld.idx.msk [tilespmem:v9+s20+$0x0], $0xffff  }
0x3dd: {  	s0 =	sor.u32 s2, s0;
	v10 =	vld.idx.msk [tilespmem:v10+s20+$0x0], $0xffff;
	[tilespmem:s7+$0x10C70] =	vst v3  }
0x3de: {  	v3 =	vld [tilespmem:s0+$0xC00];
	[tilespmem:s7+$0x10C00] =	vst v11  }
0x3df: {  	v4 =	vld [tilespmem:s0+$0x800];
	[tilespmem:s7+$0x10C10] =	vst v5  }
0x3e0: {  	v12 =	vld [tilespmem:s0+$0x400];
	[tilespmem:s7+$0x10C20] =	vst v6  }
0x3e1: {  	v5 =	vld [tilespmem:s0+$0x0];
	[tilespmem:s7+$0x10C30] =	vst v7  }
0x3e2: {  	v6 =	vld [tilespmem:s0+$0x10];
	[tilespmem:s7+$0x10C40] =	vst v8  }
0x3e3: {  	v7 =	vld [tilespmem:s0+$0x20];
	[tilespmem:s7+$0x10C50] =	vst v9  }
0x3e4: {  	v8 =	vld [tilespmem:s0+$0x30];
	[tilespmem:s7+$0x10C60] =	vst v10;
	s7 =	smov.u32 s0  }
0x3e5: {  	v9 =	vld [tilespmem:s7+$0x40]  }
0x3e6: {  	v10 =	vld [tilespmem:s7+$0x50]  }
0x3e7: {  	v11 =	vld [tilespmem:s7+$0x60]  }
0x3e8: {  	v13 =	vld [tilespmem:s7+$0x70]  }
0x3e9: {  	v5 =	vld.idx.msk [tilespmem:v5+s20+$0x0], $0xffff  }
0x3ea: {  	v6 =	vld.idx.msk [tilespmem:v6+s20+$0x0], $0xffff  }
0x3eb: {  	v7 =	vld.idx.msk [tilespmem:v7+s20+$0x0], $0xffff  }
0x3ec: {  	v8 =	vld.idx.msk [tilespmem:v8+s20+$0x0], $0xffff  }
0x3ed: {  	v9 =	vld.idx.msk [tilespmem:v9+s20+$0x0], $0xffff  }
0x3ee: {  	v10 =	vld.idx.msk [tilespmem:v10+s20+$0x0], $0xffff  }
0x3ef: {  	v11 =	vld.idx.msk [tilespmem:v11+s20+$0x0], $0xffff  }
0x3f0: {  	v13 =	vld.idx.msk [tilespmem:v13+s20+$0x0], $0xffff;
	[tilespmem:s7+$0x10000] =	vst v5  }
0x3f1: {  	[tilespmem:s7+$0x10010] =	vst v6;
	v5 =	vld [tilespmem:s7+$0x410]  }
0x3f2: {  	[tilespmem:s7+$0x10020] =	vst v7;
	v6 =	vld [tilespmem:s7+$0x420]  }
0x3f3: {  	[tilespmem:s7+$0x10030] =	vst v8;
	v7 =	vld [tilespmem:s7+$0x430]  }
.Ltmp15:
0x3f4: {  	[tilespmem:s7+$0x10040] =	vst v9;
	v8 =	vld [tilespmem:s7+$0x440];
	(pc) =	sbr.rel @p2 .LBB2_25-.Ltmp15, $4  }
0x3f5: {  	[tilespmem:s7+$0x10050] =	vst v10;
	v9 =	vld [tilespmem:s7+$0x450]  }
0x3f6: {  	[tilespmem:s7+$0x10060] =	vst v11;
	v10 =	vld [tilespmem:s7+$0x460]  }
0x3f7: {  	[tilespmem:s7+$0x10070] =	vst v13;
	v11 =	vld [tilespmem:s7+$0x470]  }
0x3f8: {  	s5 =	sadd.s32 $0x200, s5;
	v12 =	vld.idx.msk [tilespmem:v12+s20+$0x0], $0xffff  }
.LBB2_26:
0x3f9: {  	_ =	sdelay $0x3  }
0x3fa: {  	v5 =	vld.idx.msk [tilespmem:v5+s20+$0x0], $0xffff  }
0x3fb: {  	v6 =	vld.idx.msk [tilespmem:v6+s20+$0x0], $0xffff  }
0x3fc: {  	v7 =	vld.idx.msk [tilespmem:v7+s20+$0x0], $0xffff  }
0x3fd: {  	v8 =	vld.idx.msk [tilespmem:v8+s20+$0x0], $0xffff  }
0x3fe: {  	v9 =	vld.idx.msk [tilespmem:v9+s20+$0x0], $0xffff  }
0x3ff: {  	v10 =	vld.idx.msk [tilespmem:v10+s20+$0x0], $0xffff  }
0x400: {  	v11 =	vld.idx.msk [tilespmem:v11+s20+$0x0], $0xffff;
	[tilespmem:s7+$0x10400] =	vst v12  }
0x401: {  	v50 =	vld [tilespmem:s7+$0x810];
	[tilespmem:s7+$0x10410] =	vst v5  }
0x402: {  	v51 =	vld [tilespmem:s7+$0x820];
	[tilespmem:s7+$0x10420] =	vst v6  }
0x403: {  	v52 =	vld [tilespmem:s7+$0x830];
	[tilespmem:s7+$0x10430] =	vst v7  }
0x404: {  	v53 =	vld [tilespmem:s7+$0x840];
	[tilespmem:s7+$0x10440] =	vst v8  }
0x405: {  	v54 =	vld [tilespmem:s7+$0x850];
	[tilespmem:s7+$0x10450] =	vst v9  }
0x406: {  	v55 =	vld [tilespmem:s7+$0x860];
	[tilespmem:s7+$0x10460] =	vst v10  }
0x407: {  	v56 =	vld [tilespmem:s7+$0x870];
	[tilespmem:s7+$0x10470] =	vst v11  }
0x408: {  	v4 =	vld.idx.msk [tilespmem:v4+s20+$0x0], $0xffff  }
0x409: {  	v5 =	vld.idx.msk [tilespmem:v50+s20+$0x0], $0xffff  }
0x40a: {  	v6 =	vld.idx.msk [tilespmem:v51+s20+$0x0], $0xffff  }
0x40b: {  	v7 =	vld.idx.msk [tilespmem:v52+s20+$0x0], $0xffff  }
0x40c: {  	v8 =	vld.idx.msk [tilespmem:v53+s20+$0x0], $0xffff  }
0x40d: {  	v9 =	vld.idx.msk [tilespmem:v54+s20+$0x0], $0xffff  }
0x40e: {  	v10 =	vld.idx.msk [tilespmem:v55+s20+$0x0], $0xffff  }
0x40f: {  	v11 =	vld.idx.msk [tilespmem:v56+s20+$0x0], $0xffff;
	[tilespmem:s7+$0x10800] =	vst v4  }
0x410: {  	v57 =	vld [tilespmem:s7+$0xC70];
	[tilespmem:s7+$0x10810] =	vst v5  }
0x411: {  	v58 =	vld [tilespmem:s7+$0xC10];
	[tilespmem:s7+$0x10820] =	vst v6  }
0x412: {  	v59 =	vld [tilespmem:s7+$0xC20];
	[tilespmem:s7+$0x10830] =	vst v7  }
0x413: {  	v60 =	vld [tilespmem:s7+$0xC30];
	[tilespmem:s7+$0x10840] =	vst v8  }
0x414: {  	v61 =	vld [tilespmem:s7+$0xC40];
	[tilespmem:s7+$0x10850] =	vst v9  }
0x415: {  	v62 =	vld [tilespmem:s7+$0xC50];
	[tilespmem:s7+$0x10860] =	vst v10  }
0x416: {  	v63 =	vld [tilespmem:s7+$0xC60];
	[tilespmem:s7+$0x10870] =	vst v11  }
0x417: {  	v3 =	vld.idx.msk [tilespmem:v3+s20+$0x0], $0xffff  }
0x418: {  	v4 =	vld.idx.msk [tilespmem:v57+s20+$0x0], $0xffff  }
0x419: {  	v5 =	vld.idx.msk [tilespmem:v58+s20+$0x0], $0xffff  }
0x41a: {  	v6 =	vld.idx.msk [tilespmem:v59+s20+$0x0], $0xffff  }
0x41b: {  	v7 =	vld.idx.msk [tilespmem:v60+s20+$0x0], $0xffff  }
0x41c: {  	v8 =	vld.idx.msk [tilespmem:v61+s20+$0x0], $0xffff  }
0x41d: {  	v9 =	vld.idx.msk [tilespmem:v62+s20+$0x0], $0xffff  }
0x41e: {  	v10 =	vld.idx.msk [tilespmem:v63+s20+$0x0], $0xffff;
	[tilespmem:s7+$0x10C70] =	vst v4  }
0x41f: {  	[tilespmem:s7+$0x10C00] =	vst v3  }
0x420: {  	[tilespmem:s7+$0x10C10] =	vst v5  }
0x421: {  	[tilespmem:s7+$0x10C20] =	vst v6  }
0x422: {  	[tilespmem:s7+$0x10C30] =	vst v7  }
0x423: {  	p2 =	sne.s32 s18, $0x7;
	[tilespmem:s7+$0x10C40] =	vst v8  }
.Ltmp16:
0x424: {  	s0 =	rddreg [dreg:$0x8];
	(pc) =	sbr.rel @p2 .LBB2_28-.Ltmp16, $4  }
0x425: {  	s0 =	sor.u32 s0, s19  }
0x426: {  	[tilespmem:s7+$0x10C50] =	vst v9;
	s5 =	sshrl.u32 s0, $0x3  }
0x427: {  	s2 =	simm.s32 $0x10000;
	[tilespmem:s7+$0x10C60] =	vst v10;
	s0 =	sadd.s32 s21, s5  }
0x428: {  	[hbm4b:s0+s4] =	stream.linear.scatter [tilespmem:s2], [sflag:$0x5], $0x4000, $0x38;
	[tilespmem:$0x1AA80] =	vst v63  }
.Ltmp17:
0x429: {  	(pc) =	sbr.rel .LBB2_29-.Ltmp17, $4  }
0x42a: {  	_ = 	snop  }
0x42b: {  	_ =	swait.ge [sflag:s28], $0x4000  }
0x42c: {  	[sflag:s28] =	ssyncset.done $0x0  }
0x42d: {  	[sflag:s28] =	ssyncadd.s32 $0xFFFFC000  }
.LBB2_28:
0x42e: {  	s0 =	sadd.s32 s19, s13  }
0x42f: {  	s0 =	sshrl.u32 s0, $0x3  }
.Ltmp18:
0x430: {  	s0 =	sadd.s32 s1, s0;
	(pc) =	sbr.rel @p1 .LBB2_30-.Ltmp18, $4  }
0x431: {  	[tilespmem:s4], [sflag:$0x1] =	stream.linear.gather [hbm4b:s0+s4], $0x4000, $0x38;
	[tilespmem:$0x1AA80] =	vst v63  }
0x432: {  	_ =	swait.ge [sflag:s28], $0x4000  }
0x433: {  	[sflag:s28] =	ssyncset.done $0x0  }
0x434: {  	[sflag:s28] =	ssyncadd.s32 $0xFFFFC000  }
.LBB2_29:
0x435: {  	_ =	swait.ge [sflag:s10], $0x4000  }
0x436: {  	[sflag:s10] =	ssyncset.done $0x0  }
0x437: {  	[sflag:s10] =	ssyncadd.s32 $0xFFFFC000  }
.LBB2_30:
0x438: {  	s15 =	simm.s32 $0x0  }
0x439: {  	s0 =	sand.u32 $0x3000, s15;
	s2 =	sand.u32 $0x380, s15  }
0x43a: {  	s7 =	sor.u32 s2, s0  }
0x43b: {  	v3 =	vld [tilespmem:s7+$0x4800]  }
0x43c: {  	v4 =	vld [tilespmem:s7+$0x4400]  }
0x43d: {  	v5 =	vld [tilespmem:s7+$0x4000]  }
0x43e: {  	v6 =	vld [tilespmem:s7+$0x4010]  }
0x43f: {  	v7 =	vld [tilespmem:s7+$0x4020]  }
0x440: {  	v8 =	vld [tilespmem:s7+$0x4030]  }
0x441: {  	v9 =	vld [tilespmem:s7+$0x4040]  }
0x442: {  	v10 =	vld [tilespmem:s7+$0x4050]  }
0x443: {  	v11 =	vld [tilespmem:s7+$0x4060]  }
0x444: {  	v12 =	vld [tilespmem:s7+$0x4070]  }
0x445: {  	v5 =	vld.idx.msk [tilespmem:v5+s20+$0x0], $0xffff  }
0x446: {  	v6 =	vld.idx.msk [tilespmem:v6+s20+$0x0], $0xffff  }
0x447: {  	v7 =	vld.idx.msk [tilespmem:v7+s20+$0x0], $0xffff  }
0x448: {  	v8 =	vld.idx.msk [tilespmem:v8+s20+$0x0], $0xffff  }
0x449: {  	v9 =	vld.idx.msk [tilespmem:v9+s20+$0x0], $0xffff  }
0x44a: {  	v10 =	vld.idx.msk [tilespmem:v10+s20+$0x0], $0xffff  }
0x44b: {  	v11 =	vld.idx.msk [tilespmem:v11+s20+$0x0], $0xffff  }
0x44c: {  	v12 =	vld.idx.msk [tilespmem:v12+s20+$0x0], $0xffff;
	[tilespmem:s7+$0x14000] =	vst v5  }
0x44d: {  	v63 =	vld [tilespmem:s7+$0x4470];
	[tilespmem:s7+$0x14010] =	vst v6  }
0x44e: {  	v5 =	vld [tilespmem:s7+$0x4410];
	[tilespmem:s7+$0x14020] =	vst v7  }
0x44f: {  	v6 =	vld [tilespmem:s7+$0x4420];
	[tilespmem:s7+$0x14030] =	vst v8  }
0x450: {  	v7 =	vld [tilespmem:s7+$0x4430];
	[tilespmem:s7+$0x14040] =	vst v9  }
0x451: {  	v13 =	vld [tilespmem:s7+$0x4440];
	[tilespmem:s7+$0x14050] =	vst v10  }
0x452: {  	v14 =	vld [tilespmem:s7+$0x4450];
	[tilespmem:s7+$0x14060] =	vst v11  }
0x453: {  	v11 =	vld [tilespmem:s7+$0x4460];
	[tilespmem:s7+$0x14070] =	vst v12  }
0x454: {  	v15 =	vld.idx.msk [tilespmem:v4+s20+$0x0], $0xffff  }
0x455: {  	v4 =	vld.idx.msk [tilespmem:v63+s20+$0x0], $0xffff  }
0x456: {  	v10 =	vld.idx.msk [tilespmem:v5+s20+$0x0], $0xffff  }
0x457: {  	v9 =	vld.idx.msk [tilespmem:v6+s20+$0x0], $0xffff  }
0x458: {  	v8 =	vld.idx.msk [tilespmem:v7+s20+$0x0], $0xffff  }
0x459: {  	v7 =	vld.idx.msk [tilespmem:v13+s20+$0x0], $0xffff  }
0x45a: {  	v6 =	vld.idx.msk [tilespmem:v14+s20+$0x0], $0xffff  }
0x45b: {  	s16 =	simm.s32 $0x200;
	s11 =	simm.s32 $0x0;
	s9 =	simm.s32 $0x0;
	v5 =	vld.idx.msk [tilespmem:v11+s20+$0x0], $0xffff;
	[tilespmem:s7+$0x14400] =	vst v15  }
.LBB2_31:
0x45c: {  	p1 =	sne.s32 s16, $0x3E00;
	[tilespmem:s7+$0x14410] =	vst v10;
	v10 =	vld [tilespmem:s7+$0x4810]  }
0x45d: {  	[tilespmem:s7+$0x14420] =	vst v9;
	v9 =	vld [tilespmem:s7+$0x4820]  }
0x45e: {  	[tilespmem:s7+$0x14430] =	vst v8;
	v8 =	vld [tilespmem:s7+$0x4830]  }
0x45f: {  	[tilespmem:s7+$0x14440] =	vst v7;
	v7 =	vld [tilespmem:s7+$0x4840]  }
0x460: {  	[tilespmem:s7+$0x14450] =	vst v6;
	v6 =	vld [tilespmem:s7+$0x4850]  }
0x461: {  	[tilespmem:s7+$0x14460] =	vst v5;
	v5 =	vld [tilespmem:s7+$0x4860]  }
0x462: {  	[tilespmem:s7+$0x14470] =	vst v4;
	v4 =	vld [tilespmem:s7+$0x4870]  }
0x463: {  	v3 =	vld.idx.msk [tilespmem:v3+s20+$0x0], $0xffff  }
0x464: {  	v10 =	vld.idx.msk [tilespmem:v10+s20+$0x0], $0xffff  }
0x465: {  	v9 =	vld.idx.msk [tilespmem:v9+s20+$0x0], $0xffff  }
0x466: {  	v8 =	vld.idx.msk [tilespmem:v8+s20+$0x0], $0xffff  }
0x467: {  	v7 =	vld.idx.msk [tilespmem:v7+s20+$0x0], $0xffff  }
0x468: {  	s15 =	sadd.s32 $0x80, s15;
	v6 =	vld.idx.msk [tilespmem:v6+s20+$0x0], $0xffff  }
0x469: {  	s0 =	sand.u32 $0x3000, s16;
	s2 =	sand.u32 $0x380, s15;
	v5 =	vld.idx.msk [tilespmem:v5+s20+$0x0], $0xffff  }
0x46a: {  	s0 =	sor.u32 s2, s0;
	v4 =	vld.idx.msk [tilespmem:v4+s20+$0x0], $0xffff;
	[tilespmem:s7+$0x14800] =	vst v3  }
0x46b: {  	v3 =	vld [tilespmem:s0+$0x4800];
	[tilespmem:s7+$0x14810] =	vst v10  }
0x46c: {  	v10 =	vld [tilespmem:s0+$0x4400];
	[tilespmem:s7+$0x14820] =	vst v9  }
0x46d: {  	v9 =	vld [tilespmem:s0+$0x4000];
	[tilespmem:s7+$0x14830] =	vst v8  }
0x46e: {  	v8 =	vld [tilespmem:s0+$0x4010];
	[tilespmem:s7+$0x14840] =	vst v7  }
0x46f: {  	s2 =	sand.u32 $0xFFFFF000, s11;
	s11 =	smov.u32 s16;
	v7 =	vld [tilespmem:s0+$0x4020];
	[tilespmem:s7+$0x14850] =	vst v6  }
0x470: {  	s2 =	sadd.s32 s2, s9;
	s9 =	smov.u32 s15;
	v6 =	vld [tilespmem:s0+$0x4030];
	[tilespmem:s7+$0x14860] =	vst v5  }
0x471: {  	s12 =	sor.u32 $0x4C00, s2;
	v5 =	vld [tilespmem:s0+$0x4040];
	[tilespmem:s7+$0x14870] =	vst v4;
	s7 =	smov.u32 s0  }
0x472: {  	s0 =	sor.u32 $0x4C10, s2;
	v4 =	vld [tilespmem:s12+$0x0]  }
0x473: {  	s22 =	sor.u32 $0x4C20, s2;
	v11 =	vld [tilespmem:s0+$0x0]  }
0x474: {  	s30 =	sor.u32 $0x4C30, s2;
	v12 =	vld [tilespmem:s22+$0x0]  }
0x475: {  	s3 =	sor.u32 $0x4C40, s2;
	v13 =	vld [tilespmem:s30+$0x0]  }
0x476: {  	s6 =	sor.u32 $0x4C50, s2;
	v14 =	vld [tilespmem:s3+$0x0]  }
0x477: {  	s8 =	sor.u32 $0x4C60, s2;
	v15 =	vld [tilespmem:s6+$0x0]  }
0x478: {  	s2 =	sor.u32 $0x4C70, s2;
	v16 =	vld [tilespmem:s8+$0x0]  }
0x479: {  	v17 =	vld [tilespmem:s2+$0x0]  }
0x47a: {  	v4 =	vld.idx.msk [tilespmem:v4+s20+$0x0], $0xffff  }
0x47b: {  	v11 =	vld.idx.msk [tilespmem:v11+s20+$0x0], $0xffff  }
0x47c: {  	v12 =	vld.idx.msk [tilespmem:v12+s20+$0x0], $0xffff  }
0x47d: {  	v13 =	vld.idx.msk [tilespmem:v13+s20+$0x0], $0xffff  }
0x47e: {  	v14 =	vld.idx.msk [tilespmem:v14+s20+$0x0], $0xffff  }
0x47f: {  	v15 =	vld.idx.msk [tilespmem:v15+s20+$0x0], $0xffff  }
0x480: {  	v16 =	vld.idx.msk [tilespmem:v16+s20+$0x0], $0xffff  }
0x481: {  	v17 =	vld.idx.msk [tilespmem:v17+s20+$0x0], $0xffff;
	[tilespmem:s12+$0x10000] =	vst v4  }
0x482: {  	v4 =	vld [tilespmem:s7+$0x4050];
	[tilespmem:s0+$0x10000] =	vst v11  }
0x483: {  	v11 =	vld [tilespmem:s7+$0x4060];
	[tilespmem:s22+$0x10000] =	vst v12  }
0x484: {  	v12 =	vld [tilespmem:s7+$0x4070];
	[tilespmem:s30+$0x10000] =	vst v13  }
0x485: {  	v9 =	vld.idx.msk [tilespmem:v9+s20+$0x0], $0xffff;
	[tilespmem:s3+$0x10000] =	vst v14  }
0x486: {  	v8 =	vld.idx.msk [tilespmem:v8+s20+$0x0], $0xffff;
	[tilespmem:s6+$0x10000] =	vst v15  }
0x487: {  	v7 =	vld.idx.msk [tilespmem:v7+s20+$0x0], $0xffff;
	[tilespmem:s8+$0x10000] =	vst v16  }
0x488: {  	v6 =	vld.idx.msk [tilespmem:v6+s20+$0x0], $0xffff;
	[tilespmem:s2+$0x10000] =	vst v17  }
0x489: {  	v5 =	vld.idx.msk [tilespmem:v5+s20+$0x0], $0xffff  }
0x48a: {  	v4 =	vld.idx.msk [tilespmem:v4+s20+$0x0], $0xffff  }
0x48b: {  	v11 =	vld.idx.msk [tilespmem:v11+s20+$0x0], $0xffff  }
0x48c: {  	v12 =	vld.idx.msk [tilespmem:v12+s20+$0x0], $0xffff;
	[tilespmem:s7+$0x14000] =	vst v9  }
0x48d: {  	[tilespmem:s7+$0x14010] =	vst v8;
	v8 =	vld [tilespmem:s7+$0x4410]  }
0x48e: {  	[tilespmem:s7+$0x14020] =	vst v7;
	v7 =	vld [tilespmem:s7+$0x4420]  }
0x48f: {  	[tilespmem:s7+$0x14030] =	vst v6;
	v6 =	vld [tilespmem:s7+$0x4430]  }
0x490: {  	[tilespmem:s7+$0x14040] =	vst v5;
	v5 =	vld [tilespmem:s7+$0x4440]  }
0x491: {  	[tilespmem:s7+$0x14050] =	vst v4;
	v4 =	vld [tilespmem:s7+$0x4450]  }
0x492: {  	[tilespmem:s7+$0x14060] =	vst v11;
	v11 =	vld [tilespmem:s7+$0x4460]  }
0x493: {  	[tilespmem:s7+$0x14070] =	vst v12;
	v12 =	vld [tilespmem:s7+$0x4470]  }
0x494: {  	v13 =	vld.idx.msk [tilespmem:v10+s20+$0x0], $0xffff  }
0x495: {  	v10 =	vld.idx.msk [tilespmem:v8+s20+$0x0], $0xffff  }
0x496: {  	v9 =	vld.idx.msk [tilespmem:v7+s20+$0x0], $0xffff  }
.Ltmp19:
0x497: {  	v8 =	vld.idx.msk [tilespmem:v6+s20+$0x0], $0xffff;
	(pc) =	sbr.rel @p1 .LBB2_31-.Ltmp19, $4  }
0x498: {  	v7 =	vld.idx.msk [tilespmem:v5+s20+$0x0], $0xffff  }
0x499: {  	v6 =	vld.idx.msk [tilespmem:v4+s20+$0x0], $0xffff  }
0x49a: {  	v5 =	vld.idx.msk [tilespmem:v11+s20+$0x0], $0xffff  }
0x49b: {  	s16 =	sadd.s32 $0x200, s16;
	v4 =	vld.idx.msk [tilespmem:v12+s20+$0x0], $0xffff;
	[tilespmem:s7+$0x14400] =	vst v13  }
0x49c: {  	[tilespmem:s7+$0x14410] =	vst v10;
	v57 =	vld [tilespmem:s7+$0x4810]  }
0x49d: {  	[tilespmem:s7+$0x14420] =	vst v9;
	v58 =	vld [tilespmem:s7+$0x4820]  }
0x49e: {  	[tilespmem:s7+$0x14430] =	vst v8;
	v59 =	vld [tilespmem:s7+$0x4830]  }
0x49f: {  	v60 =	vld [tilespmem:s7+$0x4840];
	[tilespmem:s7+$0x14440] =	vst v7  }
0x4a0: {  	v61 =	vld [tilespmem:s7+$0x4850];
	[tilespmem:s7+$0x14450] =	vst v6  }
0x4a1: {  	v62 =	vld [tilespmem:s7+$0x4860];
	[tilespmem:s7+$0x14460] =	vst v5  }
0x4a2: {  	v63 =	vld [tilespmem:s7+$0x4870];
	[tilespmem:s7+$0x14470] =	vst v4  }
0x4a3: {  	v3 =	vld.idx.msk [tilespmem:v3+s20+$0x0], $0xffff  }
0x4a4: {  	v10 =	vld.idx.msk [tilespmem:v57+s20+$0x0], $0xffff  }
0x4a5: {  	v9 =	vld.idx.msk [tilespmem:v58+s20+$0x0], $0xffff  }
0x4a6: {  	v8 =	vld.idx.msk [tilespmem:v59+s20+$0x0], $0xffff  }
0x4a7: {  	v7 =	vld.idx.msk [tilespmem:v60+s20+$0x0], $0xffff  }
0x4a8: {  	v6 =	vld.idx.msk [tilespmem:v61+s20+$0x0], $0xffff  }
0x4a9: {  	v5 =	vld.idx.msk [tilespmem:v62+s20+$0x0], $0xffff  }
0x4aa: {  	v4 =	vld.idx.msk [tilespmem:v63+s20+$0x0], $0xffff;
	[tilespmem:s7+$0x14800] =	vst v3  }
0x4ab: {  	[tilespmem:s7+$0x14810] =	vst v10  }
0x4ac: {  	[tilespmem:s7+$0x14820] =	vst v9  }
0x4ad: {  	[tilespmem:s7+$0x14830] =	vst v8  }
0x4ae: {  	[tilespmem:s7+$0x14840] =	vst v7  }
0x4af: {  	s0 =	sand.u32 $0xFFFFF000, s11;
	[tilespmem:s7+$0x14850] =	vst v6  }
0x4b0: {  	s0 =	sadd.s32 s0, s9;
	[tilespmem:s7+$0x14860] =	vst v5  }
0x4b1: {  	s2 =	sor.u32 $0x4C00, s0;
	[tilespmem:s7+$0x14870] =	vst v4  }
0x4b2: {  	s3 =	sor.u32 $0x4C10, s0;
	v3 =	vld [tilespmem:s2+$0x0]  }
0x4b3: {  	s6 =	sor.u32 $0x4C20, s0;
	v4 =	vld [tilespmem:s3+$0x0]  }
0x4b4: {  	s12 =	sor.u32 $0x4C30, s0;
	v5 =	vld [tilespmem:s6+$0x0]  }
0x4b5: {  	s8 =	sor.u32 $0x4C40, s0;
	v6 =	vld [tilespmem:s12+$0x0]  }
0x4b6: {  	s9 =	sor.u32 $0x4C50, s0;
	v7 =	vld [tilespmem:s8+$0x0]  }
0x4b7: {  	s15 =	sor.u32 $0x4C60, s0;
	v8 =	vld [tilespmem:s9+$0x0]  }
0x4b8: {  	s0 =	sor.u32 $0x4C70, s0;
	v9 =	vld [tilespmem:s15+$0x0]  }
0x4b9: {  	v10 =	vld [tilespmem:s0+$0x0]  }
0x4ba: {  	v3 =	vld.idx.msk [tilespmem:v3+s20+$0x0], $0xffff  }
0x4bb: {  	v4 =	vld.idx.msk [tilespmem:v4+s20+$0x0], $0xffff  }
0x4bc: {  	v5 =	vld.idx.msk [tilespmem:v5+s20+$0x0], $0xffff  }
0x4bd: {  	v6 =	vld.idx.msk [tilespmem:v6+s20+$0x0], $0xffff  }
0x4be: {  	v7 =	vld.idx.msk [tilespmem:v7+s20+$0x0], $0xffff  }
0x4bf: {  	v8 =	vld.idx.msk [tilespmem:v8+s20+$0x0], $0xffff  }
0x4c0: {  	v9 =	vld.idx.msk [tilespmem:v9+s20+$0x0], $0xffff  }
0x4c1: {  	v10 =	vld.idx.msk [tilespmem:v10+s20+$0x0], $0xffff;
	[tilespmem:s2+$0x10000] =	vst v3  }
0x4c2: {  	[tilespmem:s3+$0x10000] =	vst v4  }
0x4c3: {  	[tilespmem:s6+$0x10000] =	vst v5  }
0x4c4: {  	p1 =	seq.s32 s18, $0x7;
	[tilespmem:s12+$0x10000] =	vst v6  }
.Ltmp20:
0x4c5: {  	[tilespmem:s8+$0x10000] =	vst v7;
	(pc) =	sbr.rel @p1 .LBB2_34-.Ltmp20, $4  }
0x4c6: {  	[tilespmem:s9+$0x10000] =	vst v8  }
0x4c7: {  	s16 =	sadd.s32 s5, s21;
	[tilespmem:s15+$0x10000] =	vst v9  }
0x4c8: {  	s30 =	simm.s32 $0x14000;
	s22 =	sadd.s32 $0x800, s16;
	[tilespmem:s0+$0x10000] =	vst v10  }
0x4c9: {  	[hbm4b:s22+s4] =	stream.linear.scatter [tilespmem:s30], [sflag:$0x6], $0x4000, $0x38;
	[tilespmem:$0x1AA80] =	vst v63  }
.Ltmp21:
0x4ca: {  	(pc) =	sbr.rel .LBB2_24-.Ltmp21, $4  }
0x4cb: {  	s0 =	sadd.s32 s19, s14  }
0x4cc: {  	s0 =	sshrl.u32 s0, $0x3  }
0x4cd: {  	s2 =	simm.s32 $0x4000;
	s18 =	sadd.s32 $0x1, s18;
	s0 =	sadd.s32 s1, s0  }
0x4ce: {  	[tilespmem:s2], [sflag:$0x2] =	stream.linear.gather [hbm4b:s0+s4], $0x4000, $0x38;
	[tilespmem:$0x1AA80] =	vst v63  }
.LBB2_35:
0x4cf: {  	_ =	sfence.sel $0x180000  }
0x4d0: {  	[bflag:$0x0] =	sbarrier.arrive $0xFFFF  }
0x4d1: {  	_ =	strace $0x90000047  }
0x4d2: {  	[bflag:$0x2] =	sbarrier.arrive $0xFFFF  }
0x4d3: {  	s0 =	rddreg [dreg:$0x4]  }
0x4d4: {  	s0 =	sadd.s32 @!p0 $0x100000, s0  }
0x4d5: {  	[sflag:s0] =	ssyncadd.tile.s32 @!p0 $0x1;
	_ =	shalt  }
.Lfunc_end2:
_tile_overlayer_lowered:
.L_overlay_start_2:
0x4d6: {  	(tag) =	ssettag $0x2  }
0x4d7: {  	s0 =	rddreg [dreg:$0x0];
	s2 =	stileid.u32  }
0x4d8: {  	s1 =	rddreg [dreg:$0x1];
	p0 =	sne.s32 s2, $0x0  }
0x4d9: {  	s3 =	rddreg [dreg:$0x2];
	[bflag:$0x3] =	sbarrier.arrive $0xFFFF;
	s2 =	simm.s32 @!p0 $0x1C07  }
0x4da: {  	[timem:s3], [sflag:s2] =	dma.local @!p0 [hbm:s0], s1  }
0x4db: {  	s0 =	simm.s32 @!p0 $0x7  }
0x4dc: {  	_ =	swait.ge @!p0 [sflag:s0], s1  }
0x4dd: {  	s1 =	ssub.s32 @!p0 $0x0, s1;
	[sflag:s0] =	ssyncset.done @!p0 $0x0  }
0x4de: {  	[sflag:s0] =	ssyncadd.s32 @!p0 s1  }
0x4df: {  	[bflag:$0x3] =	sbarrier.arrive $0xFFFF  }
0x4e0: {  	_ =	shalt  }

</sc_bundles>
